<compile_context>
chip_gen: v7x
topology: tpu7x:2x2x1
jax: 0.10.2.dev20260603
libtpu: 0.0.44.dev20260713+nightly
codegen_flags: <defaults>
</compile_context>

<pallas_src>
import functools

import jax
import jax.numpy as jnp
from jax import lax
from jax.experimental import pallas as pl
from jax.experimental.pallas import tpu as pltpu
from jax.experimental.pallas import tpu_sc as plsc

N = 10000
E = 320000
D_IN = 128
D_MID = 256
D_OUT = 128

NP = 10240
NC = 2
NS = 16
CHUNK = 64

CA = -(-E // (NC * NS * CHUNK * 16)) * 16
EA = NC * NS * CA * CHUNK
CB = -(-E // (NS * CHUNK * 16)) * 16
EB = NS * CB * CHUNK

W = 128


def _sc_agg_body(x_hbm, src_hbm, dst_hbm, z_hbm, *rest, chunks, with_deg):
    if with_deg:
        out_hbm, deg_hbm = rest[:2]
        (ib0s, ib0d, ib1s, ib1d, r0, r1, r2, r3, hist, shared,
         si0, si1, g0, g1, g2, g3, sc0, sc1, sc2, sc3) = rest[2:]
    else:
        out_hbm = rest[0]
        (ib0s, ib0d, ib1s, ib1d, r0, r1, r2, r3, shared,
         si0, si1, g0, g1, g2, g3, sc0, sc1, sc2, sc3) = rest[1:]
        hist = None
    rows = [r0, r1, r2, r3]
    gsem = [g0, g1, g2, g3]
    ssem = [sc0, sc1, sc2, sc3]
    c = lax.axis_index("c")
    s = lax.axis_index("s")
    rps = NP // NS
    row0 = s * rps
    nbody = chunks // 16
    pltpu.sync_copy(z_hbm.at[pl.ds(row0, rps)], shared.at[pl.ds(row0, rps)])
    plsc.subcore_barrier()
    if with_deg:
        zeros16 = jnp.zeros((16,), jnp.float32)

        def zbody(i, carry):
            hist[pl.ds(i * 16, 16)] = zeros16
            return carry

        lax.fori_loop(0, NP // 16, zbody, 0)
    ones16 = jnp.ones((16,), jnp.float32)

    def hist_update(bd, e):
        if with_deg:
            for j in range(CHUNK // 16):
                iv = bd[e, pl.ds(j * 16, 16)]
                plsc.addupdate_scatter(hist, [iv], ones16)

    def gather_issue(bs, e, k):
        pltpu.async_copy(x_hbm.at[bs.at[e]], rows[k], gsem[k])

    def gather_wait(bs, e, k):
        pltpu.make_async_copy(x_hbm.at[bs.at[e]], rows[k], gsem[k]).wait()

    def scat_issue(bd, e, k):
        pltpu.async_copy(rows[k], shared.at[bd.at[e]], ssem[k], add=True)

    def scat_wait(bd, e, k):
        pltpu.make_async_copy(rows[k], shared.at[bd.at[e]], ssem[k]).wait()

    def idx_load(blk, bs, bd, sem):
        pltpu.async_copy(src_hbm.at[c, s, blk], bs, sem)
        pltpu.async_copy(dst_hbm.at[c, s, blk], bd, sem)

    def idx_wait(blk, bs, bd, sem):
        pltpu.make_async_copy(src_hbm.at[c, s, blk], bs, sem).wait()
        pltpu.make_async_copy(dst_hbm.at[c, s, blk], bd, sem).wait()

    def entry(q):
        if q < 8:
            return ib0s, ib0d, q
        if q < 16:
            return ib1s, ib1d, q - 8
        return ib0s, ib0d, q - 16

    idx_load(0, ib0s, ib0d, si0)
    idx_wait(0, ib0s, ib0d, si0)
    gather_issue(ib0s, 0, 0)
    gather_issue(ib0s, 1, 1)

    def block_body(b, carry):
        for q in range(16):
            bs, bd, e = entry(q)
            k = q % 4
            gather_wait(bs, e, k)
            if q >= 2:
                _, pd, pe = entry(q - 2)
                scat_wait(pd, pe, (q - 2) % 4)
            else:
                @pl.when(b > 0)
                def _(pe=6 + q, pk=(q + 2) % 4):
                    scat_wait(ib1d, pe, pk)
            scat_issue(bd, e, k)
            hist_update(bd, e)
            if q == 1:
                idx_load(2 * b + 1, ib1s, ib1d, si1)
            if q == 9:
                @pl.when(b < nbody - 1)
                def _():
                    idx_load(2 * b + 2, ib0s, ib0d, si0)
            qq = q + 2
            gs, gd2, ge = entry(qq)
            if qq < 16:
                if q == 6:
                    idx_wait(2 * b + 1, ib1s, ib1d, si1)
                gather_issue(gs, ge, qq % 4)
            elif qq == 16:
                @pl.when(b < nbody - 1)
                def _():
                    idx_wait(2 * b + 2, ib0s, ib0d, si0)
                    gather_issue(ib0s, 0, 0)
            else:
                @pl.when(b < nbody - 1)
                def _():
                    gather_issue(ib0s, 1, 1)
        return carry

    lax.fori_loop(0, nbody, block_body, 0)
    scat_wait(ib1d, 6, 2)
    scat_wait(ib1d, 7, 3)
    plsc.subcore_barrier()
    pltpu.sync_copy(shared.at[pl.ds(row0, rps)], out_hbm.at[c, pl.ds(row0, rps)])
    if with_deg:
        pltpu.sync_copy(hist, deg_hbm.at[c * NS + s])


def _make_sc_agg(chunks, with_deg):
    out_type = [jax.ShapeDtypeStruct((NC, NP, W), jnp.float32)]
    scratch = [
        pltpu.VMEM((8, CHUNK), jnp.int32),
        pltpu.VMEM((8, CHUNK), jnp.int32),
        pltpu.VMEM((8, CHUNK), jnp.int32),
        pltpu.VMEM((8, CHUNK), jnp.int32),
        pltpu.VMEM((CHUNK, W), jnp.float32),
        pltpu.VMEM((CHUNK, W), jnp.float32),
        pltpu.VMEM((CHUNK, W), jnp.float32),
        pltpu.VMEM((CHUNK, W), jnp.float32),
        pltpu.VMEM_SHARED((NP, W), jnp.float32),
        pltpu.SemaphoreType.DMA,
        pltpu.SemaphoreType.DMA,
        pltpu.SemaphoreType.DMA,
        pltpu.SemaphoreType.DMA,
        pltpu.SemaphoreType.DMA,
        pltpu.SemaphoreType.DMA,
        pltpu.SemaphoreType.DMA,
        pltpu.SemaphoreType.DMA,
        pltpu.SemaphoreType.DMA,
        pltpu.SemaphoreType.DMA,
    ]
    if with_deg:
        out_type.append(jax.ShapeDtypeStruct((NC * NS, NP), jnp.float32))
        scratch.insert(8, pltpu.VMEM((NP,), jnp.float32))
    return pl.kernel(
        functools.partial(_sc_agg_body, chunks=chunks, with_deg=with_deg),
        out_type=tuple(out_type),
        mesh=plsc.VectorSubcoreMesh(core_axis_name="c", subcore_axis_name="s"),
        scratch_types=scratch,
        compiler_params=pltpu.CompilerParams(needs_layout_passes=False),
        name=f"sage_sc_agg_{chunks}_{int(with_deg)}",
    )


_sc_agg_a = _make_sc_agg(CA, True)
_sc_agg_b = _make_sc_agg(CB, False)
_sc_agg_c = _make_sc_agg(CA, False)


def _tc1_body(x_ref, p_ref, dg_ref, ws_ref, wn_ref, b_ref, o_ref):
    x = x_ref[...]
    agg = p_ref[0] + p_ref[1]
    deg = jnp.sum(dg_ref[...], axis=0)
    inv = 1.0 / jnp.maximum(deg, 1.0)
    h = (jnp.dot(x, ws_ref[...], preferred_element_type=jnp.float32)
         + jnp.dot(agg * inv[:, None], wn_ref[...], preferred_element_type=jnp.float32)
         + b_ref[...])
    o_ref[0] = jnp.maximum(h, 0.0)


def _tc2_body(x_ref, a_ref, dg_ref, ws1_ref, wn1_ref, b1_ref, ws2_ref, wn2_ref, b2_ref, s2_ref, p2_ref):
    xl, xh = x_ref[0], x_ref[1]
    al, ah = a_ref[0], a_ref[1]
    deg = jnp.sum(dg_ref[...], axis=0)
    inv = (1.0 / jnp.maximum(deg, 1.0))[:, None]
    dot = lambda a, b: jnp.dot(a, b, preferred_element_type=jnp.float32)
    h = (dot(xl, ws1_ref[:128]) + dot(xh, ws1_ref[128:])
         + dot(al * inv, wn1_ref[:128]) + dot(ah * inv, wn1_ref[128:])
         + b1_ref[...])
    h = jnp.maximum(h, 0.0)
    s2_ref[...] = dot(h, ws2_ref[...]) + b2_ref[...]
    p2_ref[...] = dot(h, wn2_ref[...])


def _tc3_body(s2_ref, p_ref, dg_ref, o_ref):
    deg = jnp.sum(dg_ref[...], axis=0)
    inv = (1.0 / jnp.maximum(deg, 1.0))[:, None]
    o_ref[...] = s2_ref[...] + (p_ref[0] + p_ref[1]) * inv


def kernel(features, edge_index, w_self0, w_neigh0, b0, w_self1, w_neigh1, b1, w_self2, w_neigh2, b2):
    f32 = jnp.float32
    src = edge_index[0].astype(jnp.int32)
    dst = edge_index[1].astype(jnp.int32)

    xpad = jnp.zeros((NP, W), f32)
    xpad = lax.dynamic_update_slice(xpad, features, (0, 0))

    pad_a = EA - E
    fill_a = N + (jnp.arange(pad_a, dtype=jnp.int32) % (NP - N))
    src_a = jnp.concatenate([src, fill_a]).reshape(NC, NS, CA // 8, 8, CHUNK)
    dst_a = jnp.concatenate([dst, fill_a]).reshape(NC, NS, CA // 8, 8, CHUNK)
    pad_b = EB - E
    fill_b = N + (jnp.arange(pad_b, dtype=jnp.int32) % (NP - N))
    src_b1 = jnp.concatenate([src, fill_b]).reshape(NS, CB // 8, 8, CHUNK)
    src_b = jnp.stack([src_b1, src_b1 + NP])
    dst_b1 = jnp.concatenate([dst, fill_b]).reshape(NS, CB // 8, 8, CHUNK)
    dst_b = jnp.stack([dst_b1, dst_b1])

    z_b = jnp.zeros((NP, W), f32)

    part0, degp = _sc_agg_a(xpad, src_a, dst_a, z_b)

    b0r = b0.reshape(1, D_MID)
    x1h = pl.pallas_call(
        _tc1_body,
        grid=(NP // 512, 2),
        in_specs=[
            pl.BlockSpec((512, 128), lambda g, h: (g, 0)),
            pl.BlockSpec((2, 512, 128), lambda g, h: (0, g, 0)),
            pl.BlockSpec((NC * NS, 512), lambda g, h: (0, g)),
            pl.BlockSpec((128, 128), lambda g, h: (0, h)),
            pl.BlockSpec((128, 128), lambda g, h: (0, h)),
            pl.BlockSpec((1, 128), lambda g, h: (0, h)),
        ],
        out_specs=pl.BlockSpec((1, 512, 128), lambda g, h: (h, g, 0)),
        out_shape=jax.ShapeDtypeStruct((2, NP, 128), f32),
    )(xpad, part0, degp, w_self0, w_neigh0, b0r)

    agg1, = _sc_agg_b(x1h.reshape(2 * NP, 128), src_b, dst_b, z_b)

    b1r = b1.reshape(1, D_MID)
    b2r = b2.reshape(1, D_OUT)
    s2, p2 = pl.pallas_call(
        _tc2_body,
        grid=(NP // 512,),
        in_specs=[
            pl.BlockSpec((2, 512, 128), lambda g: (0, g, 0)),
            pl.BlockSpec((2, 512, 128), lambda g: (0, g, 0)),
            pl.BlockSpec((NC * NS, 512), lambda g: (0, g)),
            pl.BlockSpec((D_MID, D_MID), lambda g: (0, 0)),
            pl.BlockSpec((D_MID, D_MID), lambda g: (0, 0)),
            pl.BlockSpec((1, D_MID), lambda g: (0, 0)),
            pl.BlockSpec((D_MID, D_OUT), lambda g: (0, 0)),
            pl.BlockSpec((D_MID, D_OUT), lambda g: (0, 0)),
            pl.BlockSpec((1, D_OUT), lambda g: (0, 0)),
        ],
        out_specs=[
            pl.BlockSpec((512, 128), lambda g: (g, 0)),
            pl.BlockSpec((512, 128), lambda g: (g, 0)),
        ],
        out_shape=[
            jax.ShapeDtypeStruct((NP, 128), f32),
            jax.ShapeDtypeStruct((NP, 128), f32),
        ],
    )(x1h, agg1, degp, w_self1, w_neigh1, b1r, w_self2, w_neigh2, b2r)

    part2, = _sc_agg_c(p2, src_a, dst_a, z_b)

    out = pl.pallas_call(
        _tc3_body,
        grid=(NP // 512,),
        in_specs=[
            pl.BlockSpec((512, 128), lambda g: (g, 0)),
            pl.BlockSpec((2, 512, 128), lambda g: (0, g, 0)),
            pl.BlockSpec((NC * NS, 512), lambda g: (0, g)),
        ],
        out_specs=pl.BlockSpec((512, 128), lambda g: (g, 0)),
        out_shape=jax.ShapeDtypeStruct((N, D_OUT), f32),
    )(s2, part2, degp)
    return out

# --- scband reference (transcript-rebuilt; emitter-appended) ---
"""Pipeline reference for scband-graph-sage-31310311587980 (READ-ONLY COPY).

The authoritative reference and input builder live on the scoring server;
editing this copy changes nothing except your own understanding.
"""

import jax, jax.numpy as jnp
import numpy as np

N = 10000
E = 320000
D_IN = 128
D_HID = 128  # n_hidden; hidden layers use 2*D_HID = 256


def setup_inputs(seed: int = 0) -> dict:
    key = jax.random.key(seed)
    ks = jax.random.split(key, 12)
    features = jax.random.normal(ks[0], (N, D_IN), dtype=jnp.float32)
    edge_index = jax.random.randint(ks[1], (2, E), 0, N)
    d_mid = 2 * D_HID  # 256
    # Layer 0: in=128 -> out=256 ; Layer 1: 256 -> 256 ; Layer 2: 256 -> 128
    w_self0 = jax.random.normal(ks[2], (D_IN, d_mid), dtype=jnp.float32) * (1.0 / np.sqrt(D_IN))
    w_neigh0 = jax.random.normal(ks[3], (D_IN, d_mid), dtype=jnp.float32) * (1.0 / np.sqrt(D_IN))
    b0 = jnp.zeros((d_mid,), dtype=jnp.float32)
    w_self1 = jax.random.normal(ks[4], (d_mid, d_mid), dtype=jnp.float32) * (1.0 / np.sqrt(d_mid))
    w_neigh1 = jax.random.normal(ks[5], (d_mid, d_mid), dtype=jnp.float32) * (1.0 / np.sqrt(d_mid))
    b1 = jnp.zeros((d_mid,), dtype=jnp.float32)
    w_self2 = jax.random.normal(ks[6], (d_mid, D_HID), dtype=jnp.float32) * (1.0 / np.sqrt(d_mid))
    w_neigh2 = jax.random.normal(ks[7], (d_mid, D_HID), dtype=jnp.float32) * (1.0 / np.sqrt(d_mid))
    b2 = jnp.zeros((D_HID,), dtype=jnp.float32)
    return {
        "features": features,
        "edge_index": edge_index,
        "w_self0": w_self0, "w_neigh0": w_neigh0, "b0": b0,
        "w_self1": w_self1, "w_neigh1": w_neigh1, "b1": b1,
        "w_self2": w_self2, "w_neigh2": w_neigh2, "b2": b2,
    }


def _sage_layer(x, src, dst, w_self, w_neigh, b, activate):
    # DGL SAGEConv, mean aggregator (dropout=0 at inference):
    #   h_neigh[v] = mean_{(u->v) in E} x[u]   (0 for isolated nodes; deg clamped to 1)
    #   rst = fc_self(x) + fc_neigh(h_neigh) + bias
    msg = jnp.take(x, src, axis=0)                                  # gather  [E, d]
    agg = jax.ops.segment_sum(msg, dst, num_segments=N)             # scatter-add [N, d]
    deg = jax.ops.segment_sum(jnp.ones((src.shape[0],), dtype=x.dtype), dst, num_segments=N)
    h_neigh = agg / jnp.clip(deg, 1.0, None)[:, None]
    rst = x @ w_self + h_neigh @ w_neigh + b
    if activate:
        rst = jax.nn.relu(rst)
    return rst


def reference(features, edge_index, w_self0, w_neigh0, b0, w_self1, w_neigh1, b1, w_self2, w_neigh2, b2):
    src = edge_index[0]
    dst = edge_index[1]
    h = _sage_layer(features, src, dst, w_self0, w_neigh0, b0, True)
    h = _sage_layer(h, src, dst, w_self1, w_neigh1, b1, True)
    h = _sage_layer(h, src, dst, w_self2, w_neigh2, b2, False)
    return h

if __name__ == "__main__":
    import jax
    _d = setup_inputs()
    print(jax.jit(kernel)(*tuple(_d.values())))

</pallas_src>

<mosaic_0001>
#map = affine_map<(d0, d1) -> (0, 0)>
#map1 = affine_map<(d0, d1) -> (0, 0, 0, 0, 0)>
#map2 = affine_map<(d0, d1) -> (0, 0, 0)>
module attributes {stable_mosaic.version = 14 : i64} {
  func.func @sage_sc_agg_160_1(%arg0: i32, %arg1: i32, %arg2: memref<10240x128xf32, #tpu.memory_space<hbm>>, %arg3: memref<2x16x20x8x64xi32, #tpu.memory_space<hbm>>, %arg4: memref<2x16x20x8x64xi32, #tpu.memory_space<hbm>>, %arg5: memref<10240x128xf32, #tpu.memory_space<hbm>>, %arg6: memref<2x10240x128xf32, #tpu.memory_space<hbm>>, %arg7: memref<32x10240xf32, #tpu.memory_space<hbm>>, %arg8: memref<8x64xi32, #tpu.memory_space<vmem>>, %arg9: memref<8x64xi32, #tpu.memory_space<vmem>>, %arg10: memref<8x64xi32, #tpu.memory_space<vmem>>, %arg11: memref<8x64xi32, #tpu.memory_space<vmem>>, %arg12: memref<64x128xf32, #tpu.memory_space<vmem>>, %arg13: memref<64x128xf32, #tpu.memory_space<vmem>>, %arg14: memref<64x128xf32, #tpu.memory_space<vmem>>, %arg15: memref<64x128xf32, #tpu.memory_space<vmem>>, %arg16: memref<10240xf32, #tpu.memory_space<vmem>>, %arg17: memref<10240x128xf32, #tpu.memory_space<vmem_shared>>, %arg18: memref<!tpu.dma_semaphore, #tpu.memory_space<semaphore_mem>>, %arg19: memref<!tpu.dma_semaphore, #tpu.memory_space<semaphore_mem>>, %arg20: memref<!tpu.dma_semaphore, #tpu.memory_space<semaphore_mem>>, %arg21: memref<!tpu.dma_semaphore, #tpu.memory_space<semaphore_mem>>, %arg22: memref<!tpu.dma_semaphore, #tpu.memory_space<semaphore_mem>>, %arg23: memref<!tpu.dma_semaphore, #tpu.memory_space<semaphore_mem>>, %arg24: memref<!tpu.dma_semaphore, #tpu.memory_space<semaphore_mem>>, %arg25: memref<!tpu.dma_semaphore, #tpu.memory_space<semaphore_mem>>, %arg26: memref<!tpu.dma_semaphore, #tpu.memory_space<semaphore_mem>>, %arg27: memref<!tpu.dma_semaphore, #tpu.memory_space<semaphore_mem>>) attributes {dimension_semantics = [#tpu.dimension_semantics<core_parallel>, #tpu.dimension_semantics<subcore_parallel>], iteration_bounds = array<i64: 2, 16>, scalar_prefetch = 0 : i64, scratch_operands = 20 : i64, tpu.core_type = #tpu.core_type<sc_vector_subcore>, window_params = [{transform_indices = #map}, {transform_indices = #map1}, {transform_indices = #map1}, {transform_indices = #map}, {transform_indices = #map2}, {transform_indices = #map}]} {
    %mul3A = arith.constant 640 : i32
    %mul3A_0 = arith.muli %arg1, %mul3A : i32
    "tpu.region"() ({
      %run_scoped3A = tpu.sem_alloc : memref<!tpu.dma_semaphore, #tpu.memory_space<semaphore_mem>>
      %dma_start3A_80 = arith.constant 0 : i32
      %dma_start3A_81 = tpu.memref_slice %arg17[%mul3A_0, %dma_start3A_80] : memref<10240x128xf32, #tpu.memory_space<vmem_shared>> -> memref<640x128xf32, #tpu.memory_space<vmem_shared>>
      %dma_start3A_82 = arith.constant 0 : i32
      %dma_start3A_83 = tpu.memref_slice %arg5[%mul3A_0, %dma_start3A_82] : memref<10240x128xf32, #tpu.memory_space<hbm>> -> memref<640x128xf32, #tpu.memory_space<hbm>>
      tpu.enqueue_dma source(%dma_start3A_83 : memref<640x128xf32, #tpu.memory_space<hbm>>) target(%dma_start3A_81 : memref<640x128xf32, #tpu.memory_space<vmem_shared>>) target_semaphore(%run_scoped3A : memref<!tpu.dma_semaphore, #tpu.memory_space<semaphore_mem>>)
      %dma_wait3A_84 = arith.constant 0 : i32
      %dma_wait3A_85 = tpu.memref_slice %arg17[%mul3A_0, %dma_wait3A_84] : memref<10240x128xf32, #tpu.memory_space<vmem_shared>> -> memref<640x128xf32, #tpu.memory_space<vmem_shared>>
      %dma_wait3A_86 = arith.constant 0 : i32
      %dma_wait3A_87 = tpu.memref_slice %arg5[%mul3A_0, %dma_wait3A_86] : memref<10240x128xf32, #tpu.memory_space<hbm>> -> memref<640x128xf32, #tpu.memory_space<hbm>>
      tpu.wait_dma2 semaphore(%run_scoped3A : memref<!tpu.dma_semaphore, #tpu.memory_space<semaphore_mem>>) src(%dma_wait3A_87 : memref<640x128xf32, #tpu.memory_space<hbm>>) dst(%dma_wait3A_85 : memref<640x128xf32, #tpu.memory_space<vmem_shared>>)
      tpu.yield
    }) : () -> ()
    %barrier3A = arith.constant 0 : index
    tpu.barrier barrier_id(%barrier3A)
    %broadcast_in_dim3A = arith.constant 0.000000e+00 : f32
    %broadcast_in_dim3A_1 = vector.broadcast %broadcast_in_dim3A : f32 to vector<16xf32>
    %scan3A = arith.constant 0 : i32
    %scan3A_2 = arith.constant 0 : i32
    %scan3A_3 = arith.constant 640 : i32
    %scan3A_4 = arith.addi %scan3A_2, %scan3A_3 : i32
    %scan3A_5 = arith.constant 1 : i32
    scf.for %scan3A_80 = %scan3A_2 to %scan3A_4 step %scan3A_5  : i32 {
      %mul3A_81 = arith.constant 16 : i32
      %mul3A_82 = arith.muli %scan3A_80, %mul3A_81 : i32
      %swap3A = arith.index_cast %mul3A_82 : i32 to index
      %swap3A_83 = tpu.vector_load %arg16[%swap3A] {strides = array<i32>} : memref<10240xf32, #tpu.memory_space<vmem>>, vector<16xf32>,
      tpu.vector_store %arg16[%swap3A], %broadcast_in_dim3A_1 {strides = array<i32>} : memref<10240xf32, #tpu.memory_space<vmem>>, vector<16xf32>,
    }
    %scan3A_6 = arith.constant 640 : i32
    %broadcast_in_dim3A_7 = arith.constant 1.000000e+00 : f32
    %broadcast_in_dim3A_8 = vector.broadcast %broadcast_in_dim3A_7 : f32 to vector<16xf32>
    %dma_start3A = arith.constant 0 : i32
    %dma_start3A_9 = arith.constant 0 : i32
    %dma_start3A_10 = arith.constant 0 : i32
    %dma_start3A_11 = tpu.memref_slice %arg3[%arg0, %arg1, %dma_start3A, %dma_start3A_9, %dma_start3A_10] : memref<2x16x20x8x64xi32, #tpu.memory_space<hbm>> -> memref<1x1x1x8x64xi32, #tpu.memory_space<hbm>>
    %dma_start3A_12 = tpu.memref_squeeze %dma_start3A_11 : memref<1x1x1x8x64xi32, #tpu.memory_space<hbm>> -> memref<8x64xi32, #tpu.memory_space<hbm>>
    %dma_start3A_13 = arith.constant 0 : i32
    %dma_start3A_14 = arith.constant 0 : i32
    %dma_start3A_15 = tpu.memref_slice %arg3[%arg0, %arg1, %dma_start3A, %dma_start3A_13, %dma_start3A_14] : memref<2x16x20x8x64xi32, #tpu.memory_space<hbm>> -> memref<1x1x1x8x64xi32, #tpu.memory_space<hbm>>
    %dma_start3A_16 = tpu.memref_squeeze %dma_start3A_15 : memref<1x1x1x8x64xi32, #tpu.memory_space<hbm>> -> memref<8x64xi32, #tpu.memory_space<hbm>>
    tpu.enqueue_dma source(%dma_start3A_16 : memref<8x64xi32, #tpu.memory_space<hbm>>) target(%arg8 : memref<8x64xi32, #tpu.memory_space<vmem>>) target_semaphore(%arg18 : memref<!tpu.dma_semaphore, #tpu.memory_space<semaphore_mem>>)
    %dma_start3A_17 = arith.constant 0 : i32
    %dma_start3A_18 = arith.constant 0 : i32
    %dma_start3A_19 = arith.constant 0 : i32
    %dma_start3A_20 = tpu.memref_slice %arg4[%arg0, %arg1, %dma_start3A_17, %dma_start3A_18, %dma_start3A_19] : memref<2x16x20x8x64xi32, #tpu.memory_space<hbm>> -> memref<1x1x1x8x64xi32, #tpu.memory_space<hbm>>
    %dma_start3A_21 = tpu.memref_squeeze %dma_start3A_20 : memref<1x1x1x8x64xi32, #tpu.memory_space<hbm>> -> memref<8x64xi32, #tpu.memory_space<hbm>>
    %dma_start3A_22 = arith.constant 0 : i32
    %dma_start3A_23 = arith.constant 0 : i32
    %dma_start3A_24 = tpu.memref_slice %arg4[%arg0, %arg1, %dma_start3A_17, %dma_start3A_22, %dma_start3A_23] : memref<2x16x20x8x64xi32, #tpu.memory_space<hbm>> -> memref<1x1x1x8x64xi32, #tpu.memory_space<hbm>>
    %dma_start3A_25 = tpu.memref_squeeze %dma_start3A_24 : memref<1x1x1x8x64xi32, #tpu.memory_space<hbm>> -> memref<8x64xi32, #tpu.memory_space<hbm>>
    tpu.enqueue_dma source(%dma_start3A_25 : memref<8x64xi32, #tpu.memory_space<hbm>>) target(%arg9 : memref<8x64xi32, #tpu.memory_space<vmem>>) target_semaphore(%arg18 : memref<!tpu.dma_semaphore, #tpu.memory_space<semaphore_mem>>)
    %dma_wait3A = arith.constant 0 : i32
    %dma_wait3A_26 = arith.constant 0 : i32
    %dma_wait3A_27 = arith.constant 0 : i32
    %dma_wait3A_28 = tpu.memref_slice %arg3[%arg0, %arg1, %dma_wait3A, %dma_wait3A_26, %dma_wait3A_27] : memref<2x16x20x8x64xi32, #tpu.memory_space<hbm>> -> memref<1x1x1x8x64xi32, #tpu.memory_space<hbm>>
    %dma_wait3A_29 = tpu.memref_squeeze %dma_wait3A_28 : memref<1x1x1x8x64xi32, #tpu.memory_space<hbm>> -> memref<8x64xi32, #tpu.memory_space<hbm>>
    %dma_wait3A_30 = arith.constant 0 : i32
    %dma_wait3A_31 = arith.constant 0 : i32
    %dma_wait3A_32 = tpu.memref_slice %arg3[%arg0, %arg1, %dma_wait3A, %dma_wait3A_30, %dma_wait3A_31] : memref<2x16x20x8x64xi32, #tpu.memory_space<hbm>> -> memref<1x1x1x8x64xi32, #tpu.memory_space<hbm>>
    %dma_wait3A_33 = tpu.memref_squeeze %dma_wait3A_32 : memref<1x1x1x8x64xi32, #tpu.memory_space<hbm>> -> memref<8x64xi32, #tpu.memory_space<hbm>>
    tpu.wait_dma2 semaphore(%arg18 : memref<!tpu.dma_semaphore, #tpu.memory_space<semaphore_mem>>) src(%dma_wait3A_33 : memref<8x64xi32, #tpu.memory_space<hbm>>) dst(%arg8 : memref<8x64xi32, #tpu.memory_space<vmem>>)
    %dma_wait3A_34 = arith.constant 0 : i32
    %dma_wait3A_35 = arith.constant 0 : i32
    %dma_wait3A_36 = arith.constant 0 : i32
    %dma_wait3A_37 = tpu.memref_slice %arg4[%arg0, %arg1, %dma_wait3A_34, %dma_wait3A_35, %dma_wait3A_36] : memref<2x16x20x8x64xi32, #tpu.memory_space<hbm>> -> memref<1x1x1x8x64xi32, #tpu.memory_space<hbm>>
    %dma_wait3A_38 = tpu.memref_squeeze %dma_wait3A_37 : memref<1x1x1x8x64xi32, #tpu.memory_space<hbm>> -> memref<8x64xi32, #tpu.memory_space<hbm>>
    %dma_wait3A_39 = arith.constant 0 : i32
    %dma_wait3A_40 = arith.constant 0 : i32
    %dma_wait3A_41 = tpu.memref_slice %arg4[%arg0, %arg1, %dma_wait3A_34, %dma_wait3A_39, %dma_wait3A_40] : memref<2x16x20x8x64xi32, #tpu.memory_space<hbm>> -> memref<1x1x1x8x64xi32, #tpu.memory_space<hbm>>
    %dma_wait3A_42 = tpu.memref_squeeze %dma_wait3A_41 : memref<1x1x1x8x64xi32, #tpu.memory_space<hbm>> -> memref<8x64xi32, #tpu.memory_space<hbm>>
    tpu.wait_dma2 semaphore(%arg18 : memref<!tpu.dma_semaphore, #tpu.memory_space<semaphore_mem>>) src(%dma_wait3A_42 : memref<8x64xi32, #tpu.memory_space<hbm>>) dst(%arg9 : memref<8x64xi32, #tpu.memory_space<vmem>>)
    %dma_start3A_43 = arith.constant 0 : i32
    %dma_start3A_44 = arith.constant 0 : i32
    %dma_start3A_45 = tpu.memref_slice %arg8[%dma_start3A_43, %dma_start3A_44] : memref<8x64xi32, #tpu.memory_space<vmem>> -> memref<1x64xi32, #tpu.memory_space<vmem>>
    %dma_start3A_46 = tpu.memref_squeeze %dma_start3A_45 : memref<1x64xi32, #tpu.memory_space<vmem>> -> memref<64xi32, #tpu.memory_space<vmem>>
    %dma_start3A_47 = arith.constant 0 : i32
    %dma_start3A_48 = arith.constant 0 : i32
    %dma_start3A_49 = tpu.memref_slice %arg2[%dma_start3A_47, %dma_start3A_48] : memref<10240x128xf32, #tpu.memory_space<hbm>> -> memref<10240x128xf32, #tpu.memory_space<hbm>>
    tpu.enqueue_indirect_dma source(%dma_start3A_49 : memref<10240x128xf32, #tpu.memory_space<hbm>>) target(%arg12 : memref<64x128xf32, #tpu.memory_space<vmem>>) offsets(%dma_start3A_46 : memref<64xi32, #tpu.memory_space<vmem>>) semaphore(%arg20 : memref<!tpu.dma_semaphore, #tpu.memory_space<semaphore_mem>>)
    %dma_start3A_50 = arith.constant 1 : i32
    %dma_start3A_51 = arith.constant 0 : i32
    %dma_start3A_52 = tpu.memref_slice %arg8[%dma_start3A_50, %dma_start3A_51] : memref<8x64xi32, #tpu.memory_space<vmem>> -> memref<1x64xi32, #tpu.memory_space<vmem>>
    %dma_start3A_53 = tpu.memref_squeeze %dma_start3A_52 : memref<1x64xi32, #tpu.memory_space<vmem>> -> memref<64xi32, #tpu.memory_space<vmem>>
    %dma_start3A_54 = arith.constant 0 : i32
    %dma_start3A_55 = arith.constant 0 : i32
    %dma_start3A_56 = tpu.memref_slice %arg2[%dma_start3A_54, %dma_start3A_55] : memref<10240x128xf32, #tpu.memory_space<hbm>> -> memref<10240x128xf32, #tpu.memory_space<hbm>>
    tpu.enqueue_indirect_dma source(%dma_start3A_56 : memref<10240x128xf32, #tpu.memory_space<hbm>>) target(%arg13 : memref<64x128xf32, #tpu.memory_space<vmem>>) offsets(%dma_start3A_53 : memref<64xi32, #tpu.memory_space<vmem>>) semaphore(%arg21 : memref<!tpu.dma_semaphore, #tpu.memory_space<semaphore_mem>>)
    %scan3A_57 = arith.constant 0 : i32
    %scan3A_58 = arith.constant 0 : i32
    %scan3A_59 = arith.constant 10 : i32
    %scan3A_60 = arith.addi %scan3A_58, %scan3A_59 : i32
    %scan3A_61 = arith.constant 1 : i32
    scf.for %scan3A_80 = %scan3A_58 to %scan3A_60 step %scan3A_61  : i32 {
      %dma_wait3A_81 = arith.constant 0 : i32
      %dma_wait3A_82 = arith.constant 0 : i32
      %dma_wait3A_83 = tpu.memref_slice %arg8[%dma_wait3A_81, %dma_wait3A_82] : memref<8x64xi32, #tpu.memory_space<vmem>> -> memref<1x64xi32, #tpu.memory_space<vmem>>
      %dma_wait3A_84 = tpu.memref_squeeze %dma_wait3A_83 : memref<1x64xi32, #tpu.memory_space<vmem>> -> memref<64xi32, #tpu.memory_space<vmem>>
      %dma_wait3A_85 = arith.constant 0 : i32
      %dma_wait3A_86 = arith.constant 0 : i32
      %dma_wait3A_87 = tpu.memref_slice %arg2[%dma_wait3A_85, %dma_wait3A_86] : memref<10240x128xf32, #tpu.memory_space<hbm>> -> memref<10240x128xf32, #tpu.memory_space<hbm>>
      tpu.wait_indirect_dma semaphore(%arg20 : memref<!tpu.dma_semaphore, #tpu.memory_space<semaphore_mem>>) src(%dma_wait3A_87 : memref<10240x128xf32, #tpu.memory_space<hbm>>) dst(%arg12 : memref<64x128xf32, #tpu.memory_space<vmem>>)
      %gt3A = arith.constant 0 : i32
      %gt3A_88 = arith.cmpi sgt, %scan3A_80, %gt3A : i32
      %convert_element_type3A = arith.extui %gt3A_88 : i1 to i32
      %cond3A = arith.constant 0 : i32
      %cond3A_89 = arith.cmpi ne, %convert_element_type3A, %cond3A : i32
      scf.if %cond3A_89 {
        %dma_wait3A_817 = arith.constant 6 : i32
        %dma_wait3A_818 = arith.constant 0 : i32
        %dma_wait3A_819 = tpu.memref_slice %arg11[%dma_wait3A_817, %dma_wait3A_818] : memref<8x64xi32, #tpu.memory_space<vmem>> -> memref<1x64xi32, #tpu.memory_space<vmem>>
        %dma_wait3A_820 = tpu.memref_squeeze %dma_wait3A_819 : memref<1x64xi32, #tpu.memory_space<vmem>> -> memref<64xi32, #tpu.memory_space<vmem>>
        %dma_wait3A_821 = arith.constant 0 : i32
        %dma_wait3A_822 = arith.constant 0 : i32
        %dma_wait3A_823 = tpu.memref_slice %arg17[%dma_wait3A_821, %dma_wait3A_822] : memref<10240x128xf32, #tpu.memory_space<vmem_shared>> -> memref<10240x128xf32, #tpu.memory_space<vmem_shared>>
        tpu.wait_indirect_dma semaphore(%arg26 : memref<!tpu.dma_semaphore, #tpu.memory_space<semaphore_mem>>) src(%arg14 : memref<64x128xf32, #tpu.memory_space<vmem>>) dst(%dma_wait3A_823 : memref<10240x128xf32, #tpu.memory_space<vmem_shared>>)
      } else {
      }
      %dma_start3A_90 = arith.constant 0 : i32
      %dma_start3A_91 = arith.constant 0 : i32
      %dma_start3A_92 = tpu.memref_slice %arg9[%dma_start3A_90, %dma_start3A_91] : memref<8x64xi32, #tpu.memory_space<vmem>> -> memref<1x64xi32, #tpu.memory_space<vmem>>
      %dma_start3A_93 = tpu.memref_squeeze %dma_start3A_92 : memref<1x64xi32, #tpu.memory_space<vmem>> -> memref<64xi32, #tpu.memory_space<vmem>>
      %dma_start3A_94 = arith.constant 0 : i32
      %dma_start3A_95 = arith.constant 0 : i32
      %dma_start3A_96 = tpu.memref_slice %arg17[%dma_start3A_94, %dma_start3A_95] : memref<10240x128xf32, #tpu.memory_space<vmem_shared>> -> memref<10240x128xf32, #tpu.memory_space<vmem_shared>>
      tpu.enqueue_indirect_dma source(%arg12 : memref<64x128xf32, #tpu.memory_space<vmem>>) target(%dma_start3A_96 : memref<10240x128xf32, #tpu.memory_space<vmem_shared>>) offsets(%dma_start3A_93 : memref<64xi32, #tpu.memory_space<vmem>>) semaphore(%arg24 : memref<!tpu.dma_semaphore, #tpu.memory_space<semaphore_mem>>) {add = true}
      %get3A = arith.constant 0 : i32
      %get3A_97 = arith.index_cast %get3A : i32 to index
      %get3A_98 = arith.constant 0 : index
      %get3A_99 = tpu.vector_load %arg9[%get3A_97, %get3A_98] {strides = array<i32>} : memref<8x64xi32, #tpu.memory_space<vmem>>, vector<16xi32>,
      tpu.vector_store_idx %arg16[%get3A_99], %broadcast_in_dim3A_8 {add = true} : memref<10240xf32, #tpu.memory_space<vmem>>[vector<16xi32>], vector<16xf32>,
      %get3A_100 = arith.constant 0 : i32
      %get3A_101 = arith.index_cast %get3A_100 : i32 to index
      %get3A_102 = arith.constant 16 : index
      %get3A_103 = tpu.vector_load %arg9[%get3A_101, %get3A_102] {strides = array<i32>} : memref<8x64xi32, #tpu.memory_space<vmem>>, vector<16xi32>,
      tpu.vector_store_idx %arg16[%get3A_103], %broadcast_in_dim3A_8 {add = true} : memref<10240xf32, #tpu.memory_space<vmem>>[vector<16xi32>], vector<16xf32>,
      %get3A_104 = arith.constant 0 : i32
      %get3A_105 = arith.index_cast %get3A_104 : i32 to index
      %get3A_106 = arith.constant 32 : index
      %get3A_107 = tpu.vector_load %arg9[%get3A_105, %get3A_106] {strides = array<i32>} : memref<8x64xi32, #tpu.memory_space<vmem>>, vector<16xi32>,
      tpu.vector_store_idx %arg16[%get3A_107], %broadcast_in_dim3A_8 {add = true} : memref<10240xf32, #tpu.memory_space<vmem>>[vector<16xi32>], vector<16xf32>,
      %get3A_108 = arith.constant 0 : i32
      %get3A_109 = arith.index_cast %get3A_108 : i32 to index
      %get3A_110 = arith.constant 48 : index
      %get3A_111 = tpu.vector_load %arg9[%get3A_109, %get3A_110] {strides = array<i32>} : memref<8x64xi32, #tpu.memory_space<vmem>>, vector<16xi32>,
      tpu.vector_store_idx %arg16[%get3A_111], %broadcast_in_dim3A_8 {add = true} : memref<10240xf32, #tpu.memory_space<vmem>>[vector<16xi32>], vector<16xf32>,
      %dma_start3A_112 = arith.constant 2 : i32
      %dma_start3A_113 = arith.constant 0 : i32
      %dma_start3A_114 = tpu.memref_slice %arg8[%dma_start3A_112, %dma_start3A_113] : memref<8x64xi32, #tpu.memory_space<vmem>> -> memref<1x64xi32, #tpu.memory_space<vmem>>
      %dma_start3A_115 = tpu.memref_squeeze %dma_start3A_114 : memref<1x64xi32, #tpu.memory_space<vmem>> -> memref<64xi32, #tpu.memory_space<vmem>>
      %dma_start3A_116 = arith.constant 0 : i32
      %dma_start3A_117 = arith.constant 0 : i32
      %dma_start3A_118 = tpu.memref_slice %arg2[%dma_start3A_116, %dma_start3A_117] : memref<10240x128xf32, #tpu.memory_space<hbm>> -> memref<10240x128xf32, #tpu.memory_space<hbm>>
      tpu.enqueue_indirect_dma source(%dma_start3A_118 : memref<10240x128xf32, #tpu.memory_space<hbm>>) target(%arg14 : memref<64x128xf32, #tpu.memory_space<vmem>>) offsets(%dma_start3A_115 : memref<64xi32, #tpu.memory_space<vmem>>) semaphore(%arg22 : memref<!tpu.dma_semaphore, #tpu.memory_space<semaphore_mem>>)
      %dma_wait3A_119 = arith.constant 1 : i32
      %dma_wait3A_120 = arith.constant 0 : i32
      %dma_wait3A_121 = tpu.memref_slice %arg8[%dma_wait3A_119, %dma_wait3A_120] : memref<8x64xi32, #tpu.memory_space<vmem>> -> memref<1x64xi32, #tpu.memory_space<vmem>>
      %dma_wait3A_122 = tpu.memref_squeeze %dma_wait3A_121 : memref<1x64xi32, #tpu.memory_space<vmem>> -> memref<64xi32, #tpu.memory_space<vmem>>
      %dma_wait3A_123 = arith.constant 0 : i32
      %dma_wait3A_124 = arith.constant 0 : i32
      %dma_wait3A_125 = tpu.memref_slice %arg2[%dma_wait3A_123, %dma_wait3A_124] : memref<10240x128xf32, #tpu.memory_space<hbm>> -> memref<10240x128xf32, #tpu.memory_space<hbm>>
      tpu.wait_indirect_dma semaphore(%arg21 : memref<!tpu.dma_semaphore, #tpu.memory_space<semaphore_mem>>) src(%dma_wait3A_125 : memref<10240x128xf32, #tpu.memory_space<hbm>>) dst(%arg13 : memref<64x128xf32, #tpu.memory_space<vmem>>)
      %gt3A_126 = arith.constant 0 : i32
      %gt3A_127 = arith.cmpi sgt, %scan3A_80, %gt3A_126 : i32
      %convert_element_type3A_128 = arith.extui %gt3A_127 : i1 to i32
      %cond3A_129 = arith.constant 0 : i32
      %cond3A_130 = arith.cmpi ne, %convert_element_type3A_128, %cond3A_129 : i32
      scf.if %cond3A_130 {
        %dma_wait3A_817 = arith.constant 7 : i32
        %dma_wait3A_818 = arith.constant 0 : i32
        %dma_wait3A_819 = tpu.memref_slice %arg11[%dma_wait3A_817, %dma_wait3A_818] : memref<8x64xi32, #tpu.memory_space<vmem>> -> memref<1x64xi32, #tpu.memory_space<vmem>>
        %dma_wait3A_820 = tpu.memref_squeeze %dma_wait3A_819 : memref<1x64xi32, #tpu.memory_space<vmem>> -> memref<64xi32, #tpu.memory_space<vmem>>
        %dma_wait3A_821 = arith.constant 0 : i32
        %dma_wait3A_822 = arith.constant 0 : i32
        %dma_wait3A_823 = tpu.memref_slice %arg17[%dma_wait3A_821, %dma_wait3A_822] : memref<10240x128xf32, #tpu.memory_space<vmem_shared>> -> memref<10240x128xf32, #tpu.memory_space<vmem_shared>>
        tpu.wait_indirect_dma semaphore(%arg27 : memref<!tpu.dma_semaphore, #tpu.memory_space<semaphore_mem>>) src(%arg15 : memref<64x128xf32, #tpu.memory_space<vmem>>) dst(%dma_wait3A_823 : memref<10240x128xf32, #tpu.memory_space<vmem_shared>>)
      } else {
      }
      %dma_start3A_131 = arith.constant 1 : i32
      %dma_start3A_132 = arith.constant 0 : i32
      %dma_start3A_133 = tpu.memref_slice %arg9[%dma_start3A_131, %dma_start3A_132] : memref<8x64xi32, #tpu.memory_space<vmem>> -> memref<1x64xi32, #tpu.memory_space<vmem>>
      %dma_start3A_134 = tpu.memref_squeeze %dma_start3A_133 : memref<1x64xi32, #tpu.memory_space<vmem>> -> memref<64xi32, #tpu.memory_space<vmem>>
      %dma_start3A_135 = arith.constant 0 : i32
      %dma_start3A_136 = arith.constant 0 : i32
      %dma_start3A_137 = tpu.memref_slice %arg17[%dma_start3A_135, %dma_start3A_136] : memref<10240x128xf32, #tpu.memory_space<vmem_shared>> -> memref<10240x128xf32, #tpu.memory_space<vmem_shared>>
      tpu.enqueue_indirect_dma source(%arg13 : memref<64x128xf32, #tpu.memory_space<vmem>>) target(%dma_start3A_137 : memref<10240x128xf32, #tpu.memory_space<vmem_shared>>) offsets(%dma_start3A_134 : memref<64xi32, #tpu.memory_space<vmem>>) semaphore(%arg25 : memref<!tpu.dma_semaphore, #tpu.memory_space<semaphore_mem>>) {add = true}
      %get3A_138 = arith.constant 1 : i32
      %get3A_139 = arith.index_cast %get3A_138 : i32 to index
      %get3A_140 = arith.constant 0 : index
      %get3A_141 = tpu.vector_load %arg9[%get3A_139, %get3A_140] {strides = array<i32>} : memref<8x64xi32, #tpu.memory_space<vmem>>, vector<16xi32>,
      tpu.vector_store_idx %arg16[%get3A_141], %broadcast_in_dim3A_8 {add = true} : memref<10240xf32, #tpu.memory_space<vmem>>[vector<16xi32>], vector<16xf32>,
      %get3A_142 = arith.constant 1 : i32
      %get3A_143 = arith.index_cast %get3A_142 : i32 to index
      %get3A_144 = arith.constant 16 : index
      %get3A_145 = tpu.vector_load %arg9[%get3A_143, %get3A_144] {strides = array<i32>} : memref<8x64xi32, #tpu.memory_space<vmem>>, vector<16xi32>,
      tpu.vector_store_idx %arg16[%get3A_145], %broadcast_in_dim3A_8 {add = true} : memref<10240xf32, #tpu.memory_space<vmem>>[vector<16xi32>], vector<16xf32>,
      %get3A_146 = arith.constant 1 : i32
      %get3A_147 = arith.index_cast %get3A_146 : i32 to index
      %get3A_148 = arith.constant 32 : index
      %get3A_149 = tpu.vector_load %arg9[%get3A_147, %get3A_148] {strides = array<i32>} : memref<8x64xi32, #tpu.memory_space<vmem>>, vector<16xi32>,
      tpu.vector_store_idx %arg16[%get3A_149], %broadcast_in_dim3A_8 {add = true} : memref<10240xf32, #tpu.memory_space<vmem>>[vector<16xi32>], vector<16xf32>,
      %get3A_150 = arith.constant 1 : i32
      %get3A_151 = arith.index_cast %get3A_150 : i32 to index
      %get3A_152 = arith.constant 48 : index
      %get3A_153 = tpu.vector_load %arg9[%get3A_151, %get3A_152] {strides = array<i32>} : memref<8x64xi32, #tpu.memory_space<vmem>>, vector<16xi32>,
      tpu.vector_store_idx %arg16[%get3A_153], %broadcast_in_dim3A_8 {add = true} : memref<10240xf32, #tpu.memory_space<vmem>>[vector<16xi32>], vector<16xf32>,
      %mul3A_154 = arith.constant 2 : i32
      %mul3A_155 = arith.muli %mul3A_154, %scan3A_80 : i32
      %add3A_156 = arith.constant 1 : i32
      %add3A_157 = arith.addi %mul3A_155, %add3A_156 : i32
      %dma_start3A_158 = arith.constant 0 : i32
      %dma_start3A_159 = arith.constant 0 : i32
      %dma_start3A_160 = tpu.memref_slice %arg3[%arg0, %arg1, %add3A_157, %dma_start3A_158, %dma_start3A_159] : memref<2x16x20x8x64xi32, #tpu.memory_space<hbm>> -> memref<1x1x1x8x64xi32, #tpu.memory_space<hbm>>
      %dma_start3A_161 = tpu.memref_squeeze %dma_start3A_160 : memref<1x1x1x8x64xi32, #tpu.memory_space<hbm>> -> memref<8x64xi32, #tpu.memory_space<hbm>>
      %dma_start3A_162 = arith.constant 0 : i32
      %dma_start3A_163 = arith.constant 0 : i32
      %dma_start3A_164 = tpu.memref_slice %arg3[%arg0, %arg1, %add3A_157, %dma_start3A_162, %dma_start3A_163] : memref<2x16x20x8x64xi32, #tpu.memory_space<hbm>> -> memref<1x1x1x8x64xi32, #tpu.memory_space<hbm>>
      %dma_start3A_165 = tpu.memref_squeeze %dma_start3A_164 : memref<1x1x1x8x64xi32, #tpu.memory_space<hbm>> -> memref<8x64xi32, #tpu.memory_space<hbm>>
      tpu.enqueue_dma source(%dma_start3A_165 : memref<8x64xi32, #tpu.memory_space<hbm>>) target(%arg10 : memref<8x64xi32, #tpu.memory_space<vmem>>) target_semaphore(%arg19 : memref<!tpu.dma_semaphore, #tpu.memory_space<semaphore_mem>>)
      %dma_start3A_166 = arith.constant 0 : i32
      %dma_start3A_167 = arith.constant 0 : i32
      %dma_start3A_168 = tpu.memref_slice %arg4[%arg0, %arg1, %add3A_157, %dma_start3A_166, %dma_start3A_167] : memref<2x16x20x8x64xi32, #tpu.memory_space<hbm>> -> memref<1x1x1x8x64xi32, #tpu.memory_space<hbm>>
      %dma_start3A_169 = tpu.memref_squeeze %dma_start3A_168 : memref<1x1x1x8x64xi32, #tpu.memory_space<hbm>> -> memref<8x64xi32, #tpu.memory_space<hbm>>
      %dma_start3A_170 = arith.constant 0 : i32
      %dma_start3A_171 = arith.constant 0 : i32
      %dma_start3A_172 = tpu.memref_slice %arg4[%arg0, %arg1, %add3A_157, %dma_start3A_170, %dma_start3A_171] : memref<2x16x20x8x64xi32, #tpu.memory_space<hbm>> -> memref<1x1x1x8x64xi32, #tpu.memory_space<hbm>>
      %dma_start3A_173 = tpu.memref_squeeze %dma_start3A_172 : memref<1x1x1x8x64xi32, #tpu.memory_space<hbm>> -> memref<8x64xi32, #tpu.memory_space<hbm>>
      tpu.enqueue_dma source(%dma_start3A_173 : memref<8x64xi32, #tpu.memory_space<hbm>>) target(%arg11 : memref<8x64xi32, #tpu.memory_space<vmem>>) target_semaphore(%arg19 : memref<!tpu.dma_semaphore, #tpu.memory_space<semaphore_mem>>)
      %dma_start3A_174 = arith.constant 3 : i32
      %dma_start3A_175 = arith.constant 0 : i32
      %dma_start3A_176 = tpu.memref_slice %arg8[%dma_start3A_174, %dma_start3A_175] : memref<8x64xi32, #tpu.memory_space<vmem>> -> memref<1x64xi32, #tpu.memory_space<vmem>>
      %dma_start3A_177 = tpu.memref_squeeze %dma_start3A_176 : memref<1x64xi32, #tpu.memory_space<vmem>> -> memref<64xi32, #tpu.memory_space<vmem>>
      %dma_start3A_178 = arith.constant 0 : i32
      %dma_start3A_179 = arith.constant 0 : i32
      %dma_start3A_180 = tpu.memref_slice %arg2[%dma_start3A_178, %dma_start3A_179] : memref<10240x128xf32, #tpu.memory_space<hbm>> -> memref<10240x128xf32, #tpu.memory_space<hbm>>
      tpu.enqueue_indirect_dma source(%dma_start3A_180 : memref<10240x128xf32, #tpu.memory_space<hbm>>) target(%arg15 : memref<64x128xf32, #tpu.memory_space<vmem>>) offsets(%dma_start3A_177 : memref<64xi32, #tpu.memory_space<vmem>>) semaphore(%arg23 : memref<!tpu.dma_semaphore, #tpu.memory_space<semaphore_mem>>)
      %dma_wait3A_181 = arith.constant 2 : i32
      %dma_wait3A_182 = arith.constant 0 : i32
      %dma_wait3A_183 = tpu.memref_slice %arg8[%dma_wait3A_181, %dma_wait3A_182] : memref<8x64xi32, #tpu.memory_space<vmem>> -> memref<1x64xi32, #tpu.memory_space<vmem>>
      %dma_wait3A_184 = tpu.memref_squeeze %dma_wait3A_183 : memref<1x64xi32, #tpu.memory_space<vmem>> -> memref<64xi32, #tpu.memory_space<vmem>>
      %dma_wait3A_185 = arith.constant 0 : i32
      %dma_wait3A_186 = arith.constant 0 : i32
      %dma_wait3A_187 = tpu.memref_slice %arg2[%dma_wait3A_185, %dma_wait3A_186] : memref<10240x128xf32, #tpu.memory_space<hbm>> -> memref<10240x128xf32, #tpu.memory_space<hbm>>
      tpu.wait_indirect_dma semaphore(%arg22 : memref<!tpu.dma_semaphore, #tpu.memory_space<semaphore_mem>>) src(%dma_wait3A_187 : memref<10240x128xf32, #tpu.memory_space<hbm>>) dst(%arg14 : memref<64x128xf32, #tpu.memory_space<vmem>>)
      %dma_wait3A_188 = arith.constant 0 : i32
      %dma_wait3A_189 = arith.constant 0 : i32
      %dma_wait3A_190 = tpu.memref_slice %arg9[%dma_wait3A_188, %dma_wait3A_189] : memref<8x64xi32, #tpu.memory_space<vmem>> -> memref<1x64xi32, #tpu.memory_space<vmem>>
      %dma_wait3A_191 = tpu.memref_squeeze %dma_wait3A_190 : memref<1x64xi32, #tpu.memory_space<vmem>> -> memref<64xi32, #tpu.memory_space<vmem>>
      %dma_wait3A_192 = arith.constant 0 : i32
      %dma_wait3A_193 = arith.constant 0 : i32
      %dma_wait3A_194 = tpu.memref_slice %arg17[%dma_wait3A_192, %dma_wait3A_193] : memref<10240x128xf32, #tpu.memory_space<vmem_shared>> -> memref<10240x128xf32, #tpu.memory_space<vmem_shared>>
      tpu.wait_indirect_dma semaphore(%arg24 : memref<!tpu.dma_semaphore, #tpu.memory_space<semaphore_mem>>) src(%arg12 : memref<64x128xf32, #tpu.memory_space<vmem>>) dst(%dma_wait3A_194 : memref<10240x128xf32, #tpu.memory_space<vmem_shared>>)
      %dma_start3A_195 = arith.constant 2 : i32
      %dma_start3A_196 = arith.constant 0 : i32
      %dma_start3A_197 = tpu.memref_slice %arg9[%dma_start3A_195, %dma_start3A_196] : memref<8x64xi32, #tpu.memory_space<vmem>> -> memref<1x64xi32, #tpu.memory_space<vmem>>
      %dma_start3A_198 = tpu.memref_squeeze %dma_start3A_197 : memref<1x64xi32, #tpu.memory_space<vmem>> -> memref<64xi32, #tpu.memory_space<vmem>>
      %dma_start3A_199 = arith.constant 0 : i32
      %dma_start3A_200 = arith.constant 0 : i32
      %dma_start3A_201 = tpu.memref_slice %arg17[%dma_start3A_199, %dma_start3A_200] : memref<10240x128xf32, #tpu.memory_space<vmem_shared>> -> memref<10240x128xf32, #tpu.memory_space<vmem_shared>>
      tpu.enqueue_indirect_dma source(%arg14 : memref<64x128xf32, #tpu.memory_space<vmem>>) target(%dma_start3A_201 : memref<10240x128xf32, #tpu.memory_space<vmem_shared>>) offsets(%dma_start3A_198 : memref<64xi32, #tpu.memory_space<vmem>>) semaphore(%arg26 : memref<!tpu.dma_semaphore, #tpu.memory_space<semaphore_mem>>) {add = true}
      %get3A_202 = arith.constant 2 : i32
      %get3A_203 = arith.index_cast %get3A_202 : i32 to index
      %get3A_204 = arith.constant 0 : index
      %get3A_205 = tpu.vector_load %arg9[%get3A_203, %get3A_204] {strides = array<i32>} : memref<8x64xi32, #tpu.memory_space<vmem>>, vector<16xi32>,
      tpu.vector_store_idx %arg16[%get3A_205], %broadcast_in_dim3A_8 {add = true} : memref<10240xf32, #tpu.memory_space<vmem>>[vector<16xi32>], vector<16xf32>,
      %get3A_206 = arith.constant 2 : i32
      %get3A_207 = arith.index_cast %get3A_206 : i32 to index
      %get3A_208 = arith.constant 16 : index
      %get3A_209 = tpu.vector_load %arg9[%get3A_207, %get3A_208] {strides = array<i32>} : memref<8x64xi32, #tpu.memory_space<vmem>>, vector<16xi32>,
      tpu.vector_store_idx %arg16[%get3A_209], %broadcast_in_dim3A_8 {add = true} : memref<10240xf32, #tpu.memory_space<vmem>>[vector<16xi32>], vector<16xf32>,
      %get3A_210 = arith.constant 2 : i32
      %get3A_211 = arith.index_cast %get3A_210 : i32 to index
      %get3A_212 = arith.constant 32 : index
      %get3A_213 = tpu.vector_load %arg9[%get3A_211, %get3A_212] {strides = array<i32>} : memref<8x64xi32, #tpu.memory_space<vmem>>, vector<16xi32>,
      tpu.vector_store_idx %arg16[%get3A_213], %broadcast_in_dim3A_8 {add = true} : memref<10240xf32, #tpu.memory_space<vmem>>[vector<16xi32>], vector<16xf32>,
      %get3A_214 = arith.constant 2 : i32
      %get3A_215 = arith.index_cast %get3A_214 : i32 to index
      %get3A_216 = arith.constant 48 : index
      %get3A_217 = tpu.vector_load %arg9[%get3A_215, %get3A_216] {strides = array<i32>} : memref<8x64xi32, #tpu.memory_space<vmem>>, vector<16xi32>,
      tpu.vector_store_idx %arg16[%get3A_217], %broadcast_in_dim3A_8 {add = true} : memref<10240xf32, #tpu.memory_space<vmem>>[vector<16xi32>], vector<16xf32>,
      %dma_start3A_218 = arith.constant 4 : i32
      %dma_start3A_219 = arith.constant 0 : i32
      %dma_start3A_220 = tpu.memref_slice %arg8[%dma_start3A_218, %dma_start3A_219] : memref<8x64xi32, #tpu.memory_space<vmem>> -> memref<1x64xi32, #tpu.memory_space<vmem>>
      %dma_start3A_221 = tpu.memref_squeeze %dma_start3A_220 : memref<1x64xi32, #tpu.memory_space<vmem>> -> memref<64xi32, #tpu.memory_space<vmem>>
      %dma_start3A_222 = arith.constant 0 : i32
      %dma_start3A_223 = arith.constant 0 : i32
      %dma_start3A_224 = tpu.memref_slice %arg2[%dma_start3A_222, %dma_start3A_223] : memref<10240x128xf32, #tpu.memory_space<hbm>> -> memref<10240x128xf32, #tpu.memory_space<hbm>>
      tpu.enqueue_indirect_dma source(%dma_start3A_224 : memref<10240x128xf32, #tpu.memory_space<hbm>>) target(%arg12 : memref<64x128xf32, #tpu.memory_space<vmem>>) offsets(%dma_start3A_221 : memref<64xi32, #tpu.memory_space<vmem>>) semaphore(%arg20 : memref<!tpu.dma_semaphore, #tpu.memory_space<semaphore_mem>>)
      %dma_wait3A_225 = arith.constant 3 : i32
      %dma_wait3A_226 = arith.constant 0 : i32
      %dma_wait3A_227 = tpu.memref_slice %arg8[%dma_wait3A_225, %dma_wait3A_226] : memref<8x64xi32, #tpu.memory_space<vmem>> -> memref<1x64xi32, #tpu.memory_space<vmem>>
      %dma_wait3A_228 = tpu.memref_squeeze %dma_wait3A_227 : memref<1x64xi32, #tpu.memory_space<vmem>> -> memref<64xi32, #tpu.memory_space<vmem>>
      %dma_wait3A_229 = arith.constant 0 : i32
      %dma_wait3A_230 = arith.constant 0 : i32
      %dma_wait3A_231 = tpu.memref_slice %arg2[%dma_wait3A_229, %dma_wait3A_230] : memref<10240x128xf32, #tpu.memory_space<hbm>> -> memref<10240x128xf32, #tpu.memory_space<hbm>>
      tpu.wait_indirect_dma semaphore(%arg23 : memref<!tpu.dma_semaphore, #tpu.memory_space<semaphore_mem>>) src(%dma_wait3A_231 : memref<10240x128xf32, #tpu.memory_space<hbm>>) dst(%arg15 : memref<64x128xf32, #tpu.memory_space<vmem>>)
      %dma_wait3A_232 = arith.constant 1 : i32
      %dma_wait3A_233 = arith.constant 0 : i32
      %dma_wait3A_234 = tpu.memref_slice %arg9[%dma_wait3A_232, %dma_wait3A_233] : memref<8x64xi32, #tpu.memory_space<vmem>> -> memref<1x64xi32, #tpu.memory_space<vmem>>
      %dma_wait3A_235 = tpu.memref_squeeze %dma_wait3A_234 : memref<1x64xi32, #tpu.memory_space<vmem>> -> memref<64xi32, #tpu.memory_space<vmem>>
      %dma_wait3A_236 = arith.constant 0 : i32
      %dma_wait3A_237 = arith.constant 0 : i32
      %dma_wait3A_238 = tpu.memref_slice %arg17[%dma_wait3A_236, %dma_wait3A_237] : memref<10240x128xf32, #tpu.memory_space<vmem_shared>> -> memref<10240x128xf32, #tpu.memory_space<vmem_shared>>
      tpu.wait_indirect_dma semaphore(%arg25 : memref<!tpu.dma_semaphore, #tpu.memory_space<semaphore_mem>>) src(%arg13 : memref<64x128xf32, #tpu.memory_space<vmem>>) dst(%dma_wait3A_238 : memref<10240x128xf32, #tpu.memory_space<vmem_shared>>)
      %dma_start3A_239 = arith.constant 3 : i32
      %dma_start3A_240 = arith.constant 0 : i32
      %dma_start3A_241 = tpu.memref_slice %arg9[%dma_start3A_239, %dma_start3A_240] : memref<8x64xi32, #tpu.memory_space<vmem>> -> memref<1x64xi32, #tpu.memory_space<vmem>>
      %dma_start3A_242 = tpu.memref_squeeze %dma_start3A_241 : memref<1x64xi32, #tpu.memory_space<vmem>> -> memref<64xi32, #tpu.memory_space<vmem>>
      %dma_start3A_243 = arith.constant 0 : i32
      %dma_start3A_244 = arith.constant 0 : i32
      %dma_start3A_245 = tpu.memref_slice %arg17[%dma_start3A_243, %dma_start3A_244] : memref<10240x128xf32, #tpu.memory_space<vmem_shared>> -> memref<10240x128xf32, #tpu.memory_space<vmem_shared>>
      tpu.enqueue_indirect_dma source(%arg15 : memref<64x128xf32, #tpu.memory_space<vmem>>) target(%dma_start3A_245 : memref<10240x128xf32, #tpu.memory_space<vmem_shared>>) offsets(%dma_start3A_242 : memref<64xi32, #tpu.memory_space<vmem>>) semaphore(%arg27 : memref<!tpu.dma_semaphore, #tpu.memory_space<semaphore_mem>>) {add = true}
      %get3A_246 = arith.constant 3 : i32
      %get3A_247 = arith.index_cast %get3A_246 : i32 to index
      %get3A_248 = arith.constant 0 : index
      %get3A_249 = tpu.vector_load %arg9[%get3A_247, %get3A_248] {strides = array<i32>} : memref<8x64xi32, #tpu.memory_space<vmem>>, vector<16xi32>,
      tpu.vector_store_idx %arg16[%get3A_249], %broadcast_in_dim3A_8 {add = true} : memref<10240xf32, #tpu.memory_space<vmem>>[vector<16xi32>], vector<16xf32>,
      %get3A_250 = arith.constant 3 : i32
      %get3A_251 = arith.index_cast %get3A_250 : i32 to index
      %get3A_252 = arith.constant 16 : index
      %get3A_253 = tpu.vector_load %arg9[%get3A_251, %get3A_252] {strides = array<i32>} : memref<8x64xi32, #tpu.memory_space<vmem>>, vector<16xi32>,
      tpu.vector_store_idx %arg16[%get3A_253], %broadcast_in_dim3A_8 {add = true} : memref<10240xf32, #tpu.memory_space<vmem>>[vector<16xi32>], vector<16xf32>,
      %get3A_254 = arith.constant 3 : i32
      %get3A_255 = arith.index_cast %get3A_254 : i32 to index
      %get3A_256 = arith.constant 32 : index
      %get3A_257 = tpu.vector_load %arg9[%get3A_255, %get3A_256] {strides = array<i32>} : memref<8x64xi32, #tpu.memory_space<vmem>>, vector<16xi32>,
      tpu.vector_store_idx %arg16[%get3A_257], %broadcast_in_dim3A_8 {add = true} : memref<10240xf32, #tpu.memory_space<vmem>>[vector<16xi32>], vector<16xf32>,
      %get3A_258 = arith.constant 3 : i32
      %get3A_259 = arith.index_cast %get3A_258 : i32 to index
      %get3A_260 = arith.constant 48 : index
      %get3A_261 = tpu.vector_load %arg9[%get3A_259, %get3A_260] {strides = array<i32>} : memref<8x64xi32, #tpu.memory_space<vmem>>, vector<16xi32>,
      tpu.vector_store_idx %arg16[%get3A_261], %broadcast_in_dim3A_8 {add = true} : memref<10240xf32, #tpu.memory_space<vmem>>[vector<16xi32>], vector<16xf32>,
      %dma_start3A_262 = arith.constant 5 : i32
      %dma_start3A_263 = arith.constant 0 : i32
      %dma_start3A_264 = tpu.memref_slice %arg8[%dma_start3A_262, %dma_start3A_263] : memref<8x64xi32, #tpu.memory_space<vmem>> -> memref<1x64xi32, #tpu.memory_space<vmem>>
      %dma_start3A_265 = tpu.memref_squeeze %dma_start3A_264 : memref<1x64xi32, #tpu.memory_space<vmem>> -> memref<64xi32, #tpu.memory_space<vmem>>
      %dma_start3A_266 = arith.constant 0 : i32
      %dma_start3A_267 = arith.constant 0 : i32
      %dma_start3A_268 = tpu.memref_slice %arg2[%dma_start3A_266, %dma_start3A_267] : memref<10240x128xf32, #tpu.memory_space<hbm>> -> memref<10240x128xf32, #tpu.memory_space<hbm>>
      tpu.enqueue_indirect_dma source(%dma_start3A_268 : memref<10240x128xf32, #tpu.memory_space<hbm>>) target(%arg13 : memref<64x128xf32, #tpu.memory_space<vmem>>) offsets(%dma_start3A_265 : memref<64xi32, #tpu.memory_space<vmem>>) semaphore(%arg21 : memref<!tpu.dma_semaphore, #tpu.memory_space<semaphore_mem>>)
      %dma_wait3A_269 = arith.constant 4 : i32
      %dma_wait3A_270 = arith.constant 0 : i32
      %dma_wait3A_271 = tpu.memref_slice %arg8[%dma_wait3A_269, %dma_wait3A_270] : memref<8x64xi32, #tpu.memory_space<vmem>> -> memref<1x64xi32, #tpu.memory_space<vmem>>
      %dma_wait3A_272 = tpu.memref_squeeze %dma_wait3A_271 : memref<1x64xi32, #tpu.memory_space<vmem>> -> memref<64xi32, #tpu.memory_space<vmem>>
      %dma_wait3A_273 = arith.constant 0 : i32
      %dma_wait3A_274 = arith.constant 0 : i32
      %dma_wait3A_275 = tpu.memref_slice %arg2[%dma_wait3A_273, %dma_wait3A_274] : memref<10240x128xf32, #tpu.memory_space<hbm>> -> memref<10240x128xf32, #tpu.memory_space<hbm>>
      tpu.wait_indirect_dma semaphore(%arg20 : memref<!tpu.dma_semaphore, #tpu.memory_space<semaphore_mem>>) src(%dma_wait3A_275 : memref<10240x128xf32, #tpu.memory_space<hbm>>) dst(%arg12 : memref<64x128xf32, #tpu.memory_space<vmem>>)
      %dma_wait3A_276 = arith.constant 2 : i32
      %dma_wait3A_277 = arith.constant 0 : i32
      %dma_wait3A_278 = tpu.memref_slice %arg9[%dma_wait3A_276, %dma_wait3A_277] : memref<8x64xi32, #tpu.memory_space<vmem>> -> memref<1x64xi32, #tpu.memory_space<vmem>>
      %dma_wait3A_279 = tpu.memref_squeeze %dma_wait3A_278 : memref<1x64xi32, #tpu.memory_space<vmem>> -> memref<64xi32, #tpu.memory_space<vmem>>
      %dma_wait3A_280 = arith.constant 0 : i32
      %dma_wait3A_281 = arith.constant 0 : i32
      %dma_wait3A_282 = tpu.memref_slice %arg17[%dma_wait3A_280, %dma_wait3A_281] : memref<10240x128xf32, #tpu.memory_space<vmem_shared>> -> memref<10240x128xf32, #tpu.memory_space<vmem_shared>>
      tpu.wait_indirect_dma semaphore(%arg26 : memref<!tpu.dma_semaphore, #tpu.memory_space<semaphore_mem>>) src(%arg14 : memref<64x128xf32, #tpu.memory_space<vmem>>) dst(%dma_wait3A_282 : memref<10240x128xf32, #tpu.memory_space<vmem_shared>>)
      %dma_start3A_283 = arith.constant 4 : i32
      %dma_start3A_284 = arith.constant 0 : i32
      %dma_start3A_285 = tpu.memref_slice %arg9[%dma_start3A_283, %dma_start3A_284] : memref<8x64xi32, #tpu.memory_space<vmem>> -> memref<1x64xi32, #tpu.memory_space<vmem>>
      %dma_start3A_286 = tpu.memref_squeeze %dma_start3A_285 : memref<1x64xi32, #tpu.memory_space<vmem>> -> memref<64xi32, #tpu.memory_space<vmem>>
      %dma_start3A_287 = arith.constant 0 : i32
      %dma_start3A_288 = arith.constant 0 : i32
      %dma_start3A_289 = tpu.memref_slice %arg17[%dma_start3A_287, %dma_start3A_288] : memref<10240x128xf32, #tpu.memory_space<vmem_shared>> -> memref<10240x128xf32, #tpu.memory_space<vmem_shared>>
      tpu.enqueue_indirect_dma source(%arg12 : memref<64x128xf32, #tpu.memory_space<vmem>>) target(%dma_start3A_289 : memref<10240x128xf32, #tpu.memory_space<vmem_shared>>) offsets(%dma_start3A_286 : memref<64xi32, #tpu.memory_space<vmem>>) semaphore(%arg24 : memref<!tpu.dma_semaphore, #tpu.memory_space<semaphore_mem>>) {add = true}
      %get3A_290 = arith.constant 4 : i32
      %get3A_291 = arith.index_cast %get3A_290 : i32 to index
      %get3A_292 = arith.constant 0 : index
      %get3A_293 = tpu.vector_load %arg9[%get3A_291, %get3A_292] {strides = array<i32>} : memref<8x64xi32, #tpu.memory_space<vmem>>, vector<16xi32>,
      tpu.vector_store_idx %arg16[%get3A_293], %broadcast_in_dim3A_8 {add = true} : memref<10240xf32, #tpu.memory_space<vmem>>[vector<16xi32>], vector<16xf32>,
      %get3A_294 = arith.constant 4 : i32
      %get3A_295 = arith.index_cast %get3A_294 : i32 to index
      %get3A_296 = arith.constant 16 : index
      %get3A_297 = tpu.vector_load %arg9[%get3A_295, %get3A_296] {strides = array<i32>} : memref<8x64xi32, #tpu.memory_space<vmem>>, vector<16xi32>,
      tpu.vector_store_idx %arg16[%get3A_297], %broadcast_in_dim3A_8 {add = true} : memref<10240xf32, #tpu.memory_space<vmem>>[vector<16xi32>], vector<16xf32>,
      %get3A_298 = arith.constant 4 : i32
      %get3A_299 = arith.index_cast %get3A_298 : i32 to index
      %get3A_300 = arith.constant 32 : index
      %get3A_301 = tpu.vector_load %arg9[%get3A_299, %get3A_300] {strides = array<i32>} : memref<8x64xi32, #tpu.memory_space<vmem>>, vector<16xi32>,
      tpu.vector_store_idx %arg16[%get3A_301], %broadcast_in_dim3A_8 {add = true} : memref<10240xf32, #tpu.memory_space<vmem>>[vector<16xi32>], vector<16xf32>,
      %get3A_302 = arith.constant 4 : i32
      %get3A_303 = arith.index_cast %get3A_302 : i32 to index
      %get3A_304 = arith.constant 48 : index
      %get3A_305 = tpu.vector_load %arg9[%get3A_303, %get3A_304] {strides = array<i32>} : memref<8x64xi32, #tpu.memory_space<vmem>>, vector<16xi32>,
      tpu.vector_store_idx %arg16[%get3A_305], %broadcast_in_dim3A_8 {add = true} : memref<10240xf32, #tpu.memory_space<vmem>>[vector<16xi32>], vector<16xf32>,
      %dma_start3A_306 = arith.constant 6 : i32
      %dma_start3A_307 = arith.constant 0 : i32
      %dma_start3A_308 = tpu.memref_slice %arg8[%dma_start3A_306, %dma_start3A_307] : memref<8x64xi32, #tpu.memory_space<vmem>> -> memref<1x64xi32, #tpu.memory_space<vmem>>
      %dma_start3A_309 = tpu.memref_squeeze %dma_start3A_308 : memref<1x64xi32, #tpu.memory_space<vmem>> -> memref<64xi32, #tpu.memory_space<vmem>>
      %dma_start3A_310 = arith.constant 0 : i32
      %dma_start3A_311 = arith.constant 0 : i32
      %dma_start3A_312 = tpu.memref_slice %arg2[%dma_start3A_310, %dma_start3A_311] : memref<10240x128xf32, #tpu.memory_space<hbm>> -> memref<10240x128xf32, #tpu.memory_space<hbm>>
      tpu.enqueue_indirect_dma source(%dma_start3A_312 : memref<10240x128xf32, #tpu.memory_space<hbm>>) target(%arg14 : memref<64x128xf32, #tpu.memory_space<vmem>>) offsets(%dma_start3A_309 : memref<64xi32, #tpu.memory_space<vmem>>) semaphore(%arg22 : memref<!tpu.dma_semaphore, #tpu.memory_space<semaphore_mem>>)
      %dma_wait3A_313 = arith.constant 5 : i32
      %dma_wait3A_314 = arith.constant 0 : i32
      %dma_wait3A_315 = tpu.memref_slice %arg8[%dma_wait3A_313, %dma_wait3A_314] : memref<8x64xi32, #tpu.memory_space<vmem>> -> memref<1x64xi32, #tpu.memory_space<vmem>>
      %dma_wait3A_316 = tpu.memref_squeeze %dma_wait3A_315 : memref<1x64xi32, #tpu.memory_space<vmem>> -> memref<64xi32, #tpu.memory_space<vmem>>
      %dma_wait3A_317 = arith.constant 0 : i32
      %dma_wait3A_318 = arith.constant 0 : i32
      %dma_wait3A_319 = tpu.memref_slice %arg2[%dma_wait3A_317, %dma_wait3A_318] : memref<10240x128xf32, #tpu.memory_space<hbm>> -> memref<10240x128xf32, #tpu.memory_space<hbm>>
      tpu.wait_indirect_dma semaphore(%arg21 : memref<!tpu.dma_semaphore, #tpu.memory_space<semaphore_mem>>) src(%dma_wait3A_319 : memref<10240x128xf32, #tpu.memory_space<hbm>>) dst(%arg13 : memref<64x128xf32, #tpu.memory_space<vmem>>)
      %dma_wait3A_320 = arith.constant 3 : i32
      %dma_wait3A_321 = arith.constant 0 : i32
      %dma_wait3A_322 = tpu.memref_slice %arg9[%dma_wait3A_320, %dma_wait3A_321] : memref<8x64xi32, #tpu.memory_space<vmem>> -> memref<1x64xi32, #tpu.memory_space<vmem>>
      %dma_wait3A_323 = tpu.memref_squeeze %dma_wait3A_322 : memref<1x64xi32, #tpu.memory_space<vmem>> -> memref<64xi32, #tpu.memory_space<vmem>>
      %dma_wait3A_324 = arith.constant 0 : i32
      %dma_wait3A_325 = arith.constant 0 : i32
      %dma_wait3A_326 = tpu.memref_slice %arg17[%dma_wait3A_324, %dma_wait3A_325] : memref<10240x128xf32, #tpu.memory_space<vmem_shared>> -> memref<10240x128xf32, #tpu.memory_space<vmem_shared>>
      tpu.wait_indirect_dma semaphore(%arg27 : memref<!tpu.dma_semaphore, #tpu.memory_space<semaphore_mem>>) src(%arg15 : memref<64x128xf32, #tpu.memory_space<vmem>>) dst(%dma_wait3A_326 : memref<10240x128xf32, #tpu.memory_space<vmem_shared>>)
      %dma_start3A_327 = arith.constant 5 : i32
      %dma_start3A_328 = arith.constant 0 : i32
      %dma_start3A_329 = tpu.memref_slice %arg9[%dma_start3A_327, %dma_start3A_328] : memref<8x64xi32, #tpu.memory_space<vmem>> -> memref<1x64xi32, #tpu.memory_space<vmem>>
      %dma_start3A_330 = tpu.memref_squeeze %dma_start3A_329 : memref<1x64xi32, #tpu.memory_space<vmem>> -> memref<64xi32, #tpu.memory_space<vmem>>
      %dma_start3A_331 = arith.constant 0 : i32
      %dma_start3A_332 = arith.constant 0 : i32
      %dma_start3A_333 = tpu.memref_slice %arg17[%dma_start3A_331, %dma_start3A_332] : memref<10240x128xf32, #tpu.memory_space<vmem_shared>> -> memref<10240x128xf32, #tpu.memory_space<vmem_shared>>
      tpu.enqueue_indirect_dma source(%arg13 : memref<64x128xf32, #tpu.memory_space<vmem>>) target(%dma_start3A_333 : memref<10240x128xf32, #tpu.memory_space<vmem_shared>>) offsets(%dma_start3A_330 : memref<64xi32, #tpu.memory_space<vmem>>) semaphore(%arg25 : memref<!tpu.dma_semaphore, #tpu.memory_space<semaphore_mem>>) {add = true}
      %get3A_334 = arith.constant 5 : i32
      %get3A_335 = arith.index_cast %get3A_334 : i32 to index
      %get3A_336 = arith.constant 0 : index
      %get3A_337 = tpu.vector_load %arg9[%get3A_335, %get3A_336] {strides = array<i32>} : memref<8x64xi32, #tpu.memory_space<vmem>>, vector<16xi32>,
      tpu.vector_store_idx %arg16[%get3A_337], %broadcast_in_dim3A_8 {add = true} : memref<10240xf32, #tpu.memory_space<vmem>>[vector<16xi32>], vector<16xf32>,
      %get3A_338 = arith.constant 5 : i32
      %get3A_339 = arith.index_cast %get3A_338 : i32 to index
      %get3A_340 = arith.constant 16 : index
      %get3A_341 = tpu.vector_load %arg9[%get3A_339, %get3A_340] {strides = array<i32>} : memref<8x64xi32, #tpu.memory_space<vmem>>, vector<16xi32>,
      tpu.vector_store_idx %arg16[%get3A_341], %broadcast_in_dim3A_8 {add = true} : memref<10240xf32, #tpu.memory_space<vmem>>[vector<16xi32>], vector<16xf32>,
      %get3A_342 = arith.constant 5 : i32
      %get3A_343 = arith.index_cast %get3A_342 : i32 to index
      %get3A_344 = arith.constant 32 : index
      %get3A_345 = tpu.vector_load %arg9[%get3A_343, %get3A_344] {strides = array<i32>} : memref<8x64xi32, #tpu.memory_space<vmem>>, vector<16xi32>,
      tpu.vector_store_idx %arg16[%get3A_345], %broadcast_in_dim3A_8 {add = true} : memref<10240xf32, #tpu.memory_space<vmem>>[vector<16xi32>], vector<16xf32>,
      %get3A_346 = arith.constant 5 : i32
      %get3A_347 = arith.index_cast %get3A_346 : i32 to index
      %get3A_348 = arith.constant 48 : index
      %get3A_349 = tpu.vector_load %arg9[%get3A_347, %get3A_348] {strides = array<i32>} : memref<8x64xi32, #tpu.memory_space<vmem>>, vector<16xi32>,
      tpu.vector_store_idx %arg16[%get3A_349], %broadcast_in_dim3A_8 {add = true} : memref<10240xf32, #tpu.memory_space<vmem>>[vector<16xi32>], vector<16xf32>,
      %dma_start3A_350 = arith.constant 7 : i32
      %dma_start3A_351 = arith.constant 0 : i32
      %dma_start3A_352 = tpu.memref_slice %arg8[%dma_start3A_350, %dma_start3A_351] : memref<8x64xi32, #tpu.memory_space<vmem>> -> memref<1x64xi32, #tpu.memory_space<vmem>>
      %dma_start3A_353 = tpu.memref_squeeze %dma_start3A_352 : memref<1x64xi32, #tpu.memory_space<vmem>> -> memref<64xi32, #tpu.memory_space<vmem>>
      %dma_start3A_354 = arith.constant 0 : i32
      %dma_start3A_355 = arith.constant 0 : i32
      %dma_start3A_356 = tpu.memref_slice %arg2[%dma_start3A_354, %dma_start3A_355] : memref<10240x128xf32, #tpu.memory_space<hbm>> -> memref<10240x128xf32, #tpu.memory_space<hbm>>
      tpu.enqueue_indirect_dma source(%dma_start3A_356 : memref<10240x128xf32, #tpu.memory_space<hbm>>) target(%arg15 : memref<64x128xf32, #tpu.memory_space<vmem>>) offsets(%dma_start3A_353 : memref<64xi32, #tpu.memory_space<vmem>>) semaphore(%arg23 : memref<!tpu.dma_semaphore, #tpu.memory_space<semaphore_mem>>)
      %dma_wait3A_357 = arith.constant 6 : i32
      %dma_wait3A_358 = arith.constant 0 : i32
      %dma_wait3A_359 = tpu.memref_slice %arg8[%dma_wait3A_357, %dma_wait3A_358] : memref<8x64xi32, #tpu.memory_space<vmem>> -> memref<1x64xi32, #tpu.memory_space<vmem>>
      %dma_wait3A_360 = tpu.memref_squeeze %dma_wait3A_359 : memref<1x64xi32, #tpu.memory_space<vmem>> -> memref<64xi32, #tpu.memory_space<vmem>>
      %dma_wait3A_361 = arith.constant 0 : i32
      %dma_wait3A_362 = arith.constant 0 : i32
      %dma_wait3A_363 = tpu.memref_slice %arg2[%dma_wait3A_361, %dma_wait3A_362] : memref<10240x128xf32, #tpu.memory_space<hbm>> -> memref<10240x128xf32, #tpu.memory_space<hbm>>
      tpu.wait_indirect_dma semaphore(%arg22 : memref<!tpu.dma_semaphore, #tpu.memory_space<semaphore_mem>>) src(%dma_wait3A_363 : memref<10240x128xf32, #tpu.memory_space<hbm>>) dst(%arg14 : memref<64x128xf32, #tpu.memory_space<vmem>>)
      %dma_wait3A_364 = arith.constant 4 : i32
      %dma_wait3A_365 = arith.constant 0 : i32
      %dma_wait3A_366 = tpu.memref_slice %arg9[%dma_wait3A_364, %dma_wait3A_365] : memref<8x64xi32, #tpu.memory_space<vmem>> -> memref<1x64xi32, #tpu.memory_space<vmem>>
      %dma_wait3A_367 = tpu.memref_squeeze %dma_wait3A_366 : memref<1x64xi32, #tpu.memory_space<vmem>> -> memref<64xi32, #tpu.memory_space<vmem>>
      %dma_wait3A_368 = arith.constant 0 : i32
      %dma_wait3A_369 = arith.constant 0 : i32
      %dma_wait3A_370 = tpu.memref_slice %arg17[%dma_wait3A_368, %dma_wait3A_369] : memref<10240x128xf32, #tpu.memory_space<vmem_shared>> -> memref<10240x128xf32, #tpu.memory_space<vmem_shared>>
      tpu.wait_indirect_dma semaphore(%arg24 : memref<!tpu.dma_semaphore, #tpu.memory_space<semaphore_mem>>) src(%arg12 : memref<64x128xf32, #tpu.memory_space<vmem>>) dst(%dma_wait3A_370 : memref<10240x128xf32, #tpu.memory_space<vmem_shared>>)
      %dma_start3A_371 = arith.constant 6 : i32
      %dma_start3A_372 = arith.constant 0 : i32
      %dma_start3A_373 = tpu.memref_slice %arg9[%dma_start3A_371, %dma_start3A_372] : memref<8x64xi32, #tpu.memory_space<vmem>> -> memref<1x64xi32, #tpu.memory_space<vmem>>
      %dma_start3A_374 = tpu.memref_squeeze %dma_start3A_373 : memref<1x64xi32, #tpu.memory_space<vmem>> -> memref<64xi32, #tpu.memory_space<vmem>>
      %dma_start3A_375 = arith.constant 0 : i32
      %dma_start3A_376 = arith.constant 0 : i32
      %dma_start3A_377 = tpu.memref_slice %arg17[%dma_start3A_375, %dma_start3A_376] : memref<10240x128xf32, #tpu.memory_space<vmem_shared>> -> memref<10240x128xf32, #tpu.memory_space<vmem_shared>>
      tpu.enqueue_indirect_dma source(%arg14 : memref<64x128xf32, #tpu.memory_space<vmem>>) target(%dma_start3A_377 : memref<10240x128xf32, #tpu.memory_space<vmem_shared>>) offsets(%dma_start3A_374 : memref<64xi32, #tpu.memory_space<vmem>>) semaphore(%arg26 : memref<!tpu.dma_semaphore, #tpu.memory_space<semaphore_mem>>) {add = true}
      %get3A_378 = arith.constant 6 : i32
      %get3A_379 = arith.index_cast %get3A_378 : i32 to index
      %get3A_380 = arith.constant 0 : index
      %get3A_381 = tpu.vector_load %arg9[%get3A_379, %get3A_380] {strides = array<i32>} : memref<8x64xi32, #tpu.memory_space<vmem>>, vector<16xi32>,
      tpu.vector_store_idx %arg16[%get3A_381], %broadcast_in_dim3A_8 {add = true} : memref<10240xf32, #tpu.memory_space<vmem>>[vector<16xi32>], vector<16xf32>,
      %get3A_382 = arith.constant 6 : i32
      %get3A_383 = arith.index_cast %get3A_382 : i32 to index
      %get3A_384 = arith.constant 16 : index
      %get3A_385 = tpu.vector_load %arg9[%get3A_383, %get3A_384] {strides = array<i32>} : memref<8x64xi32, #tpu.memory_space<vmem>>, vector<16xi32>,
      tpu.vector_store_idx %arg16[%get3A_385], %broadcast_in_dim3A_8 {add = true} : memref<10240xf32, #tpu.memory_space<vmem>>[vector<16xi32>], vector<16xf32>,
      %get3A_386 = arith.constant 6 : i32
      %get3A_387 = arith.index_cast %get3A_386 : i32 to index
      %get3A_388 = arith.constant 32 : index
      %get3A_389 = tpu.vector_load %arg9[%get3A_387, %get3A_388] {strides = array<i32>} : memref<8x64xi32, #tpu.memory_space<vmem>>, vector<16xi32>,
      tpu.vector_store_idx %arg16[%get3A_389], %broadcast_in_dim3A_8 {add = true} : memref<10240xf32, #tpu.memory_space<vmem>>[vector<16xi32>], vector<16xf32>,
      %get3A_390 = arith.constant 6 : i32
      %get3A_391 = arith.index_cast %get3A_390 : i32 to index
      %get3A_392 = arith.constant 48 : index
      %get3A_393 = tpu.vector_load %arg9[%get3A_391, %get3A_392] {strides = array<i32>} : memref<8x64xi32, #tpu.memory_space<vmem>>, vector<16xi32>,
      tpu.vector_store_idx %arg16[%get3A_393], %broadcast_in_dim3A_8 {add = true} : memref<10240xf32, #tpu.memory_space<vmem>>[vector<16xi32>], vector<16xf32>,
      %mul3A_394 = arith.constant 2 : i32
      %mul3A_395 = arith.muli %mul3A_394, %scan3A_80 : i32
      %add3A_396 = arith.constant 1 : i32
      %add3A_397 = arith.addi %mul3A_395, %add3A_396 : i32
      %dma_wait3A_398 = arith.constant 0 : i32
      %dma_wait3A_399 = arith.constant 0 : i32
      %dma_wait3A_400 = tpu.memref_slice %arg3[%arg0, %arg1, %add3A_397, %dma_wait3A_398, %dma_wait3A_399] : memref<2x16x20x8x64xi32, #tpu.memory_space<hbm>> -> memref<1x1x1x8x64xi32, #tpu.memory_space<hbm>>
      %dma_wait3A_401 = tpu.memref_squeeze %dma_wait3A_400 : memref<1x1x1x8x64xi32, #tpu.memory_space<hbm>> -> memref<8x64xi32, #tpu.memory_space<hbm>>
      %dma_wait3A_402 = arith.constant 0 : i32
      %dma_wait3A_403 = arith.constant 0 : i32
      %dma_wait3A_404 = tpu.memref_slice %arg3[%arg0, %arg1, %add3A_397, %dma_wait3A_402, %dma_wait3A_403] : memref<2x16x20x8x64xi32, #tpu.memory_space<hbm>> -> memref<1x1x1x8x64xi32, #tpu.memory_space<hbm>>
      %dma_wait3A_405 = tpu.memref_squeeze %dma_wait3A_404 : memref<1x1x1x8x64xi32, #tpu.memory_space<hbm>> -> memref<8x64xi32, #tpu.memory_space<hbm>>
      tpu.wait_dma2 semaphore(%arg19 : memref<!tpu.dma_semaphore, #tpu.memory_space<semaphore_mem>>) src(%dma_wait3A_405 : memref<8x64xi32, #tpu.memory_space<hbm>>) dst(%arg10 : memref<8x64xi32, #tpu.memory_space<vmem>>)
      %dma_wait3A_406 = arith.constant 0 : i32
      %dma_wait3A_407 = arith.constant 0 : i32
      %dma_wait3A_408 = tpu.memref_slice %arg4[%arg0, %arg1, %add3A_397, %dma_wait3A_406, %dma_wait3A_407] : memref<2x16x20x8x64xi32, #tpu.memory_space<hbm>> -> memref<1x1x1x8x64xi32, #tpu.memory_space<hbm>>
      %dma_wait3A_409 = tpu.memref_squeeze %dma_wait3A_408 : memref<1x1x1x8x64xi32, #tpu.memory_space<hbm>> -> memref<8x64xi32, #tpu.memory_space<hbm>>
      %dma_wait3A_410 = arith.constant 0 : i32
      %dma_wait3A_411 = arith.constant 0 : i32
      %dma_wait3A_412 = tpu.memref_slice %arg4[%arg0, %arg1, %add3A_397, %dma_wait3A_410, %dma_wait3A_411] : memref<2x16x20x8x64xi32, #tpu.memory_space<hbm>> -> memref<1x1x1x8x64xi32, #tpu.memory_space<hbm>>
      %dma_wait3A_413 = tpu.memref_squeeze %dma_wait3A_412 : memref<1x1x1x8x64xi32, #tpu.memory_space<hbm>> -> memref<8x64xi32, #tpu.memory_space<hbm>>
      tpu.wait_dma2 semaphore(%arg19 : memref<!tpu.dma_semaphore, #tpu.memory_space<semaphore_mem>>) src(%dma_wait3A_413 : memref<8x64xi32, #tpu.memory_space<hbm>>) dst(%arg11 : memref<8x64xi32, #tpu.memory_space<vmem>>)
      %dma_start3A_414 = arith.constant 0 : i32
      %dma_start3A_415 = arith.constant 0 : i32
      %dma_start3A_416 = tpu.memref_slice %arg10[%dma_start3A_414, %dma_start3A_415] : memref<8x64xi32, #tpu.memory_space<vmem>> -> memref<1x64xi32, #tpu.memory_space<vmem>>
      %dma_start3A_417 = tpu.memref_squeeze %dma_start3A_416 : memref<1x64xi32, #tpu.memory_space<vmem>> -> memref<64xi32, #tpu.memory_space<vmem>>
      %dma_start3A_418 = arith.constant 0 : i32
      %dma_start3A_419 = arith.constant 0 : i32
      %dma_start3A_420 = tpu.memref_slice %arg2[%dma_start3A_418, %dma_start3A_419] : memref<10240x128xf32, #tpu.memory_space<hbm>> -> memref<10240x128xf32, #tpu.memory_space<hbm>>
      tpu.enqueue_indirect_dma source(%dma_start3A_420 : memref<10240x128xf32, #tpu.memory_space<hbm>>) target(%arg12 : memref<64x128xf32, #tpu.memory_space<vmem>>) offsets(%dma_start3A_417 : memref<64xi32, #tpu.memory_space<vmem>>) semaphore(%arg20 : memref<!tpu.dma_semaphore, #tpu.memory_space<semaphore_mem>>)
      %dma_wait3A_421 = arith.constant 7 : i32
      %dma_wait3A_422 = arith.constant 0 : i32
      %dma_wait3A_423 = tpu.memref_slice %arg8[%dma_wait3A_421, %dma_wait3A_422] : memref<8x64xi32, #tpu.memory_space<vmem>> -> memref<1x64xi32, #tpu.memory_space<vmem>>
      %dma_wait3A_424 = tpu.memref_squeeze %dma_wait3A_423 : memref<1x64xi32, #tpu.memory_space<vmem>> -> memref<64xi32, #tpu.memory_space<vmem>>
      %dma_wait3A_425 = arith.constant 0 : i32
      %dma_wait3A_426 = arith.constant 0 : i32
      %dma_wait3A_427 = tpu.memref_slice %arg2[%dma_wait3A_425, %dma_wait3A_426] : memref<10240x128xf32, #tpu.memory_space<hbm>> -> memref<10240x128xf32, #tpu.memory_space<hbm>>
      tpu.wait_indirect_dma semaphore(%arg23 : memref<!tpu.dma_semaphore, #tpu.memory_space<semaphore_mem>>) src(%dma_wait3A_427 : memref<10240x128xf32, #tpu.memory_space<hbm>>) dst(%arg15 : memref<64x128xf32, #tpu.memory_space<vmem>>)
      %dma_wait3A_428 = arith.constant 5 : i32
      %dma_wait3A_429 = arith.constant 0 : i32
      %dma_wait3A_430 = tpu.memref_slice %arg9[%dma_wait3A_428, %dma_wait3A_429] : memref<8x64xi32, #tpu.memory_space<vmem>> -> memref<1x64xi32, #tpu.memory_space<vmem>>
      %dma_wait3A_431 = tpu.memref_squeeze %dma_wait3A_430 : memref<1x64xi32, #tpu.memory_space<vmem>> -> memref<64xi32, #tpu.memory_space<vmem>>
      %dma_wait3A_432 = arith.constant 0 : i32
      %dma_wait3A_433 = arith.constant 0 : i32
      %dma_wait3A_434 = tpu.memref_slice %arg17[%dma_wait3A_432, %dma_wait3A_433] : memref<10240x128xf32, #tpu.memory_space<vmem_shared>> -> memref<10240x128xf32, #tpu.memory_space<vmem_shared>>
      tpu.wait_indirect_dma semaphore(%arg25 : memref<!tpu.dma_semaphore, #tpu.memory_space<semaphore_mem>>) src(%arg13 : memref<64x128xf32, #tpu.memory_space<vmem>>) dst(%dma_wait3A_434 : memref<10240x128xf32, #tpu.memory_space<vmem_shared>>)
      %dma_start3A_435 = arith.constant 7 : i32
      %dma_start3A_436 = arith.constant 0 : i32
      %dma_start3A_437 = tpu.memref_slice %arg9[%dma_start3A_435, %dma_start3A_436] : memref<8x64xi32, #tpu.memory_space<vmem>> -> memref<1x64xi32, #tpu.memory_space<vmem>>
      %dma_start3A_438 = tpu.memref_squeeze %dma_start3A_437 : memref<1x64xi32, #tpu.memory_space<vmem>> -> memref<64xi32, #tpu.memory_space<vmem>>
      %dma_start3A_439 = arith.constant 0 : i32
      %dma_start3A_440 = arith.constant 0 : i32
      %dma_start3A_441 = tpu.memref_slice %arg17[%dma_start3A_439, %dma_start3A_440] : memref<10240x128xf32, #tpu.memory_space<vmem_shared>> -> memref<10240x128xf32, #tpu.memory_space<vmem_shared>>
      tpu.enqueue_indirect_dma source(%arg15 : memref<64x128xf32, #tpu.memory_space<vmem>>) target(%dma_start3A_441 : memref<10240x128xf32, #tpu.memory_space<vmem_shared>>) offsets(%dma_start3A_438 : memref<64xi32, #tpu.memory_space<vmem>>) semaphore(%arg27 : memref<!tpu.dma_semaphore, #tpu.memory_space<semaphore_mem>>) {add = true}
      %get3A_442 = arith.constant 7 : i32
      %get3A_443 = arith.index_cast %get3A_442 : i32 to index
      %get3A_444 = arith.constant 0 : index
      %get3A_445 = tpu.vector_load %arg9[%get3A_443, %get3A_444] {strides = array<i32>} : memref<8x64xi32, #tpu.memory_space<vmem>>, vector<16xi32>,
      tpu.vector_store_idx %arg16[%get3A_445], %broadcast_in_dim3A_8 {add = true} : memref<10240xf32, #tpu.memory_space<vmem>>[vector<16xi32>], vector<16xf32>,
      %get3A_446 = arith.constant 7 : i32
      %get3A_447 = arith.index_cast %get3A_446 : i32 to index
      %get3A_448 = arith.constant 16 : index
      %get3A_449 = tpu.vector_load %arg9[%get3A_447, %get3A_448] {strides = array<i32>} : memref<8x64xi32, #tpu.memory_space<vmem>>, vector<16xi32>,
      tpu.vector_store_idx %arg16[%get3A_449], %broadcast_in_dim3A_8 {add = true} : memref<10240xf32, #tpu.memory_space<vmem>>[vector<16xi32>], vector<16xf32>,
      %get3A_450 = arith.constant 7 : i32
      %get3A_451 = arith.index_cast %get3A_450 : i32 to index
      %get3A_452 = arith.constant 32 : index
      %get3A_453 = tpu.vector_load %arg9[%get3A_451, %get3A_452] {strides = array<i32>} : memref<8x64xi32, #tpu.memory_space<vmem>>, vector<16xi32>,
      tpu.vector_store_idx %arg16[%get3A_453], %broadcast_in_dim3A_8 {add = true} : memref<10240xf32, #tpu.memory_space<vmem>>[vector<16xi32>], vector<16xf32>,
      %get3A_454 = arith.constant 7 : i32
      %get3A_455 = arith.index_cast %get3A_454 : i32 to index
      %get3A_456 = arith.constant 48 : index
      %get3A_457 = tpu.vector_load %arg9[%get3A_455, %get3A_456] {strides = array<i32>} : memref<8x64xi32, #tpu.memory_space<vmem>>, vector<16xi32>,
      tpu.vector_store_idx %arg16[%get3A_457], %broadcast_in_dim3A_8 {add = true} : memref<10240xf32, #tpu.memory_space<vmem>>[vector<16xi32>], vector<16xf32>,
      %dma_start3A_458 = arith.constant 1 : i32
      %dma_start3A_459 = arith.constant 0 : i32
      %dma_start3A_460 = tpu.memref_slice %arg10[%dma_start3A_458, %dma_start3A_459] : memref<8x64xi32, #tpu.memory_space<vmem>> -> memref<1x64xi32, #tpu.memory_space<vmem>>
      %dma_start3A_461 = tpu.memref_squeeze %dma_start3A_460 : memref<1x64xi32, #tpu.memory_space<vmem>> -> memref<64xi32, #tpu.memory_space<vmem>>
      %dma_start3A_462 = arith.constant 0 : i32
      %dma_start3A_463 = arith.constant 0 : i32
      %dma_start3A_464 = tpu.memref_slice %arg2[%dma_start3A_462, %dma_start3A_463] : memref<10240x128xf32, #tpu.memory_space<hbm>> -> memref<10240x128xf32, #tpu.memory_space<hbm>>
      tpu.enqueue_indirect_dma source(%dma_start3A_464 : memref<10240x128xf32, #tpu.memory_space<hbm>>) target(%arg13 : memref<64x128xf32, #tpu.memory_space<vmem>>) offsets(%dma_start3A_461 : memref<64xi32, #tpu.memory_space<vmem>>) semaphore(%arg21 : memref<!tpu.dma_semaphore, #tpu.memory_space<semaphore_mem>>)
      %dma_wait3A_465 = arith.constant 0 : i32
      %dma_wait3A_466 = arith.constant 0 : i32
      %dma_wait3A_467 = tpu.memref_slice %arg10[%dma_wait3A_465, %dma_wait3A_466] : memref<8x64xi32, #tpu.memory_space<vmem>> -> memref<1x64xi32, #tpu.memory_space<vmem>>
      %dma_wait3A_468 = tpu.memref_squeeze %dma_wait3A_467 : memref<1x64xi32, #tpu.memory_space<vmem>> -> memref<64xi32, #tpu.memory_space<vmem>>
      %dma_wait3A_469 = arith.constant 0 : i32
      %dma_wait3A_470 = arith.constant 0 : i32
      %dma_wait3A_471 = tpu.memref_slice %arg2[%dma_wait3A_469, %dma_wait3A_470] : memref<10240x128xf32, #tpu.memory_space<hbm>> -> memref<10240x128xf32, #tpu.memory_space<hbm>>
      tpu.wait_indirect_dma semaphore(%arg20 : memref<!tpu.dma_semaphore, #tpu.memory_space<semaphore_mem>>) src(%dma_wait3A_471 : memref<10240x128xf32, #tpu.memory_space<hbm>>) dst(%arg12 : memref<64x128xf32, #tpu.memory_space<vmem>>)
      %dma_wait3A_472 = arith.constant 6 : i32
      %dma_wait3A_473 = arith.constant 0 : i32
      %dma_wait3A_474 = tpu.memref_slice %arg9[%dma_wait3A_472, %dma_wait3A_473] : memref<8x64xi32, #tpu.memory_space<vmem>> -> memref<1x64xi32, #tpu.memory_space<vmem>>
      %dma_wait3A_475 = tpu.memref_squeeze %dma_wait3A_474 : memref<1x64xi32, #tpu.memory_space<vmem>> -> memref<64xi32, #tpu.memory_space<vmem>>
      %dma_wait3A_476 = arith.constant 0 : i32
      %dma_wait3A_477 = arith.constant 0 : i32
      %dma_wait3A_478 = tpu.memref_slice %arg17[%dma_wait3A_476, %dma_wait3A_477] : memref<10240x128xf32, #tpu.memory_space<vmem_shared>> -> memref<10240x128xf32, #tpu.memory_space<vmem_shared>>
      tpu.wait_indirect_dma semaphore(%arg26 : memref<!tpu.dma_semaphore, #tpu.memory_space<semaphore_mem>>) src(%arg14 : memref<64x128xf32, #tpu.memory_space<vmem>>) dst(%dma_wait3A_478 : memref<10240x128xf32, #tpu.memory_space<vmem_shared>>)
      %dma_start3A_479 = arith.constant 0 : i32
      %dma_start3A_480 = arith.constant 0 : i32
      %dma_start3A_481 = tpu.memref_slice %arg11[%dma_start3A_479, %dma_start3A_480] : memref<8x64xi32, #tpu.memory_space<vmem>> -> memref<1x64xi32, #tpu.memory_space<vmem>>
      %dma_start3A_482 = tpu.memref_squeeze %dma_start3A_481 : memref<1x64xi32, #tpu.memory_space<vmem>> -> memref<64xi32, #tpu.memory_space<vmem>>
      %dma_start3A_483 = arith.constant 0 : i32
      %dma_start3A_484 = arith.constant 0 : i32
      %dma_start3A_485 = tpu.memref_slice %arg17[%dma_start3A_483, %dma_start3A_484] : memref<10240x128xf32, #tpu.memory_space<vmem_shared>> -> memref<10240x128xf32, #tpu.memory_space<vmem_shared>>
      tpu.enqueue_indirect_dma source(%arg12 : memref<64x128xf32, #tpu.memory_space<vmem>>) target(%dma_start3A_485 : memref<10240x128xf32, #tpu.memory_space<vmem_shared>>) offsets(%dma_start3A_482 : memref<64xi32, #tpu.memory_space<vmem>>) semaphore(%arg24 : memref<!tpu.dma_semaphore, #tpu.memory_space<semaphore_mem>>) {add = true}
      %get3A_486 = arith.constant 0 : i32
      %get3A_487 = arith.index_cast %get3A_486 : i32 to index
      %get3A_488 = arith.constant 0 : index
      %get3A_489 = tpu.vector_load %arg11[%get3A_487, %get3A_488] {strides = array<i32>} : memref<8x64xi32, #tpu.memory_space<vmem>>, vector<16xi32>,
      tpu.vector_store_idx %arg16[%get3A_489], %broadcast_in_dim3A_8 {add = true} : memref<10240xf32, #tpu.memory_space<vmem>>[vector<16xi32>], vector<16xf32>,
      %get3A_490 = arith.constant 0 : i32
      %get3A_491 = arith.index_cast %get3A_490 : i32 to index
      %get3A_492 = arith.constant 16 : index
      %get3A_493 = tpu.vector_load %arg11[%get3A_491, %get3A_492] {strides = array<i32>} : memref<8x64xi32, #tpu.memory_space<vmem>>, vector<16xi32>,
      tpu.vector_store_idx %arg16[%get3A_493], %broadcast_in_dim3A_8 {add = true} : memref<10240xf32, #tpu.memory_space<vmem>>[vector<16xi32>], vector<16xf32>,
      %get3A_494 = arith.constant 0 : i32
      %get3A_495 = arith.index_cast %get3A_494 : i32 to index
      %get3A_496 = arith.constant 32 : index
      %get3A_497 = tpu.vector_load %arg11[%get3A_495, %get3A_496] {strides = array<i32>} : memref<8x64xi32, #tpu.memory_space<vmem>>, vector<16xi32>,
      tpu.vector_store_idx %arg16[%get3A_497], %broadcast_in_dim3A_8 {add = true} : memref<10240xf32, #tpu.memory_space<vmem>>[vector<16xi32>], vector<16xf32>,
      %get3A_498 = arith.constant 0 : i32
      %get3A_499 = arith.index_cast %get3A_498 : i32 to index
      %get3A_500 = arith.constant 48 : index
      %get3A_501 = tpu.vector_load %arg11[%get3A_499, %get3A_500] {strides = array<i32>} : memref<8x64xi32, #tpu.memory_space<vmem>>, vector<16xi32>,
      tpu.vector_store_idx %arg16[%get3A_501], %broadcast_in_dim3A_8 {add = true} : memref<10240xf32, #tpu.memory_space<vmem>>[vector<16xi32>], vector<16xf32>,
      %dma_start3A_502 = arith.constant 2 : i32
      %dma_start3A_503 = arith.constant 0 : i32
      %dma_start3A_504 = tpu.memref_slice %arg10[%dma_start3A_502, %dma_start3A_503] : memref<8x64xi32, #tpu.memory_space<vmem>> -> memref<1x64xi32, #tpu.memory_space<vmem>>
      %dma_start3A_505 = tpu.memref_squeeze %dma_start3A_504 : memref<1x64xi32, #tpu.memory_space<vmem>> -> memref<64xi32, #tpu.memory_space<vmem>>
      %dma_start3A_506 = arith.constant 0 : i32
      %dma_start3A_507 = arith.constant 0 : i32
      %dma_start3A_508 = tpu.memref_slice %arg2[%dma_start3A_506, %dma_start3A_507] : memref<10240x128xf32, #tpu.memory_space<hbm>> -> memref<10240x128xf32, #tpu.memory_space<hbm>>
      tpu.enqueue_indirect_dma source(%dma_start3A_508 : memref<10240x128xf32, #tpu.memory_space<hbm>>) target(%arg14 : memref<64x128xf32, #tpu.memory_space<vmem>>) offsets(%dma_start3A_505 : memref<64xi32, #tpu.memory_space<vmem>>) semaphore(%arg22 : memref<!tpu.dma_semaphore, #tpu.memory_space<semaphore_mem>>)
      %dma_wait3A_509 = arith.constant 1 : i32
      %dma_wait3A_510 = arith.constant 0 : i32
      %dma_wait3A_511 = tpu.memref_slice %arg10[%dma_wait3A_509, %dma_wait3A_510] : memref<8x64xi32, #tpu.memory_space<vmem>> -> memref<1x64xi32, #tpu.memory_space<vmem>>
      %dma_wait3A_512 = tpu.memref_squeeze %dma_wait3A_511 : memref<1x64xi32, #tpu.memory_space<vmem>> -> memref<64xi32, #tpu.memory_space<vmem>>
      %dma_wait3A_513 = arith.constant 0 : i32
      %dma_wait3A_514 = arith.constant 0 : i32
      %dma_wait3A_515 = tpu.memref_slice %arg2[%dma_wait3A_513, %dma_wait3A_514] : memref<10240x128xf32, #tpu.memory_space<hbm>> -> memref<10240x128xf32, #tpu.memory_space<hbm>>
      tpu.wait_indirect_dma semaphore(%arg21 : memref<!tpu.dma_semaphore, #tpu.memory_space<semaphore_mem>>) src(%dma_wait3A_515 : memref<10240x128xf32, #tpu.memory_space<hbm>>) dst(%arg13 : memref<64x128xf32, #tpu.memory_space<vmem>>)
      %dma_wait3A_516 = arith.constant 7 : i32
      %dma_wait3A_517 = arith.constant 0 : i32
      %dma_wait3A_518 = tpu.memref_slice %arg9[%dma_wait3A_516, %dma_wait3A_517] : memref<8x64xi32, #tpu.memory_space<vmem>> -> memref<1x64xi32, #tpu.memory_space<vmem>>
      %dma_wait3A_519 = tpu.memref_squeeze %dma_wait3A_518 : memref<1x64xi32, #tpu.memory_space<vmem>> -> memref<64xi32, #tpu.memory_space<vmem>>
      %dma_wait3A_520 = arith.constant 0 : i32
      %dma_wait3A_521 = arith.constant 0 : i32
      %dma_wait3A_522 = tpu.memref_slice %arg17[%dma_wait3A_520, %dma_wait3A_521] : memref<10240x128xf32, #tpu.memory_space<vmem_shared>> -> memref<10240x128xf32, #tpu.memory_space<vmem_shared>>
      tpu.wait_indirect_dma semaphore(%arg27 : memref<!tpu.dma_semaphore, #tpu.memory_space<semaphore_mem>>) src(%arg15 : memref<64x128xf32, #tpu.memory_space<vmem>>) dst(%dma_wait3A_522 : memref<10240x128xf32, #tpu.memory_space<vmem_shared>>)
      %dma_start3A_523 = arith.constant 1 : i32
      %dma_start3A_524 = arith.constant 0 : i32
      %dma_start3A_525 = tpu.memref_slice %arg11[%dma_start3A_523, %dma_start3A_524] : memref<8x64xi32, #tpu.memory_space<vmem>> -> memref<1x64xi32, #tpu.memory_space<vmem>>
      %dma_start3A_526 = tpu.memref_squeeze %dma_start3A_525 : memref<1x64xi32, #tpu.memory_space<vmem>> -> memref<64xi32, #tpu.memory_space<vmem>>
      %dma_start3A_527 = arith.constant 0 : i32
      %dma_start3A_528 = arith.constant 0 : i32
      %dma_start3A_529 = tpu.memref_slice %arg17[%dma_start3A_527, %dma_start3A_528] : memref<10240x128xf32, #tpu.memory_space<vmem_shared>> -> memref<10240x128xf32, #tpu.memory_space<vmem_shared>>
      tpu.enqueue_indirect_dma source(%arg13 : memref<64x128xf32, #tpu.memory_space<vmem>>) target(%dma_start3A_529 : memref<10240x128xf32, #tpu.memory_space<vmem_shared>>) offsets(%dma_start3A_526 : memref<64xi32, #tpu.memory_space<vmem>>) semaphore(%arg25 : memref<!tpu.dma_semaphore, #tpu.memory_space<semaphore_mem>>) {add = true}
      %get3A_530 = arith.constant 1 : i32
      %get3A_531 = arith.index_cast %get3A_530 : i32 to index
      %get3A_532 = arith.constant 0 : index
      %get3A_533 = tpu.vector_load %arg11[%get3A_531, %get3A_532] {strides = array<i32>} : memref<8x64xi32, #tpu.memory_space<vmem>>, vector<16xi32>,
      tpu.vector_store_idx %arg16[%get3A_533], %broadcast_in_dim3A_8 {add = true} : memref<10240xf32, #tpu.memory_space<vmem>>[vector<16xi32>], vector<16xf32>,
      %get3A_534 = arith.constant 1 : i32
      %get3A_535 = arith.index_cast %get3A_534 : i32 to index
      %get3A_536 = arith.constant 16 : index
      %get3A_537 = tpu.vector_load %arg11[%get3A_535, %get3A_536] {strides = array<i32>} : memref<8x64xi32, #tpu.memory_space<vmem>>, vector<16xi32>,
      tpu.vector_store_idx %arg16[%get3A_537], %broadcast_in_dim3A_8 {add = true} : memref<10240xf32, #tpu.memory_space<vmem>>[vector<16xi32>], vector<16xf32>,
      %get3A_538 = arith.constant 1 : i32
      %get3A_539 = arith.index_cast %get3A_538 : i32 to index
      %get3A_540 = arith.constant 32 : index
      %get3A_541 = tpu.vector_load %arg11[%get3A_539, %get3A_540] {strides = array<i32>} : memref<8x64xi32, #tpu.memory_space<vmem>>, vector<16xi32>,
      tpu.vector_store_idx %arg16[%get3A_541], %broadcast_in_dim3A_8 {add = true} : memref<10240xf32, #tpu.memory_space<vmem>>[vector<16xi32>], vector<16xf32>,
      %get3A_542 = arith.constant 1 : i32
      %get3A_543 = arith.index_cast %get3A_542 : i32 to index
      %get3A_544 = arith.constant 48 : index
      %get3A_545 = tpu.vector_load %arg11[%get3A_543, %get3A_544] {strides = array<i32>} : memref<8x64xi32, #tpu.memory_space<vmem>>, vector<16xi32>,
      tpu.vector_store_idx %arg16[%get3A_545], %broadcast_in_dim3A_8 {add = true} : memref<10240xf32, #tpu.memory_space<vmem>>[vector<16xi32>], vector<16xf32>,
      %lt3A = arith.constant 9 : i32
      %lt3A_546 = arith.cmpi slt, %scan3A_80, %lt3A : i32
      %convert_element_type3A_547 = arith.extui %lt3A_546 : i1 to i32
      %cond3A_548 = arith.constant 0 : i32
      %cond3A_549 = arith.cmpi ne, %convert_element_type3A_547, %cond3A_548 : i32
      scf.if %cond3A_549 {
        %mul3A_817 = arith.constant 2 : i32
        %mul3A_818 = arith.muli %mul3A_817, %scan3A_80 : i32
        %add3A_819 = arith.constant 2 : i32
        %add3A_820 = arith.addi %mul3A_818, %add3A_819 : i32
        %dma_start3A_821 = arith.constant 0 : i32
        %dma_start3A_822 = arith.constant 0 : i32
        %dma_start3A_823 = tpu.memref_slice %arg3[%arg0, %arg1, %add3A_820, %dma_start3A_821, %dma_start3A_822] : memref<2x16x20x8x64xi32, #tpu.memory_space<hbm>> -> memref<1x1x1x8x64xi32, #tpu.memory_space<hbm>>
        %dma_start3A_824 = tpu.memref_squeeze %dma_start3A_823 : memref<1x1x1x8x64xi32, #tpu.memory_space<hbm>> -> memref<8x64xi32, #tpu.memory_space<hbm>>
        %dma_start3A_825 = arith.constant 0 : i32
        %dma_start3A_826 = arith.constant 0 : i32
        %dma_start3A_827 = tpu.memref_slice %arg3[%arg0, %arg1, %add3A_820, %dma_start3A_825, %dma_start3A_826] : memref<2x16x20x8x64xi32, #tpu.memory_space<hbm>> -> memref<1x1x1x8x64xi32, #tpu.memory_space<hbm>>
        %dma_start3A_828 = tpu.memref_squeeze %dma_start3A_827 : memref<1x1x1x8x64xi32, #tpu.memory_space<hbm>> -> memref<8x64xi32, #tpu.memory_space<hbm>>
        tpu.enqueue_dma source(%dma_start3A_828 : memref<8x64xi32, #tpu.memory_space<hbm>>) target(%arg8 : memref<8x64xi32, #tpu.memory_space<vmem>>) target_semaphore(%arg18 : memref<!tpu.dma_semaphore, #tpu.memory_space<semaphore_mem>>)
        %dma_start3A_829 = arith.constant 0 : i32
        %dma_start3A_830 = arith.constant 0 : i32
        %dma_start3A_831 = tpu.memref_slice %arg4[%arg0, %arg1, %add3A_820, %dma_start3A_829, %dma_start3A_830] : memref<2x16x20x8x64xi32, #tpu.memory_space<hbm>> -> memref<1x1x1x8x64xi32, #tpu.memory_space<hbm>>
        %dma_start3A_832 = tpu.memref_squeeze %dma_start3A_831 : memref<1x1x1x8x64xi32, #tpu.memory_space<hbm>> -> memref<8x64xi32, #tpu.memory_space<hbm>>
        %dma_start3A_833 = arith.constant 0 : i32
        %dma_start3A_834 = arith.constant 0 : i32
        %dma_start3A_835 = tpu.memref_slice %arg4[%arg0, %arg1, %add3A_820, %dma_start3A_833, %dma_start3A_834] : memref<2x16x20x8x64xi32, #tpu.memory_space<hbm>> -> memref<1x1x1x8x64xi32, #tpu.memory_space<hbm>>
        %dma_start3A_836 = tpu.memref_squeeze %dma_start3A_835 : memref<1x1x1x8x64xi32, #tpu.memory_space<hbm>> -> memref<8x64xi32, #tpu.memory_space<hbm>>
        tpu.enqueue_dma source(%dma_start3A_836 : memref<8x64xi32, #tpu.memory_space<hbm>>) target(%arg9 : memref<8x64xi32, #tpu.memory_space<vmem>>) target_semaphore(%arg18 : memref<!tpu.dma_semaphore, #tpu.memory_space<semaphore_mem>>)
      } else {
      }
      %dma_start3A_550 = arith.constant 3 : i32
      %dma_start3A_551 = arith.constant 0 : i32
      %dma_start3A_552 = tpu.memref_slice %arg10[%dma_start3A_550, %dma_start3A_551] : memref<8x64xi32, #tpu.memory_space<vmem>> -> memref<1x64xi32, #tpu.memory_space<vmem>>
      %dma_start3A_553 = tpu.memref_squeeze %dma_start3A_552 : memref<1x64xi32, #tpu.memory_space<vmem>> -> memref<64xi32, #tpu.memory_space<vmem>>
      %dma_start3A_554 = arith.constant 0 : i32
      %dma_start3A_555 = arith.constant 0 : i32
      %dma_start3A_556 = tpu.memref_slice %arg2[%dma_start3A_554, %dma_start3A_555] : memref<10240x128xf32, #tpu.memory_space<hbm>> -> memref<10240x128xf32, #tpu.memory_space<hbm>>
      tpu.enqueue_indirect_dma source(%dma_start3A_556 : memref<10240x128xf32, #tpu.memory_space<hbm>>) target(%arg15 : memref<64x128xf32, #tpu.memory_space<vmem>>) offsets(%dma_start3A_553 : memref<64xi32, #tpu.memory_space<vmem>>) semaphore(%arg23 : memref<!tpu.dma_semaphore, #tpu.memory_space<semaphore_mem>>)
      %dma_wait3A_557 = arith.constant 2 : i32
      %dma_wait3A_558 = arith.constant 0 : i32
      %dma_wait3A_559 = tpu.memref_slice %arg10[%dma_wait3A_557, %dma_wait3A_558] : memref<8x64xi32, #tpu.memory_space<vmem>> -> memref<1x64xi32, #tpu.memory_space<vmem>>
      %dma_wait3A_560 = tpu.memref_squeeze %dma_wait3A_559 : memref<1x64xi32, #tpu.memory_space<vmem>> -> memref<64xi32, #tpu.memory_space<vmem>>
      %dma_wait3A_561 = arith.constant 0 : i32
      %dma_wait3A_562 = arith.constant 0 : i32
      %dma_wait3A_563 = tpu.memref_slice %arg2[%dma_wait3A_561, %dma_wait3A_562] : memref<10240x128xf32, #tpu.memory_space<hbm>> -> memref<10240x128xf32, #tpu.memory_space<hbm>>
      tpu.wait_indirect_dma semaphore(%arg22 : memref<!tpu.dma_semaphore, #tpu.memory_space<semaphore_mem>>) src(%dma_wait3A_563 : memref<10240x128xf32, #tpu.memory_space<hbm>>) dst(%arg14 : memref<64x128xf32, #tpu.memory_space<vmem>>)
      %dma_wait3A_564 = arith.constant 0 : i32
      %dma_wait3A_565 = arith.constant 0 : i32
      %dma_wait3A_566 = tpu.memref_slice %arg11[%dma_wait3A_564, %dma_wait3A_565] : memref<8x64xi32, #tpu.memory_space<vmem>> -> memref<1x64xi32, #tpu.memory_space<vmem>>
      %dma_wait3A_567 = tpu.memref_squeeze %dma_wait3A_566 : memref<1x64xi32, #tpu.memory_space<vmem>> -> memref<64xi32, #tpu.memory_space<vmem>>
      %dma_wait3A_568 = arith.constant 0 : i32
      %dma_wait3A_569 = arith.constant 0 : i32
      %dma_wait3A_570 = tpu.memref_slice %arg17[%dma_wait3A_568, %dma_wait3A_569] : memref<10240x128xf32, #tpu.memory_space<vmem_shared>> -> memref<10240x128xf32, #tpu.memory_space<vmem_shared>>
      tpu.wait_indirect_dma semaphore(%arg24 : memref<!tpu.dma_semaphore, #tpu.memory_space<semaphore_mem>>) src(%arg12 : memref<64x128xf32, #tpu.memory_space<vmem>>) dst(%dma_wait3A_570 : memref<10240x128xf32, #tpu.memory_space<vmem_shared>>)
      %dma_start3A_571 = arith.constant 2 : i32
      %dma_start3A_572 = arith.constant 0 : i32
      %dma_start3A_573 = tpu.memref_slice %arg11[%dma_start3A_571, %dma_start3A_572] : memref<8x64xi32, #tpu.memory_space<vmem>> -> memref<1x64xi32, #tpu.memory_space<vmem>>
      %dma_start3A_574 = tpu.memref_squeeze %dma_start3A_573 : memref<1x64xi32, #tpu.memory_space<vmem>> -> memref<64xi32, #tpu.memory_space<vmem>>
      %dma_start3A_575 = arith.constant 0 : i32
      %dma_start3A_576 = arith.constant 0 : i32
      %dma_start3A_577 = tpu.memref_slice %arg17[%dma_start3A_575, %dma_start3A_576] : memref<10240x128xf32, #tpu.memory_space<vmem_shared>> -> memref<10240x128xf32, #tpu.memory_space<vmem_shared>>
      tpu.enqueue_indirect_dma source(%arg14 : memref<64x128xf32, #tpu.memory_space<vmem>>) target(%dma_start3A_577 : memref<10240x128xf32, #tpu.memory_space<vmem_shared>>) offsets(%dma_start3A_574 : memref<64xi32, #tpu.memory_space<vmem>>) semaphore(%arg26 : memref<!tpu.dma_semaphore, #tpu.memory_space<semaphore_mem>>) {add = true}
      %get3A_578 = arith.constant 2 : i32
      %get3A_579 = arith.index_cast %get3A_578 : i32 to index
      %get3A_580 = arith.constant 0 : index
      %get3A_581 = tpu.vector_load %arg11[%get3A_579, %get3A_580] {strides = array<i32>} : memref<8x64xi32, #tpu.memory_space<vmem>>, vector<16xi32>,
      tpu.vector_store_idx %arg16[%get3A_581], %broadcast_in_dim3A_8 {add = true} : memref<10240xf32, #tpu.memory_space<vmem>>[vector<16xi32>], vector<16xf32>,
      %get3A_582 = arith.constant 2 : i32
      %get3A_583 = arith.index_cast %get3A_582 : i32 to index
      %get3A_584 = arith.constant 16 : index
      %get3A_585 = tpu.vector_load %arg11[%get3A_583, %get3A_584] {strides = array<i32>} : memref<8x64xi32, #tpu.memory_space<vmem>>, vector<16xi32>,
      tpu.vector_store_idx %arg16[%get3A_585], %broadcast_in_dim3A_8 {add = true} : memref<10240xf32, #tpu.memory_space<vmem>>[vector<16xi32>], vector<16xf32>,
      %get3A_586 = arith.constant 2 : i32
      %get3A_587 = arith.index_cast %get3A_586 : i32 to index
      %get3A_588 = arith.constant 32 : index
      %get3A_589 = tpu.vector_load %arg11[%get3A_587, %get3A_588] {strides = array<i32>} : memref<8x64xi32, #tpu.memory_space<vmem>>, vector<16xi32>,
      tpu.vector_store_idx %arg16[%get3A_589], %broadcast_in_dim3A_8 {add = true} : memref<10240xf32, #tpu.memory_space<vmem>>[vector<16xi32>], vector<16xf32>,
      %get3A_590 = arith.constant 2 : i32
      %get3A_591 = arith.index_cast %get3A_590 : i32 to index
      %get3A_592 = arith.constant 48 : index
      %get3A_593 = tpu.vector_load %arg11[%get3A_591, %get3A_592] {strides = array<i32>} : memref<8x64xi32, #tpu.memory_space<vmem>>, vector<16xi32>,
      tpu.vector_store_idx %arg16[%get3A_593], %broadcast_in_dim3A_8 {add = true} : memref<10240xf32, #tpu.memory_space<vmem>>[vector<16xi32>], vector<16xf32>,
      %dma_start3A_594 = arith.constant 4 : i32
      %dma_start3A_595 = arith.constant 0 : i32
      %dma_start3A_596 = tpu.memref_slice %arg10[%dma_start3A_594, %dma_start3A_595] : memref<8x64xi32, #tpu.memory_space<vmem>> -> memref<1x64xi32, #tpu.memory_space<vmem>>
      %dma_start3A_597 = tpu.memref_squeeze %dma_start3A_596 : memref<1x64xi32, #tpu.memory_space<vmem>> -> memref<64xi32, #tpu.memory_space<vmem>>
      %dma_start3A_598 = arith.constant 0 : i32
      %dma_start3A_599 = arith.constant 0 : i32
      %dma_start3A_600 = tpu.memref_slice %arg2[%dma_start3A_598, %dma_start3A_599] : memref<10240x128xf32, #tpu.memory_space<hbm>> -> memref<10240x128xf32, #tpu.memory_space<hbm>>
      tpu.enqueue_indirect_dma source(%dma_start3A_600 : memref<10240x128xf32, #tpu.memory_space<hbm>>) target(%arg12 : memref<64x128xf32, #tpu.memory_space<vmem>>) offsets(%dma_start3A_597 : memref<64xi32, #tpu.memory_space<vmem>>) semaphore(%arg20 : memref<!tpu.dma_semaphore, #tpu.memory_space<semaphore_mem>>)
      %dma_wait3A_601 = arith.constant 3 : i32
      %dma_wait3A_602 = arith.constant 0 : i32
      %dma_wait3A_603 = tpu.memref_slice %arg10[%dma_wait3A_601, %dma_wait3A_602] : memref<8x64xi32, #tpu.memory_space<vmem>> -> memref<1x64xi32, #tpu.memory_space<vmem>>
      %dma_wait3A_604 = tpu.memref_squeeze %dma_wait3A_603 : memref<1x64xi32, #tpu.memory_space<vmem>> -> memref<64xi32, #tpu.memory_space<vmem>>
      %dma_wait3A_605 = arith.constant 0 : i32
      %dma_wait3A_606 = arith.constant 0 : i32
      %dma_wait3A_607 = tpu.memref_slice %arg2[%dma_wait3A_605, %dma_wait3A_606] : memref<10240x128xf32, #tpu.memory_space<hbm>> -> memref<10240x128xf32, #tpu.memory_space<hbm>>
      tpu.wait_indirect_dma semaphore(%arg23 : memref<!tpu.dma_semaphore, #tpu.memory_space<semaphore_mem>>) src(%dma_wait3A_607 : memref<10240x128xf32, #tpu.memory_space<hbm>>) dst(%arg15 : memref<64x128xf32, #tpu.memory_space<vmem>>)
      %dma_wait3A_608 = arith.constant 1 : i32
      %dma_wait3A_609 = arith.constant 0 : i32
      %dma_wait3A_610 = tpu.memref_slice %arg11[%dma_wait3A_608, %dma_wait3A_609] : memref<8x64xi32, #tpu.memory_space<vmem>> -> memref<1x64xi32, #tpu.memory_space<vmem>>
      %dma_wait3A_611 = tpu.memref_squeeze %dma_wait3A_610 : memref<1x64xi32, #tpu.memory_space<vmem>> -> memref<64xi32, #tpu.memory_space<vmem>>
      %dma_wait3A_612 = arith.constant 0 : i32
      %dma_wait3A_613 = arith.constant 0 : i32
      %dma_wait3A_614 = tpu.memref_slice %arg17[%dma_wait3A_612, %dma_wait3A_613] : memref<10240x128xf32, #tpu.memory_space<vmem_shared>> -> memref<10240x128xf32, #tpu.memory_space<vmem_shared>>
      tpu.wait_indirect_dma semaphore(%arg25 : memref<!tpu.dma_semaphore, #tpu.memory_space<semaphore_mem>>) src(%arg13 : memref<64x128xf32, #tpu.memory_space<vmem>>) dst(%dma_wait3A_614 : memref<10240x128xf32, #tpu.memory_space<vmem_shared>>)
      %dma_start3A_615 = arith.constant 3 : i32
      %dma_start3A_616 = arith.constant 0 : i32
      %dma_start3A_617 = tpu.memref_slice %arg11[%dma_start3A_615, %dma_start3A_616] : memref<8x64xi32, #tpu.memory_space<vmem>> -> memref<1x64xi32, #tpu.memory_space<vmem>>
      %dma_start3A_618 = tpu.memref_squeeze %dma_start3A_617 : memref<1x64xi32, #tpu.memory_space<vmem>> -> memref<64xi32, #tpu.memory_space<vmem>>
      %dma_start3A_619 = arith.constant 0 : i32
      %dma_start3A_620 = arith.constant 0 : i32
      %dma_start3A_621 = tpu.memref_slice %arg17[%dma_start3A_619, %dma_start3A_620] : memref<10240x128xf32, #tpu.memory_space<vmem_shared>> -> memref<10240x128xf32, #tpu.memory_space<vmem_shared>>
      tpu.enqueue_indirect_dma source(%arg15 : memref<64x128xf32, #tpu.memory_space<vmem>>) target(%dma_start3A_621 : memref<10240x128xf32, #tpu.memory_space<vmem_shared>>) offsets(%dma_start3A_618 : memref<64xi32, #tpu.memory_space<vmem>>) semaphore(%arg27 : memref<!tpu.dma_semaphore, #tpu.memory_space<semaphore_mem>>) {add = true}
      %get3A_622 = arith.constant 3 : i32
      %get3A_623 = arith.index_cast %get3A_622 : i32 to index
      %get3A_624 = arith.constant 0 : index
      %get3A_625 = tpu.vector_load %arg11[%get3A_623, %get3A_624] {strides = array<i32>} : memref<8x64xi32, #tpu.memory_space<vmem>>, vector<16xi32>,
      tpu.vector_store_idx %arg16[%get3A_625], %broadcast_in_dim3A_8 {add = true} : memref<10240xf32, #tpu.memory_space<vmem>>[vector<16xi32>], vector<16xf32>,
      %get3A_626 = arith.constant 3 : i32
      %get3A_627 = arith.index_cast %get3A_626 : i32 to index
      %get3A_628 = arith.constant 16 : index
      %get3A_629 = tpu.vector_load %arg11[%get3A_627, %get3A_628] {strides = array<i32>} : memref<8x64xi32, #tpu.memory_space<vmem>>, vector<16xi32>,
      tpu.vector_store_idx %arg16[%get3A_629], %broadcast_in_dim3A_8 {add = true} : memref<10240xf32, #tpu.memory_space<vmem>>[vector<16xi32>], vector<16xf32>,
      %get3A_630 = arith.constant 3 : i32
      %get3A_631 = arith.index_cast %get3A_630 : i32 to index
      %get3A_632 = arith.constant 32 : index
      %get3A_633 = tpu.vector_load %arg11[%get3A_631, %get3A_632] {strides = array<i32>} : memref<8x64xi32, #tpu.memory_space<vmem>>, vector<16xi32>,
      tpu.vector_store_idx %arg16[%get3A_633], %broadcast_in_dim3A_8 {add = true} : memref<10240xf32, #tpu.memory_space<vmem>>[vector<16xi32>], vector<16xf32>,
      %get3A_634 = arith.constant 3 : i32
      %get3A_635 = arith.index_cast %get3A_634 : i32 to index
      %get3A_636 = arith.constant 48 : index
      %get3A_637 = tpu.vector_load %arg11[%get3A_635, %get3A_636] {strides = array<i32>} : memref<8x64xi32, #tpu.memory_space<vmem>>, vector<16xi32>,
      tpu.vector_store_idx %arg16[%get3A_637], %broadcast_in_dim3A_8 {add = true} : memref<10240xf32, #tpu.memory_space<vmem>>[vector<16xi32>], vector<16xf32>,
      %dma_start3A_638 = arith.constant 5 : i32
      %dma_start3A_639 = arith.constant 0 : i32
      %dma_start3A_640 = tpu.memref_slice %arg10[%dma_start3A_638, %dma_start3A_639] : memref<8x64xi32, #tpu.memory_space<vmem>> -> memref<1x64xi32, #tpu.memory_space<vmem>>
      %dma_start3A_641 = tpu.memref_squeeze %dma_start3A_640 : memref<1x64xi32, #tpu.memory_space<vmem>> -> memref<64xi32, #tpu.memory_space<vmem>>
      %dma_start3A_642 = arith.constant 0 : i32
      %dma_start3A_643 = arith.constant 0 : i32
      %dma_start3A_644 = tpu.memref_slice %arg2[%dma_start3A_642, %dma_start3A_643] : memref<10240x128xf32, #tpu.memory_space<hbm>> -> memref<10240x128xf32, #tpu.memory_space<hbm>>
      tpu.enqueue_indirect_dma source(%dma_start3A_644 : memref<10240x128xf32, #tpu.memory_space<hbm>>) target(%arg13 : memref<64x128xf32, #tpu.memory_space<vmem>>) offsets(%dma_start3A_641 : memref<64xi32, #tpu.memory_space<vmem>>) semaphore(%arg21 : memref<!tpu.dma_semaphore, #tpu.memory_space<semaphore_mem>>)
      %dma_wait3A_645 = arith.constant 4 : i32
      %dma_wait3A_646 = arith.constant 0 : i32
      %dma_wait3A_647 = tpu.memref_slice %arg10[%dma_wait3A_645, %dma_wait3A_646] : memref<8x64xi32, #tpu.memory_space<vmem>> -> memref<1x64xi32, #tpu.memory_space<vmem>>
      %dma_wait3A_648 = tpu.memref_squeeze %dma_wait3A_647 : memref<1x64xi32, #tpu.memory_space<vmem>> -> memref<64xi32, #tpu.memory_space<vmem>>
      %dma_wait3A_649 = arith.constant 0 : i32
      %dma_wait3A_650 = arith.constant 0 : i32
      %dma_wait3A_651 = tpu.memref_slice %arg2[%dma_wait3A_649, %dma_wait3A_650] : memref<10240x128xf32, #tpu.memory_space<hbm>> -> memref<10240x128xf32, #tpu.memory_space<hbm>>
      tpu.wait_indirect_dma semaphore(%arg20 : memref<!tpu.dma_semaphore, #tpu.memory_space<semaphore_mem>>) src(%dma_wait3A_651 : memref<10240x128xf32, #tpu.memory_space<hbm>>) dst(%arg12 : memref<64x128xf32, #tpu.memory_space<vmem>>)
      %dma_wait3A_652 = arith.constant 2 : i32
      %dma_wait3A_653 = arith.constant 0 : i32
      %dma_wait3A_654 = tpu.memref_slice %arg11[%dma_wait3A_652, %dma_wait3A_653] : memref<8x64xi32, #tpu.memory_space<vmem>> -> memref<1x64xi32, #tpu.memory_space<vmem>>
      %dma_wait3A_655 = tpu.memref_squeeze %dma_wait3A_654 : memref<1x64xi32, #tpu.memory_space<vmem>> -> memref<64xi32, #tpu.memory_space<vmem>>
      %dma_wait3A_656 = arith.constant 0 : i32
      %dma_wait3A_657 = arith.constant 0 : i32
      %dma_wait3A_658 = tpu.memref_slice %arg17[%dma_wait3A_656, %dma_wait3A_657] : memref<10240x128xf32, #tpu.memory_space<vmem_shared>> -> memref<10240x128xf32, #tpu.memory_space<vmem_shared>>
      tpu.wait_indirect_dma semaphore(%arg26 : memref<!tpu.dma_semaphore, #tpu.memory_space<semaphore_mem>>) src(%arg14 : memref<64x128xf32, #tpu.memory_space<vmem>>) dst(%dma_wait3A_658 : memref<10240x128xf32, #tpu.memory_space<vmem_shared>>)
      %dma_start3A_659 = arith.constant 4 : i32
      %dma_start3A_660 = arith.constant 0 : i32
      %dma_start3A_661 = tpu.memref_slice %arg11[%dma_start3A_659, %dma_start3A_660] : memref<8x64xi32, #tpu.memory_space<vmem>> -> memref<1x64xi32, #tpu.memory_space<vmem>>
      %dma_start3A_662 = tpu.memref_squeeze %dma_start3A_661 : memref<1x64xi32, #tpu.memory_space<vmem>> -> memref<64xi32, #tpu.memory_space<vmem>>
      %dma_start3A_663 = arith.constant 0 : i32
      %dma_start3A_664 = arith.constant 0 : i32
      %dma_start3A_665 = tpu.memref_slice %arg17[%dma_start3A_663, %dma_start3A_664] : memref<10240x128xf32, #tpu.memory_space<vmem_shared>> -> memref<10240x128xf32, #tpu.memory_space<vmem_shared>>
      tpu.enqueue_indirect_dma source(%arg12 : memref<64x128xf32, #tpu.memory_space<vmem>>) target(%dma_start3A_665 : memref<10240x128xf32, #tpu.memory_space<vmem_shared>>) offsets(%dma_start3A_662 : memref<64xi32, #tpu.memory_space<vmem>>) semaphore(%arg24 : memref<!tpu.dma_semaphore, #tpu.memory_space<semaphore_mem>>) {add = true}
      %get3A_666 = arith.constant 4 : i32
      %get3A_667 = arith.index_cast %get3A_666 : i32 to index
      %get3A_668 = arith.constant 0 : index
      %get3A_669 = tpu.vector_load %arg11[%get3A_667, %get3A_668] {strides = array<i32>} : memref<8x64xi32, #tpu.memory_space<vmem>>, vector<16xi32>,
      tpu.vector_store_idx %arg16[%get3A_669], %broadcast_in_dim3A_8 {add = true} : memref<10240xf32, #tpu.memory_space<vmem>>[vector<16xi32>], vector<16xf32>,
      %get3A_670 = arith.constant 4 : i32
      %get3A_671 = arith.index_cast %get3A_670 : i32 to index
      %get3A_672 = arith.constant 16 : index
      %get3A_673 = tpu.vector_load %arg11[%get3A_671, %get3A_672] {strides = array<i32>} : memref<8x64xi32, #tpu.memory_space<vmem>>, vector<16xi32>,
      tpu.vector_store_idx %arg16[%get3A_673], %broadcast_in_dim3A_8 {add = true} : memref<10240xf32, #tpu.memory_space<vmem>>[vector<16xi32>], vector<16xf32>,
      %get3A_674 = arith.constant 4 : i32
      %get3A_675 = arith.index_cast %get3A_674 : i32 to index
      %get3A_676 = arith.constant 32 : index
      %get3A_677 = tpu.vector_load %arg11[%get3A_675, %get3A_676] {strides = array<i32>} : memref<8x64xi32, #tpu.memory_space<vmem>>, vector<16xi32>,
      tpu.vector_store_idx %arg16[%get3A_677], %broadcast_in_dim3A_8 {add = true} : memref<10240xf32, #tpu.memory_space<vmem>>[vector<16xi32>], vector<16xf32>,
      %get3A_678 = arith.constant 4 : i32
      %get3A_679 = arith.index_cast %get3A_678 : i32 to index
      %get3A_680 = arith.constant 48 : index
      %get3A_681 = tpu.vector_load %arg11[%get3A_679, %get3A_680] {strides = array<i32>} : memref<8x64xi32, #tpu.memory_space<vmem>>, vector<16xi32>,
      tpu.vector_store_idx %arg16[%get3A_681], %broadcast_in_dim3A_8 {add = true} : memref<10240xf32, #tpu.memory_space<vmem>>[vector<16xi32>], vector<16xf32>,
      %dma_start3A_682 = arith.constant 6 : i32
      %dma_start3A_683 = arith.constant 0 : i32
      %dma_start3A_684 = tpu.memref_slice %arg10[%dma_start3A_682, %dma_start3A_683] : memref<8x64xi32, #tpu.memory_space<vmem>> -> memref<1x64xi32, #tpu.memory_space<vmem>>
      %dma_start3A_685 = tpu.memref_squeeze %dma_start3A_684 : memref<1x64xi32, #tpu.memory_space<vmem>> -> memref<64xi32, #tpu.memory_space<vmem>>
      %dma_start3A_686 = arith.constant 0 : i32
      %dma_start3A_687 = arith.constant 0 : i32
      %dma_start3A_688 = tpu.memref_slice %arg2[%dma_start3A_686, %dma_start3A_687] : memref<10240x128xf32, #tpu.memory_space<hbm>> -> memref<10240x128xf32, #tpu.memory_space<hbm>>
      tpu.enqueue_indirect_dma source(%dma_start3A_688 : memref<10240x128xf32, #tpu.memory_space<hbm>>) target(%arg14 : memref<64x128xf32, #tpu.memory_space<vmem>>) offsets(%dma_start3A_685 : memref<64xi32, #tpu.memory_space<vmem>>) semaphore(%arg22 : memref<!tpu.dma_semaphore, #tpu.memory_space<semaphore_mem>>)
      %dma_wait3A_689 = arith.constant 5 : i32
      %dma_wait3A_690 = arith.constant 0 : i32
      %dma_wait3A_691 = tpu.memref_slice %arg10[%dma_wait3A_689, %dma_wait3A_690] : memref<8x64xi32, #tpu.memory_space<vmem>> -> memref<1x64xi32, #tpu.memory_space<vmem>>
      %dma_wait3A_692 = tpu.memref_squeeze %dma_wait3A_691 : memref<1x64xi32, #tpu.memory_space<vmem>> -> memref<64xi32, #tpu.memory_space<vmem>>
      %dma_wait3A_693 = arith.constant 0 : i32
      %dma_wait3A_694 = arith.constant 0 : i32
      %dma_wait3A_695 = tpu.memref_slice %arg2[%dma_wait3A_693, %dma_wait3A_694] : memref<10240x128xf32, #tpu.memory_space<hbm>> -> memref<10240x128xf32, #tpu.memory_space<hbm>>
      tpu.wait_indirect_dma semaphore(%arg21 : memref<!tpu.dma_semaphore, #tpu.memory_space<semaphore_mem>>) src(%dma_wait3A_695 : memref<10240x128xf32, #tpu.memory_space<hbm>>) dst(%arg13 : memref<64x128xf32, #tpu.memory_space<vmem>>)
      %dma_wait3A_696 = arith.constant 3 : i32
      %dma_wait3A_697 = arith.constant 0 : i32
      %dma_wait3A_698 = tpu.memref_slice %arg11[%dma_wait3A_696, %dma_wait3A_697] : memref<8x64xi32, #tpu.memory_space<vmem>> -> memref<1x64xi32, #tpu.memory_space<vmem>>
      %dma_wait3A_699 = tpu.memref_squeeze %dma_wait3A_698 : memref<1x64xi32, #tpu.memory_space<vmem>> -> memref<64xi32, #tpu.memory_space<vmem>>
      %dma_wait3A_700 = arith.constant 0 : i32
      %dma_wait3A_701 = arith.constant 0 : i32
      %dma_wait3A_702 = tpu.memref_slice %arg17[%dma_wait3A_700, %dma_wait3A_701] : memref<10240x128xf32, #tpu.memory_space<vmem_shared>> -> memref<10240x128xf32, #tpu.memory_space<vmem_shared>>
      tpu.wait_indirect_dma semaphore(%arg27 : memref<!tpu.dma_semaphore, #tpu.memory_space<semaphore_mem>>) src(%arg15 : memref<64x128xf32, #tpu.memory_space<vmem>>) dst(%dma_wait3A_702 : memref<10240x128xf32, #tpu.memory_space<vmem_shared>>)
      %dma_start3A_703 = arith.constant 5 : i32
      %dma_start3A_704 = arith.constant 0 : i32
      %dma_start3A_705 = tpu.memref_slice %arg11[%dma_start3A_703, %dma_start3A_704] : memref<8x64xi32, #tpu.memory_space<vmem>> -> memref<1x64xi32, #tpu.memory_space<vmem>>
      %dma_start3A_706 = tpu.memref_squeeze %dma_start3A_705 : memref<1x64xi32, #tpu.memory_space<vmem>> -> memref<64xi32, #tpu.memory_space<vmem>>
      %dma_start3A_707 = arith.constant 0 : i32
      %dma_start3A_708 = arith.constant 0 : i32
      %dma_start3A_709 = tpu.memref_slice %arg17[%dma_start3A_707, %dma_start3A_708] : memref<10240x128xf32, #tpu.memory_space<vmem_shared>> -> memref<10240x128xf32, #tpu.memory_space<vmem_shared>>
      tpu.enqueue_indirect_dma source(%arg13 : memref<64x128xf32, #tpu.memory_space<vmem>>) target(%dma_start3A_709 : memref<10240x128xf32, #tpu.memory_space<vmem_shared>>) offsets(%dma_start3A_706 : memref<64xi32, #tpu.memory_space<vmem>>) semaphore(%arg25 : memref<!tpu.dma_semaphore, #tpu.memory_space<semaphore_mem>>) {add = true}
      %get3A_710 = arith.constant 5 : i32
      %get3A_711 = arith.index_cast %get3A_710 : i32 to index
      %get3A_712 = arith.constant 0 : index
      %get3A_713 = tpu.vector_load %arg11[%get3A_711, %get3A_712] {strides = array<i32>} : memref<8x64xi32, #tpu.memory_space<vmem>>, vector<16xi32>,
      tpu.vector_store_idx %arg16[%get3A_713], %broadcast_in_dim3A_8 {add = true} : memref<10240xf32, #tpu.memory_space<vmem>>[vector<16xi32>], vector<16xf32>,
      %get3A_714 = arith.constant 5 : i32
      %get3A_715 = arith.index_cast %get3A_714 : i32 to index
      %get3A_716 = arith.constant 16 : index
      %get3A_717 = tpu.vector_load %arg11[%get3A_715, %get3A_716] {strides = array<i32>} : memref<8x64xi32, #tpu.memory_space<vmem>>, vector<16xi32>,
      tpu.vector_store_idx %arg16[%get3A_717], %broadcast_in_dim3A_8 {add = true} : memref<10240xf32, #tpu.memory_space<vmem>>[vector<16xi32>], vector<16xf32>,
      %get3A_718 = arith.constant 5 : i32
      %get3A_719 = arith.index_cast %get3A_718 : i32 to index
      %get3A_720 = arith.constant 32 : index
      %get3A_721 = tpu.vector_load %arg11[%get3A_719, %get3A_720] {strides = array<i32>} : memref<8x64xi32, #tpu.memory_space<vmem>>, vector<16xi32>,
      tpu.vector_store_idx %arg16[%get3A_721], %broadcast_in_dim3A_8 {add = true} : memref<10240xf32, #tpu.memory_space<vmem>>[vector<16xi32>], vector<16xf32>,
      %get3A_722 = arith.constant 5 : i32
      %get3A_723 = arith.index_cast %get3A_722 : i32 to index
      %get3A_724 = arith.constant 48 : index
      %get3A_725 = tpu.vector_load %arg11[%get3A_723, %get3A_724] {strides = array<i32>} : memref<8x64xi32, #tpu.memory_space<vmem>>, vector<16xi32>,
      tpu.vector_store_idx %arg16[%get3A_725], %broadcast_in_dim3A_8 {add = true} : memref<10240xf32, #tpu.memory_space<vmem>>[vector<16xi32>], vector<16xf32>,
      %dma_start3A_726 = arith.constant 7 : i32
      %dma_start3A_727 = arith.constant 0 : i32
      %dma_start3A_728 = tpu.memref_slice %arg10[%dma_start3A_726, %dma_start3A_727] : memref<8x64xi32, #tpu.memory_space<vmem>> -> memref<1x64xi32, #tpu.memory_space<vmem>>
      %dma_start3A_729 = tpu.memref_squeeze %dma_start3A_728 : memref<1x64xi32, #tpu.memory_space<vmem>> -> memref<64xi32, #tpu.memory_space<vmem>>
      %dma_start3A_730 = arith.constant 0 : i32
      %dma_start3A_731 = arith.constant 0 : i32
      %dma_start3A_732 = tpu.memref_slice %arg2[%dma_start3A_730, %dma_start3A_731] : memref<10240x128xf32, #tpu.memory_space<hbm>> -> memref<10240x128xf32, #tpu.memory_space<hbm>>
      tpu.enqueue_indirect_dma source(%dma_start3A_732 : memref<10240x128xf32, #tpu.memory_space<hbm>>) target(%arg15 : memref<64x128xf32, #tpu.memory_space<vmem>>) offsets(%dma_start3A_729 : memref<64xi32, #tpu.memory_space<vmem>>) semaphore(%arg23 : memref<!tpu.dma_semaphore, #tpu.memory_space<semaphore_mem>>)
      %dma_wait3A_733 = arith.constant 6 : i32
      %dma_wait3A_734 = arith.constant 0 : i32
      %dma_wait3A_735 = tpu.memref_slice %arg10[%dma_wait3A_733, %dma_wait3A_734] : memref<8x64xi32, #tpu.memory_space<vmem>> -> memref<1x64xi32, #tpu.memory_space<vmem>>
      %dma_wait3A_736 = tpu.memref_squeeze %dma_wait3A_735 : memref<1x64xi32, #tpu.memory_space<vmem>> -> memref<64xi32, #tpu.memory_space<vmem>>
      %dma_wait3A_737 = arith.constant 0 : i32
      %dma_wait3A_738 = arith.constant 0 : i32
      %dma_wait3A_739 = tpu.memref_slice %arg2[%dma_wait3A_737, %dma_wait3A_738] : memref<10240x128xf32, #tpu.memory_space<hbm>> -> memref<10240x128xf32, #tpu.memory_space<hbm>>
      tpu.wait_indirect_dma semaphore(%arg22 : memref<!tpu.dma_semaphore, #tpu.memory_space<semaphore_mem>>) src(%dma_wait3A_739 : memref<10240x128xf32, #tpu.memory_space<hbm>>) dst(%arg14 : memref<64x128xf32, #tpu.memory_space<vmem>>)
      %dma_wait3A_740 = arith.constant 4 : i32
      %dma_wait3A_741 = arith.constant 0 : i32
      %dma_wait3A_742 = tpu.memref_slice %arg11[%dma_wait3A_740, %dma_wait3A_741] : memref<8x64xi32, #tpu.memory_space<vmem>> -> memref<1x64xi32, #tpu.memory_space<vmem>>
      %dma_wait3A_743 = tpu.memref_squeeze %dma_wait3A_742 : memref<1x64xi32, #tpu.memory_space<vmem>> -> memref<64xi32, #tpu.memory_space<vmem>>
      %dma_wait3A_744 = arith.constant 0 : i32
      %dma_wait3A_745 = arith.constant 0 : i32
      %dma_wait3A_746 = tpu.memref_slice %arg17[%dma_wait3A_744, %dma_wait3A_745] : memref<10240x128xf32, #tpu.memory_space<vmem_shared>> -> memref<10240x128xf32, #tpu.memory_space<vmem_shared>>
      tpu.wait_indirect_dma semaphore(%arg24 : memref<!tpu.dma_semaphore, #tpu.memory_space<semaphore_mem>>) src(%arg12 : memref<64x128xf32, #tpu.memory_space<vmem>>) dst(%dma_wait3A_746 : memref<10240x128xf32, #tpu.memory_space<vmem_shared>>)
      %dma_start3A_747 = arith.constant 6 : i32
      %dma_start3A_748 = arith.constant 0 : i32
      %dma_start3A_749 = tpu.memref_slice %arg11[%dma_start3A_747, %dma_start3A_748] : memref<8x64xi32, #tpu.memory_space<vmem>> -> memref<1x64xi32, #tpu.memory_space<vmem>>
      %dma_start3A_750 = tpu.memref_squeeze %dma_start3A_749 : memref<1x64xi32, #tpu.memory_space<vmem>> -> memref<64xi32, #tpu.memory_space<vmem>>
      %dma_start3A_751 = arith.constant 0 : i32
      %dma_start3A_752 = arith.constant 0 : i32
      %dma_start3A_753 = tpu.memref_slice %arg17[%dma_start3A_751, %dma_start3A_752] : memref<10240x128xf32, #tpu.memory_space<vmem_shared>> -> memref<10240x128xf32, #tpu.memory_space<vmem_shared>>
      tpu.enqueue_indirect_dma source(%arg14 : memref<64x128xf32, #tpu.memory_space<vmem>>) target(%dma_start3A_753 : memref<10240x128xf32, #tpu.memory_space<vmem_shared>>) offsets(%dma_start3A_750 : memref<64xi32, #tpu.memory_space<vmem>>) semaphore(%arg26 : memref<!tpu.dma_semaphore, #tpu.memory_space<semaphore_mem>>) {add = true}
      %get3A_754 = arith.constant 6 : i32
      %get3A_755 = arith.index_cast %get3A_754 : i32 to index
      %get3A_756 = arith.constant 0 : index
      %get3A_757 = tpu.vector_load %arg11[%get3A_755, %get3A_756] {strides = array<i32>} : memref<8x64xi32, #tpu.memory_space<vmem>>, vector<16xi32>,
      tpu.vector_store_idx %arg16[%get3A_757], %broadcast_in_dim3A_8 {add = true} : memref<10240xf32, #tpu.memory_space<vmem>>[vector<16xi32>], vector<16xf32>,
      %get3A_758 = arith.constant 6 : i32
      %get3A_759 = arith.index_cast %get3A_758 : i32 to index
      %get3A_760 = arith.constant 16 : index
      %get3A_761 = tpu.vector_load %arg11[%get3A_759, %get3A_760] {strides = array<i32>} : memref<8x64xi32, #tpu.memory_space<vmem>>, vector<16xi32>,
      tpu.vector_store_idx %arg16[%get3A_761], %broadcast_in_dim3A_8 {add = true} : memref<10240xf32, #tpu.memory_space<vmem>>[vector<16xi32>], vector<16xf32>,
      %get3A_762 = arith.constant 6 : i32
      %get3A_763 = arith.index_cast %get3A_762 : i32 to index
      %get3A_764 = arith.constant 32 : index
      %get3A_765 = tpu.vector_load %arg11[%get3A_763, %get3A_764] {strides = array<i32>} : memref<8x64xi32, #tpu.memory_space<vmem>>, vector<16xi32>,
      tpu.vector_store_idx %arg16[%get3A_765], %broadcast_in_dim3A_8 {add = true} : memref<10240xf32, #tpu.memory_space<vmem>>[vector<16xi32>], vector<16xf32>,
      %get3A_766 = arith.constant 6 : i32
      %get3A_767 = arith.index_cast %get3A_766 : i32 to index
      %get3A_768 = arith.constant 48 : index
      %get3A_769 = tpu.vector_load %arg11[%get3A_767, %get3A_768] {strides = array<i32>} : memref<8x64xi32, #tpu.memory_space<vmem>>, vector<16xi32>,
      tpu.vector_store_idx %arg16[%get3A_769], %broadcast_in_dim3A_8 {add = true} : memref<10240xf32, #tpu.memory_space<vmem>>[vector<16xi32>], vector<16xf32>,
      %lt3A_770 = arith.constant 9 : i32
      %lt3A_771 = arith.cmpi slt, %scan3A_80, %lt3A_770 : i32
      %convert_element_type3A_772 = arith.extui %lt3A_771 : i1 to i32
      %cond3A_773 = arith.constant 0 : i32
      %cond3A_774 = arith.cmpi ne, %convert_element_type3A_772, %cond3A_773 : i32
      scf.if %cond3A_774 {
        %mul3A_817 = arith.constant 2 : i32
        %mul3A_818 = arith.muli %mul3A_817, %scan3A_80 : i32
        %add3A_819 = arith.constant 2 : i32
        %add3A_820 = arith.addi %mul3A_818, %add3A_819 : i32
        %dma_wait3A_821 = arith.constant 0 : i32
        %dma_wait3A_822 = arith.constant 0 : i32
        %dma_wait3A_823 = tpu.memref_slice %arg3[%arg0, %arg1, %add3A_820, %dma_wait3A_821, %dma_wait3A_822] : memref<2x16x20x8x64xi32, #tpu.memory_space<hbm>> -> memref<1x1x1x8x64xi32, #tpu.memory_space<hbm>>
        %dma_wait3A_824 = tpu.memref_squeeze %dma_wait3A_823 : memref<1x1x1x8x64xi32, #tpu.memory_space<hbm>> -> memref<8x64xi32, #tpu.memory_space<hbm>>
        %dma_wait3A_825 = arith.constant 0 : i32
        %dma_wait3A_826 = arith.constant 0 : i32
        %dma_wait3A_827 = tpu.memref_slice %arg3[%arg0, %arg1, %add3A_820, %dma_wait3A_825, %dma_wait3A_826] : memref<2x16x20x8x64xi32, #tpu.memory_space<hbm>> -> memref<1x1x1x8x64xi32, #tpu.memory_space<hbm>>
        %dma_wait3A_828 = tpu.memref_squeeze %dma_wait3A_827 : memref<1x1x1x8x64xi32, #tpu.memory_space<hbm>> -> memref<8x64xi32, #tpu.memory_space<hbm>>
        tpu.wait_dma2 semaphore(%arg18 : memref<!tpu.dma_semaphore, #tpu.memory_space<semaphore_mem>>) src(%dma_wait3A_828 : memref<8x64xi32, #tpu.memory_space<hbm>>) dst(%arg8 : memref<8x64xi32, #tpu.memory_space<vmem>>)
        %dma_wait3A_829 = arith.constant 0 : i32
        %dma_wait3A_830 = arith.constant 0 : i32
        %dma_wait3A_831 = tpu.memref_slice %arg4[%arg0, %arg1, %add3A_820, %dma_wait3A_829, %dma_wait3A_830] : memref<2x16x20x8x64xi32, #tpu.memory_space<hbm>> -> memref<1x1x1x8x64xi32, #tpu.memory_space<hbm>>
        %dma_wait3A_832 = tpu.memref_squeeze %dma_wait3A_831 : memref<1x1x1x8x64xi32, #tpu.memory_space<hbm>> -> memref<8x64xi32, #tpu.memory_space<hbm>>
        %dma_wait3A_833 = arith.constant 0 : i32
        %dma_wait3A_834 = arith.constant 0 : i32
        %dma_wait3A_835 = tpu.memref_slice %arg4[%arg0, %arg1, %add3A_820, %dma_wait3A_833, %dma_wait3A_834] : memref<2x16x20x8x64xi32, #tpu.memory_space<hbm>> -> memref<1x1x1x8x64xi32, #tpu.memory_space<hbm>>
        %dma_wait3A_836 = tpu.memref_squeeze %dma_wait3A_835 : memref<1x1x1x8x64xi32, #tpu.memory_space<hbm>> -> memref<8x64xi32, #tpu.memory_space<hbm>>
        tpu.wait_dma2 semaphore(%arg18 : memref<!tpu.dma_semaphore, #tpu.memory_space<semaphore_mem>>) src(%dma_wait3A_836 : memref<8x64xi32, #tpu.memory_space<hbm>>) dst(%arg9 : memref<8x64xi32, #tpu.memory_space<vmem>>)
        %dma_start3A_837 = arith.constant 0 : i32
        %dma_start3A_838 = arith.constant 0 : i32
        %dma_start3A_839 = tpu.memref_slice %arg8[%dma_start3A_837, %dma_start3A_838] : memref<8x64xi32, #tpu.memory_space<vmem>> -> memref<1x64xi32, #tpu.memory_space<vmem>>
        %dma_start3A_840 = tpu.memref_squeeze %dma_start3A_839 : memref<1x64xi32, #tpu.memory_space<vmem>> -> memref<64xi32, #tpu.memory_space<vmem>>
        %dma_start3A_841 = arith.constant 0 : i32
        %dma_start3A_842 = arith.constant 0 : i32
        %dma_start3A_843 = tpu.memref_slice %arg2[%dma_start3A_841, %dma_start3A_842] : memref<10240x128xf32, #tpu.memory_space<hbm>> -> memref<10240x128xf32, #tpu.memory_space<hbm>>
        tpu.enqueue_indirect_dma source(%dma_start3A_843 : memref<10240x128xf32, #tpu.memory_space<hbm>>) target(%arg12 : memref<64x128xf32, #tpu.memory_space<vmem>>) offsets(%dma_start3A_840 : memref<64xi32, #tpu.memory_space<vmem>>) semaphore(%arg20 : memref<!tpu.dma_semaphore, #tpu.memory_space<semaphore_mem>>)
      } else {
      }
      %dma_wait3A_775 = arith.constant 7 : i32
      %dma_wait3A_776 = arith.constant 0 : i32
      %dma_wait3A_777 = tpu.memref_slice %arg10[%dma_wait3A_775, %dma_wait3A_776] : memref<8x64xi32, #tpu.memory_space<vmem>> -> memref<1x64xi32, #tpu.memory_space<vmem>>
      %dma_wait3A_778 = tpu.memref_squeeze %dma_wait3A_777 : memref<1x64xi32, #tpu.memory_space<vmem>> -> memref<64xi32, #tpu.memory_space<vmem>>
      %dma_wait3A_779 = arith.constant 0 : i32
      %dma_wait3A_780 = arith.constant 0 : i32
      %dma_wait3A_781 = tpu.memref_slice %arg2[%dma_wait3A_779, %dma_wait3A_780] : memref<10240x128xf32, #tpu.memory_space<hbm>> -> memref<10240x128xf32, #tpu.memory_space<hbm>>
      tpu.wait_indirect_dma semaphore(%arg23 : memref<!tpu.dma_semaphore, #tpu.memory_space<semaphore_mem>>) src(%dma_wait3A_781 : memref<10240x128xf32, #tpu.memory_space<hbm>>) dst(%arg15 : memref<64x128xf32, #tpu.memory_space<vmem>>)
      %dma_wait3A_782 = arith.constant 5 : i32
      %dma_wait3A_783 = arith.constant 0 : i32
      %dma_wait3A_784 = tpu.memref_slice %arg11[%dma_wait3A_782, %dma_wait3A_783] : memref<8x64xi32, #tpu.memory_space<vmem>> -> memref<1x64xi32, #tpu.memory_space<vmem>>
      %dma_wait3A_785 = tpu.memref_squeeze %dma_wait3A_784 : memref<1x64xi32, #tpu.memory_space<vmem>> -> memref<64xi32, #tpu.memory_space<vmem>>
      %dma_wait3A_786 = arith.constant 0 : i32
      %dma_wait3A_787 = arith.constant 0 : i32
      %dma_wait3A_788 = tpu.memref_slice %arg17[%dma_wait3A_786, %dma_wait3A_787] : memref<10240x128xf32, #tpu.memory_space<vmem_shared>> -> memref<10240x128xf32, #tpu.memory_space<vmem_shared>>
      tpu.wait_indirect_dma semaphore(%arg25 : memref<!tpu.dma_semaphore, #tpu.memory_space<semaphore_mem>>) src(%arg13 : memref<64x128xf32, #tpu.memory_space<vmem>>) dst(%dma_wait3A_788 : memref<10240x128xf32, #tpu.memory_space<vmem_shared>>)
      %dma_start3A_789 = arith.constant 7 : i32
      %dma_start3A_790 = arith.constant 0 : i32
      %dma_start3A_791 = tpu.memref_slice %arg11[%dma_start3A_789, %dma_start3A_790] : memref<8x64xi32, #tpu.memory_space<vmem>> -> memref<1x64xi32, #tpu.memory_space<vmem>>
      %dma_start3A_792 = tpu.memref_squeeze %dma_start3A_791 : memref<1x64xi32, #tpu.memory_space<vmem>> -> memref<64xi32, #tpu.memory_space<vmem>>
      %dma_start3A_793 = arith.constant 0 : i32
      %dma_start3A_794 = arith.constant 0 : i32
      %dma_start3A_795 = tpu.memref_slice %arg17[%dma_start3A_793, %dma_start3A_794] : memref<10240x128xf32, #tpu.memory_space<vmem_shared>> -> memref<10240x128xf32, #tpu.memory_space<vmem_shared>>
      tpu.enqueue_indirect_dma source(%arg15 : memref<64x128xf32, #tpu.memory_space<vmem>>) target(%dma_start3A_795 : memref<10240x128xf32, #tpu.memory_space<vmem_shared>>) offsets(%dma_start3A_792 : memref<64xi32, #tpu.memory_space<vmem>>) semaphore(%arg27 : memref<!tpu.dma_semaphore, #tpu.memory_space<semaphore_mem>>) {add = true}
      %get3A_796 = arith.constant 7 : i32
      %get3A_797 = arith.index_cast %get3A_796 : i32 to index
      %get3A_798 = arith.constant 0 : index
      %get3A_799 = tpu.vector_load %arg11[%get3A_797, %get3A_798] {strides = array<i32>} : memref<8x64xi32, #tpu.memory_space<vmem>>, vector<16xi32>,
      tpu.vector_store_idx %arg16[%get3A_799], %broadcast_in_dim3A_8 {add = true} : memref<10240xf32, #tpu.memory_space<vmem>>[vector<16xi32>], vector<16xf32>,
      %get3A_800 = arith.constant 7 : i32
      %get3A_801 = arith.index_cast %get3A_800 : i32 to index
      %get3A_802 = arith.constant 16 : index
      %get3A_803 = tpu.vector_load %arg11[%get3A_801, %get3A_802] {strides = array<i32>} : memref<8x64xi32, #tpu.memory_space<vmem>>, vector<16xi32>,
      tpu.vector_store_idx %arg16[%get3A_803], %broadcast_in_dim3A_8 {add = true} : memref<10240xf32, #tpu.memory_space<vmem>>[vector<16xi32>], vector<16xf32>,
      %get3A_804 = arith.constant 7 : i32
      %get3A_805 = arith.index_cast %get3A_804 : i32 to index
      %get3A_806 = arith.constant 32 : index
      %get3A_807 = tpu.vector_load %arg11[%get3A_805, %get3A_806] {strides = array<i32>} : memref<8x64xi32, #tpu.memory_space<vmem>>, vector<16xi32>,
      tpu.vector_store_idx %arg16[%get3A_807], %broadcast_in_dim3A_8 {add = true} : memref<10240xf32, #tpu.memory_space<vmem>>[vector<16xi32>], vector<16xf32>,
      %get3A_808 = arith.constant 7 : i32
      %get3A_809 = arith.index_cast %get3A_808 : i32 to index
      %get3A_810 = arith.constant 48 : index
      %get3A_811 = tpu.vector_load %arg11[%get3A_809, %get3A_810] {strides = array<i32>} : memref<8x64xi32, #tpu.memory_space<vmem>>, vector<16xi32>,
      tpu.vector_store_idx %arg16[%get3A_811], %broadcast_in_dim3A_8 {add = true} : memref<10240xf32, #tpu.memory_space<vmem>>[vector<16xi32>], vector<16xf32>,
      %lt3A_812 = arith.constant 9 : i32
      %lt3A_813 = arith.cmpi slt, %scan3A_80, %lt3A_812 : i32
      %convert_element_type3A_814 = arith.extui %lt3A_813 : i1 to i32
      %cond3A_815 = arith.constant 0 : i32
      %cond3A_816 = arith.cmpi ne, %convert_element_type3A_814, %cond3A_815 : i32
      scf.if %cond3A_816 {
        %dma_start3A_817 = arith.constant 1 : i32
        %dma_start3A_818 = arith.constant 0 : i32
        %dma_start3A_819 = tpu.memref_slice %arg8[%dma_start3A_817, %dma_start3A_818] : memref<8x64xi32, #tpu.memory_space<vmem>> -> memref<1x64xi32, #tpu.memory_space<vmem>>
        %dma_start3A_820 = tpu.memref_squeeze %dma_start3A_819 : memref<1x64xi32, #tpu.memory_space<vmem>> -> memref<64xi32, #tpu.memory_space<vmem>>
        %dma_start3A_821 = arith.constant 0 : i32
        %dma_start3A_822 = arith.constant 0 : i32
        %dma_start3A_823 = tpu.memref_slice %arg2[%dma_start3A_821, %dma_start3A_822] : memref<10240x128xf32, #tpu.memory_space<hbm>> -> memref<10240x128xf32, #tpu.memory_space<hbm>>
        tpu.enqueue_indirect_dma source(%dma_start3A_823 : memref<10240x128xf32, #tpu.memory_space<hbm>>) target(%arg13 : memref<64x128xf32, #tpu.memory_space<vmem>>) offsets(%dma_start3A_820 : memref<64xi32, #tpu.memory_space<vmem>>) semaphore(%arg21 : memref<!tpu.dma_semaphore, #tpu.memory_space<semaphore_mem>>)
      } else {
      }
    }
    %scan3A_62 = arith.constant 10 : i32
    %dma_wait3A_63 = arith.constant 6 : i32
    %dma_wait3A_64 = arith.constant 0 : i32
    %dma_wait3A_65 = tpu.memref_slice %arg11[%dma_wait3A_63, %dma_wait3A_64] : memref<8x64xi32, #tpu.memory_space<vmem>> -> memref<1x64xi32, #tpu.memory_space<vmem>>
    %dma_wait3A_66 = tpu.memref_squeeze %dma_wait3A_65 : memref<1x64xi32, #tpu.memory_space<vmem>> -> memref<64xi32, #tpu.memory_space<vmem>>
    %dma_wait3A_67 = arith.constant 0 : i32
    %dma_wait3A_68 = arith.constant 0 : i32
    %dma_wait3A_69 = tpu.memref_slice %arg17[%dma_wait3A_67, %dma_wait3A_68] : memref<10240x128xf32, #tpu.memory_space<vmem_shared>> -> memref<10240x128xf32, #tpu.memory_space<vmem_shared>>
    tpu.wait_indirect_dma semaphore(%arg26 : memref<!tpu.dma_semaphore, #tpu.memory_space<semaphore_mem>>) src(%arg14 : memref<64x128xf32, #tpu.memory_space<vmem>>) dst(%dma_wait3A_69 : memref<10240x128xf32, #tpu.memory_space<vmem_shared>>)
    %dma_wait3A_70 = arith.constant 7 : i32
    %dma_wait3A_71 = arith.constant 0 : i32
    %dma_wait3A_72 = tpu.memref_slice %arg11[%dma_wait3A_70, %dma_wait3A_71] : memref<8x64xi32, #tpu.memory_space<vmem>> -> memref<1x64xi32, #tpu.memory_space<vmem>>
    %dma_wait3A_73 = tpu.memref_squeeze %dma_wait3A_72 : memref<1x64xi32, #tpu.memory_space<vmem>> -> memref<64xi32, #tpu.memory_space<vmem>>
    %dma_wait3A_74 = arith.constant 0 : i32
    %dma_wait3A_75 = arith.constant 0 : i32
    %dma_wait3A_76 = tpu.memref_slice %arg17[%dma_wait3A_74, %dma_wait3A_75] : memref<10240x128xf32, #tpu.memory_space<vmem_shared>> -> memref<10240x128xf32, #tpu.memory_space<vmem_shared>>
    tpu.wait_indirect_dma semaphore(%arg27 : memref<!tpu.dma_semaphore, #tpu.memory_space<semaphore_mem>>) src(%arg15 : memref<64x128xf32, #tpu.memory_space<vmem>>) dst(%dma_wait3A_76 : memref<10240x128xf32, #tpu.memory_space<vmem_shared>>)
    %barrier3A_77 = arith.constant 0 : index
    tpu.barrier barrier_id(%barrier3A_77)
    "tpu.region"() ({
      %run_scoped3A = tpu.sem_alloc : memref<!tpu.dma_semaphore, #tpu.memory_space<semaphore_mem>>
      %dma_start3A_80 = arith.constant 0 : i32
      %dma_start3A_81 = tpu.memref_slice %arg6[%arg0, %mul3A_0, %dma_start3A_80] : memref<2x10240x128xf32, #tpu.memory_space<hbm>> -> memref<1x640x128xf32, #tpu.memory_space<hbm>>
      %dma_start3A_82 = tpu.memref_squeeze %dma_start3A_81 : memref<1x640x128xf32, #tpu.memory_space<hbm>> -> memref<640x128xf32, #tpu.memory_space<hbm>>
      %dma_start3A_83 = arith.constant 0 : i32
      %dma_start3A_84 = tpu.memref_slice %arg17[%mul3A_0, %dma_start3A_83] : memref<10240x128xf32, #tpu.memory_space<vmem_shared>> -> memref<640x128xf32, #tpu.memory_space<vmem_shared>>
      tpu.enqueue_dma source(%dma_start3A_84 : memref<640x128xf32, #tpu.memory_space<vmem_shared>>) target(%dma_start3A_82 : memref<640x128xf32, #tpu.memory_space<hbm>>) target_semaphore(%run_scoped3A : memref<!tpu.dma_semaphore, #tpu.memory_space<semaphore_mem>>)
      %dma_wait3A_85 = arith.constant 0 : i32
      %dma_wait3A_86 = tpu.memref_slice %arg6[%arg0, %mul3A_0, %dma_wait3A_85] : memref<2x10240x128xf32, #tpu.memory_space<hbm>> -> memref<1x640x128xf32, #tpu.memory_space<hbm>>
      %dma_wait3A_87 = tpu.memref_squeeze %dma_wait3A_86 : memref<1x640x128xf32, #tpu.memory_space<hbm>> -> memref<640x128xf32, #tpu.memory_space<hbm>>
      %dma_wait3A_88 = arith.constant 0 : i32
      %dma_wait3A_89 = tpu.memref_slice %arg17[%mul3A_0, %dma_wait3A_88] : memref<10240x128xf32, #tpu.memory_space<vmem_shared>> -> memref<640x128xf32, #tpu.memory_space<vmem_shared>>
      tpu.wait_dma2 semaphore(%run_scoped3A : memref<!tpu.dma_semaphore, #tpu.memory_space<semaphore_mem>>) src(%dma_wait3A_89 : memref<640x128xf32, #tpu.memory_space<vmem_shared>>) dst(%dma_wait3A_87 : memref<640x128xf32, #tpu.memory_space<hbm>>)
      tpu.yield
    }) : () -> ()
    %mul3A_78 = arith.constant 16 : i32
    %mul3A_79 = arith.muli %arg0, %mul3A_78 : i32
    %add3A = arith.addi %mul3A_79, %arg1 : i32
    "tpu.region"() ({
      %run_scoped3A = tpu.sem_alloc : memref<!tpu.dma_semaphore, #tpu.memory_space<semaphore_mem>>
      %dma_start3A_80 = arith.constant 0 : i32
      %dma_start3A_81 = tpu.memref_slice %arg7[%add3A, %dma_start3A_80] : memref<32x10240xf32, #tpu.memory_space<hbm>> -> memref<1x10240xf32, #tpu.memory_space<hbm>>
      %dma_start3A_82 = tpu.memref_squeeze %dma_start3A_81 : memref<1x10240xf32, #tpu.memory_space<hbm>> -> memref<10240xf32, #tpu.memory_space<hbm>>
      %dma_start3A_83 = arith.constant 0 : i32
      %dma_start3A_84 = tpu.memref_slice %arg7[%add3A, %dma_start3A_83] : memref<32x10240xf32, #tpu.memory_space<hbm>> -> memref<1x10240xf32, #tpu.memory_space<hbm>>
      %dma_start3A_85 = tpu.memref_squeeze %dma_start3A_84 : memref<1x10240xf32, #tpu.memory_space<hbm>> -> memref<10240xf32, #tpu.memory_space<hbm>>
      tpu.enqueue_dma source(%arg16 : memref<10240xf32, #tpu.memory_space<vmem>>) target(%dma_start3A_85 : memref<10240xf32, #tpu.memory_space<hbm>>) target_semaphore(%run_scoped3A : memref<!tpu.dma_semaphore, #tpu.memory_space<semaphore_mem>>)
      %dma_wait3A_86 = arith.constant 0 : i32
      %dma_wait3A_87 = tpu.memref_slice %arg7[%add3A, %dma_wait3A_86] : memref<32x10240xf32, #tpu.memory_space<hbm>> -> memref<1x10240xf32, #tpu.memory_space<hbm>>
      %dma_wait3A_88 = tpu.memref_squeeze %dma_wait3A_87 : memref<1x10240xf32, #tpu.memory_space<hbm>> -> memref<10240xf32, #tpu.memory_space<hbm>>
      %dma_wait3A_89 = arith.constant 0 : i32
      %dma_wait3A_90 = tpu.memref_slice %arg7[%add3A, %dma_wait3A_89] : memref<32x10240xf32, #tpu.memory_space<hbm>> -> memref<1x10240xf32, #tpu.memory_space<hbm>>
      %dma_wait3A_91 = tpu.memref_squeeze %dma_wait3A_90 : memref<1x10240xf32, #tpu.memory_space<hbm>> -> memref<10240xf32, #tpu.memory_space<hbm>>
      tpu.wait_dma2 semaphore(%run_scoped3A : memref<!tpu.dma_semaphore, #tpu.memory_space<semaphore_mem>>) src(%arg16 : memref<10240xf32, #tpu.memory_space<vmem>>) dst(%dma_wait3A_91 : memref<10240xf32, #tpu.memory_space<hbm>>)
      tpu.yield
    }) : () -> ()
    return
  }
}

#map = affine_map<(d0, d1) -> (0, 0)>
#map1 = affine_map<(d0, d1) -> (0, 0, 0, 0, 0)>
#map2 = affine_map<(d0, d1) -> (0, 0, 0)>
module attributes {stable_mosaic.version = 14 : i64} {
  func.func @sage_sc_agg_320_0(%arg0: i32, %arg1: i32, %arg2: memref<20480x128xf32, #tpu.memory_space<hbm>>, %arg3: memref<2x16x40x8x64xi32, #tpu.memory_space<hbm>>, %arg4: memref<2x16x40x8x64xi32, #tpu.memory_space<hbm>>, %arg5: memref<10240x128xf32, #tpu.memory_space<hbm>>, %arg6: memref<2x10240x128xf32, #tpu.memory_space<hbm>>, %arg7: memref<8x64xi32, #tpu.memory_space<vmem>>, %arg8: memref<8x64xi32, #tpu.memory_space<vmem>>, %arg9: memref<8x64xi32, #tpu.memory_space<vmem>>, %arg10: memref<8x64xi32, #tpu.memory_space<vmem>>, %arg11: memref<64x128xf32, #tpu.memory_space<vmem>>, %arg12: memref<64x128xf32, #tpu.memory_space<vmem>>, %arg13: memref<64x128xf32, #tpu.memory_space<vmem>>, %arg14: memref<64x128xf32, #tpu.memory_space<vmem>>, %arg15: memref<10240x128xf32, #tpu.memory_space<vmem_shared>>, %arg16: memref<!tpu.dma_semaphore, #tpu.memory_space<semaphore_mem>>, %arg17: memref<!tpu.dma_semaphore, #tpu.memory_space<semaphore_mem>>, %arg18: memref<!tpu.dma_semaphore, #tpu.memory_space<semaphore_mem>>, %arg19: memref<!tpu.dma_semaphore, #tpu.memory_space<semaphore_mem>>, %arg20: memref<!tpu.dma_semaphore, #tpu.memory_space<semaphore_mem>>, %arg21: memref<!tpu.dma_semaphore, #tpu.memory_space<semaphore_mem>>, %arg22: memref<!tpu.dma_semaphore, #tpu.memory_space<semaphore_mem>>, %arg23: memref<!tpu.dma_semaphore, #tpu.memory_space<semaphore_mem>>, %arg24: memref<!tpu.dma_semaphore, #tpu.memory_space<semaphore_mem>>, %arg25: memref<!tpu.dma_semaphore, #tpu.memory_space<semaphore_mem>>) attributes {dimension_semantics = [#tpu.dimension_semantics<core_parallel>, #tpu.dimension_semantics<subcore_parallel>], iteration_bounds = array<i64: 2, 16>, scalar_prefetch = 0 : i64, scratch_operands = 19 : i64, tpu.core_type = #tpu.core_type<sc_vector_subcore>, window_params = [{transform_indices = #map}, {transform_indices = #map1}, {transform_indices = #map1}, {transform_indices = #map}, {transform_indices = #map2}]} {
    %mul3A = arith.constant 640 : i32
    %mul3A_0 = arith.muli %arg1, %mul3A : i32
    "tpu.region"() ({
      %run_scoped3A = tpu.sem_alloc : memref<!tpu.dma_semaphore, #tpu.memory_space<semaphore_mem>>
      %dma_start3A_70 = arith.constant 0 : i32
      %dma_start3A_71 = tpu.memref_slice %arg15[%mul3A_0, %dma_start3A_70] : memref<10240x128xf32, #tpu.memory_space<vmem_shared>> -> memref<640x128xf32, #tpu.memory_space<vmem_shared>>
      %dma_start3A_72 = arith.constant 0 : i32
      %dma_start3A_73 = tpu.memref_slice %arg5[%mul3A_0, %dma_start3A_72] : memref<10240x128xf32, #tpu.memory_space<hbm>> -> memref<640x128xf32, #tpu.memory_space<hbm>>
      tpu.enqueue_dma source(%dma_start3A_73 : memref<640x128xf32, #tpu.memory_space<hbm>>) target(%dma_start3A_71 : memref<640x128xf32, #tpu.memory_space<vmem_shared>>) target_semaphore(%run_scoped3A : memref<!tpu.dma_semaphore, #tpu.memory_space<semaphore_mem>>)
      %dma_wait3A_74 = arith.constant 0 : i32
      %dma_wait3A_75 = tpu.memref_slice %arg15[%mul3A_0, %dma_wait3A_74] : memref<10240x128xf32, #tpu.memory_space<vmem_shared>> -> memref<640x128xf32, #tpu.memory_space<vmem_shared>>
      %dma_wait3A_76 = arith.constant 0 : i32
      %dma_wait3A_77 = tpu.memref_slice %arg5[%mul3A_0, %dma_wait3A_76] : memref<10240x128xf32, #tpu.memory_space<hbm>> -> memref<640x128xf32, #tpu.memory_space<hbm>>
      tpu.wait_dma2 semaphore(%run_scoped3A : memref<!tpu.dma_semaphore, #tpu.memory_space<semaphore_mem>>) src(%dma_wait3A_77 : memref<640x128xf32, #tpu.memory_space<hbm>>) dst(%dma_wait3A_75 : memref<640x128xf32, #tpu.memory_space<vmem_shared>>)
      tpu.yield
    }) : () -> ()
    %barrier3A = arith.constant 0 : index
    tpu.barrier barrier_id(%barrier3A)
    %broadcast_in_dim3A = arith.constant 1.000000e+00 : f32
    %broadcast_in_dim3A_1 = vector.broadcast %broadcast_in_dim3A : f32 to vector<16xf32>
    %dma_start3A = arith.constant 0 : i32
    %dma_start3A_2 = arith.constant 0 : i32
    %dma_start3A_3 = arith.constant 0 : i32
    %dma_start3A_4 = tpu.memref_slice %arg3[%arg0, %arg1, %dma_start3A, %dma_start3A_2, %dma_start3A_3] : memref<2x16x40x8x64xi32, #tpu.memory_space<hbm>> -> memref<1x1x1x8x64xi32, #tpu.memory_space<hbm>>
    %dma_start3A_5 = tpu.memref_squeeze %dma_start3A_4 : memref<1x1x1x8x64xi32, #tpu.memory_space<hbm>> -> memref<8x64xi32, #tpu.memory_space<hbm>>
    %dma_start3A_6 = arith.constant 0 : i32
    %dma_start3A_7 = arith.constant 0 : i32
    %dma_start3A_8 = tpu.memref_slice %arg3[%arg0, %arg1, %dma_start3A, %dma_start3A_6, %dma_start3A_7] : memref<2x16x40x8x64xi32, #tpu.memory_space<hbm>> -> memref<1x1x1x8x64xi32, #tpu.memory_space<hbm>>
    %dma_start3A_9 = tpu.memref_squeeze %dma_start3A_8 : memref<1x1x1x8x64xi32, #tpu.memory_space<hbm>> -> memref<8x64xi32, #tpu.memory_space<hbm>>
    tpu.enqueue_dma source(%dma_start3A_9 : memref<8x64xi32, #tpu.memory_space<hbm>>) target(%arg7 : memref<8x64xi32, #tpu.memory_space<vmem>>) target_semaphore(%arg16 : memref<!tpu.dma_semaphore, #tpu.memory_space<semaphore_mem>>)
    %dma_start3A_10 = arith.constant 0 : i32
    %dma_start3A_11 = arith.constant 0 : i32
    %dma_start3A_12 = arith.constant 0 : i32
    %dma_start3A_13 = tpu.memref_slice %arg4[%arg0, %arg1, %dma_start3A_10, %dma_start3A_11, %dma_start3A_12] : memref<2x16x40x8x64xi32, #tpu.memory_space<hbm>> -> memref<1x1x1x8x64xi32, #tpu.memory_space<hbm>>
    %dma_start3A_14 = tpu.memref_squeeze %dma_start3A_13 : memref<1x1x1x8x64xi32, #tpu.memory_space<hbm>> -> memref<8x64xi32, #tpu.memory_space<hbm>>
    %dma_start3A_15 = arith.constant 0 : i32
    %dma_start3A_16 = arith.constant 0 : i32
    %dma_start3A_17 = tpu.memref_slice %arg4[%arg0, %arg1, %dma_start3A_10, %dma_start3A_15, %dma_start3A_16] : memref<2x16x40x8x64xi32, #tpu.memory_space<hbm>> -> memref<1x1x1x8x64xi32, #tpu.memory_space<hbm>>
    %dma_start3A_18 = tpu.memref_squeeze %dma_start3A_17 : memref<1x1x1x8x64xi32, #tpu.memory_space<hbm>> -> memref<8x64xi32, #tpu.memory_space<hbm>>
    tpu.enqueue_dma source(%dma_start3A_18 : memref<8x64xi32, #tpu.memory_space<hbm>>) target(%arg8 : memref<8x64xi32, #tpu.memory_space<vmem>>) target_semaphore(%arg16 : memref<!tpu.dma_semaphore, #tpu.memory_space<semaphore_mem>>)
    %dma_wait3A = arith.constant 0 : i32
    %dma_wait3A_19 = arith.constant 0 : i32
    %dma_wait3A_20 = arith.constant 0 : i32
    %dma_wait3A_21 = tpu.memref_slice %arg3[%arg0, %arg1, %dma_wait3A, %dma_wait3A_19, %dma_wait3A_20] : memref<2x16x40x8x64xi32, #tpu.memory_space<hbm>> -> memref<1x1x1x8x64xi32, #tpu.memory_space<hbm>>
    %dma_wait3A_22 = tpu.memref_squeeze %dma_wait3A_21 : memref<1x1x1x8x64xi32, #tpu.memory_space<hbm>> -> memref<8x64xi32, #tpu.memory_space<hbm>>
    %dma_wait3A_23 = arith.constant 0 : i32
    %dma_wait3A_24 = arith.constant 0 : i32
    %dma_wait3A_25 = tpu.memref_slice %arg3[%arg0, %arg1, %dma_wait3A, %dma_wait3A_23, %dma_wait3A_24] : memref<2x16x40x8x64xi32, #tpu.memory_space<hbm>> -> memref<1x1x1x8x64xi32, #tpu.memory_space<hbm>>
    %dma_wait3A_26 = tpu.memref_squeeze %dma_wait3A_25 : memref<1x1x1x8x64xi32, #tpu.memory_space<hbm>> -> memref<8x64xi32, #tpu.memory_space<hbm>>
    tpu.wait_dma2 semaphore(%arg16 : memref<!tpu.dma_semaphore, #tpu.memory_space<semaphore_mem>>) src(%dma_wait3A_26 : memref<8x64xi32, #tpu.memory_space<hbm>>) dst(%arg7 : memref<8x64xi32, #tpu.memory_space<vmem>>)
    %dma_wait3A_27 = arith.constant 0 : i32
    %dma_wait3A_28 = arith.constant 0 : i32
    %dma_wait3A_29 = arith.constant 0 : i32
    %dma_wait3A_30 = tpu.memref_slice %arg4[%arg0, %arg1, %dma_wait3A_27, %dma_wait3A_28, %dma_wait3A_29] : memref<2x16x40x8x64xi32, #tpu.memory_space<hbm>> -> memref<1x1x1x8x64xi32, #tpu.memory_space<hbm>>
    %dma_wait3A_31 = tpu.memref_squeeze %dma_wait3A_30 : memref<1x1x1x8x64xi32, #tpu.memory_space<hbm>> -> memref<8x64xi32, #tpu.memory_space<hbm>>
    %dma_wait3A_32 = arith.constant 0 : i32
    %dma_wait3A_33 = arith.constant 0 : i32
    %dma_wait3A_34 = tpu.memref_slice %arg4[%arg0, %arg1, %dma_wait3A_27, %dma_wait3A_32, %dma_wait3A_33] : memref<2x16x40x8x64xi32, #tpu.memory_space<hbm>> -> memref<1x1x1x8x64xi32, #tpu.memory_space<hbm>>
    %dma_wait3A_35 = tpu.memref_squeeze %dma_wait3A_34 : memref<1x1x1x8x64xi32, #tpu.memory_space<hbm>> -> memref<8x64xi32, #tpu.memory_space<hbm>>
    tpu.wait_dma2 semaphore(%arg16 : memref<!tpu.dma_semaphore, #tpu.memory_space<semaphore_mem>>) src(%dma_wait3A_35 : memref<8x64xi32, #tpu.memory_space<hbm>>) dst(%arg8 : memref<8x64xi32, #tpu.memory_space<vmem>>)
    %dma_start3A_36 = arith.constant 0 : i32
    %dma_start3A_37 = arith.constant 0 : i32
    %dma_start3A_38 = tpu.memref_slice %arg7[%dma_start3A_36, %dma_start3A_37] : memref<8x64xi32, #tpu.memory_space<vmem>> -> memref<1x64xi32, #tpu.memory_space<vmem>>
    %dma_start3A_39 = tpu.memref_squeeze %dma_start3A_38 : memref<1x64xi32, #tpu.memory_space<vmem>> -> memref<64xi32, #tpu.memory_space<vmem>>
    %dma_start3A_40 = arith.constant 0 : i32
    %dma_start3A_41 = arith.constant 0 : i32
    %dma_start3A_42 = tpu.memref_slice %arg2[%dma_start3A_40, %dma_start3A_41] : memref<20480x128xf32, #tpu.memory_space<hbm>> -> memref<20480x128xf32, #tpu.memory_space<hbm>>
    tpu.enqueue_indirect_dma source(%dma_start3A_42 : memref<20480x128xf32, #tpu.memory_space<hbm>>) target(%arg11 : memref<64x128xf32, #tpu.memory_space<vmem>>) offsets(%dma_start3A_39 : memref<64xi32, #tpu.memory_space<vmem>>) semaphore(%arg18 : memref<!tpu.dma_semaphore, #tpu.memory_space<semaphore_mem>>)
    %dma_start3A_43 = arith.constant 1 : i32
    %dma_start3A_44 = arith.constant 0 : i32
    %dma_start3A_45 = tpu.memref_slice %arg7[%dma_start3A_43, %dma_start3A_44] : memref<8x64xi32, #tpu.memory_space<vmem>> -> memref<1x64xi32, #tpu.memory_space<vmem>>
    %dma_start3A_46 = tpu.memref_squeeze %dma_start3A_45 : memref<1x64xi32, #tpu.memory_space<vmem>> -> memref<64xi32, #tpu.memory_space<vmem>>
    %dma_start3A_47 = arith.constant 0 : i32
    %dma_start3A_48 = arith.constant 0 : i32
    %dma_start3A_49 = tpu.memref_slice %arg2[%dma_start3A_47, %dma_start3A_48] : memref<20480x128xf32, #tpu.memory_space<hbm>> -> memref<20480x128xf32, #tpu.memory_space<hbm>>
    tpu.enqueue_indirect_dma source(%dma_start3A_49 : memref<20480x128xf32, #tpu.memory_space<hbm>>) target(%arg12 : memref<64x128xf32, #tpu.memory_space<vmem>>) offsets(%dma_start3A_46 : memref<64xi32, #tpu.memory_space<vmem>>) semaphore(%arg19 : memref<!tpu.dma_semaphore, #tpu.memory_space<semaphore_mem>>)
    %scan3A = arith.constant 0 : i32
    %scan3A_50 = arith.constant 0 : i32
    %scan3A_51 = arith.constant 20 : i32
    %scan3A_52 = arith.addi %scan3A_50, %scan3A_51 : i32
    %scan3A_53 = arith.constant 1 : i32
    scf.for %scan3A_70 = %scan3A_50 to %scan3A_52 step %scan3A_53  : i32 {
      %dma_wait3A_71 = arith.constant 0 : i32
      %dma_wait3A_72 = arith.constant 0 : i32
      %dma_wait3A_73 = tpu.memref_slice %arg7[%dma_wait3A_71, %dma_wait3A_72] : memref<8x64xi32, #tpu.memory_space<vmem>> -> memref<1x64xi32, #tpu.memory_space<vmem>>
      %dma_wait3A_74 = tpu.memref_squeeze %dma_wait3A_73 : memref<1x64xi32, #tpu.memory_space<vmem>> -> memref<64xi32, #tpu.memory_space<vmem>>
      %dma_wait3A_75 = arith.constant 0 : i32
      %dma_wait3A_76 = arith.constant 0 : i32
      %dma_wait3A_77 = tpu.memref_slice %arg2[%dma_wait3A_75, %dma_wait3A_76] : memref<20480x128xf32, #tpu.memory_space<hbm>> -> memref<20480x128xf32, #tpu.memory_space<hbm>>
      tpu.wait_indirect_dma semaphore(%arg18 : memref<!tpu.dma_semaphore, #tpu.memory_space<semaphore_mem>>) src(%dma_wait3A_77 : memref<20480x128xf32, #tpu.memory_space<hbm>>) dst(%arg11 : memref<64x128xf32, #tpu.memory_space<vmem>>)
      %gt3A = arith.constant 0 : i32
      %gt3A_78 = arith.cmpi sgt, %scan3A_70, %gt3A : i32
      %convert_element_type3A = arith.extui %gt3A_78 : i1 to i32
      %cond3A = arith.constant 0 : i32
      %cond3A_79 = arith.cmpi ne, %convert_element_type3A, %cond3A : i32
      scf.if %cond3A_79 {
        %dma_wait3A_551 = arith.constant 6 : i32
        %dma_wait3A_552 = arith.constant 0 : i32
        %dma_wait3A_553 = tpu.memref_slice %arg10[%dma_wait3A_551, %dma_wait3A_552] : memref<8x64xi32, #tpu.memory_space<vmem>> -> memref<1x64xi32, #tpu.memory_space<vmem>>
        %dma_wait3A_554 = tpu.memref_squeeze %dma_wait3A_553 : memref<1x64xi32, #tpu.memory_space<vmem>> -> memref<64xi32, #tpu.memory_space<vmem>>
        %dma_wait3A_555 = arith.constant 0 : i32
        %dma_wait3A_556 = arith.constant 0 : i32
        %dma_wait3A_557 = tpu.memref_slice %arg15[%dma_wait3A_555, %dma_wait3A_556] : memref<10240x128xf32, #tpu.memory_space<vmem_shared>> -> memref<10240x128xf32, #tpu.memory_space<vmem_shared>>
        tpu.wait_indirect_dma semaphore(%arg24 : memref<!tpu.dma_semaphore, #tpu.memory_space<semaphore_mem>>) src(%arg13 : memref<64x128xf32, #tpu.memory_space<vmem>>) dst(%dma_wait3A_557 : memref<10240x128xf32, #tpu.memory_space<vmem_shared>>)
      } else {
      }
      %dma_start3A_80 = arith.constant 0 : i32
      %dma_start3A_81 = arith.constant 0 : i32
      %dma_start3A_82 = tpu.memref_slice %arg8[%dma_start3A_80, %dma_start3A_81] : memref<8x64xi32, #tpu.memory_space<vmem>> -> memref<1x64xi32, #tpu.memory_space<vmem>>
      %dma_start3A_83 = tpu.memref_squeeze %dma_start3A_82 : memref<1x64xi32, #tpu.memory_space<vmem>> -> memref<64xi32, #tpu.memory_space<vmem>>
      %dma_start3A_84 = arith.constant 0 : i32
      %dma_start3A_85 = arith.constant 0 : i32
      %dma_start3A_86 = tpu.memref_slice %arg15[%dma_start3A_84, %dma_start3A_85] : memref<10240x128xf32, #tpu.memory_space<vmem_shared>> -> memref<10240x128xf32, #tpu.memory_space<vmem_shared>>
      tpu.enqueue_indirect_dma source(%arg11 : memref<64x128xf32, #tpu.memory_space<vmem>>) target(%dma_start3A_86 : memref<10240x128xf32, #tpu.memory_space<vmem_shared>>) offsets(%dma_start3A_83 : memref<64xi32, #tpu.memory_space<vmem>>) semaphore(%arg22 : memref<!tpu.dma_semaphore, #tpu.memory_space<semaphore_mem>>) {add = true}
      %dma_start3A_87 = arith.constant 2 : i32
      %dma_start3A_88 = arith.constant 0 : i32
      %dma_start3A_89 = tpu.memref_slice %arg7[%dma_start3A_87, %dma_start3A_88] : memref<8x64xi32, #tpu.memory_space<vmem>> -> memref<1x64xi32, #tpu.memory_space<vmem>>
      %dma_start3A_90 = tpu.memref_squeeze %dma_start3A_89 : memref<1x64xi32, #tpu.memory_space<vmem>> -> memref<64xi32, #tpu.memory_space<vmem>>
      %dma_start3A_91 = arith.constant 0 : i32
      %dma_start3A_92 = arith.constant 0 : i32
      %dma_start3A_93 = tpu.memref_slice %arg2[%dma_start3A_91, %dma_start3A_92] : memref<20480x128xf32, #tpu.memory_space<hbm>> -> memref<20480x128xf32, #tpu.memory_space<hbm>>
      tpu.enqueue_indirect_dma source(%dma_start3A_93 : memref<20480x128xf32, #tpu.memory_space<hbm>>) target(%arg13 : memref<64x128xf32, #tpu.memory_space<vmem>>) offsets(%dma_start3A_90 : memref<64xi32, #tpu.memory_space<vmem>>) semaphore(%arg20 : memref<!tpu.dma_semaphore, #tpu.memory_space<semaphore_mem>>)
      %dma_wait3A_94 = arith.constant 1 : i32
      %dma_wait3A_95 = arith.constant 0 : i32
      %dma_wait3A_96 = tpu.memref_slice %arg7[%dma_wait3A_94, %dma_wait3A_95] : memref<8x64xi32, #tpu.memory_space<vmem>> -> memref<1x64xi32, #tpu.memory_space<vmem>>
      %dma_wait3A_97 = tpu.memref_squeeze %dma_wait3A_96 : memref<1x64xi32, #tpu.memory_space<vmem>> -> memref<64xi32, #tpu.memory_space<vmem>>
      %dma_wait3A_98 = arith.constant 0 : i32
      %dma_wait3A_99 = arith.constant 0 : i32
      %dma_wait3A_100 = tpu.memref_slice %arg2[%dma_wait3A_98, %dma_wait3A_99] : memref<20480x128xf32, #tpu.memory_space<hbm>> -> memref<20480x128xf32, #tpu.memory_space<hbm>>
      tpu.wait_indirect_dma semaphore(%arg19 : memref<!tpu.dma_semaphore, #tpu.memory_space<semaphore_mem>>) src(%dma_wait3A_100 : memref<20480x128xf32, #tpu.memory_space<hbm>>) dst(%arg12 : memref<64x128xf32, #tpu.memory_space<vmem>>)
      %gt3A_101 = arith.constant 0 : i32
      %gt3A_102 = arith.cmpi sgt, %scan3A_70, %gt3A_101 : i32
      %convert_element_type3A_103 = arith.extui %gt3A_102 : i1 to i32
      %cond3A_104 = arith.constant 0 : i32
      %cond3A_105 = arith.cmpi ne, %convert_element_type3A_103, %cond3A_104 : i32
      scf.if %cond3A_105 {
        %dma_wait3A_551 = arith.constant 7 : i32
        %dma_wait3A_552 = arith.constant 0 : i32
        %dma_wait3A_553 = tpu.memref_slice %arg10[%dma_wait3A_551, %dma_wait3A_552] : memref<8x64xi32, #tpu.memory_space<vmem>> -> memref<1x64xi32, #tpu.memory_space<vmem>>
        %dma_wait3A_554 = tpu.memref_squeeze %dma_wait3A_553 : memref<1x64xi32, #tpu.memory_space<vmem>> -> memref<64xi32, #tpu.memory_space<vmem>>
        %dma_wait3A_555 = arith.constant 0 : i32
        %dma_wait3A_556 = arith.constant 0 : i32
        %dma_wait3A_557 = tpu.memref_slice %arg15[%dma_wait3A_555, %dma_wait3A_556] : memref<10240x128xf32, #tpu.memory_space<vmem_shared>> -> memref<10240x128xf32, #tpu.memory_space<vmem_shared>>
        tpu.wait_indirect_dma semaphore(%arg25 : memref<!tpu.dma_semaphore, #tpu.memory_space<semaphore_mem>>) src(%arg14 : memref<64x128xf32, #tpu.memory_space<vmem>>) dst(%dma_wait3A_557 : memref<10240x128xf32, #tpu.memory_space<vmem_shared>>)
      } else {
      }
      %dma_start3A_106 = arith.constant 1 : i32
      %dma_start3A_107 = arith.constant 0 : i32
      %dma_start3A_108 = tpu.memref_slice %arg8[%dma_start3A_106, %dma_start3A_107] : memref<8x64xi32, #tpu.memory_space<vmem>> -> memref<1x64xi32, #tpu.memory_space<vmem>>
      %dma_start3A_109 = tpu.memref_squeeze %dma_start3A_108 : memref<1x64xi32, #tpu.memory_space<vmem>> -> memref<64xi32, #tpu.memory_space<vmem>>
      %dma_start3A_110 = arith.constant 0 : i32
      %dma_start3A_111 = arith.constant 0 : i32
      %dma_start3A_112 = tpu.memref_slice %arg15[%dma_start3A_110, %dma_start3A_111] : memref<10240x128xf32, #tpu.memory_space<vmem_shared>> -> memref<10240x128xf32, #tpu.memory_space<vmem_shared>>
      tpu.enqueue_indirect_dma source(%arg12 : memref<64x128xf32, #tpu.memory_space<vmem>>) target(%dma_start3A_112 : memref<10240x128xf32, #tpu.memory_space<vmem_shared>>) offsets(%dma_start3A_109 : memref<64xi32, #tpu.memory_space<vmem>>) semaphore(%arg23 : memref<!tpu.dma_semaphore, #tpu.memory_space<semaphore_mem>>) {add = true}
      %mul3A_113 = arith.constant 2 : i32
      %mul3A_114 = arith.muli %mul3A_113, %scan3A_70 : i32
      %add3A = arith.constant 1 : i32
      %add3A_115 = arith.addi %mul3A_114, %add3A : i32
      %dma_start3A_116 = arith.constant 0 : i32
      %dma_start3A_117 = arith.constant 0 : i32
      %dma_start3A_118 = tpu.memref_slice %arg3[%arg0, %arg1, %add3A_115, %dma_start3A_116, %dma_start3A_117] : memref<2x16x40x8x64xi32, #tpu.memory_space<hbm>> -> memref<1x1x1x8x64xi32, #tpu.memory_space<hbm>>
      %dma_start3A_119 = tpu.memref_squeeze %dma_start3A_118 : memref<1x1x1x8x64xi32, #tpu.memory_space<hbm>> -> memref<8x64xi32, #tpu.memory_space<hbm>>
      %dma_start3A_120 = arith.constant 0 : i32
      %dma_start3A_121 = arith.constant 0 : i32
      %dma_start3A_122 = tpu.memref_slice %arg3[%arg0, %arg1, %add3A_115, %dma_start3A_120, %dma_start3A_121] : memref<2x16x40x8x64xi32, #tpu.memory_space<hbm>> -> memref<1x1x1x8x64xi32, #tpu.memory_space<hbm>>
      %dma_start3A_123 = tpu.memref_squeeze %dma_start3A_122 : memref<1x1x1x8x64xi32, #tpu.memory_space<hbm>> -> memref<8x64xi32, #tpu.memory_space<hbm>>
      tpu.enqueue_dma source(%dma_start3A_123 : memref<8x64xi32, #tpu.memory_space<hbm>>) target(%arg9 : memref<8x64xi32, #tpu.memory_space<vmem>>) target_semaphore(%arg17 : memref<!tpu.dma_semaphore, #tpu.memory_space<semaphore_mem>>)
      %dma_start3A_124 = arith.constant 0 : i32
      %dma_start3A_125 = arith.constant 0 : i32
      %dma_start3A_126 = tpu.memref_slice %arg4[%arg0, %arg1, %add3A_115, %dma_start3A_124, %dma_start3A_125] : memref<2x16x40x8x64xi32, #tpu.memory_space<hbm>> -> memref<1x1x1x8x64xi32, #tpu.memory_space<hbm>>
      %dma_start3A_127 = tpu.memref_squeeze %dma_start3A_126 : memref<1x1x1x8x64xi32, #tpu.memory_space<hbm>> -> memref<8x64xi32, #tpu.memory_space<hbm>>
      %dma_start3A_128 = arith.constant 0 : i32
      %dma_start3A_129 = arith.constant 0 : i32
      %dma_start3A_130 = tpu.memref_slice %arg4[%arg0, %arg1, %add3A_115, %dma_start3A_128, %dma_start3A_129] : memref<2x16x40x8x64xi32, #tpu.memory_space<hbm>> -> memref<1x1x1x8x64xi32, #tpu.memory_space<hbm>>
      %dma_start3A_131 = tpu.memref_squeeze %dma_start3A_130 : memref<1x1x1x8x64xi32, #tpu.memory_space<hbm>> -> memref<8x64xi32, #tpu.memory_space<hbm>>
      tpu.enqueue_dma source(%dma_start3A_131 : memref<8x64xi32, #tpu.memory_space<hbm>>) target(%arg10 : memref<8x64xi32, #tpu.memory_space<vmem>>) target_semaphore(%arg17 : memref<!tpu.dma_semaphore, #tpu.memory_space<semaphore_mem>>)
      %dma_start3A_132 = arith.constant 3 : i32
      %dma_start3A_133 = arith.constant 0 : i32
      %dma_start3A_134 = tpu.memref_slice %arg7[%dma_start3A_132, %dma_start3A_133] : memref<8x64xi32, #tpu.memory_space<vmem>> -> memref<1x64xi32, #tpu.memory_space<vmem>>
      %dma_start3A_135 = tpu.memref_squeeze %dma_start3A_134 : memref<1x64xi32, #tpu.memory_space<vmem>> -> memref<64xi32, #tpu.memory_space<vmem>>
      %dma_start3A_136 = arith.constant 0 : i32
      %dma_start3A_137 = arith.constant 0 : i32
      %dma_start3A_138 = tpu.memref_slice %arg2[%dma_start3A_136, %dma_start3A_137] : memref<20480x128xf32, #tpu.memory_space<hbm>> -> memref<20480x128xf32, #tpu.memory_space<hbm>>
      tpu.enqueue_indirect_dma source(%dma_start3A_138 : memref<20480x128xf32, #tpu.memory_space<hbm>>) target(%arg14 : memref<64x128xf32, #tpu.memory_space<vmem>>) offsets(%dma_start3A_135 : memref<64xi32, #tpu.memory_space<vmem>>) semaphore(%arg21 : memref<!tpu.dma_semaphore, #tpu.memory_space<semaphore_mem>>)
      %dma_wait3A_139 = arith.constant 2 : i32
      %dma_wait3A_140 = arith.constant 0 : i32
      %dma_wait3A_141 = tpu.memref_slice %arg7[%dma_wait3A_139, %dma_wait3A_140] : memref<8x64xi32, #tpu.memory_space<vmem>> -> memref<1x64xi32, #tpu.memory_space<vmem>>
      %dma_wait3A_142 = tpu.memref_squeeze %dma_wait3A_141 : memref<1x64xi32, #tpu.memory_space<vmem>> -> memref<64xi32, #tpu.memory_space<vmem>>
      %dma_wait3A_143 = arith.constant 0 : i32
      %dma_wait3A_144 = arith.constant 0 : i32
      %dma_wait3A_145 = tpu.memref_slice %arg2[%dma_wait3A_143, %dma_wait3A_144] : memref<20480x128xf32, #tpu.memory_space<hbm>> -> memref<20480x128xf32, #tpu.memory_space<hbm>>
      tpu.wait_indirect_dma semaphore(%arg20 : memref<!tpu.dma_semaphore, #tpu.memory_space<semaphore_mem>>) src(%dma_wait3A_145 : memref<20480x128xf32, #tpu.memory_space<hbm>>) dst(%arg13 : memref<64x128xf32, #tpu.memory_space<vmem>>)
      %dma_wait3A_146 = arith.constant 0 : i32
      %dma_wait3A_147 = arith.constant 0 : i32
      %dma_wait3A_148 = tpu.memref_slice %arg8[%dma_wait3A_146, %dma_wait3A_147] : memref<8x64xi32, #tpu.memory_space<vmem>> -> memref<1x64xi32, #tpu.memory_space<vmem>>
      %dma_wait3A_149 = tpu.memref_squeeze %dma_wait3A_148 : memref<1x64xi32, #tpu.memory_space<vmem>> -> memref<64xi32, #tpu.memory_space<vmem>>
      %dma_wait3A_150 = arith.constant 0 : i32
      %dma_wait3A_151 = arith.constant 0 : i32
      %dma_wait3A_152 = tpu.memref_slice %arg15[%dma_wait3A_150, %dma_wait3A_151] : memref<10240x128xf32, #tpu.memory_space<vmem_shared>> -> memref<10240x128xf32, #tpu.memory_space<vmem_shared>>
      tpu.wait_indirect_dma semaphore(%arg22 : memref<!tpu.dma_semaphore, #tpu.memory_space<semaphore_mem>>) src(%arg11 : memref<64x128xf32, #tpu.memory_space<vmem>>) dst(%dma_wait3A_152 : memref<10240x128xf32, #tpu.memory_space<vmem_shared>>)
      %dma_start3A_153 = arith.constant 2 : i32
      %dma_start3A_154 = arith.constant 0 : i32
      %dma_start3A_155 = tpu.memref_slice %arg8[%dma_start3A_153, %dma_start3A_154] : memref<8x64xi32, #tpu.memory_space<vmem>> -> memref<1x64xi32, #tpu.memory_space<vmem>>
      %dma_start3A_156 = tpu.memref_squeeze %dma_start3A_155 : memref<1x64xi32, #tpu.memory_space<vmem>> -> memref<64xi32, #tpu.memory_space<vmem>>
      %dma_start3A_157 = arith.constant 0 : i32
      %dma_start3A_158 = arith.constant 0 : i32
      %dma_start3A_159 = tpu.memref_slice %arg15[%dma_start3A_157, %dma_start3A_158] : memref<10240x128xf32, #tpu.memory_space<vmem_shared>> -> memref<10240x128xf32, #tpu.memory_space<vmem_shared>>
      tpu.enqueue_indirect_dma source(%arg13 : memref<64x128xf32, #tpu.memory_space<vmem>>) target(%dma_start3A_159 : memref<10240x128xf32, #tpu.memory_space<vmem_shared>>) offsets(%dma_start3A_156 : memref<64xi32, #tpu.memory_space<vmem>>) semaphore(%arg24 : memref<!tpu.dma_semaphore, #tpu.memory_space<semaphore_mem>>) {add = true}
      %dma_start3A_160 = arith.constant 4 : i32
      %dma_start3A_161 = arith.constant 0 : i32
      %dma_start3A_162 = tpu.memref_slice %arg7[%dma_start3A_160, %dma_start3A_161] : memref<8x64xi32, #tpu.memory_space<vmem>> -> memref<1x64xi32, #tpu.memory_space<vmem>>
      %dma_start3A_163 = tpu.memref_squeeze %dma_start3A_162 : memref<1x64xi32, #tpu.memory_space<vmem>> -> memref<64xi32, #tpu.memory_space<vmem>>
      %dma_start3A_164 = arith.constant 0 : i32
      %dma_start3A_165 = arith.constant 0 : i32
      %dma_start3A_166 = tpu.memref_slice %arg2[%dma_start3A_164, %dma_start3A_165] : memref<20480x128xf32, #tpu.memory_space<hbm>> -> memref<20480x128xf32, #tpu.memory_space<hbm>>
      tpu.enqueue_indirect_dma source(%dma_start3A_166 : memref<20480x128xf32, #tpu.memory_space<hbm>>) target(%arg11 : memref<64x128xf32, #tpu.memory_space<vmem>>) offsets(%dma_start3A_163 : memref<64xi32, #tpu.memory_space<vmem>>) semaphore(%arg18 : memref<!tpu.dma_semaphore, #tpu.memory_space<semaphore_mem>>)
      %dma_wait3A_167 = arith.constant 3 : i32
      %dma_wait3A_168 = arith.constant 0 : i32
      %dma_wait3A_169 = tpu.memref_slice %arg7[%dma_wait3A_167, %dma_wait3A_168] : memref<8x64xi32, #tpu.memory_space<vmem>> -> memref<1x64xi32, #tpu.memory_space<vmem>>
      %dma_wait3A_170 = tpu.memref_squeeze %dma_wait3A_169 : memref<1x64xi32, #tpu.memory_space<vmem>> -> memref<64xi32, #tpu.memory_space<vmem>>
      %dma_wait3A_171 = arith.constant 0 : i32
      %dma_wait3A_172 = arith.constant 0 : i32
      %dma_wait3A_173 = tpu.memref_slice %arg2[%dma_wait3A_171, %dma_wait3A_172] : memref<20480x128xf32, #tpu.memory_space<hbm>> -> memref<20480x128xf32, #tpu.memory_space<hbm>>
      tpu.wait_indirect_dma semaphore(%arg21 : memref<!tpu.dma_semaphore, #tpu.memory_space<semaphore_mem>>) src(%dma_wait3A_173 : memref<20480x128xf32, #tpu.memory_space<hbm>>) dst(%arg14 : memref<64x128xf32, #tpu.memory_space<vmem>>)
      %dma_wait3A_174 = arith.constant 1 : i32
      %dma_wait3A_175 = arith.constant 0 : i32
      %dma_wait3A_176 = tpu.memref_slice %arg8[%dma_wait3A_174, %dma_wait3A_175] : memref<8x64xi32, #tpu.memory_space<vmem>> -> memref<1x64xi32, #tpu.memory_space<vmem>>
      %dma_wait3A_177 = tpu.memref_squeeze %dma_wait3A_176 : memref<1x64xi32, #tpu.memory_space<vmem>> -> memref<64xi32, #tpu.memory_space<vmem>>
      %dma_wait3A_178 = arith.constant 0 : i32
      %dma_wait3A_179 = arith.constant 0 : i32
      %dma_wait3A_180 = tpu.memref_slice %arg15[%dma_wait3A_178, %dma_wait3A_179] : memref<10240x128xf32, #tpu.memory_space<vmem_shared>> -> memref<10240x128xf32, #tpu.memory_space<vmem_shared>>
      tpu.wait_indirect_dma semaphore(%arg23 : memref<!tpu.dma_semaphore, #tpu.memory_space<semaphore_mem>>) src(%arg12 : memref<64x128xf32, #tpu.memory_space<vmem>>) dst(%dma_wait3A_180 : memref<10240x128xf32, #tpu.memory_space<vmem_shared>>)
      %dma_start3A_181 = arith.constant 3 : i32
      %dma_start3A_182 = arith.constant 0 : i32
      %dma_start3A_183 = tpu.memref_slice %arg8[%dma_start3A_181, %dma_start3A_182] : memref<8x64xi32, #tpu.memory_space<vmem>> -> memref<1x64xi32, #tpu.memory_space<vmem>>
      %dma_start3A_184 = tpu.memref_squeeze %dma_start3A_183 : memref<1x64xi32, #tpu.memory_space<vmem>> -> memref<64xi32, #tpu.memory_space<vmem>>
      %dma_start3A_185 = arith.constant 0 : i32
      %dma_start3A_186 = arith.constant 0 : i32
      %dma_start3A_187 = tpu.memref_slice %arg15[%dma_start3A_185, %dma_start3A_186] : memref<10240x128xf32, #tpu.memory_space<vmem_shared>> -> memref<10240x128xf32, #tpu.memory_space<vmem_shared>>
      tpu.enqueue_indirect_dma source(%arg14 : memref<64x128xf32, #tpu.memory_space<vmem>>) target(%dma_start3A_187 : memref<10240x128xf32, #tpu.memory_space<vmem_shared>>) offsets(%dma_start3A_184 : memref<64xi32, #tpu.memory_space<vmem>>) semaphore(%arg25 : memref<!tpu.dma_semaphore, #tpu.memory_space<semaphore_mem>>) {add = true}
      %dma_start3A_188 = arith.constant 5 : i32
      %dma_start3A_189 = arith.constant 0 : i32
      %dma_start3A_190 = tpu.memref_slice %arg7[%dma_start3A_188, %dma_start3A_189] : memref<8x64xi32, #tpu.memory_space<vmem>> -> memref<1x64xi32, #tpu.memory_space<vmem>>
      %dma_start3A_191 = tpu.memref_squeeze %dma_start3A_190 : memref<1x64xi32, #tpu.memory_space<vmem>> -> memref<64xi32, #tpu.memory_space<vmem>>
      %dma_start3A_192 = arith.constant 0 : i32
      %dma_start3A_193 = arith.constant 0 : i32
      %dma_start3A_194 = tpu.memref_slice %arg2[%dma_start3A_192, %dma_start3A_193] : memref<20480x128xf32, #tpu.memory_space<hbm>> -> memref<20480x128xf32, #tpu.memory_space<hbm>>
      tpu.enqueue_indirect_dma source(%dma_start3A_194 : memref<20480x128xf32, #tpu.memory_space<hbm>>) target(%arg12 : memref<64x128xf32, #tpu.memory_space<vmem>>) offsets(%dma_start3A_191 : memref<64xi32, #tpu.memory_space<vmem>>) semaphore(%arg19 : memref<!tpu.dma_semaphore, #tpu.memory_space<semaphore_mem>>)
      %dma_wait3A_195 = arith.constant 4 : i32
      %dma_wait3A_196 = arith.constant 0 : i32
      %dma_wait3A_197 = tpu.memref_slice %arg7[%dma_wait3A_195, %dma_wait3A_196] : memref<8x64xi32, #tpu.memory_space<vmem>> -> memref<1x64xi32, #tpu.memory_space<vmem>>
      %dma_wait3A_198 = tpu.memref_squeeze %dma_wait3A_197 : memref<1x64xi32, #tpu.memory_space<vmem>> -> memref<64xi32, #tpu.memory_space<vmem>>
      %dma_wait3A_199 = arith.constant 0 : i32
      %dma_wait3A_200 = arith.constant 0 : i32
      %dma_wait3A_201 = tpu.memref_slice %arg2[%dma_wait3A_199, %dma_wait3A_200] : memref<20480x128xf32, #tpu.memory_space<hbm>> -> memref<20480x128xf32, #tpu.memory_space<hbm>>
      tpu.wait_indirect_dma semaphore(%arg18 : memref<!tpu.dma_semaphore, #tpu.memory_space<semaphore_mem>>) src(%dma_wait3A_201 : memref<20480x128xf32, #tpu.memory_space<hbm>>) dst(%arg11 : memref<64x128xf32, #tpu.memory_space<vmem>>)
      %dma_wait3A_202 = arith.constant 2 : i32
      %dma_wait3A_203 = arith.constant 0 : i32
      %dma_wait3A_204 = tpu.memref_slice %arg8[%dma_wait3A_202, %dma_wait3A_203] : memref<8x64xi32, #tpu.memory_space<vmem>> -> memref<1x64xi32, #tpu.memory_space<vmem>>
      %dma_wait3A_205 = tpu.memref_squeeze %dma_wait3A_204 : memref<1x64xi32, #tpu.memory_space<vmem>> -> memref<64xi32, #tpu.memory_space<vmem>>
      %dma_wait3A_206 = arith.constant 0 : i32
      %dma_wait3A_207 = arith.constant 0 : i32
      %dma_wait3A_208 = tpu.memref_slice %arg15[%dma_wait3A_206, %dma_wait3A_207] : memref<10240x128xf32, #tpu.memory_space<vmem_shared>> -> memref<10240x128xf32, #tpu.memory_space<vmem_shared>>
      tpu.wait_indirect_dma semaphore(%arg24 : memref<!tpu.dma_semaphore, #tpu.memory_space<semaphore_mem>>) src(%arg13 : memref<64x128xf32, #tpu.memory_space<vmem>>) dst(%dma_wait3A_208 : memref<10240x128xf32, #tpu.memory_space<vmem_shared>>)
      %dma_start3A_209 = arith.constant 4 : i32
      %dma_start3A_210 = arith.constant 0 : i32
      %dma_start3A_211 = tpu.memref_slice %arg8[%dma_start3A_209, %dma_start3A_210] : memref<8x64xi32, #tpu.memory_space<vmem>> -> memref<1x64xi32, #tpu.memory_space<vmem>>
      %dma_start3A_212 = tpu.memref_squeeze %dma_start3A_211 : memref<1x64xi32, #tpu.memory_space<vmem>> -> memref<64xi32, #tpu.memory_space<vmem>>
      %dma_start3A_213 = arith.constant 0 : i32
      %dma_start3A_214 = arith.constant 0 : i32
      %dma_start3A_215 = tpu.memref_slice %arg15[%dma_start3A_213, %dma_start3A_214] : memref<10240x128xf32, #tpu.memory_space<vmem_shared>> -> memref<10240x128xf32, #tpu.memory_space<vmem_shared>>
      tpu.enqueue_indirect_dma source(%arg11 : memref<64x128xf32, #tpu.memory_space<vmem>>) target(%dma_start3A_215 : memref<10240x128xf32, #tpu.memory_space<vmem_shared>>) offsets(%dma_start3A_212 : memref<64xi32, #tpu.memory_space<vmem>>) semaphore(%arg22 : memref<!tpu.dma_semaphore, #tpu.memory_space<semaphore_mem>>) {add = true}
      %dma_start3A_216 = arith.constant 6 : i32
      %dma_start3A_217 = arith.constant 0 : i32
      %dma_start3A_218 = tpu.memref_slice %arg7[%dma_start3A_216, %dma_start3A_217] : memref<8x64xi32, #tpu.memory_space<vmem>> -> memref<1x64xi32, #tpu.memory_space<vmem>>
      %dma_start3A_219 = tpu.memref_squeeze %dma_start3A_218 : memref<1x64xi32, #tpu.memory_space<vmem>> -> memref<64xi32, #tpu.memory_space<vmem>>
      %dma_start3A_220 = arith.constant 0 : i32
      %dma_start3A_221 = arith.constant 0 : i32
      %dma_start3A_222 = tpu.memref_slice %arg2[%dma_start3A_220, %dma_start3A_221] : memref<20480x128xf32, #tpu.memory_space<hbm>> -> memref<20480x128xf32, #tpu.memory_space<hbm>>
      tpu.enqueue_indirect_dma source(%dma_start3A_222 : memref<20480x128xf32, #tpu.memory_space<hbm>>) target(%arg13 : memref<64x128xf32, #tpu.memory_space<vmem>>) offsets(%dma_start3A_219 : memref<64xi32, #tpu.memory_space<vmem>>) semaphore(%arg20 : memref<!tpu.dma_semaphore, #tpu.memory_space<semaphore_mem>>)
      %dma_wait3A_223 = arith.constant 5 : i32
      %dma_wait3A_224 = arith.constant 0 : i32
      %dma_wait3A_225 = tpu.memref_slice %arg7[%dma_wait3A_223, %dma_wait3A_224] : memref<8x64xi32, #tpu.memory_space<vmem>> -> memref<1x64xi32, #tpu.memory_space<vmem>>
      %dma_wait3A_226 = tpu.memref_squeeze %dma_wait3A_225 : memref<1x64xi32, #tpu.memory_space<vmem>> -> memref<64xi32, #tpu.memory_space<vmem>>
      %dma_wait3A_227 = arith.constant 0 : i32
      %dma_wait3A_228 = arith.constant 0 : i32
      %dma_wait3A_229 = tpu.memref_slice %arg2[%dma_wait3A_227, %dma_wait3A_228] : memref<20480x128xf32, #tpu.memory_space<hbm>> -> memref<20480x128xf32, #tpu.memory_space<hbm>>
      tpu.wait_indirect_dma semaphore(%arg19 : memref<!tpu.dma_semaphore, #tpu.memory_space<semaphore_mem>>) src(%dma_wait3A_229 : memref<20480x128xf32, #tpu.memory_space<hbm>>) dst(%arg12 : memref<64x128xf32, #tpu.memory_space<vmem>>)
      %dma_wait3A_230 = arith.constant 3 : i32
      %dma_wait3A_231 = arith.constant 0 : i32
      %dma_wait3A_232 = tpu.memref_slice %arg8[%dma_wait3A_230, %dma_wait3A_231] : memref<8x64xi32, #tpu.memory_space<vmem>> -> memref<1x64xi32, #tpu.memory_space<vmem>>
      %dma_wait3A_233 = tpu.memref_squeeze %dma_wait3A_232 : memref<1x64xi32, #tpu.memory_space<vmem>> -> memref<64xi32, #tpu.memory_space<vmem>>
      %dma_wait3A_234 = arith.constant 0 : i32
      %dma_wait3A_235 = arith.constant 0 : i32
      %dma_wait3A_236 = tpu.memref_slice %arg15[%dma_wait3A_234, %dma_wait3A_235] : memref<10240x128xf32, #tpu.memory_space<vmem_shared>> -> memref<10240x128xf32, #tpu.memory_space<vmem_shared>>
      tpu.wait_indirect_dma semaphore(%arg25 : memref<!tpu.dma_semaphore, #tpu.memory_space<semaphore_mem>>) src(%arg14 : memref<64x128xf32, #tpu.memory_space<vmem>>) dst(%dma_wait3A_236 : memref<10240x128xf32, #tpu.memory_space<vmem_shared>>)
      %dma_start3A_237 = arith.constant 5 : i32
      %dma_start3A_238 = arith.constant 0 : i32
      %dma_start3A_239 = tpu.memref_slice %arg8[%dma_start3A_237, %dma_start3A_238] : memref<8x64xi32, #tpu.memory_space<vmem>> -> memref<1x64xi32, #tpu.memory_space<vmem>>
      %dma_start3A_240 = tpu.memref_squeeze %dma_start3A_239 : memref<1x64xi32, #tpu.memory_space<vmem>> -> memref<64xi32, #tpu.memory_space<vmem>>
      %dma_start3A_241 = arith.constant 0 : i32
      %dma_start3A_242 = arith.constant 0 : i32
      %dma_start3A_243 = tpu.memref_slice %arg15[%dma_start3A_241, %dma_start3A_242] : memref<10240x128xf32, #tpu.memory_space<vmem_shared>> -> memref<10240x128xf32, #tpu.memory_space<vmem_shared>>
      tpu.enqueue_indirect_dma source(%arg12 : memref<64x128xf32, #tpu.memory_space<vmem>>) target(%dma_start3A_243 : memref<10240x128xf32, #tpu.memory_space<vmem_shared>>) offsets(%dma_start3A_240 : memref<64xi32, #tpu.memory_space<vmem>>) semaphore(%arg23 : memref<!tpu.dma_semaphore, #tpu.memory_space<semaphore_mem>>) {add = true}
      %dma_start3A_244 = arith.constant 7 : i32
      %dma_start3A_245 = arith.constant 0 : i32
      %dma_start3A_246 = tpu.memref_slice %arg7[%dma_start3A_244, %dma_start3A_245] : memref<8x64xi32, #tpu.memory_space<vmem>> -> memref<1x64xi32, #tpu.memory_space<vmem>>
      %dma_start3A_247 = tpu.memref_squeeze %dma_start3A_246 : memref<1x64xi32, #tpu.memory_space<vmem>> -> memref<64xi32, #tpu.memory_space<vmem>>
      %dma_start3A_248 = arith.constant 0 : i32
      %dma_start3A_249 = arith.constant 0 : i32
      %dma_start3A_250 = tpu.memref_slice %arg2[%dma_start3A_248, %dma_start3A_249] : memref<20480x128xf32, #tpu.memory_space<hbm>> -> memref<20480x128xf32, #tpu.memory_space<hbm>>
      tpu.enqueue_indirect_dma source(%dma_start3A_250 : memref<20480x128xf32, #tpu.memory_space<hbm>>) target(%arg14 : memref<64x128xf32, #tpu.memory_space<vmem>>) offsets(%dma_start3A_247 : memref<64xi32, #tpu.memory_space<vmem>>) semaphore(%arg21 : memref<!tpu.dma_semaphore, #tpu.memory_space<semaphore_mem>>)
      %dma_wait3A_251 = arith.constant 6 : i32
      %dma_wait3A_252 = arith.constant 0 : i32
      %dma_wait3A_253 = tpu.memref_slice %arg7[%dma_wait3A_251, %dma_wait3A_252] : memref<8x64xi32, #tpu.memory_space<vmem>> -> memref<1x64xi32, #tpu.memory_space<vmem>>
      %dma_wait3A_254 = tpu.memref_squeeze %dma_wait3A_253 : memref<1x64xi32, #tpu.memory_space<vmem>> -> memref<64xi32, #tpu.memory_space<vmem>>
      %dma_wait3A_255 = arith.constant 0 : i32
      %dma_wait3A_256 = arith.constant 0 : i32
      %dma_wait3A_257 = tpu.memref_slice %arg2[%dma_wait3A_255, %dma_wait3A_256] : memref<20480x128xf32, #tpu.memory_space<hbm>> -> memref<20480x128xf32, #tpu.memory_space<hbm>>
      tpu.wait_indirect_dma semaphore(%arg20 : memref<!tpu.dma_semaphore, #tpu.memory_space<semaphore_mem>>) src(%dma_wait3A_257 : memref<20480x128xf32, #tpu.memory_space<hbm>>) dst(%arg13 : memref<64x128xf32, #tpu.memory_space<vmem>>)
      %dma_wait3A_258 = arith.constant 4 : i32
      %dma_wait3A_259 = arith.constant 0 : i32
      %dma_wait3A_260 = tpu.memref_slice %arg8[%dma_wait3A_258, %dma_wait3A_259] : memref<8x64xi32, #tpu.memory_space<vmem>> -> memref<1x64xi32, #tpu.memory_space<vmem>>
      %dma_wait3A_261 = tpu.memref_squeeze %dma_wait3A_260 : memref<1x64xi32, #tpu.memory_space<vmem>> -> memref<64xi32, #tpu.memory_space<vmem>>
      %dma_wait3A_262 = arith.constant 0 : i32
      %dma_wait3A_263 = arith.constant 0 : i32
      %dma_wait3A_264 = tpu.memref_slice %arg15[%dma_wait3A_262, %dma_wait3A_263] : memref<10240x128xf32, #tpu.memory_space<vmem_shared>> -> memref<10240x128xf32, #tpu.memory_space<vmem_shared>>
      tpu.wait_indirect_dma semaphore(%arg22 : memref<!tpu.dma_semaphore, #tpu.memory_space<semaphore_mem>>) src(%arg11 : memref<64x128xf32, #tpu.memory_space<vmem>>) dst(%dma_wait3A_264 : memref<10240x128xf32, #tpu.memory_space<vmem_shared>>)
      %dma_start3A_265 = arith.constant 6 : i32
      %dma_start3A_266 = arith.constant 0 : i32
      %dma_start3A_267 = tpu.memref_slice %arg8[%dma_start3A_265, %dma_start3A_266] : memref<8x64xi32, #tpu.memory_space<vmem>> -> memref<1x64xi32, #tpu.memory_space<vmem>>
      %dma_start3A_268 = tpu.memref_squeeze %dma_start3A_267 : memref<1x64xi32, #tpu.memory_space<vmem>> -> memref<64xi32, #tpu.memory_space<vmem>>
      %dma_start3A_269 = arith.constant 0 : i32
      %dma_start3A_270 = arith.constant 0 : i32
      %dma_start3A_271 = tpu.memref_slice %arg15[%dma_start3A_269, %dma_start3A_270] : memref<10240x128xf32, #tpu.memory_space<vmem_shared>> -> memref<10240x128xf32, #tpu.memory_space<vmem_shared>>
      tpu.enqueue_indirect_dma source(%arg13 : memref<64x128xf32, #tpu.memory_space<vmem>>) target(%dma_start3A_271 : memref<10240x128xf32, #tpu.memory_space<vmem_shared>>) offsets(%dma_start3A_268 : memref<64xi32, #tpu.memory_space<vmem>>) semaphore(%arg24 : memref<!tpu.dma_semaphore, #tpu.memory_space<semaphore_mem>>) {add = true}
      %mul3A_272 = arith.constant 2 : i32
      %mul3A_273 = arith.muli %mul3A_272, %scan3A_70 : i32
      %add3A_274 = arith.constant 1 : i32
      %add3A_275 = arith.addi %mul3A_273, %add3A_274 : i32
      %dma_wait3A_276 = arith.constant 0 : i32
      %dma_wait3A_277 = arith.constant 0 : i32
      %dma_wait3A_278 = tpu.memref_slice %arg3[%arg0, %arg1, %add3A_275, %dma_wait3A_276, %dma_wait3A_277] : memref<2x16x40x8x64xi32, #tpu.memory_space<hbm>> -> memref<1x1x1x8x64xi32, #tpu.memory_space<hbm>>
      %dma_wait3A_279 = tpu.memref_squeeze %dma_wait3A_278 : memref<1x1x1x8x64xi32, #tpu.memory_space<hbm>> -> memref<8x64xi32, #tpu.memory_space<hbm>>
      %dma_wait3A_280 = arith.constant 0 : i32
      %dma_wait3A_281 = arith.constant 0 : i32
      %dma_wait3A_282 = tpu.memref_slice %arg3[%arg0, %arg1, %add3A_275, %dma_wait3A_280, %dma_wait3A_281] : memref<2x16x40x8x64xi32, #tpu.memory_space<hbm>> -> memref<1x1x1x8x64xi32, #tpu.memory_space<hbm>>
      %dma_wait3A_283 = tpu.memref_squeeze %dma_wait3A_282 : memref<1x1x1x8x64xi32, #tpu.memory_space<hbm>> -> memref<8x64xi32, #tpu.memory_space<hbm>>
      tpu.wait_dma2 semaphore(%arg17 : memref<!tpu.dma_semaphore, #tpu.memory_space<semaphore_mem>>) src(%dma_wait3A_283 : memref<8x64xi32, #tpu.memory_space<hbm>>) dst(%arg9 : memref<8x64xi32, #tpu.memory_space<vmem>>)
      %dma_wait3A_284 = arith.constant 0 : i32
      %dma_wait3A_285 = arith.constant 0 : i32
      %dma_wait3A_286 = tpu.memref_slice %arg4[%arg0, %arg1, %add3A_275, %dma_wait3A_284, %dma_wait3A_285] : memref<2x16x40x8x64xi32, #tpu.memory_space<hbm>> -> memref<1x1x1x8x64xi32, #tpu.memory_space<hbm>>
      %dma_wait3A_287 = tpu.memref_squeeze %dma_wait3A_286 : memref<1x1x1x8x64xi32, #tpu.memory_space<hbm>> -> memref<8x64xi32, #tpu.memory_space<hbm>>
      %dma_wait3A_288 = arith.constant 0 : i32
      %dma_wait3A_289 = arith.constant 0 : i32
      %dma_wait3A_290 = tpu.memref_slice %arg4[%arg0, %arg1, %add3A_275, %dma_wait3A_288, %dma_wait3A_289] : memref<2x16x40x8x64xi32, #tpu.memory_space<hbm>> -> memref<1x1x1x8x64xi32, #tpu.memory_space<hbm>>
      %dma_wait3A_291 = tpu.memref_squeeze %dma_wait3A_290 : memref<1x1x1x8x64xi32, #tpu.memory_space<hbm>> -> memref<8x64xi32, #tpu.memory_space<hbm>>
      tpu.wait_dma2 semaphore(%arg17 : memref<!tpu.dma_semaphore, #tpu.memory_space<semaphore_mem>>) src(%dma_wait3A_291 : memref<8x64xi32, #tpu.memory_space<hbm>>) dst(%arg10 : memref<8x64xi32, #tpu.memory_space<vmem>>)
      %dma_start3A_292 = arith.constant 0 : i32
      %dma_start3A_293 = arith.constant 0 : i32
      %dma_start3A_294 = tpu.memref_slice %arg9[%dma_start3A_292, %dma_start3A_293] : memref<8x64xi32, #tpu.memory_space<vmem>> -> memref<1x64xi32, #tpu.memory_space<vmem>>
      %dma_start3A_295 = tpu.memref_squeeze %dma_start3A_294 : memref<1x64xi32, #tpu.memory_space<vmem>> -> memref<64xi32, #tpu.memory_space<vmem>>
      %dma_start3A_296 = arith.constant 0 : i32
      %dma_start3A_297 = arith.constant 0 : i32
      %dma_start3A_298 = tpu.memref_slice %arg2[%dma_start3A_296, %dma_start3A_297] : memref<20480x128xf32, #tpu.memory_space<hbm>> -> memref<20480x128xf32, #tpu.memory_space<hbm>>
      tpu.enqueue_indirect_dma source(%dma_start3A_298 : memref<20480x128xf32, #tpu.memory_space<hbm>>) target(%arg11 : memref<64x128xf32, #tpu.memory_space<vmem>>) offsets(%dma_start3A_295 : memref<64xi32, #tpu.memory_space<vmem>>) semaphore(%arg18 : memref<!tpu.dma_semaphore, #tpu.memory_space<semaphore_mem>>)
      %dma_wait3A_299 = arith.constant 7 : i32
      %dma_wait3A_300 = arith.constant 0 : i32
      %dma_wait3A_301 = tpu.memref_slice %arg7[%dma_wait3A_299, %dma_wait3A_300] : memref<8x64xi32, #tpu.memory_space<vmem>> -> memref<1x64xi32, #tpu.memory_space<vmem>>
      %dma_wait3A_302 = tpu.memref_squeeze %dma_wait3A_301 : memref<1x64xi32, #tpu.memory_space<vmem>> -> memref<64xi32, #tpu.memory_space<vmem>>
      %dma_wait3A_303 = arith.constant 0 : i32
      %dma_wait3A_304 = arith.constant 0 : i32
      %dma_wait3A_305 = tpu.memref_slice %arg2[%dma_wait3A_303, %dma_wait3A_304] : memref<20480x128xf32, #tpu.memory_space<hbm>> -> memref<20480x128xf32, #tpu.memory_space<hbm>>
      tpu.wait_indirect_dma semaphore(%arg21 : memref<!tpu.dma_semaphore, #tpu.memory_space<semaphore_mem>>) src(%dma_wait3A_305 : memref<20480x128xf32, #tpu.memory_space<hbm>>) dst(%arg14 : memref<64x128xf32, #tpu.memory_space<vmem>>)
      %dma_wait3A_306 = arith.constant 5 : i32
      %dma_wait3A_307 = arith.constant 0 : i32
      %dma_wait3A_308 = tpu.memref_slice %arg8[%dma_wait3A_306, %dma_wait3A_307] : memref<8x64xi32, #tpu.memory_space<vmem>> -> memref<1x64xi32, #tpu.memory_space<vmem>>
      %dma_wait3A_309 = tpu.memref_squeeze %dma_wait3A_308 : memref<1x64xi32, #tpu.memory_space<vmem>> -> memref<64xi32, #tpu.memory_space<vmem>>
      %dma_wait3A_310 = arith.constant 0 : i32
      %dma_wait3A_311 = arith.constant 0 : i32
      %dma_wait3A_312 = tpu.memref_slice %arg15[%dma_wait3A_310, %dma_wait3A_311] : memref<10240x128xf32, #tpu.memory_space<vmem_shared>> -> memref<10240x128xf32, #tpu.memory_space<vmem_shared>>
      tpu.wait_indirect_dma semaphore(%arg23 : memref<!tpu.dma_semaphore, #tpu.memory_space<semaphore_mem>>) src(%arg12 : memref<64x128xf32, #tpu.memory_space<vmem>>) dst(%dma_wait3A_312 : memref<10240x128xf32, #tpu.memory_space<vmem_shared>>)
      %dma_start3A_313 = arith.constant 7 : i32
      %dma_start3A_314 = arith.constant 0 : i32
      %dma_start3A_315 = tpu.memref_slice %arg8[%dma_start3A_313, %dma_start3A_314] : memref<8x64xi32, #tpu.memory_space<vmem>> -> memref<1x64xi32, #tpu.memory_space<vmem>>
      %dma_start3A_316 = tpu.memref_squeeze %dma_start3A_315 : memref<1x64xi32, #tpu.memory_space<vmem>> -> memref<64xi32, #tpu.memory_space<vmem>>
      %dma_start3A_317 = arith.constant 0 : i32
      %dma_start3A_318 = arith.constant 0 : i32
      %dma_start3A_319 = tpu.memref_slice %arg15[%dma_start3A_317, %dma_start3A_318] : memref<10240x128xf32, #tpu.memory_space<vmem_shared>> -> memref<10240x128xf32, #tpu.memory_space<vmem_shared>>
      tpu.enqueue_indirect_dma source(%arg14 : memref<64x128xf32, #tpu.memory_space<vmem>>) target(%dma_start3A_319 : memref<10240x128xf32, #tpu.memory_space<vmem_shared>>) offsets(%dma_start3A_316 : memref<64xi32, #tpu.memory_space<vmem>>) semaphore(%arg25 : memref<!tpu.dma_semaphore, #tpu.memory_space<semaphore_mem>>) {add = true}
      %dma_start3A_320 = arith.constant 1 : i32
      %dma_start3A_321 = arith.constant 0 : i32
      %dma_start3A_322 = tpu.memref_slice %arg9[%dma_start3A_320, %dma_start3A_321] : memref<8x64xi32, #tpu.memory_space<vmem>> -> memref<1x64xi32, #tpu.memory_space<vmem>>
      %dma_start3A_323 = tpu.memref_squeeze %dma_start3A_322 : memref<1x64xi32, #tpu.memory_space<vmem>> -> memref<64xi32, #tpu.memory_space<vmem>>
      %dma_start3A_324 = arith.constant 0 : i32
      %dma_start3A_325 = arith.constant 0 : i32
      %dma_start3A_326 = tpu.memref_slice %arg2[%dma_start3A_324, %dma_start3A_325] : memref<20480x128xf32, #tpu.memory_space<hbm>> -> memref<20480x128xf32, #tpu.memory_space<hbm>>
      tpu.enqueue_indirect_dma source(%dma_start3A_326 : memref<20480x128xf32, #tpu.memory_space<hbm>>) target(%arg12 : memref<64x128xf32, #tpu.memory_space<vmem>>) offsets(%dma_start3A_323 : memref<64xi32, #tpu.memory_space<vmem>>) semaphore(%arg19 : memref<!tpu.dma_semaphore, #tpu.memory_space<semaphore_mem>>)
      %dma_wait3A_327 = arith.constant 0 : i32
      %dma_wait3A_328 = arith.constant 0 : i32
      %dma_wait3A_329 = tpu.memref_slice %arg9[%dma_wait3A_327, %dma_wait3A_328] : memref<8x64xi32, #tpu.memory_space<vmem>> -> memref<1x64xi32, #tpu.memory_space<vmem>>
      %dma_wait3A_330 = tpu.memref_squeeze %dma_wait3A_329 : memref<1x64xi32, #tpu.memory_space<vmem>> -> memref<64xi32, #tpu.memory_space<vmem>>
      %dma_wait3A_331 = arith.constant 0 : i32
      %dma_wait3A_332 = arith.constant 0 : i32
      %dma_wait3A_333 = tpu.memref_slice %arg2[%dma_wait3A_331, %dma_wait3A_332] : memref<20480x128xf32, #tpu.memory_space<hbm>> -> memref<20480x128xf32, #tpu.memory_space<hbm>>
      tpu.wait_indirect_dma semaphore(%arg18 : memref<!tpu.dma_semaphore, #tpu.memory_space<semaphore_mem>>) src(%dma_wait3A_333 : memref<20480x128xf32, #tpu.memory_space<hbm>>) dst(%arg11 : memref<64x128xf32, #tpu.memory_space<vmem>>)
      %dma_wait3A_334 = arith.constant 6 : i32
      %dma_wait3A_335 = arith.constant 0 : i32
      %dma_wait3A_336 = tpu.memref_slice %arg8[%dma_wait3A_334, %dma_wait3A_335] : memref<8x64xi32, #tpu.memory_space<vmem>> -> memref<1x64xi32, #tpu.memory_space<vmem>>
      %dma_wait3A_337 = tpu.memref_squeeze %dma_wait3A_336 : memref<1x64xi32, #tpu.memory_space<vmem>> -> memref<64xi32, #tpu.memory_space<vmem>>
      %dma_wait3A_338 = arith.constant 0 : i32
      %dma_wait3A_339 = arith.constant 0 : i32
      %dma_wait3A_340 = tpu.memref_slice %arg15[%dma_wait3A_338, %dma_wait3A_339] : memref<10240x128xf32, #tpu.memory_space<vmem_shared>> -> memref<10240x128xf32, #tpu.memory_space<vmem_shared>>
      tpu.wait_indirect_dma semaphore(%arg24 : memref<!tpu.dma_semaphore, #tpu.memory_space<semaphore_mem>>) src(%arg13 : memref<64x128xf32, #tpu.memory_space<vmem>>) dst(%dma_wait3A_340 : memref<10240x128xf32, #tpu.memory_space<vmem_shared>>)
      %dma_start3A_341 = arith.constant 0 : i32
      %dma_start3A_342 = arith.constant 0 : i32
      %dma_start3A_343 = tpu.memref_slice %arg10[%dma_start3A_341, %dma_start3A_342] : memref<8x64xi32, #tpu.memory_space<vmem>> -> memref<1x64xi32, #tpu.memory_space<vmem>>
      %dma_start3A_344 = tpu.memref_squeeze %dma_start3A_343 : memref<1x64xi32, #tpu.memory_space<vmem>> -> memref<64xi32, #tpu.memory_space<vmem>>
      %dma_start3A_345 = arith.constant 0 : i32
      %dma_start3A_346 = arith.constant 0 : i32
      %dma_start3A_347 = tpu.memref_slice %arg15[%dma_start3A_345, %dma_start3A_346] : memref<10240x128xf32, #tpu.memory_space<vmem_shared>> -> memref<10240x128xf32, #tpu.memory_space<vmem_shared>>
      tpu.enqueue_indirect_dma source(%arg11 : memref<64x128xf32, #tpu.memory_space<vmem>>) target(%dma_start3A_347 : memref<10240x128xf32, #tpu.memory_space<vmem_shared>>) offsets(%dma_start3A_344 : memref<64xi32, #tpu.memory_space<vmem>>) semaphore(%arg22 : memref<!tpu.dma_semaphore, #tpu.memory_space<semaphore_mem>>) {add = true}
      %dma_start3A_348 = arith.constant 2 : i32
      %dma_start3A_349 = arith.constant 0 : i32
      %dma_start3A_350 = tpu.memref_slice %arg9[%dma_start3A_348, %dma_start3A_349] : memref<8x64xi32, #tpu.memory_space<vmem>> -> memref<1x64xi32, #tpu.memory_space<vmem>>
      %dma_start3A_351 = tpu.memref_squeeze %dma_start3A_350 : memref<1x64xi32, #tpu.memory_space<vmem>> -> memref<64xi32, #tpu.memory_space<vmem>>
      %dma_start3A_352 = arith.constant 0 : i32
      %dma_start3A_353 = arith.constant 0 : i32
      %dma_start3A_354 = tpu.memref_slice %arg2[%dma_start3A_352, %dma_start3A_353] : memref<20480x128xf32, #tpu.memory_space<hbm>> -> memref<20480x128xf32, #tpu.memory_space<hbm>>
      tpu.enqueue_indirect_dma source(%dma_start3A_354 : memref<20480x128xf32, #tpu.memory_space<hbm>>) target(%arg13 : memref<64x128xf32, #tpu.memory_space<vmem>>) offsets(%dma_start3A_351 : memref<64xi32, #tpu.memory_space<vmem>>) semaphore(%arg20 : memref<!tpu.dma_semaphore, #tpu.memory_space<semaphore_mem>>)
      %dma_wait3A_355 = arith.constant 1 : i32
      %dma_wait3A_356 = arith.constant 0 : i32
      %dma_wait3A_357 = tpu.memref_slice %arg9[%dma_wait3A_355, %dma_wait3A_356] : memref<8x64xi32, #tpu.memory_space<vmem>> -> memref<1x64xi32, #tpu.memory_space<vmem>>
      %dma_wait3A_358 = tpu.memref_squeeze %dma_wait3A_357 : memref<1x64xi32, #tpu.memory_space<vmem>> -> memref<64xi32, #tpu.memory_space<vmem>>
      %dma_wait3A_359 = arith.constant 0 : i32
      %dma_wait3A_360 = arith.constant 0 : i32
      %dma_wait3A_361 = tpu.memref_slice %arg2[%dma_wait3A_359, %dma_wait3A_360] : memref<20480x128xf32, #tpu.memory_space<hbm>> -> memref<20480x128xf32, #tpu.memory_space<hbm>>
      tpu.wait_indirect_dma semaphore(%arg19 : memref<!tpu.dma_semaphore, #tpu.memory_space<semaphore_mem>>) src(%dma_wait3A_361 : memref<20480x128xf32, #tpu.memory_space<hbm>>) dst(%arg12 : memref<64x128xf32, #tpu.memory_space<vmem>>)
      %dma_wait3A_362 = arith.constant 7 : i32
      %dma_wait3A_363 = arith.constant 0 : i32
      %dma_wait3A_364 = tpu.memref_slice %arg8[%dma_wait3A_362, %dma_wait3A_363] : memref<8x64xi32, #tpu.memory_space<vmem>> -> memref<1x64xi32, #tpu.memory_space<vmem>>
      %dma_wait3A_365 = tpu.memref_squeeze %dma_wait3A_364 : memref<1x64xi32, #tpu.memory_space<vmem>> -> memref<64xi32, #tpu.memory_space<vmem>>
      %dma_wait3A_366 = arith.constant 0 : i32
      %dma_wait3A_367 = arith.constant 0 : i32
      %dma_wait3A_368 = tpu.memref_slice %arg15[%dma_wait3A_366, %dma_wait3A_367] : memref<10240x128xf32, #tpu.memory_space<vmem_shared>> -> memref<10240x128xf32, #tpu.memory_space<vmem_shared>>
      tpu.wait_indirect_dma semaphore(%arg25 : memref<!tpu.dma_semaphore, #tpu.memory_space<semaphore_mem>>) src(%arg14 : memref<64x128xf32, #tpu.memory_space<vmem>>) dst(%dma_wait3A_368 : memref<10240x128xf32, #tpu.memory_space<vmem_shared>>)
      %dma_start3A_369 = arith.constant 1 : i32
      %dma_start3A_370 = arith.constant 0 : i32
      %dma_start3A_371 = tpu.memref_slice %arg10[%dma_start3A_369, %dma_start3A_370] : memref<8x64xi32, #tpu.memory_space<vmem>> -> memref<1x64xi32, #tpu.memory_space<vmem>>
      %dma_start3A_372 = tpu.memref_squeeze %dma_start3A_371 : memref<1x64xi32, #tpu.memory_space<vmem>> -> memref<64xi32, #tpu.memory_space<vmem>>
      %dma_start3A_373 = arith.constant 0 : i32
      %dma_start3A_374 = arith.constant 0 : i32
      %dma_start3A_375 = tpu.memref_slice %arg15[%dma_start3A_373, %dma_start3A_374] : memref<10240x128xf32, #tpu.memory_space<vmem_shared>> -> memref<10240x128xf32, #tpu.memory_space<vmem_shared>>
      tpu.enqueue_indirect_dma source(%arg12 : memref<64x128xf32, #tpu.memory_space<vmem>>) target(%dma_start3A_375 : memref<10240x128xf32, #tpu.memory_space<vmem_shared>>) offsets(%dma_start3A_372 : memref<64xi32, #tpu.memory_space<vmem>>) semaphore(%arg23 : memref<!tpu.dma_semaphore, #tpu.memory_space<semaphore_mem>>) {add = true}
      %lt3A = arith.constant 19 : i32
      %lt3A_376 = arith.cmpi slt, %scan3A_70, %lt3A : i32
      %convert_element_type3A_377 = arith.extui %lt3A_376 : i1 to i32
      %cond3A_378 = arith.constant 0 : i32
      %cond3A_379 = arith.cmpi ne, %convert_element_type3A_377, %cond3A_378 : i32
      scf.if %cond3A_379 {
        %mul3A_551 = arith.constant 2 : i32
        %mul3A_552 = arith.muli %mul3A_551, %scan3A_70 : i32
        %add3A_553 = arith.constant 2 : i32
        %add3A_554 = arith.addi %mul3A_552, %add3A_553 : i32
        %dma_start3A_555 = arith.constant 0 : i32
        %dma_start3A_556 = arith.constant 0 : i32
        %dma_start3A_557 = tpu.memref_slice %arg3[%arg0, %arg1, %add3A_554, %dma_start3A_555, %dma_start3A_556] : memref<2x16x40x8x64xi32, #tpu.memory_space<hbm>> -> memref<1x1x1x8x64xi32, #tpu.memory_space<hbm>>
        %dma_start3A_558 = tpu.memref_squeeze %dma_start3A_557 : memref<1x1x1x8x64xi32, #tpu.memory_space<hbm>> -> memref<8x64xi32, #tpu.memory_space<hbm>>
        %dma_start3A_559 = arith.constant 0 : i32
        %dma_start3A_560 = arith.constant 0 : i32
        %dma_start3A_561 = tpu.memref_slice %arg3[%arg0, %arg1, %add3A_554, %dma_start3A_559, %dma_start3A_560] : memref<2x16x40x8x64xi32, #tpu.memory_space<hbm>> -> memref<1x1x1x8x64xi32, #tpu.memory_space<hbm>>
        %dma_start3A_562 = tpu.memref_squeeze %dma_start3A_561 : memref<1x1x1x8x64xi32, #tpu.memory_space<hbm>> -> memref<8x64xi32, #tpu.memory_space<hbm>>
        tpu.enqueue_dma source(%dma_start3A_562 : memref<8x64xi32, #tpu.memory_space<hbm>>) target(%arg7 : memref<8x64xi32, #tpu.memory_space<vmem>>) target_semaphore(%arg16 : memref<!tpu.dma_semaphore, #tpu.memory_space<semaphore_mem>>)
        %dma_start3A_563 = arith.constant 0 : i32
        %dma_start3A_564 = arith.constant 0 : i32
        %dma_start3A_565 = tpu.memref_slice %arg4[%arg0, %arg1, %add3A_554, %dma_start3A_563, %dma_start3A_564] : memref<2x16x40x8x64xi32, #tpu.memory_space<hbm>> -> memref<1x1x1x8x64xi32, #tpu.memory_space<hbm>>
        %dma_start3A_566 = tpu.memref_squeeze %dma_start3A_565 : memref<1x1x1x8x64xi32, #tpu.memory_space<hbm>> -> memref<8x64xi32, #tpu.memory_space<hbm>>
        %dma_start3A_567 = arith.constant 0 : i32
        %dma_start3A_568 = arith.constant 0 : i32
        %dma_start3A_569 = tpu.memref_slice %arg4[%arg0, %arg1, %add3A_554, %dma_start3A_567, %dma_start3A_568] : memref<2x16x40x8x64xi32, #tpu.memory_space<hbm>> -> memref<1x1x1x8x64xi32, #tpu.memory_space<hbm>>
        %dma_start3A_570 = tpu.memref_squeeze %dma_start3A_569 : memref<1x1x1x8x64xi32, #tpu.memory_space<hbm>> -> memref<8x64xi32, #tpu.memory_space<hbm>>
        tpu.enqueue_dma source(%dma_start3A_570 : memref<8x64xi32, #tpu.memory_space<hbm>>) target(%arg8 : memref<8x64xi32, #tpu.memory_space<vmem>>) target_semaphore(%arg16 : memref<!tpu.dma_semaphore, #tpu.memory_space<semaphore_mem>>)
      } else {
      }
      %dma_start3A_380 = arith.constant 3 : i32
      %dma_start3A_381 = arith.constant 0 : i32
      %dma_start3A_382 = tpu.memref_slice %arg9[%dma_start3A_380, %dma_start3A_381] : memref<8x64xi32, #tpu.memory_space<vmem>> -> memref<1x64xi32, #tpu.memory_space<vmem>>
      %dma_start3A_383 = tpu.memref_squeeze %dma_start3A_382 : memref<1x64xi32, #tpu.memory_space<vmem>> -> memref<64xi32, #tpu.memory_space<vmem>>
      %dma_start3A_384 = arith.constant 0 : i32
      %dma_start3A_385 = arith.constant 0 : i32
      %dma_start3A_386 = tpu.memref_slice %arg2[%dma_start3A_384, %dma_start3A_385] : memref<20480x128xf32, #tpu.memory_space<hbm>> -> memref<20480x128xf32, #tpu.memory_space<hbm>>
      tpu.enqueue_indirect_dma source(%dma_start3A_386 : memref<20480x128xf32, #tpu.memory_space<hbm>>) target(%arg14 : memref<64x128xf32, #tpu.memory_space<vmem>>) offsets(%dma_start3A_383 : memref<64xi32, #tpu.memory_space<vmem>>) semaphore(%arg21 : memref<!tpu.dma_semaphore, #tpu.memory_space<semaphore_mem>>)
      %dma_wait3A_387 = arith.constant 2 : i32
      %dma_wait3A_388 = arith.constant 0 : i32
      %dma_wait3A_389 = tpu.memref_slice %arg9[%dma_wait3A_387, %dma_wait3A_388] : memref<8x64xi32, #tpu.memory_space<vmem>> -> memref<1x64xi32, #tpu.memory_space<vmem>>
      %dma_wait3A_390 = tpu.memref_squeeze %dma_wait3A_389 : memref<1x64xi32, #tpu.memory_space<vmem>> -> memref<64xi32, #tpu.memory_space<vmem>>
      %dma_wait3A_391 = arith.constant 0 : i32
      %dma_wait3A_392 = arith.constant 0 : i32
      %dma_wait3A_393 = tpu.memref_slice %arg2[%dma_wait3A_391, %dma_wait3A_392] : memref<20480x128xf32, #tpu.memory_space<hbm>> -> memref<20480x128xf32, #tpu.memory_space<hbm>>
      tpu.wait_indirect_dma semaphore(%arg20 : memref<!tpu.dma_semaphore, #tpu.memory_space<semaphore_mem>>) src(%dma_wait3A_393 : memref<20480x128xf32, #tpu.memory_space<hbm>>) dst(%arg13 : memref<64x128xf32, #tpu.memory_space<vmem>>)
      %dma_wait3A_394 = arith.constant 0 : i32
      %dma_wait3A_395 = arith.constant 0 : i32
      %dma_wait3A_396 = tpu.memref_slice %arg10[%dma_wait3A_394, %dma_wait3A_395] : memref<8x64xi32, #tpu.memory_space<vmem>> -> memref<1x64xi32, #tpu.memory_space<vmem>>
      %dma_wait3A_397 = tpu.memref_squeeze %dma_wait3A_396 : memref<1x64xi32, #tpu.memory_space<vmem>> -> memref<64xi32, #tpu.memory_space<vmem>>
      %dma_wait3A_398 = arith.constant 0 : i32
      %dma_wait3A_399 = arith.constant 0 : i32
      %dma_wait3A_400 = tpu.memref_slice %arg15[%dma_wait3A_398, %dma_wait3A_399] : memref<10240x128xf32, #tpu.memory_space<vmem_shared>> -> memref<10240x128xf32, #tpu.memory_space<vmem_shared>>
      tpu.wait_indirect_dma semaphore(%arg22 : memref<!tpu.dma_semaphore, #tpu.memory_space<semaphore_mem>>) src(%arg11 : memref<64x128xf32, #tpu.memory_space<vmem>>) dst(%dma_wait3A_400 : memref<10240x128xf32, #tpu.memory_space<vmem_shared>>)
      %dma_start3A_401 = arith.constant 2 : i32
      %dma_start3A_402 = arith.constant 0 : i32
      %dma_start3A_403 = tpu.memref_slice %arg10[%dma_start3A_401, %dma_start3A_402] : memref<8x64xi32, #tpu.memory_space<vmem>> -> memref<1x64xi32, #tpu.memory_space<vmem>>
      %dma_start3A_404 = tpu.memref_squeeze %dma_start3A_403 : memref<1x64xi32, #tpu.memory_space<vmem>> -> memref<64xi32, #tpu.memory_space<vmem>>
      %dma_start3A_405 = arith.constant 0 : i32
      %dma_start3A_406 = arith.constant 0 : i32
      %dma_start3A_407 = tpu.memref_slice %arg15[%dma_start3A_405, %dma_start3A_406] : memref<10240x128xf32, #tpu.memory_space<vmem_shared>> -> memref<10240x128xf32, #tpu.memory_space<vmem_shared>>
      tpu.enqueue_indirect_dma source(%arg13 : memref<64x128xf32, #tpu.memory_space<vmem>>) target(%dma_start3A_407 : memref<10240x128xf32, #tpu.memory_space<vmem_shared>>) offsets(%dma_start3A_404 : memref<64xi32, #tpu.memory_space<vmem>>) semaphore(%arg24 : memref<!tpu.dma_semaphore, #tpu.memory_space<semaphore_mem>>) {add = true}
      %dma_start3A_408 = arith.constant 4 : i32
      %dma_start3A_409 = arith.constant 0 : i32
      %dma_start3A_410 = tpu.memref_slice %arg9[%dma_start3A_408, %dma_start3A_409] : memref<8x64xi32, #tpu.memory_space<vmem>> -> memref<1x64xi32, #tpu.memory_space<vmem>>
      %dma_start3A_411 = tpu.memref_squeeze %dma_start3A_410 : memref<1x64xi32, #tpu.memory_space<vmem>> -> memref<64xi32, #tpu.memory_space<vmem>>
      %dma_start3A_412 = arith.constant 0 : i32
      %dma_start3A_413 = arith.constant 0 : i32
      %dma_start3A_414 = tpu.memref_slice %arg2[%dma_start3A_412, %dma_start3A_413] : memref<20480x128xf32, #tpu.memory_space<hbm>> -> memref<20480x128xf32, #tpu.memory_space<hbm>>
      tpu.enqueue_indirect_dma source(%dma_start3A_414 : memref<20480x128xf32, #tpu.memory_space<hbm>>) target(%arg11 : memref<64x128xf32, #tpu.memory_space<vmem>>) offsets(%dma_start3A_411 : memref<64xi32, #tpu.memory_space<vmem>>) semaphore(%arg18 : memref<!tpu.dma_semaphore, #tpu.memory_space<semaphore_mem>>)
      %dma_wait3A_415 = arith.constant 3 : i32
      %dma_wait3A_416 = arith.constant 0 : i32
      %dma_wait3A_417 = tpu.memref_slice %arg9[%dma_wait3A_415, %dma_wait3A_416] : memref<8x64xi32, #tpu.memory_space<vmem>> -> memref<1x64xi32, #tpu.memory_space<vmem>>
      %dma_wait3A_418 = tpu.memref_squeeze %dma_wait3A_417 : memref<1x64xi32, #tpu.memory_space<vmem>> -> memref<64xi32, #tpu.memory_space<vmem>>
      %dma_wait3A_419 = arith.constant 0 : i32
      %dma_wait3A_420 = arith.constant 0 : i32
      %dma_wait3A_421 = tpu.memref_slice %arg2[%dma_wait3A_419, %dma_wait3A_420] : memref<20480x128xf32, #tpu.memory_space<hbm>> -> memref<20480x128xf32, #tpu.memory_space<hbm>>
      tpu.wait_indirect_dma semaphore(%arg21 : memref<!tpu.dma_semaphore, #tpu.memory_space<semaphore_mem>>) src(%dma_wait3A_421 : memref<20480x128xf32, #tpu.memory_space<hbm>>) dst(%arg14 : memref<64x128xf32, #tpu.memory_space<vmem>>)
      %dma_wait3A_422 = arith.constant 1 : i32
      %dma_wait3A_423 = arith.constant 0 : i32
      %dma_wait3A_424 = tpu.memref_slice %arg10[%dma_wait3A_422, %dma_wait3A_423] : memref<8x64xi32, #tpu.memory_space<vmem>> -> memref<1x64xi32, #tpu.memory_space<vmem>>
      %dma_wait3A_425 = tpu.memref_squeeze %dma_wait3A_424 : memref<1x64xi32, #tpu.memory_space<vmem>> -> memref<64xi32, #tpu.memory_space<vmem>>
      %dma_wait3A_426 = arith.constant 0 : i32
      %dma_wait3A_427 = arith.constant 0 : i32
      %dma_wait3A_428 = tpu.memref_slice %arg15[%dma_wait3A_426, %dma_wait3A_427] : memref<10240x128xf32, #tpu.memory_space<vmem_shared>> -> memref<10240x128xf32, #tpu.memory_space<vmem_shared>>
      tpu.wait_indirect_dma semaphore(%arg23 : memref<!tpu.dma_semaphore, #tpu.memory_space<semaphore_mem>>) src(%arg12 : memref<64x128xf32, #tpu.memory_space<vmem>>) dst(%dma_wait3A_428 : memref<10240x128xf32, #tpu.memory_space<vmem_shared>>)
      %dma_start3A_429 = arith.constant 3 : i32
      %dma_start3A_430 = arith.constant 0 : i32
      %dma_start3A_431 = tpu.memref_slice %arg10[%dma_start3A_429, %dma_start3A_430] : memref<8x64xi32, #tpu.memory_space<vmem>> -> memref<1x64xi32, #tpu.memory_space<vmem>>
      %dma_start3A_432 = tpu.memref_squeeze %dma_start3A_431 : memref<1x64xi32, #tpu.memory_space<vmem>> -> memref<64xi32, #tpu.memory_space<vmem>>
      %dma_start3A_433 = arith.constant 0 : i32
      %dma_start3A_434 = arith.constant 0 : i32
      %dma_start3A_435 = tpu.memref_slice %arg15[%dma_start3A_433, %dma_start3A_434] : memref<10240x128xf32, #tpu.memory_space<vmem_shared>> -> memref<10240x128xf32, #tpu.memory_space<vmem_shared>>
      tpu.enqueue_indirect_dma source(%arg14 : memref<64x128xf32, #tpu.memory_space<vmem>>) target(%dma_start3A_435 : memref<10240x128xf32, #tpu.memory_space<vmem_shared>>) offsets(%dma_start3A_432 : memref<64xi32, #tpu.memory_space<vmem>>) semaphore(%arg25 : memref<!tpu.dma_semaphore, #tpu.memory_space<semaphore_mem>>) {add = true}
      %dma_start3A_436 = arith.constant 5 : i32
      %dma_start3A_437 = arith.constant 0 : i32
      %dma_start3A_438 = tpu.memref_slice %arg9[%dma_start3A_436, %dma_start3A_437] : memref<8x64xi32, #tpu.memory_space<vmem>> -> memref<1x64xi32, #tpu.memory_space<vmem>>
      %dma_start3A_439 = tpu.memref_squeeze %dma_start3A_438 : memref<1x64xi32, #tpu.memory_space<vmem>> -> memref<64xi32, #tpu.memory_space<vmem>>
      %dma_start3A_440 = arith.constant 0 : i32
      %dma_start3A_441 = arith.constant 0 : i32
      %dma_start3A_442 = tpu.memref_slice %arg2[%dma_start3A_440, %dma_start3A_441] : memref<20480x128xf32, #tpu.memory_space<hbm>> -> memref<20480x128xf32, #tpu.memory_space<hbm>>
      tpu.enqueue_indirect_dma source(%dma_start3A_442 : memref<20480x128xf32, #tpu.memory_space<hbm>>) target(%arg12 : memref<64x128xf32, #tpu.memory_space<vmem>>) offsets(%dma_start3A_439 : memref<64xi32, #tpu.memory_space<vmem>>) semaphore(%arg19 : memref<!tpu.dma_semaphore, #tpu.memory_space<semaphore_mem>>)
      %dma_wait3A_443 = arith.constant 4 : i32
      %dma_wait3A_444 = arith.constant 0 : i32
      %dma_wait3A_445 = tpu.memref_slice %arg9[%dma_wait3A_443, %dma_wait3A_444] : memref<8x64xi32, #tpu.memory_space<vmem>> -> memref<1x64xi32, #tpu.memory_space<vmem>>
      %dma_wait3A_446 = tpu.memref_squeeze %dma_wait3A_445 : memref<1x64xi32, #tpu.memory_space<vmem>> -> memref<64xi32, #tpu.memory_space<vmem>>
      %dma_wait3A_447 = arith.constant 0 : i32
      %dma_wait3A_448 = arith.constant 0 : i32
      %dma_wait3A_449 = tpu.memref_slice %arg2[%dma_wait3A_447, %dma_wait3A_448] : memref<20480x128xf32, #tpu.memory_space<hbm>> -> memref<20480x128xf32, #tpu.memory_space<hbm>>
      tpu.wait_indirect_dma semaphore(%arg18 : memref<!tpu.dma_semaphore, #tpu.memory_space<semaphore_mem>>) src(%dma_wait3A_449 : memref<20480x128xf32, #tpu.memory_space<hbm>>) dst(%arg11 : memref<64x128xf32, #tpu.memory_space<vmem>>)
      %dma_wait3A_450 = arith.constant 2 : i32
      %dma_wait3A_451 = arith.constant 0 : i32
      %dma_wait3A_452 = tpu.memref_slice %arg10[%dma_wait3A_450, %dma_wait3A_451] : memref<8x64xi32, #tpu.memory_space<vmem>> -> memref<1x64xi32, #tpu.memory_space<vmem>>
      %dma_wait3A_453 = tpu.memref_squeeze %dma_wait3A_452 : memref<1x64xi32, #tpu.memory_space<vmem>> -> memref<64xi32, #tpu.memory_space<vmem>>
      %dma_wait3A_454 = arith.constant 0 : i32
      %dma_wait3A_455 = arith.constant 0 : i32
      %dma_wait3A_456 = tpu.memref_slice %arg15[%dma_wait3A_454, %dma_wait3A_455] : memref<10240x128xf32, #tpu.memory_space<vmem_shared>> -> memref<10240x128xf32, #tpu.memory_space<vmem_shared>>
      tpu.wait_indirect_dma semaphore(%arg24 : memref<!tpu.dma_semaphore, #tpu.memory_space<semaphore_mem>>) src(%arg13 : memref<64x128xf32, #tpu.memory_space<vmem>>) dst(%dma_wait3A_456 : memref<10240x128xf32, #tpu.memory_space<vmem_shared>>)
      %dma_start3A_457 = arith.constant 4 : i32
      %dma_start3A_458 = arith.constant 0 : i32
      %dma_start3A_459 = tpu.memref_slice %arg10[%dma_start3A_457, %dma_start3A_458] : memref<8x64xi32, #tpu.memory_space<vmem>> -> memref<1x64xi32, #tpu.memory_space<vmem>>
      %dma_start3A_460 = tpu.memref_squeeze %dma_start3A_459 : memref<1x64xi32, #tpu.memory_space<vmem>> -> memref<64xi32, #tpu.memory_space<vmem>>
      %dma_start3A_461 = arith.constant 0 : i32
      %dma_start3A_462 = arith.constant 0 : i32
      %dma_start3A_463 = tpu.memref_slice %arg15[%dma_start3A_461, %dma_start3A_462] : memref<10240x128xf32, #tpu.memory_space<vmem_shared>> -> memref<10240x128xf32, #tpu.memory_space<vmem_shared>>
      tpu.enqueue_indirect_dma source(%arg11 : memref<64x128xf32, #tpu.memory_space<vmem>>) target(%dma_start3A_463 : memref<10240x128xf32, #tpu.memory_space<vmem_shared>>) offsets(%dma_start3A_460 : memref<64xi32, #tpu.memory_space<vmem>>) semaphore(%arg22 : memref<!tpu.dma_semaphore, #tpu.memory_space<semaphore_mem>>) {add = true}
      %dma_start3A_464 = arith.constant 6 : i32
      %dma_start3A_465 = arith.constant 0 : i32
      %dma_start3A_466 = tpu.memref_slice %arg9[%dma_start3A_464, %dma_start3A_465] : memref<8x64xi32, #tpu.memory_space<vmem>> -> memref<1x64xi32, #tpu.memory_space<vmem>>
      %dma_start3A_467 = tpu.memref_squeeze %dma_start3A_466 : memref<1x64xi32, #tpu.memory_space<vmem>> -> memref<64xi32, #tpu.memory_space<vmem>>
      %dma_start3A_468 = arith.constant 0 : i32
      %dma_start3A_469 = arith.constant 0 : i32
      %dma_start3A_470 = tpu.memref_slice %arg2[%dma_start3A_468, %dma_start3A_469] : memref<20480x128xf32, #tpu.memory_space<hbm>> -> memref<20480x128xf32, #tpu.memory_space<hbm>>
      tpu.enqueue_indirect_dma source(%dma_start3A_470 : memref<20480x128xf32, #tpu.memory_space<hbm>>) target(%arg13 : memref<64x128xf32, #tpu.memory_space<vmem>>) offsets(%dma_start3A_467 : memref<64xi32, #tpu.memory_space<vmem>>) semaphore(%arg20 : memref<!tpu.dma_semaphore, #tpu.memory_space<semaphore_mem>>)
      %dma_wait3A_471 = arith.constant 5 : i32
      %dma_wait3A_472 = arith.constant 0 : i32
      %dma_wait3A_473 = tpu.memref_slice %arg9[%dma_wait3A_471, %dma_wait3A_472] : memref<8x64xi32, #tpu.memory_space<vmem>> -> memref<1x64xi32, #tpu.memory_space<vmem>>
      %dma_wait3A_474 = tpu.memref_squeeze %dma_wait3A_473 : memref<1x64xi32, #tpu.memory_space<vmem>> -> memref<64xi32, #tpu.memory_space<vmem>>
      %dma_wait3A_475 = arith.constant 0 : i32
      %dma_wait3A_476 = arith.constant 0 : i32
      %dma_wait3A_477 = tpu.memref_slice %arg2[%dma_wait3A_475, %dma_wait3A_476] : memref<20480x128xf32, #tpu.memory_space<hbm>> -> memref<20480x128xf32, #tpu.memory_space<hbm>>
      tpu.wait_indirect_dma semaphore(%arg19 : memref<!tpu.dma_semaphore, #tpu.memory_space<semaphore_mem>>) src(%dma_wait3A_477 : memref<20480x128xf32, #tpu.memory_space<hbm>>) dst(%arg12 : memref<64x128xf32, #tpu.memory_space<vmem>>)
      %dma_wait3A_478 = arith.constant 3 : i32
      %dma_wait3A_479 = arith.constant 0 : i32
      %dma_wait3A_480 = tpu.memref_slice %arg10[%dma_wait3A_478, %dma_wait3A_479] : memref<8x64xi32, #tpu.memory_space<vmem>> -> memref<1x64xi32, #tpu.memory_space<vmem>>
      %dma_wait3A_481 = tpu.memref_squeeze %dma_wait3A_480 : memref<1x64xi32, #tpu.memory_space<vmem>> -> memref<64xi32, #tpu.memory_space<vmem>>
      %dma_wait3A_482 = arith.constant 0 : i32
      %dma_wait3A_483 = arith.constant 0 : i32
      %dma_wait3A_484 = tpu.memref_slice %arg15[%dma_wait3A_482, %dma_wait3A_483] : memref<10240x128xf32, #tpu.memory_space<vmem_shared>> -> memref<10240x128xf32, #tpu.memory_space<vmem_shared>>
      tpu.wait_indirect_dma semaphore(%arg25 : memref<!tpu.dma_semaphore, #tpu.memory_space<semaphore_mem>>) src(%arg14 : memref<64x128xf32, #tpu.memory_space<vmem>>) dst(%dma_wait3A_484 : memref<10240x128xf32, #tpu.memory_space<vmem_shared>>)
      %dma_start3A_485 = arith.constant 5 : i32
      %dma_start3A_486 = arith.constant 0 : i32
      %dma_start3A_487 = tpu.memref_slice %arg10[%dma_start3A_485, %dma_start3A_486] : memref<8x64xi32, #tpu.memory_space<vmem>> -> memref<1x64xi32, #tpu.memory_space<vmem>>
      %dma_start3A_488 = tpu.memref_squeeze %dma_start3A_487 : memref<1x64xi32, #tpu.memory_space<vmem>> -> memref<64xi32, #tpu.memory_space<vmem>>
      %dma_start3A_489 = arith.constant 0 : i32
      %dma_start3A_490 = arith.constant 0 : i32
      %dma_start3A_491 = tpu.memref_slice %arg15[%dma_start3A_489, %dma_start3A_490] : memref<10240x128xf32, #tpu.memory_space<vmem_shared>> -> memref<10240x128xf32, #tpu.memory_space<vmem_shared>>
      tpu.enqueue_indirect_dma source(%arg12 : memref<64x128xf32, #tpu.memory_space<vmem>>) target(%dma_start3A_491 : memref<10240x128xf32, #tpu.memory_space<vmem_shared>>) offsets(%dma_start3A_488 : memref<64xi32, #tpu.memory_space<vmem>>) semaphore(%arg23 : memref<!tpu.dma_semaphore, #tpu.memory_space<semaphore_mem>>) {add = true}
      %dma_start3A_492 = arith.constant 7 : i32
      %dma_start3A_493 = arith.constant 0 : i32
      %dma_start3A_494 = tpu.memref_slice %arg9[%dma_start3A_492, %dma_start3A_493] : memref<8x64xi32, #tpu.memory_space<vmem>> -> memref<1x64xi32, #tpu.memory_space<vmem>>
      %dma_start3A_495 = tpu.memref_squeeze %dma_start3A_494 : memref<1x64xi32, #tpu.memory_space<vmem>> -> memref<64xi32, #tpu.memory_space<vmem>>
      %dma_start3A_496 = arith.constant 0 : i32
      %dma_start3A_497 = arith.constant 0 : i32
      %dma_start3A_498 = tpu.memref_slice %arg2[%dma_start3A_496, %dma_start3A_497] : memref<20480x128xf32, #tpu.memory_space<hbm>> -> memref<20480x128xf32, #tpu.memory_space<hbm>>
      tpu.enqueue_indirect_dma source(%dma_start3A_498 : memref<20480x128xf32, #tpu.memory_space<hbm>>) target(%arg14 : memref<64x128xf32, #tpu.memory_space<vmem>>) offsets(%dma_start3A_495 : memref<64xi32, #tpu.memory_space<vmem>>) semaphore(%arg21 : memref<!tpu.dma_semaphore, #tpu.memory_space<semaphore_mem>>)
      %dma_wait3A_499 = arith.constant 6 : i32
      %dma_wait3A_500 = arith.constant 0 : i32
      %dma_wait3A_501 = tpu.memref_slice %arg9[%dma_wait3A_499, %dma_wait3A_500] : memref<8x64xi32, #tpu.memory_space<vmem>> -> memref<1x64xi32, #tpu.memory_space<vmem>>
      %dma_wait3A_502 = tpu.memref_squeeze %dma_wait3A_501 : memref<1x64xi32, #tpu.memory_space<vmem>> -> memref<64xi32, #tpu.memory_space<vmem>>
      %dma_wait3A_503 = arith.constant 0 : i32
      %dma_wait3A_504 = arith.constant 0 : i32
      %dma_wait3A_505 = tpu.memref_slice %arg2[%dma_wait3A_503, %dma_wait3A_504] : memref<20480x128xf32, #tpu.memory_space<hbm>> -> memref<20480x128xf32, #tpu.memory_space<hbm>>
      tpu.wait_indirect_dma semaphore(%arg20 : memref<!tpu.dma_semaphore, #tpu.memory_space<semaphore_mem>>) src(%dma_wait3A_505 : memref<20480x128xf32, #tpu.memory_space<hbm>>) dst(%arg13 : memref<64x128xf32, #tpu.memory_space<vmem>>)
      %dma_wait3A_506 = arith.constant 4 : i32
      %dma_wait3A_507 = arith.constant 0 : i32
      %dma_wait3A_508 = tpu.memref_slice %arg10[%dma_wait3A_506, %dma_wait3A_507] : memref<8x64xi32, #tpu.memory_space<vmem>> -> memref<1x64xi32, #tpu.memory_space<vmem>>
      %dma_wait3A_509 = tpu.memref_squeeze %dma_wait3A_508 : memref<1x64xi32, #tpu.memory_space<vmem>> -> memref<64xi32, #tpu.memory_space<vmem>>
      %dma_wait3A_510 = arith.constant 0 : i32
      %dma_wait3A_511 = arith.constant 0 : i32
      %dma_wait3A_512 = tpu.memref_slice %arg15[%dma_wait3A_510, %dma_wait3A_511] : memref<10240x128xf32, #tpu.memory_space<vmem_shared>> -> memref<10240x128xf32, #tpu.memory_space<vmem_shared>>
      tpu.wait_indirect_dma semaphore(%arg22 : memref<!tpu.dma_semaphore, #tpu.memory_space<semaphore_mem>>) src(%arg11 : memref<64x128xf32, #tpu.memory_space<vmem>>) dst(%dma_wait3A_512 : memref<10240x128xf32, #tpu.memory_space<vmem_shared>>)
      %dma_start3A_513 = arith.constant 6 : i32
      %dma_start3A_514 = arith.constant 0 : i32
      %dma_start3A_515 = tpu.memref_slice %arg10[%dma_start3A_513, %dma_start3A_514] : memref<8x64xi32, #tpu.memory_space<vmem>> -> memref<1x64xi32, #tpu.memory_space<vmem>>
      %dma_start3A_516 = tpu.memref_squeeze %dma_start3A_515 : memref<1x64xi32, #tpu.memory_space<vmem>> -> memref<64xi32, #tpu.memory_space<vmem>>
      %dma_start3A_517 = arith.constant 0 : i32
      %dma_start3A_518 = arith.constant 0 : i32
      %dma_start3A_519 = tpu.memref_slice %arg15[%dma_start3A_517, %dma_start3A_518] : memref<10240x128xf32, #tpu.memory_space<vmem_shared>> -> memref<10240x128xf32, #tpu.memory_space<vmem_shared>>
      tpu.enqueue_indirect_dma source(%arg13 : memref<64x128xf32, #tpu.memory_space<vmem>>) target(%dma_start3A_519 : memref<10240x128xf32, #tpu.memory_space<vmem_shared>>) offsets(%dma_start3A_516 : memref<64xi32, #tpu.memory_space<vmem>>) semaphore(%arg24 : memref<!tpu.dma_semaphore, #tpu.memory_space<semaphore_mem>>) {add = true}
      %lt3A_520 = arith.constant 19 : i32
      %lt3A_521 = arith.cmpi slt, %scan3A_70, %lt3A_520 : i32
      %convert_element_type3A_522 = arith.extui %lt3A_521 : i1 to i32
      %cond3A_523 = arith.constant 0 : i32
      %cond3A_524 = arith.cmpi ne, %convert_element_type3A_522, %cond3A_523 : i32
      scf.if %cond3A_524 {
        %mul3A_551 = arith.constant 2 : i32
        %mul3A_552 = arith.muli %mul3A_551, %scan3A_70 : i32
        %add3A_553 = arith.constant 2 : i32
        %add3A_554 = arith.addi %mul3A_552, %add3A_553 : i32
        %dma_wait3A_555 = arith.constant 0 : i32
        %dma_wait3A_556 = arith.constant 0 : i32
        %dma_wait3A_557 = tpu.memref_slice %arg3[%arg0, %arg1, %add3A_554, %dma_wait3A_555, %dma_wait3A_556] : memref<2x16x40x8x64xi32, #tpu.memory_space<hbm>> -> memref<1x1x1x8x64xi32, #tpu.memory_space<hbm>>
        %dma_wait3A_558 = tpu.memref_squeeze %dma_wait3A_557 : memref<1x1x1x8x64xi32, #tpu.memory_space<hbm>> -> memref<8x64xi32, #tpu.memory_space<hbm>>
        %dma_wait3A_559 = arith.constant 0 : i32
        %dma_wait3A_560 = arith.constant 0 : i32
        %dma_wait3A_561 = tpu.memref_slice %arg3[%arg0, %arg1, %add3A_554, %dma_wait3A_559, %dma_wait3A_560] : memref<2x16x40x8x64xi32, #tpu.memory_space<hbm>> -> memref<1x1x1x8x64xi32, #tpu.memory_space<hbm>>
        %dma_wait3A_562 = tpu.memref_squeeze %dma_wait3A_561 : memref<1x1x1x8x64xi32, #tpu.memory_space<hbm>> -> memref<8x64xi32, #tpu.memory_space<hbm>>
        tpu.wait_dma2 semaphore(%arg16 : memref<!tpu.dma_semaphore, #tpu.memory_space<semaphore_mem>>) src(%dma_wait3A_562 : memref<8x64xi32, #tpu.memory_space<hbm>>) dst(%arg7 : memref<8x64xi32, #tpu.memory_space<vmem>>)
        %dma_wait3A_563 = arith.constant 0 : i32
        %dma_wait3A_564 = arith.constant 0 : i32
        %dma_wait3A_565 = tpu.memref_slice %arg4[%arg0, %arg1, %add3A_554, %dma_wait3A_563, %dma_wait3A_564] : memref<2x16x40x8x64xi32, #tpu.memory_space<hbm>> -> memref<1x1x1x8x64xi32, #tpu.memory_space<hbm>>
        %dma_wait3A_566 = tpu.memref_squeeze %dma_wait3A_565 : memref<1x1x1x8x64xi32, #tpu.memory_space<hbm>> -> memref<8x64xi32, #tpu.memory_space<hbm>>
        %dma_wait3A_567 = arith.constant 0 : i32
        %dma_wait3A_568 = arith.constant 0 : i32
        %dma_wait3A_569 = tpu.memref_slice %arg4[%arg0, %arg1, %add3A_554, %dma_wait3A_567, %dma_wait3A_568] : memref<2x16x40x8x64xi32, #tpu.memory_space<hbm>> -> memref<1x1x1x8x64xi32, #tpu.memory_space<hbm>>
        %dma_wait3A_570 = tpu.memref_squeeze %dma_wait3A_569 : memref<1x1x1x8x64xi32, #tpu.memory_space<hbm>> -> memref<8x64xi32, #tpu.memory_space<hbm>>
        tpu.wait_dma2 semaphore(%arg16 : memref<!tpu.dma_semaphore, #tpu.memory_space<semaphore_mem>>) src(%dma_wait3A_570 : memref<8x64xi32, #tpu.memory_space<hbm>>) dst(%arg8 : memref<8x64xi32, #tpu.memory_space<vmem>>)
        %dma_start3A_571 = arith.constant 0 : i32
        %dma_start3A_572 = arith.constant 0 : i32
        %dma_start3A_573 = tpu.memref_slice %arg7[%dma_start3A_571, %dma_start3A_572] : memref<8x64xi32, #tpu.memory_space<vmem>> -> memref<1x64xi32, #tpu.memory_space<vmem>>
        %dma_start3A_574 = tpu.memref_squeeze %dma_start3A_573 : memref<1x64xi32, #tpu.memory_space<vmem>> -> memref<64xi32, #tpu.memory_space<vmem>>
        %dma_start3A_575 = arith.constant 0 : i32
        %dma_start3A_576 = arith.constant 0 : i32
        %dma_start3A_577 = tpu.memref_slice %arg2[%dma_start3A_575, %dma_start3A_576] : memref<20480x128xf32, #tpu.memory_space<hbm>> -> memref<20480x128xf32, #tpu.memory_space<hbm>>
        tpu.enqueue_indirect_dma source(%dma_start3A_577 : memref<20480x128xf32, #tpu.memory_space<hbm>>) target(%arg11 : memref<64x128xf32, #tpu.memory_space<vmem>>) offsets(%dma_start3A_574 : memref<64xi32, #tpu.memory_space<vmem>>) semaphore(%arg18 : memref<!tpu.dma_semaphore, #tpu.memory_space<semaphore_mem>>)
      } else {
      }
      %dma_wait3A_525 = arith.constant 7 : i32
      %dma_wait3A_526 = arith.constant 0 : i32
      %dma_wait3A_527 = tpu.memref_slice %arg9[%dma_wait3A_525, %dma_wait3A_526] : memref<8x64xi32, #tpu.memory_space<vmem>> -> memref<1x64xi32, #tpu.memory_space<vmem>>
      %dma_wait3A_528 = tpu.memref_squeeze %dma_wait3A_527 : memref<1x64xi32, #tpu.memory_space<vmem>> -> memref<64xi32, #tpu.memory_space<vmem>>
      %dma_wait3A_529 = arith.constant 0 : i32
      %dma_wait3A_530 = arith.constant 0 : i32
      %dma_wait3A_531 = tpu.memref_slice %arg2[%dma_wait3A_529, %dma_wait3A_530] : memref<20480x128xf32, #tpu.memory_space<hbm>> -> memref<20480x128xf32, #tpu.memory_space<hbm>>
      tpu.wait_indirect_dma semaphore(%arg21 : memref<!tpu.dma_semaphore, #tpu.memory_space<semaphore_mem>>) src(%dma_wait3A_531 : memref<20480x128xf32, #tpu.memory_space<hbm>>) dst(%arg14 : memref<64x128xf32, #tpu.memory_space<vmem>>)
      %dma_wait3A_532 = arith.constant 5 : i32
      %dma_wait3A_533 = arith.constant 0 : i32
      %dma_wait3A_534 = tpu.memref_slice %arg10[%dma_wait3A_532, %dma_wait3A_533] : memref<8x64xi32, #tpu.memory_space<vmem>> -> memref<1x64xi32, #tpu.memory_space<vmem>>
      %dma_wait3A_535 = tpu.memref_squeeze %dma_wait3A_534 : memref<1x64xi32, #tpu.memory_space<vmem>> -> memref<64xi32, #tpu.memory_space<vmem>>
      %dma_wait3A_536 = arith.constant 0 : i32
      %dma_wait3A_537 = arith.constant 0 : i32
      %dma_wait3A_538 = tpu.memref_slice %arg15[%dma_wait3A_536, %dma_wait3A_537] : memref<10240x128xf32, #tpu.memory_space<vmem_shared>> -> memref<10240x128xf32, #tpu.memory_space<vmem_shared>>
      tpu.wait_indirect_dma semaphore(%arg23 : memref<!tpu.dma_semaphore, #tpu.memory_space<semaphore_mem>>) src(%arg12 : memref<64x128xf32, #tpu.memory_space<vmem>>) dst(%dma_wait3A_538 : memref<10240x128xf32, #tpu.memory_space<vmem_shared>>)
      %dma_start3A_539 = arith.constant 7 : i32
      %dma_start3A_540 = arith.constant 0 : i32
      %dma_start3A_541 = tpu.memref_slice %arg10[%dma_start3A_539, %dma_start3A_540] : memref<8x64xi32, #tpu.memory_space<vmem>> -> memref<1x64xi32, #tpu.memory_space<vmem>>
      %dma_start3A_542 = tpu.memref_squeeze %dma_start3A_541 : memref<1x64xi32, #tpu.memory_space<vmem>> -> memref<64xi32, #tpu.memory_space<vmem>>
      %dma_start3A_543 = arith.constant 0 : i32
      %dma_start3A_544 = arith.constant 0 : i32
      %dma_start3A_545 = tpu.memref_slice %arg15[%dma_start3A_543, %dma_start3A_544] : memref<10240x128xf32, #tpu.memory_space<vmem_shared>> -> memref<10240x128xf32, #tpu.memory_space<vmem_shared>>
      tpu.enqueue_indirect_dma source(%arg14 : memref<64x128xf32, #tpu.memory_space<vmem>>) target(%dma_start3A_545 : memref<10240x128xf32, #tpu.memory_space<vmem_shared>>) offsets(%dma_start3A_542 : memref<64xi32, #tpu.memory_space<vmem>>) semaphore(%arg25 : memref<!tpu.dma_semaphore, #tpu.memory_space<semaphore_mem>>) {add = true}
      %lt3A_546 = arith.constant 19 : i32
      %lt3A_547 = arith.cmpi slt, %scan3A_70, %lt3A_546 : i32
      %convert_element_type3A_548 = arith.extui %lt3A_547 : i1 to i32
      %cond3A_549 = arith.constant 0 : i32
      %cond3A_550 = arith.cmpi ne, %convert_element_type3A_548, %cond3A_549 : i32
      scf.if %cond3A_550 {
        %dma_start3A_551 = arith.constant 1 : i32
        %dma_start3A_552 = arith.constant 0 : i32
        %dma_start3A_553 = tpu.memref_slice %arg7[%dma_start3A_551, %dma_start3A_552] : memref<8x64xi32, #tpu.memory_space<vmem>> -> memref<1x64xi32, #tpu.memory_space<vmem>>
        %dma_start3A_554 = tpu.memref_squeeze %dma_start3A_553 : memref<1x64xi32, #tpu.memory_space<vmem>> -> memref<64xi32, #tpu.memory_space<vmem>>
        %dma_start3A_555 = arith.constant 0 : i32
        %dma_start3A_556 = arith.constant 0 : i32
        %dma_start3A_557 = tpu.memref_slice %arg2[%dma_start3A_555, %dma_start3A_556] : memref<20480x128xf32, #tpu.memory_space<hbm>> -> memref<20480x128xf32, #tpu.memory_space<hbm>>
        tpu.enqueue_indirect_dma source(%dma_start3A_557 : memref<20480x128xf32, #tpu.memory_space<hbm>>) target(%arg12 : memref<64x128xf32, #tpu.memory_space<vmem>>) offsets(%dma_start3A_554 : memref<64xi32, #tpu.memory_space<vmem>>) semaphore(%arg19 : memref<!tpu.dma_semaphore, #tpu.memory_space<semaphore_mem>>)
      } else {
      }
    }
    %scan3A_54 = arith.constant 20 : i32
    %dma_wait3A_55 = arith.constant 6 : i32
    %dma_wait3A_56 = arith.constant 0 : i32
    %dma_wait3A_57 = tpu.memref_slice %arg10[%dma_wait3A_55, %dma_wait3A_56] : memref<8x64xi32, #tpu.memory_space<vmem>> -> memref<1x64xi32, #tpu.memory_space<vmem>>
    %dma_wait3A_58 = tpu.memref_squeeze %dma_wait3A_57 : memref<1x64xi32, #tpu.memory_space<vmem>> -> memref<64xi32, #tpu.memory_space<vmem>>
    %dma_wait3A_59 = arith.constant 0 : i32
    %dma_wait3A_60 = arith.constant 0 : i32
    %dma_wait3A_61 = tpu.memref_slice %arg15[%dma_wait3A_59, %dma_wait3A_60] : memref<10240x128xf32, #tpu.memory_space<vmem_shared>> -> memref<10240x128xf32, #tpu.memory_space<vmem_shared>>
    tpu.wait_indirect_dma semaphore(%arg24 : memref<!tpu.dma_semaphore, #tpu.memory_space<semaphore_mem>>) src(%arg13 : memref<64x128xf32, #tpu.memory_space<vmem>>) dst(%dma_wait3A_61 : memref<10240x128xf32, #tpu.memory_space<vmem_shared>>)
    %dma_wait3A_62 = arith.constant 7 : i32
    %dma_wait3A_63 = arith.constant 0 : i32
    %dma_wait3A_64 = tpu.memref_slice %arg10[%dma_wait3A_62, %dma_wait3A_63] : memref<8x64xi32, #tpu.memory_space<vmem>> -> memref<1x64xi32, #tpu.memory_space<vmem>>
    %dma_wait3A_65 = tpu.memref_squeeze %dma_wait3A_64 : memref<1x64xi32, #tpu.memory_space<vmem>> -> memref<64xi32, #tpu.memory_space<vmem>>
    %dma_wait3A_66 = arith.constant 0 : i32
    %dma_wait3A_67 = arith.constant 0 : i32
    %dma_wait3A_68 = tpu.memref_slice %arg15[%dma_wait3A_66, %dma_wait3A_67] : memref<10240x128xf32, #tpu.memory_space<vmem_shared>> -> memref<10240x128xf32, #tpu.memory_space<vmem_shared>>
    tpu.wait_indirect_dma semaphore(%arg25 : memref<!tpu.dma_semaphore, #tpu.memory_space<semaphore_mem>>) src(%arg14 : memref<64x128xf32, #tpu.memory_space<vmem>>) dst(%dma_wait3A_68 : memref<10240x128xf32, #tpu.memory_space<vmem_shared>>)
    %barrier3A_69 = arith.constant 0 : index
    tpu.barrier barrier_id(%barrier3A_69)
    "tpu.region"() ({
      %run_scoped3A = tpu.sem_alloc : memref<!tpu.dma_semaphore, #tpu.memory_space<semaphore_mem>>
      %dma_start3A_70 = arith.constant 0 : i32
      %dma_start3A_71 = tpu.memref_slice %arg6[%arg0, %mul3A_0, %dma_start3A_70] : memref<2x10240x128xf32, #tpu.memory_space<hbm>> -> memref<1x640x128xf32, #tpu.memory_space<hbm>>
      %dma_start3A_72 = tpu.memref_squeeze %dma_start3A_71 : memref<1x640x128xf32, #tpu.memory_space<hbm>> -> memref<640x128xf32, #tpu.memory_space<hbm>>
      %dma_start3A_73 = arith.constant 0 : i32
      %dma_start3A_74 = tpu.memref_slice %arg15[%mul3A_0, %dma_start3A_73] : memref<10240x128xf32, #tpu.memory_space<vmem_shared>> -> memref<640x128xf32, #tpu.memory_space<vmem_shared>>
      tpu.enqueue_dma source(%dma_start3A_74 : memref<640x128xf32, #tpu.memory_space<vmem_shared>>) target(%dma_start3A_72 : memref<640x128xf32, #tpu.memory_space<hbm>>) target_semaphore(%run_scoped3A : memref<!tpu.dma_semaphore, #tpu.memory_space<semaphore_mem>>)
      %dma_wait3A_75 = arith.constant 0 : i32
      %dma_wait3A_76 = tpu.memref_slice %arg6[%arg0, %mul3A_0, %dma_wait3A_75] : memref<2x10240x128xf32, #tpu.memory_space<hbm>> -> memref<1x640x128xf32, #tpu.memory_space<hbm>>
      %dma_wait3A_77 = tpu.memref_squeeze %dma_wait3A_76 : memref<1x640x128xf32, #tpu.memory_space<hbm>> -> memref<640x128xf32, #tpu.memory_space<hbm>>
      %dma_wait3A_78 = arith.constant 0 : i32
      %dma_wait3A_79 = tpu.memref_slice %arg15[%mul3A_0, %dma_wait3A_78] : memref<10240x128xf32, #tpu.memory_space<vmem_shared>> -> memref<640x128xf32, #tpu.memory_space<vmem_shared>>
      tpu.wait_dma2 semaphore(%run_scoped3A : memref<!tpu.dma_semaphore, #tpu.memory_space<semaphore_mem>>) src(%dma_wait3A_79 : memref<640x128xf32, #tpu.memory_space<vmem_shared>>) dst(%dma_wait3A_77 : memref<640x128xf32, #tpu.memory_space<hbm>>)
      tpu.yield
    }) : () -> ()
    return
  }
}

#map = affine_map<(d0, d1) -> (0, 0)>
#map1 = affine_map<(d0, d1) -> (0, 0, 0, 0, 0)>
#map2 = affine_map<(d0, d1) -> (0, 0, 0)>
module attributes {stable_mosaic.version = 14 : i64} {
  func.func @sage_sc_agg_160_0(%arg0: i32, %arg1: i32, %arg2: memref<10240x128xf32, #tpu.memory_space<hbm>>, %arg3: memref<2x16x20x8x64xi32, #tpu.memory_space<hbm>>, %arg4: memref<2x16x20x8x64xi32, #tpu.memory_space<hbm>>, %arg5: memref<10240x128xf32, #tpu.memory_space<hbm>>, %arg6: memref<2x10240x128xf32, #tpu.memory_space<hbm>>, %arg7: memref<8x64xi32, #tpu.memory_space<vmem>>, %arg8: memref<8x64xi32, #tpu.memory_space<vmem>>, %arg9: memref<8x64xi32, #tpu.memory_space<vmem>>, %arg10: memref<8x64xi32, #tpu.memory_space<vmem>>, %arg11: memref<64x128xf32, #tpu.memory_space<vmem>>, %arg12: memref<64x128xf32, #tpu.memory_space<vmem>>, %arg13: memref<64x128xf32, #tpu.memory_space<vmem>>, %arg14: memref<64x128xf32, #tpu.memory_space<vmem>>, %arg15: memref<10240x128xf32, #tpu.memory_space<vmem_shared>>, %arg16: memref<!tpu.dma_semaphore, #tpu.memory_space<semaphore_mem>>, %arg17: memref<!tpu.dma_semaphore, #tpu.memory_space<semaphore_mem>>, %arg18: memref<!tpu.dma_semaphore, #tpu.memory_space<semaphore_mem>>, %arg19: memref<!tpu.dma_semaphore, #tpu.memory_space<semaphore_mem>>, %arg20: memref<!tpu.dma_semaphore, #tpu.memory_space<semaphore_mem>>, %arg21: memref<!tpu.dma_semaphore, #tpu.memory_space<semaphore_mem>>, %arg22: memref<!tpu.dma_semaphore, #tpu.memory_space<semaphore_mem>>, %arg23: memref<!tpu.dma_semaphore, #tpu.memory_space<semaphore_mem>>, %arg24: memref<!tpu.dma_semaphore, #tpu.memory_space<semaphore_mem>>, %arg25: memref<!tpu.dma_semaphore, #tpu.memory_space<semaphore_mem>>) attributes {dimension_semantics = [#tpu.dimension_semantics<core_parallel>, #tpu.dimension_semantics<subcore_parallel>], iteration_bounds = array<i64: 2, 16>, scalar_prefetch = 0 : i64, scratch_operands = 19 : i64, tpu.core_type = #tpu.core_type<sc_vector_subcore>, window_params = [{transform_indices = #map}, {transform_indices = #map1}, {transform_indices = #map1}, {transform_indices = #map}, {transform_indices = #map2}]} {
    %mul3A = arith.constant 640 : i32
    %mul3A_0 = arith.muli %arg1, %mul3A : i32
    "tpu.region"() ({
      %run_scoped3A = tpu.sem_alloc : memref<!tpu.dma_semaphore, #tpu.memory_space<semaphore_mem>>
      %dma_start3A_70 = arith.constant 0 : i32
      %dma_start3A_71 = tpu.memref_slice %arg15[%mul3A_0, %dma_start3A_70] : memref<10240x128xf32, #tpu.memory_space<vmem_shared>> -> memref<640x128xf32, #tpu.memory_space<vmem_shared>>
      %dma_start3A_72 = arith.constant 0 : i32
      %dma_start3A_73 = tpu.memref_slice %arg5[%mul3A_0, %dma_start3A_72] : memref<10240x128xf32, #tpu.memory_space<hbm>> -> memref<640x128xf32, #tpu.memory_space<hbm>>
      tpu.enqueue_dma source(%dma_start3A_73 : memref<640x128xf32, #tpu.memory_space<hbm>>) target(%dma_start3A_71 : memref<640x128xf32, #tpu.memory_space<vmem_shared>>) target_semaphore(%run_scoped3A : memref<!tpu.dma_semaphore, #tpu.memory_space<semaphore_mem>>)
      %dma_wait3A_74 = arith.constant 0 : i32
      %dma_wait3A_75 = tpu.memref_slice %arg15[%mul3A_0, %dma_wait3A_74] : memref<10240x128xf32, #tpu.memory_space<vmem_shared>> -> memref<640x128xf32, #tpu.memory_space<vmem_shared>>
      %dma_wait3A_76 = arith.constant 0 : i32
      %dma_wait3A_77 = tpu.memref_slice %arg5[%mul3A_0, %dma_wait3A_76] : memref<10240x128xf32, #tpu.memory_space<hbm>> -> memref<640x128xf32, #tpu.memory_space<hbm>>
      tpu.wait_dma2 semaphore(%run_scoped3A : memref<!tpu.dma_semaphore, #tpu.memory_space<semaphore_mem>>) src(%dma_wait3A_77 : memref<640x128xf32, #tpu.memory_space<hbm>>) dst(%dma_wait3A_75 : memref<640x128xf32, #tpu.memory_space<vmem_shared>>)
      tpu.yield
    }) : () -> ()
    %barrier3A = arith.constant 0 : index
    tpu.barrier barrier_id(%barrier3A)
    %broadcast_in_dim3A = arith.constant 1.000000e+00 : f32
    %broadcast_in_dim3A_1 = vector.broadcast %broadcast_in_dim3A : f32 to vector<16xf32>
    %dma_start3A = arith.constant 0 : i32
    %dma_start3A_2 = arith.constant 0 : i32
    %dma_start3A_3 = arith.constant 0 : i32
    %dma_start3A_4 = tpu.memref_slice %arg3[%arg0, %arg1, %dma_start3A, %dma_start3A_2, %dma_start3A_3] : memref<2x16x20x8x64xi32, #tpu.memory_space<hbm>> -> memref<1x1x1x8x64xi32, #tpu.memory_space<hbm>>
    %dma_start3A_5 = tpu.memref_squeeze %dma_start3A_4 : memref<1x1x1x8x64xi32, #tpu.memory_space<hbm>> -> memref<8x64xi32, #tpu.memory_space<hbm>>
    %dma_start3A_6 = arith.constant 0 : i32
    %dma_start3A_7 = arith.constant 0 : i32
    %dma_start3A_8 = tpu.memref_slice %arg3[%arg0, %arg1, %dma_start3A, %dma_start3A_6, %dma_start3A_7] : memref<2x16x20x8x64xi32, #tpu.memory_space<hbm>> -> memref<1x1x1x8x64xi32, #tpu.memory_space<hbm>>
    %dma_start3A_9 = tpu.memref_squeeze %dma_start3A_8 : memref<1x1x1x8x64xi32, #tpu.memory_space<hbm>> -> memref<8x64xi32, #tpu.memory_space<hbm>>
    tpu.enqueue_dma source(%dma_start3A_9 : memref<8x64xi32, #tpu.memory_space<hbm>>) target(%arg7 : memref<8x64xi32, #tpu.memory_space<vmem>>) target_semaphore(%arg16 : memref<!tpu.dma_semaphore, #tpu.memory_space<semaphore_mem>>)
    %dma_start3A_10 = arith.constant 0 : i32
    %dma_start3A_11 = arith.constant 0 : i32
    %dma_start3A_12 = arith.constant 0 : i32
    %dma_start3A_13 = tpu.memref_slice %arg4[%arg0, %arg1, %dma_start3A_10, %dma_start3A_11, %dma_start3A_12] : memref<2x16x20x8x64xi32, #tpu.memory_space<hbm>> -> memref<1x1x1x8x64xi32, #tpu.memory_space<hbm>>
    %dma_start3A_14 = tpu.memref_squeeze %dma_start3A_13 : memref<1x1x1x8x64xi32, #tpu.memory_space<hbm>> -> memref<8x64xi32, #tpu.memory_space<hbm>>
    %dma_start3A_15 = arith.constant 0 : i32
    %dma_start3A_16 = arith.constant 0 : i32
    %dma_start3A_17 = tpu.memref_slice %arg4[%arg0, %arg1, %dma_start3A_10, %dma_start3A_15, %dma_start3A_16] : memref<2x16x20x8x64xi32, #tpu.memory_space<hbm>> -> memref<1x1x1x8x64xi32, #tpu.memory_space<hbm>>
    %dma_start3A_18 = tpu.memref_squeeze %dma_start3A_17 : memref<1x1x1x8x64xi32, #tpu.memory_space<hbm>> -> memref<8x64xi32, #tpu.memory_space<hbm>>
    tpu.enqueue_dma source(%dma_start3A_18 : memref<8x64xi32, #tpu.memory_space<hbm>>) target(%arg8 : memref<8x64xi32, #tpu.memory_space<vmem>>) target_semaphore(%arg16 : memref<!tpu.dma_semaphore, #tpu.memory_space<semaphore_mem>>)
    %dma_wait3A = arith.constant 0 : i32
    %dma_wait3A_19 = arith.constant 0 : i32
    %dma_wait3A_20 = arith.constant 0 : i32
    %dma_wait3A_21 = tpu.memref_slice %arg3[%arg0, %arg1, %dma_wait3A, %dma_wait3A_19, %dma_wait3A_20] : memref<2x16x20x8x64xi32, #tpu.memory_space<hbm>> -> memref<1x1x1x8x64xi32, #tpu.memory_space<hbm>>
    %dma_wait3A_22 = tpu.memref_squeeze %dma_wait3A_21 : memref<1x1x1x8x64xi32, #tpu.memory_space<hbm>> -> memref<8x64xi32, #tpu.memory_space<hbm>>
    %dma_wait3A_23 = arith.constant 0 : i32
    %dma_wait3A_24 = arith.constant 0 : i32
    %dma_wait3A_25 = tpu.memref_slice %arg3[%arg0, %arg1, %dma_wait3A, %dma_wait3A_23, %dma_wait3A_24] : memref<2x16x20x8x64xi32, #tpu.memory_space<hbm>> -> memref<1x1x1x8x64xi32, #tpu.memory_space<hbm>>
    %dma_wait3A_26 = tpu.memref_squeeze %dma_wait3A_25 : memref<1x1x1x8x64xi32, #tpu.memory_space<hbm>> -> memref<8x64xi32, #tpu.memory_space<hbm>>
    tpu.wait_dma2 semaphore(%arg16 : memref<!tpu.dma_semaphore, #tpu.memory_space<semaphore_mem>>) src(%dma_wait3A_26 : memref<8x64xi32, #tpu.memory_space<hbm>>) dst(%arg7 : memref<8x64xi32, #tpu.memory_space<vmem>>)
    %dma_wait3A_27 = arith.constant 0 : i32
    %dma_wait3A_28 = arith.constant 0 : i32
    %dma_wait3A_29 = arith.constant 0 : i32
    %dma_wait3A_30 = tpu.memref_slice %arg4[%arg0, %arg1, %dma_wait3A_27, %dma_wait3A_28, %dma_wait3A_29] : memref<2x16x20x8x64xi32, #tpu.memory_space<hbm>> -> memref<1x1x1x8x64xi32, #tpu.memory_space<hbm>>
    %dma_wait3A_31 = tpu.memref_squeeze %dma_wait3A_30 : memref<1x1x1x8x64xi32, #tpu.memory_space<hbm>> -> memref<8x64xi32, #tpu.memory_space<hbm>>
    %dma_wait3A_32 = arith.constant 0 : i32
    %dma_wait3A_33 = arith.constant 0 : i32
    %dma_wait3A_34 = tpu.memref_slice %arg4[%arg0, %arg1, %dma_wait3A_27, %dma_wait3A_32, %dma_wait3A_33] : memref<2x16x20x8x64xi32, #tpu.memory_space<hbm>> -> memref<1x1x1x8x64xi32, #tpu.memory_space<hbm>>
    %dma_wait3A_35 = tpu.memref_squeeze %dma_wait3A_34 : memref<1x1x1x8x64xi32, #tpu.memory_space<hbm>> -> memref<8x64xi32, #tpu.memory_space<hbm>>
    tpu.wait_dma2 semaphore(%arg16 : memref<!tpu.dma_semaphore, #tpu.memory_space<semaphore_mem>>) src(%dma_wait3A_35 : memref<8x64xi32, #tpu.memory_space<hbm>>) dst(%arg8 : memref<8x64xi32, #tpu.memory_space<vmem>>)
    %dma_start3A_36 = arith.constant 0 : i32
    %dma_start3A_37 = arith.constant 0 : i32
    %dma_start3A_38 = tpu.memref_slice %arg7[%dma_start3A_36, %dma_start3A_37] : memref<8x64xi32, #tpu.memory_space<vmem>> -> memref<1x64xi32, #tpu.memory_space<vmem>>
    %dma_start3A_39 = tpu.memref_squeeze %dma_start3A_38 : memref<1x64xi32, #tpu.memory_space<vmem>> -> memref<64xi32, #tpu.memory_space<vmem>>
    %dma_start3A_40 = arith.constant 0 : i32
    %dma_start3A_41 = arith.constant 0 : i32
    %dma_start3A_42 = tpu.memref_slice %arg2[%dma_start3A_40, %dma_start3A_41] : memref<10240x128xf32, #tpu.memory_space<hbm>> -> memref<10240x128xf32, #tpu.memory_space<hbm>>
    tpu.enqueue_indirect_dma source(%dma_start3A_42 : memref<10240x128xf32, #tpu.memory_space<hbm>>) target(%arg11 : memref<64x128xf32, #tpu.memory_space<vmem>>) offsets(%dma_start3A_39 : memref<64xi32, #tpu.memory_space<vmem>>) semaphore(%arg18 : memref<!tpu.dma_semaphore, #tpu.memory_space<semaphore_mem>>)
    %dma_start3A_43 = arith.constant 1 : i32
    %dma_start3A_44 = arith.constant 0 : i32
    %dma_start3A_45 = tpu.memref_slice %arg7[%dma_start3A_43, %dma_start3A_44] : memref<8x64xi32, #tpu.memory_space<vmem>> -> memref<1x64xi32, #tpu.memory_space<vmem>>
    %dma_start3A_46 = tpu.memref_squeeze %dma_start3A_45 : memref<1x64xi32, #tpu.memory_space<vmem>> -> memref<64xi32, #tpu.memory_space<vmem>>
    %dma_start3A_47 = arith.constant 0 : i32
    %dma_start3A_48 = arith.constant 0 : i32
    %dma_start3A_49 = tpu.memref_slice %arg2[%dma_start3A_47, %dma_start3A_48] : memref<10240x128xf32, #tpu.memory_space<hbm>> -> memref<10240x128xf32, #tpu.memory_space<hbm>>
    tpu.enqueue_indirect_dma source(%dma_start3A_49 : memref<10240x128xf32, #tpu.memory_space<hbm>>) target(%arg12 : memref<64x128xf32, #tpu.memory_space<vmem>>) offsets(%dma_start3A_46 : memref<64xi32, #tpu.memory_space<vmem>>) semaphore(%arg19 : memref<!tpu.dma_semaphore, #tpu.memory_space<semaphore_mem>>)
    %scan3A = arith.constant 0 : i32
    %scan3A_50 = arith.constant 0 : i32
    %scan3A_51 = arith.constant 10 : i32
    %scan3A_52 = arith.addi %scan3A_50, %scan3A_51 : i32
    %scan3A_53 = arith.constant 1 : i32
    scf.for %scan3A_70 = %scan3A_50 to %scan3A_52 step %scan3A_53  : i32 {
      %dma_wait3A_71 = arith.constant 0 : i32
      %dma_wait3A_72 = arith.constant 0 : i32
      %dma_wait3A_73 = tpu.memref_slice %arg7[%dma_wait3A_71, %dma_wait3A_72] : memref<8x64xi32, #tpu.memory_space<vmem>> -> memref<1x64xi32, #tpu.memory_space<vmem>>
      %dma_wait3A_74 = tpu.memref_squeeze %dma_wait3A_73 : memref<1x64xi32, #tpu.memory_space<vmem>> -> memref<64xi32, #tpu.memory_space<vmem>>
      %dma_wait3A_75 = arith.constant 0 : i32
      %dma_wait3A_76 = arith.constant 0 : i32
      %dma_wait3A_77 = tpu.memref_slice %arg2[%dma_wait3A_75, %dma_wait3A_76] : memref<10240x128xf32, #tpu.memory_space<hbm>> -> memref<10240x128xf32, #tpu.memory_space<hbm>>
      tpu.wait_indirect_dma semaphore(%arg18 : memref<!tpu.dma_semaphore, #tpu.memory_space<semaphore_mem>>) src(%dma_wait3A_77 : memref<10240x128xf32, #tpu.memory_space<hbm>>) dst(%arg11 : memref<64x128xf32, #tpu.memory_space<vmem>>)
      %gt3A = arith.constant 0 : i32
      %gt3A_78 = arith.cmpi sgt, %scan3A_70, %gt3A : i32
      %convert_element_type3A = arith.extui %gt3A_78 : i1 to i32
      %cond3A = arith.constant 0 : i32
      %cond3A_79 = arith.cmpi ne, %convert_element_type3A, %cond3A : i32
      scf.if %cond3A_79 {
        %dma_wait3A_551 = arith.constant 6 : i32
        %dma_wait3A_552 = arith.constant 0 : i32
        %dma_wait3A_553 = tpu.memref_slice %arg10[%dma_wait3A_551, %dma_wait3A_552] : memref<8x64xi32, #tpu.memory_space<vmem>> -> memref<1x64xi32, #tpu.memory_space<vmem>>
        %dma_wait3A_554 = tpu.memref_squeeze %dma_wait3A_553 : memref<1x64xi32, #tpu.memory_space<vmem>> -> memref<64xi32, #tpu.memory_space<vmem>>
        %dma_wait3A_555 = arith.constant 0 : i32
        %dma_wait3A_556 = arith.constant 0 : i32
        %dma_wait3A_557 = tpu.memref_slice %arg15[%dma_wait3A_555, %dma_wait3A_556] : memref<10240x128xf32, #tpu.memory_space<vmem_shared>> -> memref<10240x128xf32, #tpu.memory_space<vmem_shared>>
        tpu.wait_indirect_dma semaphore(%arg24 : memref<!tpu.dma_semaphore, #tpu.memory_space<semaphore_mem>>) src(%arg13 : memref<64x128xf32, #tpu.memory_space<vmem>>) dst(%dma_wait3A_557 : memref<10240x128xf32, #tpu.memory_space<vmem_shared>>)
      } else {
      }
      %dma_start3A_80 = arith.constant 0 : i32
      %dma_start3A_81 = arith.constant 0 : i32
      %dma_start3A_82 = tpu.memref_slice %arg8[%dma_start3A_80, %dma_start3A_81] : memref<8x64xi32, #tpu.memory_space<vmem>> -> memref<1x64xi32, #tpu.memory_space<vmem>>
      %dma_start3A_83 = tpu.memref_squeeze %dma_start3A_82 : memref<1x64xi32, #tpu.memory_space<vmem>> -> memref<64xi32, #tpu.memory_space<vmem>>
      %dma_start3A_84 = arith.constant 0 : i32
      %dma_start3A_85 = arith.constant 0 : i32
      %dma_start3A_86 = tpu.memref_slice %arg15[%dma_start3A_84, %dma_start3A_85] : memref<10240x128xf32, #tpu.memory_space<vmem_shared>> -> memref<10240x128xf32, #tpu.memory_space<vmem_shared>>
      tpu.enqueue_indirect_dma source(%arg11 : memref<64x128xf32, #tpu.memory_space<vmem>>) target(%dma_start3A_86 : memref<10240x128xf32, #tpu.memory_space<vmem_shared>>) offsets(%dma_start3A_83 : memref<64xi32, #tpu.memory_space<vmem>>) semaphore(%arg22 : memref<!tpu.dma_semaphore, #tpu.memory_space<semaphore_mem>>) {add = true}
      %dma_start3A_87 = arith.constant 2 : i32
      %dma_start3A_88 = arith.constant 0 : i32
      %dma_start3A_89 = tpu.memref_slice %arg7[%dma_start3A_87, %dma_start3A_88] : memref<8x64xi32, #tpu.memory_space<vmem>> -> memref<1x64xi32, #tpu.memory_space<vmem>>
      %dma_start3A_90 = tpu.memref_squeeze %dma_start3A_89 : memref<1x64xi32, #tpu.memory_space<vmem>> -> memref<64xi32, #tpu.memory_space<vmem>>
      %dma_start3A_91 = arith.constant 0 : i32
      %dma_start3A_92 = arith.constant 0 : i32
      %dma_start3A_93 = tpu.memref_slice %arg2[%dma_start3A_91, %dma_start3A_92] : memref<10240x128xf32, #tpu.memory_space<hbm>> -> memref<10240x128xf32, #tpu.memory_space<hbm>>
      tpu.enqueue_indirect_dma source(%dma_start3A_93 : memref<10240x128xf32, #tpu.memory_space<hbm>>) target(%arg13 : memref<64x128xf32, #tpu.memory_space<vmem>>) offsets(%dma_start3A_90 : memref<64xi32, #tpu.memory_space<vmem>>) semaphore(%arg20 : memref<!tpu.dma_semaphore, #tpu.memory_space<semaphore_mem>>)
      %dma_wait3A_94 = arith.constant 1 : i32
      %dma_wait3A_95 = arith.constant 0 : i32
      %dma_wait3A_96 = tpu.memref_slice %arg7[%dma_wait3A_94, %dma_wait3A_95] : memref<8x64xi32, #tpu.memory_space<vmem>> -> memref<1x64xi32, #tpu.memory_space<vmem>>
      %dma_wait3A_97 = tpu.memref_squeeze %dma_wait3A_96 : memref<1x64xi32, #tpu.memory_space<vmem>> -> memref<64xi32, #tpu.memory_space<vmem>>
      %dma_wait3A_98 = arith.constant 0 : i32
      %dma_wait3A_99 = arith.constant 0 : i32
      %dma_wait3A_100 = tpu.memref_slice %arg2[%dma_wait3A_98, %dma_wait3A_99] : memref<10240x128xf32, #tpu.memory_space<hbm>> -> memref<10240x128xf32, #tpu.memory_space<hbm>>
      tpu.wait_indirect_dma semaphore(%arg19 : memref<!tpu.dma_semaphore, #tpu.memory_space<semaphore_mem>>) src(%dma_wait3A_100 : memref<10240x128xf32, #tpu.memory_space<hbm>>) dst(%arg12 : memref<64x128xf32, #tpu.memory_space<vmem>>)
      %gt3A_101 = arith.constant 0 : i32
      %gt3A_102 = arith.cmpi sgt, %scan3A_70, %gt3A_101 : i32
      %convert_element_type3A_103 = arith.extui %gt3A_102 : i1 to i32
      %cond3A_104 = arith.constant 0 : i32
      %cond3A_105 = arith.cmpi ne, %convert_element_type3A_103, %cond3A_104 : i32
      scf.if %cond3A_105 {
        %dma_wait3A_551 = arith.constant 7 : i32
        %dma_wait3A_552 = arith.constant 0 : i32
        %dma_wait3A_553 = tpu.memref_slice %arg10[%dma_wait3A_551, %dma_wait3A_552] : memref<8x64xi32, #tpu.memory_space<vmem>> -> memref<1x64xi32, #tpu.memory_space<vmem>>
        %dma_wait3A_554 = tpu.memref_squeeze %dma_wait3A_553 : memref<1x64xi32, #tpu.memory_space<vmem>> -> memref<64xi32, #tpu.memory_space<vmem>>
        %dma_wait3A_555 = arith.constant 0 : i32
        %dma_wait3A_556 = arith.constant 0 : i32
        %dma_wait3A_557 = tpu.memref_slice %arg15[%dma_wait3A_555, %dma_wait3A_556] : memref<10240x128xf32, #tpu.memory_space<vmem_shared>> -> memref<10240x128xf32, #tpu.memory_space<vmem_shared>>
        tpu.wait_indirect_dma semaphore(%arg25 : memref<!tpu.dma_semaphore, #tpu.memory_space<semaphore_mem>>) src(%arg14 : memref<64x128xf32, #tpu.memory_space<vmem>>) dst(%dma_wait3A_557 : memref<10240x128xf32, #tpu.memory_space<vmem_shared>>)
      } else {
      }
      %dma_start3A_106 = arith.constant 1 : i32
      %dma_start3A_107 = arith.constant 0 : i32
      %dma_start3A_108 = tpu.memref_slice %arg8[%dma_start3A_106, %dma_start3A_107] : memref<8x64xi32, #tpu.memory_space<vmem>> -> memref<1x64xi32, #tpu.memory_space<vmem>>
      %dma_start3A_109 = tpu.memref_squeeze %dma_start3A_108 : memref<1x64xi32, #tpu.memory_space<vmem>> -> memref<64xi32, #tpu.memory_space<vmem>>
      %dma_start3A_110 = arith.constant 0 : i32
      %dma_start3A_111 = arith.constant 0 : i32
      %dma_start3A_112 = tpu.memref_slice %arg15[%dma_start3A_110, %dma_start3A_111] : memref<10240x128xf32, #tpu.memory_space<vmem_shared>> -> memref<10240x128xf32, #tpu.memory_space<vmem_shared>>
      tpu.enqueue_indirect_dma source(%arg12 : memref<64x128xf32, #tpu.memory_space<vmem>>) target(%dma_start3A_112 : memref<10240x128xf32, #tpu.memory_space<vmem_shared>>) offsets(%dma_start3A_109 : memref<64xi32, #tpu.memory_space<vmem>>) semaphore(%arg23 : memref<!tpu.dma_semaphore, #tpu.memory_space<semaphore_mem>>) {add = true}
      %mul3A_113 = arith.constant 2 : i32
      %mul3A_114 = arith.muli %mul3A_113, %scan3A_70 : i32
      %add3A = arith.constant 1 : i32
      %add3A_115 = arith.addi %mul3A_114, %add3A : i32
      %dma_start3A_116 = arith.constant 0 : i32
      %dma_start3A_117 = arith.constant 0 : i32
      %dma_start3A_118 = tpu.memref_slice %arg3[%arg0, %arg1, %add3A_115, %dma_start3A_116, %dma_start3A_117] : memref<2x16x20x8x64xi32, #tpu.memory_space<hbm>> -> memref<1x1x1x8x64xi32, #tpu.memory_space<hbm>>
      %dma_start3A_119 = tpu.memref_squeeze %dma_start3A_118 : memref<1x1x1x8x64xi32, #tpu.memory_space<hbm>> -> memref<8x64xi32, #tpu.memory_space<hbm>>
      %dma_start3A_120 = arith.constant 0 : i32
      %dma_start3A_121 = arith.constant 0 : i32
      %dma_start3A_122 = tpu.memref_slice %arg3[%arg0, %arg1, %add3A_115, %dma_start3A_120, %dma_start3A_121] : memref<2x16x20x8x64xi32, #tpu.memory_space<hbm>> -> memref<1x1x1x8x64xi32, #tpu.memory_space<hbm>>
      %dma_start3A_123 = tpu.memref_squeeze %dma_start3A_122 : memref<1x1x1x8x64xi32, #tpu.memory_space<hbm>> -> memref<8x64xi32, #tpu.memory_space<hbm>>
      tpu.enqueue_dma source(%dma_start3A_123 : memref<8x64xi32, #tpu.memory_space<hbm>>) target(%arg9 : memref<8x64xi32, #tpu.memory_space<vmem>>) target_semaphore(%arg17 : memref<!tpu.dma_semaphore, #tpu.memory_space<semaphore_mem>>)
      %dma_start3A_124 = arith.constant 0 : i32
      %dma_start3A_125 = arith.constant 0 : i32
      %dma_start3A_126 = tpu.memref_slice %arg4[%arg0, %arg1, %add3A_115, %dma_start3A_124, %dma_start3A_125] : memref<2x16x20x8x64xi32, #tpu.memory_space<hbm>> -> memref<1x1x1x8x64xi32, #tpu.memory_space<hbm>>
      %dma_start3A_127 = tpu.memref_squeeze %dma_start3A_126 : memref<1x1x1x8x64xi32, #tpu.memory_space<hbm>> -> memref<8x64xi32, #tpu.memory_space<hbm>>
      %dma_start3A_128 = arith.constant 0 : i32
      %dma_start3A_129 = arith.constant 0 : i32
      %dma_start3A_130 = tpu.memref_slice %arg4[%arg0, %arg1, %add3A_115, %dma_start3A_128, %dma_start3A_129] : memref<2x16x20x8x64xi32, #tpu.memory_space<hbm>> -> memref<1x1x1x8x64xi32, #tpu.memory_space<hbm>>
      %dma_start3A_131 = tpu.memref_squeeze %dma_start3A_130 : memref<1x1x1x8x64xi32, #tpu.memory_space<hbm>> -> memref<8x64xi32, #tpu.memory_space<hbm>>
      tpu.enqueue_dma source(%dma_start3A_131 : memref<8x64xi32, #tpu.memory_space<hbm>>) target(%arg10 : memref<8x64xi32, #tpu.memory_space<vmem>>) target_semaphore(%arg17 : memref<!tpu.dma_semaphore, #tpu.memory_space<semaphore_mem>>)
      %dma_start3A_132 = arith.constant 3 : i32
      %dma_start3A_133 = arith.constant 0 : i32
      %dma_start3A_134 = tpu.memref_slice %arg7[%dma_start3A_132, %dma_start3A_133] : memref<8x64xi32, #tpu.memory_space<vmem>> -> memref<1x64xi32, #tpu.memory_space<vmem>>
      %dma_start3A_135 = tpu.memref_squeeze %dma_start3A_134 : memref<1x64xi32, #tpu.memory_space<vmem>> -> memref<64xi32, #tpu.memory_space<vmem>>
      %dma_start3A_136 = arith.constant 0 : i32
      %dma_start3A_137 = arith.constant 0 : i32
      %dma_start3A_138 = tpu.memref_slice %arg2[%dma_start3A_136, %dma_start3A_137] : memref<10240x128xf32, #tpu.memory_space<hbm>> -> memref<10240x128xf32, #tpu.memory_space<hbm>>
      tpu.enqueue_indirect_dma source(%dma_start3A_138 : memref<10240x128xf32, #tpu.memory_space<hbm>>) target(%arg14 : memref<64x128xf32, #tpu.memory_space<vmem>>) offsets(%dma_start3A_135 : memref<64xi32, #tpu.memory_space<vmem>>) semaphore(%arg21 : memref<!tpu.dma_semaphore, #tpu.memory_space<semaphore_mem>>)
      %dma_wait3A_139 = arith.constant 2 : i32
      %dma_wait3A_140 = arith.constant 0 : i32
      %dma_wait3A_141 = tpu.memref_slice %arg7[%dma_wait3A_139, %dma_wait3A_140] : memref<8x64xi32, #tpu.memory_space<vmem>> -> memref<1x64xi32, #tpu.memory_space<vmem>>
      %dma_wait3A_142 = tpu.memref_squeeze %dma_wait3A_141 : memref<1x64xi32, #tpu.memory_space<vmem>> -> memref<64xi32, #tpu.memory_space<vmem>>
      %dma_wait3A_143 = arith.constant 0 : i32
      %dma_wait3A_144 = arith.constant 0 : i32
      %dma_wait3A_145 = tpu.memref_slice %arg2[%dma_wait3A_143, %dma_wait3A_144] : memref<10240x128xf32, #tpu.memory_space<hbm>> -> memref<10240x128xf32, #tpu.memory_space<hbm>>
      tpu.wait_indirect_dma semaphore(%arg20 : memref<!tpu.dma_semaphore, #tpu.memory_space<semaphore_mem>>) src(%dma_wait3A_145 : memref<10240x128xf32, #tpu.memory_space<hbm>>) dst(%arg13 : memref<64x128xf32, #tpu.memory_space<vmem>>)
      %dma_wait3A_146 = arith.constant 0 : i32
      %dma_wait3A_147 = arith.constant 0 : i32
      %dma_wait3A_148 = tpu.memref_slice %arg8[%dma_wait3A_146, %dma_wait3A_147] : memref<8x64xi32, #tpu.memory_space<vmem>> -> memref<1x64xi32, #tpu.memory_space<vmem>>
      %dma_wait3A_149 = tpu.memref_squeeze %dma_wait3A_148 : memref<1x64xi32, #tpu.memory_space<vmem>> -> memref<64xi32, #tpu.memory_space<vmem>>
      %dma_wait3A_150 = arith.constant 0 : i32
      %dma_wait3A_151 = arith.constant 0 : i32
      %dma_wait3A_152 = tpu.memref_slice %arg15[%dma_wait3A_150, %dma_wait3A_151] : memref<10240x128xf32, #tpu.memory_space<vmem_shared>> -> memref<10240x128xf32, #tpu.memory_space<vmem_shared>>
      tpu.wait_indirect_dma semaphore(%arg22 : memref<!tpu.dma_semaphore, #tpu.memory_space<semaphore_mem>>) src(%arg11 : memref<64x128xf32, #tpu.memory_space<vmem>>) dst(%dma_wait3A_152 : memref<10240x128xf32, #tpu.memory_space<vmem_shared>>)
      %dma_start3A_153 = arith.constant 2 : i32
      %dma_start3A_154 = arith.constant 0 : i32
      %dma_start3A_155 = tpu.memref_slice %arg8[%dma_start3A_153, %dma_start3A_154] : memref<8x64xi32, #tpu.memory_space<vmem>> -> memref<1x64xi32, #tpu.memory_space<vmem>>
      %dma_start3A_156 = tpu.memref_squeeze %dma_start3A_155 : memref<1x64xi32, #tpu.memory_space<vmem>> -> memref<64xi32, #tpu.memory_space<vmem>>
      %dma_start3A_157 = arith.constant 0 : i32
      %dma_start3A_158 = arith.constant 0 : i32
      %dma_start3A_159 = tpu.memref_slice %arg15[%dma_start3A_157, %dma_start3A_158] : memref<10240x128xf32, #tpu.memory_space<vmem_shared>> -> memref<10240x128xf32, #tpu.memory_space<vmem_shared>>
      tpu.enqueue_indirect_dma source(%arg13 : memref<64x128xf32, #tpu.memory_space<vmem>>) target(%dma_start3A_159 : memref<10240x128xf32, #tpu.memory_space<vmem_shared>>) offsets(%dma_start3A_156 : memref<64xi32, #tpu.memory_space<vmem>>) semaphore(%arg24 : memref<!tpu.dma_semaphore, #tpu.memory_space<semaphore_mem>>) {add = true}
      %dma_start3A_160 = arith.constant 4 : i32
      %dma_start3A_161 = arith.constant 0 : i32
      %dma_start3A_162 = tpu.memref_slice %arg7[%dma_start3A_160, %dma_start3A_161] : memref<8x64xi32, #tpu.memory_space<vmem>> -> memref<1x64xi32, #tpu.memory_space<vmem>>
      %dma_start3A_163 = tpu.memref_squeeze %dma_start3A_162 : memref<1x64xi32, #tpu.memory_space<vmem>> -> memref<64xi32, #tpu.memory_space<vmem>>
      %dma_start3A_164 = arith.constant 0 : i32
      %dma_start3A_165 = arith.constant 0 : i32
      %dma_start3A_166 = tpu.memref_slice %arg2[%dma_start3A_164, %dma_start3A_165] : memref<10240x128xf32, #tpu.memory_space<hbm>> -> memref<10240x128xf32, #tpu.memory_space<hbm>>
      tpu.enqueue_indirect_dma source(%dma_start3A_166 : memref<10240x128xf32, #tpu.memory_space<hbm>>) target(%arg11 : memref<64x128xf32, #tpu.memory_space<vmem>>) offsets(%dma_start3A_163 : memref<64xi32, #tpu.memory_space<vmem>>) semaphore(%arg18 : memref<!tpu.dma_semaphore, #tpu.memory_space<semaphore_mem>>)
      %dma_wait3A_167 = arith.constant 3 : i32
      %dma_wait3A_168 = arith.constant 0 : i32
      %dma_wait3A_169 = tpu.memref_slice %arg7[%dma_wait3A_167, %dma_wait3A_168] : memref<8x64xi32, #tpu.memory_space<vmem>> -> memref<1x64xi32, #tpu.memory_space<vmem>>
      %dma_wait3A_170 = tpu.memref_squeeze %dma_wait3A_169 : memref<1x64xi32, #tpu.memory_space<vmem>> -> memref<64xi32, #tpu.memory_space<vmem>>
      %dma_wait3A_171 = arith.constant 0 : i32
      %dma_wait3A_172 = arith.constant 0 : i32
      %dma_wait3A_173 = tpu.memref_slice %arg2[%dma_wait3A_171, %dma_wait3A_172] : memref<10240x128xf32, #tpu.memory_space<hbm>> -> memref<10240x128xf32, #tpu.memory_space<hbm>>
      tpu.wait_indirect_dma semaphore(%arg21 : memref<!tpu.dma_semaphore, #tpu.memory_space<semaphore_mem>>) src(%dma_wait3A_173 : memref<10240x128xf32, #tpu.memory_space<hbm>>) dst(%arg14 : memref<64x128xf32, #tpu.memory_space<vmem>>)
      %dma_wait3A_174 = arith.constant 1 : i32
      %dma_wait3A_175 = arith.constant 0 : i32
      %dma_wait3A_176 = tpu.memref_slice %arg8[%dma_wait3A_174, %dma_wait3A_175] : memref<8x64xi32, #tpu.memory_space<vmem>> -> memref<1x64xi32, #tpu.memory_space<vmem>>
      %dma_wait3A_177 = tpu.memref_squeeze %dma_wait3A_176 : memref<1x64xi32, #tpu.memory_space<vmem>> -> memref<64xi32, #tpu.memory_space<vmem>>
      %dma_wait3A_178 = arith.constant 0 : i32
      %dma_wait3A_179 = arith.constant 0 : i32
      %dma_wait3A_180 = tpu.memref_slice %arg15[%dma_wait3A_178, %dma_wait3A_179] : memref<10240x128xf32, #tpu.memory_space<vmem_shared>> -> memref<10240x128xf32, #tpu.memory_space<vmem_shared>>
      tpu.wait_indirect_dma semaphore(%arg23 : memref<!tpu.dma_semaphore, #tpu.memory_space<semaphore_mem>>) src(%arg12 : memref<64x128xf32, #tpu.memory_space<vmem>>) dst(%dma_wait3A_180 : memref<10240x128xf32, #tpu.memory_space<vmem_shared>>)
      %dma_start3A_181 = arith.constant 3 : i32
      %dma_start3A_182 = arith.constant 0 : i32
      %dma_start3A_183 = tpu.memref_slice %arg8[%dma_start3A_181, %dma_start3A_182] : memref<8x64xi32, #tpu.memory_space<vmem>> -> memref<1x64xi32, #tpu.memory_space<vmem>>
      %dma_start3A_184 = tpu.memref_squeeze %dma_start3A_183 : memref<1x64xi32, #tpu.memory_space<vmem>> -> memref<64xi32, #tpu.memory_space<vmem>>
      %dma_start3A_185 = arith.constant 0 : i32
      %dma_start3A_186 = arith.constant 0 : i32
      %dma_start3A_187 = tpu.memref_slice %arg15[%dma_start3A_185, %dma_start3A_186] : memref<10240x128xf32, #tpu.memory_space<vmem_shared>> -> memref<10240x128xf32, #tpu.memory_space<vmem_shared>>
      tpu.enqueue_indirect_dma source(%arg14 : memref<64x128xf32, #tpu.memory_space<vmem>>) target(%dma_start3A_187 : memref<10240x128xf32, #tpu.memory_space<vmem_shared>>) offsets(%dma_start3A_184 : memref<64xi32, #tpu.memory_space<vmem>>) semaphore(%arg25 : memref<!tpu.dma_semaphore, #tpu.memory_space<semaphore_mem>>) {add = true}
      %dma_start3A_188 = arith.constant 5 : i32
      %dma_start3A_189 = arith.constant 0 : i32
      %dma_start3A_190 = tpu.memref_slice %arg7[%dma_start3A_188, %dma_start3A_189] : memref<8x64xi32, #tpu.memory_space<vmem>> -> memref<1x64xi32, #tpu.memory_space<vmem>>
      %dma_start3A_191 = tpu.memref_squeeze %dma_start3A_190 : memref<1x64xi32, #tpu.memory_space<vmem>> -> memref<64xi32, #tpu.memory_space<vmem>>
      %dma_start3A_192 = arith.constant 0 : i32
      %dma_start3A_193 = arith.constant 0 : i32
      %dma_start3A_194 = tpu.memref_slice %arg2[%dma_start3A_192, %dma_start3A_193] : memref<10240x128xf32, #tpu.memory_space<hbm>> -> memref<10240x128xf32, #tpu.memory_space<hbm>>
      tpu.enqueue_indirect_dma source(%dma_start3A_194 : memref<10240x128xf32, #tpu.memory_space<hbm>>) target(%arg12 : memref<64x128xf32, #tpu.memory_space<vmem>>) offsets(%dma_start3A_191 : memref<64xi32, #tpu.memory_space<vmem>>) semaphore(%arg19 : memref<!tpu.dma_semaphore, #tpu.memory_space<semaphore_mem>>)
      %dma_wait3A_195 = arith.constant 4 : i32
      %dma_wait3A_196 = arith.constant 0 : i32
      %dma_wait3A_197 = tpu.memref_slice %arg7[%dma_wait3A_195, %dma_wait3A_196] : memref<8x64xi32, #tpu.memory_space<vmem>> -> memref<1x64xi32, #tpu.memory_space<vmem>>
      %dma_wait3A_198 = tpu.memref_squeeze %dma_wait3A_197 : memref<1x64xi32, #tpu.memory_space<vmem>> -> memref<64xi32, #tpu.memory_space<vmem>>
      %dma_wait3A_199 = arith.constant 0 : i32
      %dma_wait3A_200 = arith.constant 0 : i32
      %dma_wait3A_201 = tpu.memref_slice %arg2[%dma_wait3A_199, %dma_wait3A_200] : memref<10240x128xf32, #tpu.memory_space<hbm>> -> memref<10240x128xf32, #tpu.memory_space<hbm>>
      tpu.wait_indirect_dma semaphore(%arg18 : memref<!tpu.dma_semaphore, #tpu.memory_space<semaphore_mem>>) src(%dma_wait3A_201 : memref<10240x128xf32, #tpu.memory_space<hbm>>) dst(%arg11 : memref<64x128xf32, #tpu.memory_space<vmem>>)
      %dma_wait3A_202 = arith.constant 2 : i32
      %dma_wait3A_203 = arith.constant 0 : i32
      %dma_wait3A_204 = tpu.memref_slice %arg8[%dma_wait3A_202, %dma_wait3A_203] : memref<8x64xi32, #tpu.memory_space<vmem>> -> memref<1x64xi32, #tpu.memory_space<vmem>>
      %dma_wait3A_205 = tpu.memref_squeeze %dma_wait3A_204 : memref<1x64xi32, #tpu.memory_space<vmem>> -> memref<64xi32, #tpu.memory_space<vmem>>
      %dma_wait3A_206 = arith.constant 0 : i32
      %dma_wait3A_207 = arith.constant 0 : i32
      %dma_wait3A_208 = tpu.memref_slice %arg15[%dma_wait3A_206, %dma_wait3A_207] : memref<10240x128xf32, #tpu.memory_space<vmem_shared>> -> memref<10240x128xf32, #tpu.memory_space<vmem_shared>>
      tpu.wait_indirect_dma semaphore(%arg24 : memref<!tpu.dma_semaphore, #tpu.memory_space<semaphore_mem>>) src(%arg13 : memref<64x128xf32, #tpu.memory_space<vmem>>) dst(%dma_wait3A_208 : memref<10240x128xf32, #tpu.memory_space<vmem_shared>>)
      %dma_start3A_209 = arith.constant 4 : i32
      %dma_start3A_210 = arith.constant 0 : i32
      %dma_start3A_211 = tpu.memref_slice %arg8[%dma_start3A_209, %dma_start3A_210] : memref<8x64xi32, #tpu.memory_space<vmem>> -> memref<1x64xi32, #tpu.memory_space<vmem>>
      %dma_start3A_212 = tpu.memref_squeeze %dma_start3A_211 : memref<1x64xi32, #tpu.memory_space<vmem>> -> memref<64xi32, #tpu.memory_space<vmem>>
      %dma_start3A_213 = arith.constant 0 : i32
      %dma_start3A_214 = arith.constant 0 : i32
      %dma_start3A_215 = tpu.memref_slice %arg15[%dma_start3A_213, %dma_start3A_214] : memref<10240x128xf32, #tpu.memory_space<vmem_shared>> -> memref<10240x128xf32, #tpu.memory_space<vmem_shared>>
      tpu.enqueue_indirect_dma source(%arg11 : memref<64x128xf32, #tpu.memory_space<vmem>>) target(%dma_start3A_215 : memref<10240x128xf32, #tpu.memory_space<vmem_shared>>) offsets(%dma_start3A_212 : memref<64xi32, #tpu.memory_space<vmem>>) semaphore(%arg22 : memref<!tpu.dma_semaphore, #tpu.memory_space<semaphore_mem>>) {add = true}
      %dma_start3A_216 = arith.constant 6 : i32
      %dma_start3A_217 = arith.constant 0 : i32
      %dma_start3A_218 = tpu.memref_slice %arg7[%dma_start3A_216, %dma_start3A_217] : memref<8x64xi32, #tpu.memory_space<vmem>> -> memref<1x64xi32, #tpu.memory_space<vmem>>
      %dma_start3A_219 = tpu.memref_squeeze %dma_start3A_218 : memref<1x64xi32, #tpu.memory_space<vmem>> -> memref<64xi32, #tpu.memory_space<vmem>>
      %dma_start3A_220 = arith.constant 0 : i32
      %dma_start3A_221 = arith.constant 0 : i32
      %dma_start3A_222 = tpu.memref_slice %arg2[%dma_start3A_220, %dma_start3A_221] : memref<10240x128xf32, #tpu.memory_space<hbm>> -> memref<10240x128xf32, #tpu.memory_space<hbm>>
      tpu.enqueue_indirect_dma source(%dma_start3A_222 : memref<10240x128xf32, #tpu.memory_space<hbm>>) target(%arg13 : memref<64x128xf32, #tpu.memory_space<vmem>>) offsets(%dma_start3A_219 : memref<64xi32, #tpu.memory_space<vmem>>) semaphore(%arg20 : memref<!tpu.dma_semaphore, #tpu.memory_space<semaphore_mem>>)
      %dma_wait3A_223 = arith.constant 5 : i32
      %dma_wait3A_224 = arith.constant 0 : i32
      %dma_wait3A_225 = tpu.memref_slice %arg7[%dma_wait3A_223, %dma_wait3A_224] : memref<8x64xi32, #tpu.memory_space<vmem>> -> memref<1x64xi32, #tpu.memory_space<vmem>>
      %dma_wait3A_226 = tpu.memref_squeeze %dma_wait3A_225 : memref<1x64xi32, #tpu.memory_space<vmem>> -> memref<64xi32, #tpu.memory_space<vmem>>
      %dma_wait3A_227 = arith.constant 0 : i32
      %dma_wait3A_228 = arith.constant 0 : i32
      %dma_wait3A_229 = tpu.memref_slice %arg2[%dma_wait3A_227, %dma_wait3A_228] : memref<10240x128xf32, #tpu.memory_space<hbm>> -> memref<10240x128xf32, #tpu.memory_space<hbm>>
      tpu.wait_indirect_dma semaphore(%arg19 : memref<!tpu.dma_semaphore, #tpu.memory_space<semaphore_mem>>) src(%dma_wait3A_229 : memref<10240x128xf32, #tpu.memory_space<hbm>>) dst(%arg12 : memref<64x128xf32, #tpu.memory_space<vmem>>)
      %dma_wait3A_230 = arith.constant 3 : i32
      %dma_wait3A_231 = arith.constant 0 : i32
      %dma_wait3A_232 = tpu.memref_slice %arg8[%dma_wait3A_230, %dma_wait3A_231] : memref<8x64xi32, #tpu.memory_space<vmem>> -> memref<1x64xi32, #tpu.memory_space<vmem>>
      %dma_wait3A_233 = tpu.memref_squeeze %dma_wait3A_232 : memref<1x64xi32, #tpu.memory_space<vmem>> -> memref<64xi32, #tpu.memory_space<vmem>>
      %dma_wait3A_234 = arith.constant 0 : i32
      %dma_wait3A_235 = arith.constant 0 : i32
      %dma_wait3A_236 = tpu.memref_slice %arg15[%dma_wait3A_234, %dma_wait3A_235] : memref<10240x128xf32, #tpu.memory_space<vmem_shared>> -> memref<10240x128xf32, #tpu.memory_space<vmem_shared>>
      tpu.wait_indirect_dma semaphore(%arg25 : memref<!tpu.dma_semaphore, #tpu.memory_space<semaphore_mem>>) src(%arg14 : memref<64x128xf32, #tpu.memory_space<vmem>>) dst(%dma_wait3A_236 : memref<10240x128xf32, #tpu.memory_space<vmem_shared>>)
      %dma_start3A_237 = arith.constant 5 : i32
      %dma_start3A_238 = arith.constant 0 : i32
      %dma_start3A_239 = tpu.memref_slice %arg8[%dma_start3A_237, %dma_start3A_238] : memref<8x64xi32, #tpu.memory_space<vmem>> -> memref<1x64xi32, #tpu.memory_space<vmem>>
      %dma_start3A_240 = tpu.memref_squeeze %dma_start3A_239 : memref<1x64xi32, #tpu.memory_space<vmem>> -> memref<64xi32, #tpu.memory_space<vmem>>
      %dma_start3A_241 = arith.constant 0 : i32
      %dma_start3A_242 = arith.constant 0 : i32
      %dma_start3A_243 = tpu.memref_slice %arg15[%dma_start3A_241, %dma_start3A_242] : memref<10240x128xf32, #tpu.memory_space<vmem_shared>> -> memref<10240x128xf32, #tpu.memory_space<vmem_shared>>
      tpu.enqueue_indirect_dma source(%arg12 : memref<64x128xf32, #tpu.memory_space<vmem>>) target(%dma_start3A_243 : memref<10240x128xf32, #tpu.memory_space<vmem_shared>>) offsets(%dma_start3A_240 : memref<64xi32, #tpu.memory_space<vmem>>) semaphore(%arg23 : memref<!tpu.dma_semaphore, #tpu.memory_space<semaphore_mem>>) {add = true}
      %dma_start3A_244 = arith.constant 7 : i32
      %dma_start3A_245 = arith.constant 0 : i32
      %dma_start3A_246 = tpu.memref_slice %arg7[%dma_start3A_244, %dma_start3A_245] : memref<8x64xi32, #tpu.memory_space<vmem>> -> memref<1x64xi32, #tpu.memory_space<vmem>>
      %dma_start3A_247 = tpu.memref_squeeze %dma_start3A_246 : memref<1x64xi32, #tpu.memory_space<vmem>> -> memref<64xi32, #tpu.memory_space<vmem>>
      %dma_start3A_248 = arith.constant 0 : i32
      %dma_start3A_249 = arith.constant 0 : i32
      %dma_start3A_250 = tpu.memref_slice %arg2[%dma_start3A_248, %dma_start3A_249] : memref<10240x128xf32, #tpu.memory_space<hbm>> -> memref<10240x128xf32, #tpu.memory_space<hbm>>
      tpu.enqueue_indirect_dma source(%dma_start3A_250 : memref<10240x128xf32, #tpu.memory_space<hbm>>) target(%arg14 : memref<64x128xf32, #tpu.memory_space<vmem>>) offsets(%dma_start3A_247 : memref<64xi32, #tpu.memory_space<vmem>>) semaphore(%arg21 : memref<!tpu.dma_semaphore, #tpu.memory_space<semaphore_mem>>)
      %dma_wait3A_251 = arith.constant 6 : i32
      %dma_wait3A_252 = arith.constant 0 : i32
      %dma_wait3A_253 = tpu.memref_slice %arg7[%dma_wait3A_251, %dma_wait3A_252] : memref<8x64xi32, #tpu.memory_space<vmem>> -> memref<1x64xi32, #tpu.memory_space<vmem>>
      %dma_wait3A_254 = tpu.memref_squeeze %dma_wait3A_253 : memref<1x64xi32, #tpu.memory_space<vmem>> -> memref<64xi32, #tpu.memory_space<vmem>>
      %dma_wait3A_255 = arith.constant 0 : i32
      %dma_wait3A_256 = arith.constant 0 : i32
      %dma_wait3A_257 = tpu.memref_slice %arg2[%dma_wait3A_255, %dma_wait3A_256] : memref<10240x128xf32, #tpu.memory_space<hbm>> -> memref<10240x128xf32, #tpu.memory_space<hbm>>
      tpu.wait_indirect_dma semaphore(%arg20 : memref<!tpu.dma_semaphore, #tpu.memory_space<semaphore_mem>>) src(%dma_wait3A_257 : memref<10240x128xf32, #tpu.memory_space<hbm>>) dst(%arg13 : memref<64x128xf32, #tpu.memory_space<vmem>>)
      %dma_wait3A_258 = arith.constant 4 : i32
      %dma_wait3A_259 = arith.constant 0 : i32
      %dma_wait3A_260 = tpu.memref_slice %arg8[%dma_wait3A_258, %dma_wait3A_259] : memref<8x64xi32, #tpu.memory_space<vmem>> -> memref<1x64xi32, #tpu.memory_space<vmem>>
      %dma_wait3A_261 = tpu.memref_squeeze %dma_wait3A_260 : memref<1x64xi32, #tpu.memory_space<vmem>> -> memref<64xi32, #tpu.memory_space<vmem>>
      %dma_wait3A_262 = arith.constant 0 : i32
      %dma_wait3A_263 = arith.constant 0 : i32
      %dma_wait3A_264 = tpu.memref_slice %arg15[%dma_wait3A_262, %dma_wait3A_263] : memref<10240x128xf32, #tpu.memory_space<vmem_shared>> -> memref<10240x128xf32, #tpu.memory_space<vmem_shared>>
      tpu.wait_indirect_dma semaphore(%arg22 : memref<!tpu.dma_semaphore, #tpu.memory_space<semaphore_mem>>) src(%arg11 : memref<64x128xf32, #tpu.memory_space<vmem>>) dst(%dma_wait3A_264 : memref<10240x128xf32, #tpu.memory_space<vmem_shared>>)
      %dma_start3A_265 = arith.constant 6 : i32
      %dma_start3A_266 = arith.constant 0 : i32
      %dma_start3A_267 = tpu.memref_slice %arg8[%dma_start3A_265, %dma_start3A_266] : memref<8x64xi32, #tpu.memory_space<vmem>> -> memref<1x64xi32, #tpu.memory_space<vmem>>
      %dma_start3A_268 = tpu.memref_squeeze %dma_start3A_267 : memref<1x64xi32, #tpu.memory_space<vmem>> -> memref<64xi32, #tpu.memory_space<vmem>>
      %dma_start3A_269 = arith.constant 0 : i32
      %dma_start3A_270 = arith.constant 0 : i32
      %dma_start3A_271 = tpu.memref_slice %arg15[%dma_start3A_269, %dma_start3A_270] : memref<10240x128xf32, #tpu.memory_space<vmem_shared>> -> memref<10240x128xf32, #tpu.memory_space<vmem_shared>>
      tpu.enqueue_indirect_dma source(%arg13 : memref<64x128xf32, #tpu.memory_space<vmem>>) target(%dma_start3A_271 : memref<10240x128xf32, #tpu.memory_space<vmem_shared>>) offsets(%dma_start3A_268 : memref<64xi32, #tpu.memory_space<vmem>>) semaphore(%arg24 : memref<!tpu.dma_semaphore, #tpu.memory_space<semaphore_mem>>) {add = true}
      %mul3A_272 = arith.constant 2 : i32
      %mul3A_273 = arith.muli %mul3A_272, %scan3A_70 : i32
      %add3A_274 = arith.constant 1 : i32
      %add3A_275 = arith.addi %mul3A_273, %add3A_274 : i32
      %dma_wait3A_276 = arith.constant 0 : i32
      %dma_wait3A_277 = arith.constant 0 : i32
      %dma_wait3A_278 = tpu.memref_slice %arg3[%arg0, %arg1, %add3A_275, %dma_wait3A_276, %dma_wait3A_277] : memref<2x16x20x8x64xi32, #tpu.memory_space<hbm>> -> memref<1x1x1x8x64xi32, #tpu.memory_space<hbm>>
      %dma_wait3A_279 = tpu.memref_squeeze %dma_wait3A_278 : memref<1x1x1x8x64xi32, #tpu.memory_space<hbm>> -> memref<8x64xi32, #tpu.memory_space<hbm>>
      %dma_wait3A_280 = arith.constant 0 : i32
      %dma_wait3A_281 = arith.constant 0 : i32
      %dma_wait3A_282 = tpu.memref_slice %arg3[%arg0, %arg1, %add3A_275, %dma_wait3A_280, %dma_wait3A_281] : memref<2x16x20x8x64xi32, #tpu.memory_space<hbm>> -> memref<1x1x1x8x64xi32, #tpu.memory_space<hbm>>
      %dma_wait3A_283 = tpu.memref_squeeze %dma_wait3A_282 : memref<1x1x1x8x64xi32, #tpu.memory_space<hbm>> -> memref<8x64xi32, #tpu.memory_space<hbm>>
      tpu.wait_dma2 semaphore(%arg17 : memref<!tpu.dma_semaphore, #tpu.memory_space<semaphore_mem>>) src(%dma_wait3A_283 : memref<8x64xi32, #tpu.memory_space<hbm>>) dst(%arg9 : memref<8x64xi32, #tpu.memory_space<vmem>>)
      %dma_wait3A_284 = arith.constant 0 : i32
      %dma_wait3A_285 = arith.constant 0 : i32
      %dma_wait3A_286 = tpu.memref_slice %arg4[%arg0, %arg1, %add3A_275, %dma_wait3A_284, %dma_wait3A_285] : memref<2x16x20x8x64xi32, #tpu.memory_space<hbm>> -> memref<1x1x1x8x64xi32, #tpu.memory_space<hbm>>
      %dma_wait3A_287 = tpu.memref_squeeze %dma_wait3A_286 : memref<1x1x1x8x64xi32, #tpu.memory_space<hbm>> -> memref<8x64xi32, #tpu.memory_space<hbm>>
      %dma_wait3A_288 = arith.constant 0 : i32
      %dma_wait3A_289 = arith.constant 0 : i32
      %dma_wait3A_290 = tpu.memref_slice %arg4[%arg0, %arg1, %add3A_275, %dma_wait3A_288, %dma_wait3A_289] : memref<2x16x20x8x64xi32, #tpu.memory_space<hbm>> -> memref<1x1x1x8x64xi32, #tpu.memory_space<hbm>>
      %dma_wait3A_291 = tpu.memref_squeeze %dma_wait3A_290 : memref<1x1x1x8x64xi32, #tpu.memory_space<hbm>> -> memref<8x64xi32, #tpu.memory_space<hbm>>
      tpu.wait_dma2 semaphore(%arg17 : memref<!tpu.dma_semaphore, #tpu.memory_space<semaphore_mem>>) src(%dma_wait3A_291 : memref<8x64xi32, #tpu.memory_space<hbm>>) dst(%arg10 : memref<8x64xi32, #tpu.memory_space<vmem>>)
      %dma_start3A_292 = arith.constant 0 : i32
      %dma_start3A_293 = arith.constant 0 : i32
      %dma_start3A_294 = tpu.memref_slice %arg9[%dma_start3A_292, %dma_start3A_293] : memref<8x64xi32, #tpu.memory_space<vmem>> -> memref<1x64xi32, #tpu.memory_space<vmem>>
      %dma_start3A_295 = tpu.memref_squeeze %dma_start3A_294 : memref<1x64xi32, #tpu.memory_space<vmem>> -> memref<64xi32, #tpu.memory_space<vmem>>
      %dma_start3A_296 = arith.constant 0 : i32
      %dma_start3A_297 = arith.constant 0 : i32
      %dma_start3A_298 = tpu.memref_slice %arg2[%dma_start3A_296, %dma_start3A_297] : memref<10240x128xf32, #tpu.memory_space<hbm>> -> memref<10240x128xf32, #tpu.memory_space<hbm>>
      tpu.enqueue_indirect_dma source(%dma_start3A_298 : memref<10240x128xf32, #tpu.memory_space<hbm>>) target(%arg11 : memref<64x128xf32, #tpu.memory_space<vmem>>) offsets(%dma_start3A_295 : memref<64xi32, #tpu.memory_space<vmem>>) semaphore(%arg18 : memref<!tpu.dma_semaphore, #tpu.memory_space<semaphore_mem>>)
      %dma_wait3A_299 = arith.constant 7 : i32
      %dma_wait3A_300 = arith.constant 0 : i32
      %dma_wait3A_301 = tpu.memref_slice %arg7[%dma_wait3A_299, %dma_wait3A_300] : memref<8x64xi32, #tpu.memory_space<vmem>> -> memref<1x64xi32, #tpu.memory_space<vmem>>
      %dma_wait3A_302 = tpu.memref_squeeze %dma_wait3A_301 : memref<1x64xi32, #tpu.memory_space<vmem>> -> memref<64xi32, #tpu.memory_space<vmem>>
      %dma_wait3A_303 = arith.constant 0 : i32
      %dma_wait3A_304 = arith.constant 0 : i32
      %dma_wait3A_305 = tpu.memref_slice %arg2[%dma_wait3A_303, %dma_wait3A_304] : memref<10240x128xf32, #tpu.memory_space<hbm>> -> memref<10240x128xf32, #tpu.memory_space<hbm>>
      tpu.wait_indirect_dma semaphore(%arg21 : memref<!tpu.dma_semaphore, #tpu.memory_space<semaphore_mem>>) src(%dma_wait3A_305 : memref<10240x128xf32, #tpu.memory_space<hbm>>) dst(%arg14 : memref<64x128xf32, #tpu.memory_space<vmem>>)
      %dma_wait3A_306 = arith.constant 5 : i32
      %dma_wait3A_307 = arith.constant 0 : i32
      %dma_wait3A_308 = tpu.memref_slice %arg8[%dma_wait3A_306, %dma_wait3A_307] : memref<8x64xi32, #tpu.memory_space<vmem>> -> memref<1x64xi32, #tpu.memory_space<vmem>>
      %dma_wait3A_309 = tpu.memref_squeeze %dma_wait3A_308 : memref<1x64xi32, #tpu.memory_space<vmem>> -> memref<64xi32, #tpu.memory_space<vmem>>
      %dma_wait3A_310 = arith.constant 0 : i32
      %dma_wait3A_311 = arith.constant 0 : i32
      %dma_wait3A_312 = tpu.memref_slice %arg15[%dma_wait3A_310, %dma_wait3A_311] : memref<10240x128xf32, #tpu.memory_space<vmem_shared>> -> memref<10240x128xf32, #tpu.memory_space<vmem_shared>>
      tpu.wait_indirect_dma semaphore(%arg23 : memref<!tpu.dma_semaphore, #tpu.memory_space<semaphore_mem>>) src(%arg12 : memref<64x128xf32, #tpu.memory_space<vmem>>) dst(%dma_wait3A_312 : memref<10240x128xf32, #tpu.memory_space<vmem_shared>>)
      %dma_start3A_313 = arith.constant 7 : i32
      %dma_start3A_314 = arith.constant 0 : i32
      %dma_start3A_315 = tpu.memref_slice %arg8[%dma_start3A_313, %dma_start3A_314] : memref<8x64xi32, #tpu.memory_space<vmem>> -> memref<1x64xi32, #tpu.memory_space<vmem>>
      %dma_start3A_316 = tpu.memref_squeeze %dma_start3A_315 : memref<1x64xi32, #tpu.memory_space<vmem>> -> memref<64xi32, #tpu.memory_space<vmem>>
      %dma_start3A_317 = arith.constant 0 : i32
      %dma_start3A_318 = arith.constant 0 : i32
      %dma_start3A_319 = tpu.memref_slice %arg15[%dma_start3A_317, %dma_start3A_318] : memref<10240x128xf32, #tpu.memory_space<vmem_shared>> -> memref<10240x128xf32, #tpu.memory_space<vmem_shared>>
      tpu.enqueue_indirect_dma source(%arg14 : memref<64x128xf32, #tpu.memory_space<vmem>>) target(%dma_start3A_319 : memref<10240x128xf32, #tpu.memory_space<vmem_shared>>) offsets(%dma_start3A_316 : memref<64xi32, #tpu.memory_space<vmem>>) semaphore(%arg25 : memref<!tpu.dma_semaphore, #tpu.memory_space<semaphore_mem>>) {add = true}
      %dma_start3A_320 = arith.constant 1 : i32
      %dma_start3A_321 = arith.constant 0 : i32
      %dma_start3A_322 = tpu.memref_slice %arg9[%dma_start3A_320, %dma_start3A_321] : memref<8x64xi32, #tpu.memory_space<vmem>> -> memref<1x64xi32, #tpu.memory_space<vmem>>
      %dma_start3A_323 = tpu.memref_squeeze %dma_start3A_322 : memref<1x64xi32, #tpu.memory_space<vmem>> -> memref<64xi32, #tpu.memory_space<vmem>>
      %dma_start3A_324 = arith.constant 0 : i32
      %dma_start3A_325 = arith.constant 0 : i32
      %dma_start3A_326 = tpu.memref_slice %arg2[%dma_start3A_324, %dma_start3A_325] : memref<10240x128xf32, #tpu.memory_space<hbm>> -> memref<10240x128xf32, #tpu.memory_space<hbm>>
      tpu.enqueue_indirect_dma source(%dma_start3A_326 : memref<10240x128xf32, #tpu.memory_space<hbm>>) target(%arg12 : memref<64x128xf32, #tpu.memory_space<vmem>>) offsets(%dma_start3A_323 : memref<64xi32, #tpu.memory_space<vmem>>) semaphore(%arg19 : memref<!tpu.dma_semaphore, #tpu.memory_space<semaphore_mem>>)
      %dma_wait3A_327 = arith.constant 0 : i32
      %dma_wait3A_328 = arith.constant 0 : i32
      %dma_wait3A_329 = tpu.memref_slice %arg9[%dma_wait3A_327, %dma_wait3A_328] : memref<8x64xi32, #tpu.memory_space<vmem>> -> memref<1x64xi32, #tpu.memory_space<vmem>>
      %dma_wait3A_330 = tpu.memref_squeeze %dma_wait3A_329 : memref<1x64xi32, #tpu.memory_space<vmem>> -> memref<64xi32, #tpu.memory_space<vmem>>
      %dma_wait3A_331 = arith.constant 0 : i32
      %dma_wait3A_332 = arith.constant 0 : i32
      %dma_wait3A_333 = tpu.memref_slice %arg2[%dma_wait3A_331, %dma_wait3A_332] : memref<10240x128xf32, #tpu.memory_space<hbm>> -> memref<10240x128xf32, #tpu.memory_space<hbm>>
      tpu.wait_indirect_dma semaphore(%arg18 : memref<!tpu.dma_semaphore, #tpu.memory_space<semaphore_mem>>) src(%dma_wait3A_333 : memref<10240x128xf32, #tpu.memory_space<hbm>>) dst(%arg11 : memref<64x128xf32, #tpu.memory_space<vmem>>)
      %dma_wait3A_334 = arith.constant 6 : i32
      %dma_wait3A_335 = arith.constant 0 : i32
      %dma_wait3A_336 = tpu.memref_slice %arg8[%dma_wait3A_334, %dma_wait3A_335] : memref<8x64xi32, #tpu.memory_space<vmem>> -> memref<1x64xi32, #tpu.memory_space<vmem>>
      %dma_wait3A_337 = tpu.memref_squeeze %dma_wait3A_336 : memref<1x64xi32, #tpu.memory_space<vmem>> -> memref<64xi32, #tpu.memory_space<vmem>>
      %dma_wait3A_338 = arith.constant 0 : i32
      %dma_wait3A_339 = arith.constant 0 : i32
      %dma_wait3A_340 = tpu.memref_slice %arg15[%dma_wait3A_338, %dma_wait3A_339] : memref<10240x128xf32, #tpu.memory_space<vmem_shared>> -> memref<10240x128xf32, #tpu.memory_space<vmem_shared>>
      tpu.wait_indirect_dma semaphore(%arg24 : memref<!tpu.dma_semaphore, #tpu.memory_space<semaphore_mem>>) src(%arg13 : memref<64x128xf32, #tpu.memory_space<vmem>>) dst(%dma_wait3A_340 : memref<10240x128xf32, #tpu.memory_space<vmem_shared>>)
      %dma_start3A_341 = arith.constant 0 : i32
      %dma_start3A_342 = arith.constant 0 : i32
      %dma_start3A_343 = tpu.memref_slice %arg10[%dma_start3A_341, %dma_start3A_342] : memref<8x64xi32, #tpu.memory_space<vmem>> -> memref<1x64xi32, #tpu.memory_space<vmem>>
      %dma_start3A_344 = tpu.memref_squeeze %dma_start3A_343 : memref<1x64xi32, #tpu.memory_space<vmem>> -> memref<64xi32, #tpu.memory_space<vmem>>
      %dma_start3A_345 = arith.constant 0 : i32
      %dma_start3A_346 = arith.constant 0 : i32
      %dma_start3A_347 = tpu.memref_slice %arg15[%dma_start3A_345, %dma_start3A_346] : memref<10240x128xf32, #tpu.memory_space<vmem_shared>> -> memref<10240x128xf32, #tpu.memory_space<vmem_shared>>
      tpu.enqueue_indirect_dma source(%arg11 : memref<64x128xf32, #tpu.memory_space<vmem>>) target(%dma_start3A_347 : memref<10240x128xf32, #tpu.memory_space<vmem_shared>>) offsets(%dma_start3A_344 : memref<64xi32, #tpu.memory_space<vmem>>) semaphore(%arg22 : memref<!tpu.dma_semaphore, #tpu.memory_space<semaphore_mem>>) {add = true}
      %dma_start3A_348 = arith.constant 2 : i32
      %dma_start3A_349 = arith.constant 0 : i32
      %dma_start3A_350 = tpu.memref_slice %arg9[%dma_start3A_348, %dma_start3A_349] : memref<8x64xi32, #tpu.memory_space<vmem>> -> memref<1x64xi32, #tpu.memory_space<vmem>>
      %dma_start3A_351 = tpu.memref_squeeze %dma_start3A_350 : memref<1x64xi32, #tpu.memory_space<vmem>> -> memref<64xi32, #tpu.memory_space<vmem>>
      %dma_start3A_352 = arith.constant 0 : i32
      %dma_start3A_353 = arith.constant 0 : i32
      %dma_start3A_354 = tpu.memref_slice %arg2[%dma_start3A_352, %dma_start3A_353] : memref<10240x128xf32, #tpu.memory_space<hbm>> -> memref<10240x128xf32, #tpu.memory_space<hbm>>
      tpu.enqueue_indirect_dma source(%dma_start3A_354 : memref<10240x128xf32, #tpu.memory_space<hbm>>) target(%arg13 : memref<64x128xf32, #tpu.memory_space<vmem>>) offsets(%dma_start3A_351 : memref<64xi32, #tpu.memory_space<vmem>>) semaphore(%arg20 : memref<!tpu.dma_semaphore, #tpu.memory_space<semaphore_mem>>)
      %dma_wait3A_355 = arith.constant 1 : i32
      %dma_wait3A_356 = arith.constant 0 : i32
      %dma_wait3A_357 = tpu.memref_slice %arg9[%dma_wait3A_355, %dma_wait3A_356] : memref<8x64xi32, #tpu.memory_space<vmem>> -> memref<1x64xi32, #tpu.memory_space<vmem>>
      %dma_wait3A_358 = tpu.memref_squeeze %dma_wait3A_357 : memref<1x64xi32, #tpu.memory_space<vmem>> -> memref<64xi32, #tpu.memory_space<vmem>>
      %dma_wait3A_359 = arith.constant 0 : i32
      %dma_wait3A_360 = arith.constant 0 : i32
      %dma_wait3A_361 = tpu.memref_slice %arg2[%dma_wait3A_359, %dma_wait3A_360] : memref<10240x128xf32, #tpu.memory_space<hbm>> -> memref<10240x128xf32, #tpu.memory_space<hbm>>
      tpu.wait_indirect_dma semaphore(%arg19 : memref<!tpu.dma_semaphore, #tpu.memory_space<semaphore_mem>>) src(%dma_wait3A_361 : memref<10240x128xf32, #tpu.memory_space<hbm>>) dst(%arg12 : memref<64x128xf32, #tpu.memory_space<vmem>>)
      %dma_wait3A_362 = arith.constant 7 : i32
      %dma_wait3A_363 = arith.constant 0 : i32
      %dma_wait3A_364 = tpu.memref_slice %arg8[%dma_wait3A_362, %dma_wait3A_363] : memref<8x64xi32, #tpu.memory_space<vmem>> -> memref<1x64xi32, #tpu.memory_space<vmem>>
      %dma_wait3A_365 = tpu.memref_squeeze %dma_wait3A_364 : memref<1x64xi32, #tpu.memory_space<vmem>> -> memref<64xi32, #tpu.memory_space<vmem>>
      %dma_wait3A_366 = arith.constant 0 : i32
      %dma_wait3A_367 = arith.constant 0 : i32
      %dma_wait3A_368 = tpu.memref_slice %arg15[%dma_wait3A_366, %dma_wait3A_367] : memref<10240x128xf32, #tpu.memory_space<vmem_shared>> -> memref<10240x128xf32, #tpu.memory_space<vmem_shared>>
      tpu.wait_indirect_dma semaphore(%arg25 : memref<!tpu.dma_semaphore, #tpu.memory_space<semaphore_mem>>) src(%arg14 : memref<64x128xf32, #tpu.memory_space<vmem>>) dst(%dma_wait3A_368 : memref<10240x128xf32, #tpu.memory_space<vmem_shared>>)
      %dma_start3A_369 = arith.constant 1 : i32
      %dma_start3A_370 = arith.constant 0 : i32
      %dma_start3A_371 = tpu.memref_slice %arg10[%dma_start3A_369, %dma_start3A_370] : memref<8x64xi32, #tpu.memory_space<vmem>> -> memref<1x64xi32, #tpu.memory_space<vmem>>
      %dma_start3A_372 = tpu.memref_squeeze %dma_start3A_371 : memref<1x64xi32, #tpu.memory_space<vmem>> -> memref<64xi32, #tpu.memory_space<vmem>>
      %dma_start3A_373 = arith.constant 0 : i32
      %dma_start3A_374 = arith.constant 0 : i32
      %dma_start3A_375 = tpu.memref_slice %arg15[%dma_start3A_373, %dma_start3A_374] : memref<10240x128xf32, #tpu.memory_space<vmem_shared>> -> memref<10240x128xf32, #tpu.memory_space<vmem_shared>>
      tpu.enqueue_indirect_dma source(%arg12 : memref<64x128xf32, #tpu.memory_space<vmem>>) target(%dma_start3A_375 : memref<10240x128xf32, #tpu.memory_space<vmem_shared>>) offsets(%dma_start3A_372 : memref<64xi32, #tpu.memory_space<vmem>>) semaphore(%arg23 : memref<!tpu.dma_semaphore, #tpu.memory_space<semaphore_mem>>) {add = true}
      %lt3A = arith.constant 9 : i32
      %lt3A_376 = arith.cmpi slt, %scan3A_70, %lt3A : i32
      %convert_element_type3A_377 = arith.extui %lt3A_376 : i1 to i32
      %cond3A_378 = arith.constant 0 : i32
      %cond3A_379 = arith.cmpi ne, %convert_element_type3A_377, %cond3A_378 : i32
      scf.if %cond3A_379 {
        %mul3A_551 = arith.constant 2 : i32
        %mul3A_552 = arith.muli %mul3A_551, %scan3A_70 : i32
        %add3A_553 = arith.constant 2 : i32
        %add3A_554 = arith.addi %mul3A_552, %add3A_553 : i32
        %dma_start3A_555 = arith.constant 0 : i32
        %dma_start3A_556 = arith.constant 0 : i32
        %dma_start3A_557 = tpu.memref_slice %arg3[%arg0, %arg1, %add3A_554, %dma_start3A_555, %dma_start3A_556] : memref<2x16x20x8x64xi32, #tpu.memory_space<hbm>> -> memref<1x1x1x8x64xi32, #tpu.memory_space<hbm>>
        %dma_start3A_558 = tpu.memref_squeeze %dma_start3A_557 : memref<1x1x1x8x64xi32, #tpu.memory_space<hbm>> -> memref<8x64xi32, #tpu.memory_space<hbm>>
        %dma_start3A_559 = arith.constant 0 : i32
        %dma_start3A_560 = arith.constant 0 : i32
        %dma_start3A_561 = tpu.memref_slice %arg3[%arg0, %arg1, %add3A_554, %dma_start3A_559, %dma_start3A_560] : memref<2x16x20x8x64xi32, #tpu.memory_space<hbm>> -> memref<1x1x1x8x64xi32, #tpu.memory_space<hbm>>
        %dma_start3A_562 = tpu.memref_squeeze %dma_start3A_561 : memref<1x1x1x8x64xi32, #tpu.memory_space<hbm>> -> memref<8x64xi32, #tpu.memory_space<hbm>>
        tpu.enqueue_dma source(%dma_start3A_562 : memref<8x64xi32, #tpu.memory_space<hbm>>) target(%arg7 : memref<8x64xi32, #tpu.memory_space<vmem>>) target_semaphore(%arg16 : memref<!tpu.dma_semaphore, #tpu.memory_space<semaphore_mem>>)
        %dma_start3A_563 = arith.constant 0 : i32
        %dma_start3A_564 = arith.constant 0 : i32
        %dma_start3A_565 = tpu.memref_slice %arg4[%arg0, %arg1, %add3A_554, %dma_start3A_563, %dma_start3A_564] : memref<2x16x20x8x64xi32, #tpu.memory_space<hbm>> -> memref<1x1x1x8x64xi32, #tpu.memory_space<hbm>>
        %dma_start3A_566 = tpu.memref_squeeze %dma_start3A_565 : memref<1x1x1x8x64xi32, #tpu.memory_space<hbm>> -> memref<8x64xi32, #tpu.memory_space<hbm>>
        %dma_start3A_567 = arith.constant 0 : i32
        %dma_start3A_568 = arith.constant 0 : i32
        %dma_start3A_569 = tpu.memref_slice %arg4[%arg0, %arg1, %add3A_554, %dma_start3A_567, %dma_start3A_568] : memref<2x16x20x8x64xi32, #tpu.memory_space<hbm>> -> memref<1x1x1x8x64xi32, #tpu.memory_space<hbm>>
        %dma_start3A_570 = tpu.memref_squeeze %dma_start3A_569 : memref<1x1x1x8x64xi32, #tpu.memory_space<hbm>> -> memref<8x64xi32, #tpu.memory_space<hbm>>
        tpu.enqueue_dma source(%dma_start3A_570 : memref<8x64xi32, #tpu.memory_space<hbm>>) target(%arg8 : memref<8x64xi32, #tpu.memory_space<vmem>>) target_semaphore(%arg16 : memref<!tpu.dma_semaphore, #tpu.memory_space<semaphore_mem>>)
      } else {
      }
      %dma_start3A_380 = arith.constant 3 : i32
      %dma_start3A_381 = arith.constant 0 : i32
      %dma_start3A_382 = tpu.memref_slice %arg9[%dma_start3A_380, %dma_start3A_381] : memref<8x64xi32, #tpu.memory_space<vmem>> -> memref<1x64xi32, #tpu.memory_space<vmem>>
      %dma_start3A_383 = tpu.memref_squeeze %dma_start3A_382 : memref<1x64xi32, #tpu.memory_space<vmem>> -> memref<64xi32, #tpu.memory_space<vmem>>
      %dma_start3A_384 = arith.constant 0 : i32
      %dma_start3A_385 = arith.constant 0 : i32
      %dma_start3A_386 = tpu.memref_slice %arg2[%dma_start3A_384, %dma_start3A_385] : memref<10240x128xf32, #tpu.memory_space<hbm>> -> memref<10240x128xf32, #tpu.memory_space<hbm>>
      tpu.enqueue_indirect_dma source(%dma_start3A_386 : memref<10240x128xf32, #tpu.memory_space<hbm>>) target(%arg14 : memref<64x128xf32, #tpu.memory_space<vmem>>) offsets(%dma_start3A_383 : memref<64xi32, #tpu.memory_space<vmem>>) semaphore(%arg21 : memref<!tpu.dma_semaphore, #tpu.memory_space<semaphore_mem>>)
      %dma_wait3A_387 = arith.constant 2 : i32
      %dma_wait3A_388 = arith.constant 0 : i32
      %dma_wait3A_389 = tpu.memref_slice %arg9[%dma_wait3A_387, %dma_wait3A_388] : memref<8x64xi32, #tpu.memory_space<vmem>> -> memref<1x64xi32, #tpu.memory_space<vmem>>
      %dma_wait3A_390 = tpu.memref_squeeze %dma_wait3A_389 : memref<1x64xi32, #tpu.memory_space<vmem>> -> memref<64xi32, #tpu.memory_space<vmem>>
      %dma_wait3A_391 = arith.constant 0 : i32
      %dma_wait3A_392 = arith.constant 0 : i32
      %dma_wait3A_393 = tpu.memref_slice %arg2[%dma_wait3A_391, %dma_wait3A_392] : memref<10240x128xf32, #tpu.memory_space<hbm>> -> memref<10240x128xf32, #tpu.memory_space<hbm>>
      tpu.wait_indirect_dma semaphore(%arg20 : memref<!tpu.dma_semaphore, #tpu.memory_space<semaphore_mem>>) src(%dma_wait3A_393 : memref<10240x128xf32, #tpu.memory_space<hbm>>) dst(%arg13 : memref<64x128xf32, #tpu.memory_space<vmem>>)
      %dma_wait3A_394 = arith.constant 0 : i32
      %dma_wait3A_395 = arith.constant 0 : i32
      %dma_wait3A_396 = tpu.memref_slice %arg10[%dma_wait3A_394, %dma_wait3A_395] : memref<8x64xi32, #tpu.memory_space<vmem>> -> memref<1x64xi32, #tpu.memory_space<vmem>>
      %dma_wait3A_397 = tpu.memref_squeeze %dma_wait3A_396 : memref<1x64xi32, #tpu.memory_space<vmem>> -> memref<64xi32, #tpu.memory_space<vmem>>
      %dma_wait3A_398 = arith.constant 0 : i32
      %dma_wait3A_399 = arith.constant 0 : i32
      %dma_wait3A_400 = tpu.memref_slice %arg15[%dma_wait3A_398, %dma_wait3A_399] : memref<10240x128xf32, #tpu.memory_space<vmem_shared>> -> memref<10240x128xf32, #tpu.memory_space<vmem_shared>>
      tpu.wait_indirect_dma semaphore(%arg22 : memref<!tpu.dma_semaphore, #tpu.memory_space<semaphore_mem>>) src(%arg11 : memref<64x128xf32, #tpu.memory_space<vmem>>) dst(%dma_wait3A_400 : memref<10240x128xf32, #tpu.memory_space<vmem_shared>>)
      %dma_start3A_401 = arith.constant 2 : i32
      %dma_start3A_402 = arith.constant 0 : i32
      %dma_start3A_403 = tpu.memref_slice %arg10[%dma_start3A_401, %dma_start3A_402] : memref<8x64xi32, #tpu.memory_space<vmem>> -> memref<1x64xi32, #tpu.memory_space<vmem>>
      %dma_start3A_404 = tpu.memref_squeeze %dma_start3A_403 : memref<1x64xi32, #tpu.memory_space<vmem>> -> memref<64xi32, #tpu.memory_space<vmem>>
      %dma_start3A_405 = arith.constant 0 : i32
      %dma_start3A_406 = arith.constant 0 : i32
      %dma_start3A_407 = tpu.memref_slice %arg15[%dma_start3A_405, %dma_start3A_406] : memref<10240x128xf32, #tpu.memory_space<vmem_shared>> -> memref<10240x128xf32, #tpu.memory_space<vmem_shared>>
      tpu.enqueue_indirect_dma source(%arg13 : memref<64x128xf32, #tpu.memory_space<vmem>>) target(%dma_start3A_407 : memref<10240x128xf32, #tpu.memory_space<vmem_shared>>) offsets(%dma_start3A_404 : memref<64xi32, #tpu.memory_space<vmem>>) semaphore(%arg24 : memref<!tpu.dma_semaphore, #tpu.memory_space<semaphore_mem>>) {add = true}
      %dma_start3A_408 = arith.constant 4 : i32
      %dma_start3A_409 = arith.constant 0 : i32
      %dma_start3A_410 = tpu.memref_slice %arg9[%dma_start3A_408, %dma_start3A_409] : memref<8x64xi32, #tpu.memory_space<vmem>> -> memref<1x64xi32, #tpu.memory_space<vmem>>
      %dma_start3A_411 = tpu.memref_squeeze %dma_start3A_410 : memref<1x64xi32, #tpu.memory_space<vmem>> -> memref<64xi32, #tpu.memory_space<vmem>>
      %dma_start3A_412 = arith.constant 0 : i32
      %dma_start3A_413 = arith.constant 0 : i32
      %dma_start3A_414 = tpu.memref_slice %arg2[%dma_start3A_412, %dma_start3A_413] : memref<10240x128xf32, #tpu.memory_space<hbm>> -> memref<10240x128xf32, #tpu.memory_space<hbm>>
      tpu.enqueue_indirect_dma source(%dma_start3A_414 : memref<10240x128xf32, #tpu.memory_space<hbm>>) target(%arg11 : memref<64x128xf32, #tpu.memory_space<vmem>>) offsets(%dma_start3A_411 : memref<64xi32, #tpu.memory_space<vmem>>) semaphore(%arg18 : memref<!tpu.dma_semaphore, #tpu.memory_space<semaphore_mem>>)
      %dma_wait3A_415 = arith.constant 3 : i32
      %dma_wait3A_416 = arith.constant 0 : i32
      %dma_wait3A_417 = tpu.memref_slice %arg9[%dma_wait3A_415, %dma_wait3A_416] : memref<8x64xi32, #tpu.memory_space<vmem>> -> memref<1x64xi32, #tpu.memory_space<vmem>>
      %dma_wait3A_418 = tpu.memref_squeeze %dma_wait3A_417 : memref<1x64xi32, #tpu.memory_space<vmem>> -> memref<64xi32, #tpu.memory_space<vmem>>
      %dma_wait3A_419 = arith.constant 0 : i32
      %dma_wait3A_420 = arith.constant 0 : i32
      %dma_wait3A_421 = tpu.memref_slice %arg2[%dma_wait3A_419, %dma_wait3A_420] : memref<10240x128xf32, #tpu.memory_space<hbm>> -> memref<10240x128xf32, #tpu.memory_space<hbm>>
      tpu.wait_indirect_dma semaphore(%arg21 : memref<!tpu.dma_semaphore, #tpu.memory_space<semaphore_mem>>) src(%dma_wait3A_421 : memref<10240x128xf32, #tpu.memory_space<hbm>>) dst(%arg14 : memref<64x128xf32, #tpu.memory_space<vmem>>)
      %dma_wait3A_422 = arith.constant 1 : i32
      %dma_wait3A_423 = arith.constant 0 : i32
      %dma_wait3A_424 = tpu.memref_slice %arg10[%dma_wait3A_422, %dma_wait3A_423] : memref<8x64xi32, #tpu.memory_space<vmem>> -> memref<1x64xi32, #tpu.memory_space<vmem>>
      %dma_wait3A_425 = tpu.memref_squeeze %dma_wait3A_424 : memref<1x64xi32, #tpu.memory_space<vmem>> -> memref<64xi32, #tpu.memory_space<vmem>>
      %dma_wait3A_426 = arith.constant 0 : i32
      %dma_wait3A_427 = arith.constant 0 : i32
      %dma_wait3A_428 = tpu.memref_slice %arg15[%dma_wait3A_426, %dma_wait3A_427] : memref<10240x128xf32, #tpu.memory_space<vmem_shared>> -> memref<10240x128xf32, #tpu.memory_space<vmem_shared>>
      tpu.wait_indirect_dma semaphore(%arg23 : memref<!tpu.dma_semaphore, #tpu.memory_space<semaphore_mem>>) src(%arg12 : memref<64x128xf32, #tpu.memory_space<vmem>>) dst(%dma_wait3A_428 : memref<10240x128xf32, #tpu.memory_space<vmem_shared>>)
      %dma_start3A_429 = arith.constant 3 : i32
      %dma_start3A_430 = arith.constant 0 : i32
      %dma_start3A_431 = tpu.memref_slice %arg10[%dma_start3A_429, %dma_start3A_430] : memref<8x64xi32, #tpu.memory_space<vmem>> -> memref<1x64xi32, #tpu.memory_space<vmem>>
      %dma_start3A_432 = tpu.memref_squeeze %dma_start3A_431 : memref<1x64xi32, #tpu.memory_space<vmem>> -> memref<64xi32, #tpu.memory_space<vmem>>
      %dma_start3A_433 = arith.constant 0 : i32
      %dma_start3A_434 = arith.constant 0 : i32
      %dma_start3A_435 = tpu.memref_slice %arg15[%dma_start3A_433, %dma_start3A_434] : memref<10240x128xf32, #tpu.memory_space<vmem_shared>> -> memref<10240x128xf32, #tpu.memory_space<vmem_shared>>
      tpu.enqueue_indirect_dma source(%arg14 : memref<64x128xf32, #tpu.memory_space<vmem>>) target(%dma_start3A_435 : memref<10240x128xf32, #tpu.memory_space<vmem_shared>>) offsets(%dma_start3A_432 : memref<64xi32, #tpu.memory_space<vmem>>) semaphore(%arg25 : memref<!tpu.dma_semaphore, #tpu.memory_space<semaphore_mem>>) {add = true}
      %dma_start3A_436 = arith.constant 5 : i32
      %dma_start3A_437 = arith.constant 0 : i32
      %dma_start3A_438 = tpu.memref_slice %arg9[%dma_start3A_436, %dma_start3A_437] : memref<8x64xi32, #tpu.memory_space<vmem>> -> memref<1x64xi32, #tpu.memory_space<vmem>>
      %dma_start3A_439 = tpu.memref_squeeze %dma_start3A_438 : memref<1x64xi32, #tpu.memory_space<vmem>> -> memref<64xi32, #tpu.memory_space<vmem>>
      %dma_start3A_440 = arith.constant 0 : i32
      %dma_start3A_441 = arith.constant 0 : i32
      %dma_start3A_442 = tpu.memref_slice %arg2[%dma_start3A_440, %dma_start3A_441] : memref<10240x128xf32, #tpu.memory_space<hbm>> -> memref<10240x128xf32, #tpu.memory_space<hbm>>
      tpu.enqueue_indirect_dma source(%dma_start3A_442 : memref<10240x128xf32, #tpu.memory_space<hbm>>) target(%arg12 : memref<64x128xf32, #tpu.memory_space<vmem>>) offsets(%dma_start3A_439 : memref<64xi32, #tpu.memory_space<vmem>>) semaphore(%arg19 : memref<!tpu.dma_semaphore, #tpu.memory_space<semaphore_mem>>)
      %dma_wait3A_443 = arith.constant 4 : i32
      %dma_wait3A_444 = arith.constant 0 : i32
      %dma_wait3A_445 = tpu.memref_slice %arg9[%dma_wait3A_443, %dma_wait3A_444] : memref<8x64xi32, #tpu.memory_space<vmem>> -> memref<1x64xi32, #tpu.memory_space<vmem>>
      %dma_wait3A_446 = tpu.memref_squeeze %dma_wait3A_445 : memref<1x64xi32, #tpu.memory_space<vmem>> -> memref<64xi32, #tpu.memory_space<vmem>>
      %dma_wait3A_447 = arith.constant 0 : i32
      %dma_wait3A_448 = arith.constant 0 : i32
      %dma_wait3A_449 = tpu.memref_slice %arg2[%dma_wait3A_447, %dma_wait3A_448] : memref<10240x128xf32, #tpu.memory_space<hbm>> -> memref<10240x128xf32, #tpu.memory_space<hbm>>
      tpu.wait_indirect_dma semaphore(%arg18 : memref<!tpu.dma_semaphore, #tpu.memory_space<semaphore_mem>>) src(%dma_wait3A_449 : memref<10240x128xf32, #tpu.memory_space<hbm>>) dst(%arg11 : memref<64x128xf32, #tpu.memory_space<vmem>>)
      %dma_wait3A_450 = arith.constant 2 : i32
      %dma_wait3A_451 = arith.constant 0 : i32
      %dma_wait3A_452 = tpu.memref_slice %arg10[%dma_wait3A_450, %dma_wait3A_451] : memref<8x64xi32, #tpu.memory_space<vmem>> -> memref<1x64xi32, #tpu.memory_space<vmem>>
      %dma_wait3A_453 = tpu.memref_squeeze %dma_wait3A_452 : memref<1x64xi32, #tpu.memory_space<vmem>> -> memref<64xi32, #tpu.memory_space<vmem>>
      %dma_wait3A_454 = arith.constant 0 : i32
      %dma_wait3A_455 = arith.constant 0 : i32
      %dma_wait3A_456 = tpu.memref_slice %arg15[%dma_wait3A_454, %dma_wait3A_455] : memref<10240x128xf32, #tpu.memory_space<vmem_shared>> -> memref<10240x128xf32, #tpu.memory_space<vmem_shared>>
      tpu.wait_indirect_dma semaphore(%arg24 : memref<!tpu.dma_semaphore, #tpu.memory_space<semaphore_mem>>) src(%arg13 : memref<64x128xf32, #tpu.memory_space<vmem>>) dst(%dma_wait3A_456 : memref<10240x128xf32, #tpu.memory_space<vmem_shared>>)
      %dma_start3A_457 = arith.constant 4 : i32
      %dma_start3A_458 = arith.constant 0 : i32
      %dma_start3A_459 = tpu.memref_slice %arg10[%dma_start3A_457, %dma_start3A_458] : memref<8x64xi32, #tpu.memory_space<vmem>> -> memref<1x64xi32, #tpu.memory_space<vmem>>
      %dma_start3A_460 = tpu.memref_squeeze %dma_start3A_459 : memref<1x64xi32, #tpu.memory_space<vmem>> -> memref<64xi32, #tpu.memory_space<vmem>>
      %dma_start3A_461 = arith.constant 0 : i32
      %dma_start3A_462 = arith.constant 0 : i32
      %dma_start3A_463 = tpu.memref_slice %arg15[%dma_start3A_461, %dma_start3A_462] : memref<10240x128xf32, #tpu.memory_space<vmem_shared>> -> memref<10240x128xf32, #tpu.memory_space<vmem_shared>>
      tpu.enqueue_indirect_dma source(%arg11 : memref<64x128xf32, #tpu.memory_space<vmem>>) target(%dma_start3A_463 : memref<10240x128xf32, #tpu.memory_space<vmem_shared>>) offsets(%dma_start3A_460 : memref<64xi32, #tpu.memory_space<vmem>>) semaphore(%arg22 : memref<!tpu.dma_semaphore, #tpu.memory_space<semaphore_mem>>) {add = true}
      %dma_start3A_464 = arith.constant 6 : i32
      %dma_start3A_465 = arith.constant 0 : i32
      %dma_start3A_466 = tpu.memref_slice %arg9[%dma_start3A_464, %dma_start3A_465] : memref<8x64xi32, #tpu.memory_space<vmem>> -> memref<1x64xi32, #tpu.memory_space<vmem>>
      %dma_start3A_467 = tpu.memref_squeeze %dma_start3A_466 : memref<1x64xi32, #tpu.memory_space<vmem>> -> memref<64xi32, #tpu.memory_space<vmem>>
      %dma_start3A_468 = arith.constant 0 : i32
      %dma_start3A_469 = arith.constant 0 : i32
      %dma_start3A_470 = tpu.memref_slice %arg2[%dma_start3A_468, %dma_start3A_469] : memref<10240x128xf32, #tpu.memory_space<hbm>> -> memref<10240x128xf32, #tpu.memory_space<hbm>>
      tpu.enqueue_indirect_dma source(%dma_start3A_470 : memref<10240x128xf32, #tpu.memory_space<hbm>>) target(%arg13 : memref<64x128xf32, #tpu.memory_space<vmem>>) offsets(%dma_start3A_467 : memref<64xi32, #tpu.memory_space<vmem>>) semaphore(%arg20 : memref<!tpu.dma_semaphore, #tpu.memory_space<semaphore_mem>>)
      %dma_wait3A_471 = arith.constant 5 : i32
      %dma_wait3A_472 = arith.constant 0 : i32
      %dma_wait3A_473 = tpu.memref_slice %arg9[%dma_wait3A_471, %dma_wait3A_472] : memref<8x64xi32, #tpu.memory_space<vmem>> -> memref<1x64xi32, #tpu.memory_space<vmem>>
      %dma_wait3A_474 = tpu.memref_squeeze %dma_wait3A_473 : memref<1x64xi32, #tpu.memory_space<vmem>> -> memref<64xi32, #tpu.memory_space<vmem>>
      %dma_wait3A_475 = arith.constant 0 : i32
      %dma_wait3A_476 = arith.constant 0 : i32
      %dma_wait3A_477 = tpu.memref_slice %arg2[%dma_wait3A_475, %dma_wait3A_476] : memref<10240x128xf32, #tpu.memory_space<hbm>> -> memref<10240x128xf32, #tpu.memory_space<hbm>>
      tpu.wait_indirect_dma semaphore(%arg19 : memref<!tpu.dma_semaphore, #tpu.memory_space<semaphore_mem>>) src(%dma_wait3A_477 : memref<10240x128xf32, #tpu.memory_space<hbm>>) dst(%arg12 : memref<64x128xf32, #tpu.memory_space<vmem>>)
      %dma_wait3A_478 = arith.constant 3 : i32
      %dma_wait3A_479 = arith.constant 0 : i32
      %dma_wait3A_480 = tpu.memref_slice %arg10[%dma_wait3A_478, %dma_wait3A_479] : memref<8x64xi32, #tpu.memory_space<vmem>> -> memref<1x64xi32, #tpu.memory_space<vmem>>
      %dma_wait3A_481 = tpu.memref_squeeze %dma_wait3A_480 : memref<1x64xi32, #tpu.memory_space<vmem>> -> memref<64xi32, #tpu.memory_space<vmem>>
      %dma_wait3A_482 = arith.constant 0 : i32
      %dma_wait3A_483 = arith.constant 0 : i32
      %dma_wait3A_484 = tpu.memref_slice %arg15[%dma_wait3A_482, %dma_wait3A_483] : memref<10240x128xf32, #tpu.memory_space<vmem_shared>> -> memref<10240x128xf32, #tpu.memory_space<vmem_shared>>
      tpu.wait_indirect_dma semaphore(%arg25 : memref<!tpu.dma_semaphore, #tpu.memory_space<semaphore_mem>>) src(%arg14 : memref<64x128xf32, #tpu.memory_space<vmem>>) dst(%dma_wait3A_484 : memref<10240x128xf32, #tpu.memory_space<vmem_shared>>)
      %dma_start3A_485 = arith.constant 5 : i32
      %dma_start3A_486 = arith.constant 0 : i32
      %dma_start3A_487 = tpu.memref_slice %arg10[%dma_start3A_485, %dma_start3A_486] : memref<8x64xi32, #tpu.memory_space<vmem>> -> memref<1x64xi32, #tpu.memory_space<vmem>>
      %dma_start3A_488 = tpu.memref_squeeze %dma_start3A_487 : memref<1x64xi32, #tpu.memory_space<vmem>> -> memref<64xi32, #tpu.memory_space<vmem>>
      %dma_start3A_489 = arith.constant 0 : i32
      %dma_start3A_490 = arith.constant 0 : i32
      %dma_start3A_491 = tpu.memref_slice %arg15[%dma_start3A_489, %dma_start3A_490] : memref<10240x128xf32, #tpu.memory_space<vmem_shared>> -> memref<10240x128xf32, #tpu.memory_space<vmem_shared>>
      tpu.enqueue_indirect_dma source(%arg12 : memref<64x128xf32, #tpu.memory_space<vmem>>) target(%dma_start3A_491 : memref<10240x128xf32, #tpu.memory_space<vmem_shared>>) offsets(%dma_start3A_488 : memref<64xi32, #tpu.memory_space<vmem>>) semaphore(%arg23 : memref<!tpu.dma_semaphore, #tpu.memory_space<semaphore_mem>>) {add = true}
      %dma_start3A_492 = arith.constant 7 : i32
      %dma_start3A_493 = arith.constant 0 : i32
      %dma_start3A_494 = tpu.memref_slice %arg9[%dma_start3A_492, %dma_start3A_493] : memref<8x64xi32, #tpu.memory_space<vmem>> -> memref<1x64xi32, #tpu.memory_space<vmem>>
      %dma_start3A_495 = tpu.memref_squeeze %dma_start3A_494 : memref<1x64xi32, #tpu.memory_space<vmem>> -> memref<64xi32, #tpu.memory_space<vmem>>
      %dma_start3A_496 = arith.constant 0 : i32
      %dma_start3A_497 = arith.constant 0 : i32
      %dma_start3A_498 = tpu.memref_slice %arg2[%dma_start3A_496, %dma_start3A_497] : memref<10240x128xf32, #tpu.memory_space<hbm>> -> memref<10240x128xf32, #tpu.memory_space<hbm>>
      tpu.enqueue_indirect_dma source(%dma_start3A_498 : memref<10240x128xf32, #tpu.memory_space<hbm>>) target(%arg14 : memref<64x128xf32, #tpu.memory_space<vmem>>) offsets(%dma_start3A_495 : memref<64xi32, #tpu.memory_space<vmem>>) semaphore(%arg21 : memref<!tpu.dma_semaphore, #tpu.memory_space<semaphore_mem>>)
      %dma_wait3A_499 = arith.constant 6 : i32
      %dma_wait3A_500 = arith.constant 0 : i32
      %dma_wait3A_501 = tpu.memref_slice %arg9[%dma_wait3A_499, %dma_wait3A_500] : memref<8x64xi32, #tpu.memory_space<vmem>> -> memref<1x64xi32, #tpu.memory_space<vmem>>
      %dma_wait3A_502 = tpu.memref_squeeze %dma_wait3A_501 : memref<1x64xi32, #tpu.memory_space<vmem>> -> memref<64xi32, #tpu.memory_space<vmem>>
      %dma_wait3A_503 = arith.constant 0 : i32
      %dma_wait3A_504 = arith.constant 0 : i32
      %dma_wait3A_505 = tpu.memref_slice %arg2[%dma_wait3A_503, %dma_wait3A_504] : memref<10240x128xf32, #tpu.memory_space<hbm>> -> memref<10240x128xf32, #tpu.memory_space<hbm>>
      tpu.wait_indirect_dma semaphore(%arg20 : memref<!tpu.dma_semaphore, #tpu.memory_space<semaphore_mem>>) src(%dma_wait3A_505 : memref<10240x128xf32, #tpu.memory_space<hbm>>) dst(%arg13 : memref<64x128xf32, #tpu.memory_space<vmem>>)
      %dma_wait3A_506 = arith.constant 4 : i32
      %dma_wait3A_507 = arith.constant 0 : i32
      %dma_wait3A_508 = tpu.memref_slice %arg10[%dma_wait3A_506, %dma_wait3A_507] : memref<8x64xi32, #tpu.memory_space<vmem>> -> memref<1x64xi32, #tpu.memory_space<vmem>>
      %dma_wait3A_509 = tpu.memref_squeeze %dma_wait3A_508 : memref<1x64xi32, #tpu.memory_space<vmem>> -> memref<64xi32, #tpu.memory_space<vmem>>
      %dma_wait3A_510 = arith.constant 0 : i32
      %dma_wait3A_511 = arith.constant 0 : i32
      %dma_wait3A_512 = tpu.memref_slice %arg15[%dma_wait3A_510, %dma_wait3A_511] : memref<10240x128xf32, #tpu.memory_space<vmem_shared>> -> memref<10240x128xf32, #tpu.memory_space<vmem_shared>>
      tpu.wait_indirect_dma semaphore(%arg22 : memref<!tpu.dma_semaphore, #tpu.memory_space<semaphore_mem>>) src(%arg11 : memref<64x128xf32, #tpu.memory_space<vmem>>) dst(%dma_wait3A_512 : memref<10240x128xf32, #tpu.memory_space<vmem_shared>>)
      %dma_start3A_513 = arith.constant 6 : i32
      %dma_start3A_514 = arith.constant 0 : i32
      %dma_start3A_515 = tpu.memref_slice %arg10[%dma_start3A_513, %dma_start3A_514] : memref<8x64xi32, #tpu.memory_space<vmem>> -> memref<1x64xi32, #tpu.memory_space<vmem>>
      %dma_start3A_516 = tpu.memref_squeeze %dma_start3A_515 : memref<1x64xi32, #tpu.memory_space<vmem>> -> memref<64xi32, #tpu.memory_space<vmem>>
      %dma_start3A_517 = arith.constant 0 : i32
      %dma_start3A_518 = arith.constant 0 : i32
      %dma_start3A_519 = tpu.memref_slice %arg15[%dma_start3A_517, %dma_start3A_518] : memref<10240x128xf32, #tpu.memory_space<vmem_shared>> -> memref<10240x128xf32, #tpu.memory_space<vmem_shared>>
      tpu.enqueue_indirect_dma source(%arg13 : memref<64x128xf32, #tpu.memory_space<vmem>>) target(%dma_start3A_519 : memref<10240x128xf32, #tpu.memory_space<vmem_shared>>) offsets(%dma_start3A_516 : memref<64xi32, #tpu.memory_space<vmem>>) semaphore(%arg24 : memref<!tpu.dma_semaphore, #tpu.memory_space<semaphore_mem>>) {add = true}
      %lt3A_520 = arith.constant 9 : i32
      %lt3A_521 = arith.cmpi slt, %scan3A_70, %lt3A_520 : i32
      %convert_element_type3A_522 = arith.extui %lt3A_521 : i1 to i32
      %cond3A_523 = arith.constant 0 : i32
      %cond3A_524 = arith.cmpi ne, %convert_element_type3A_522, %cond3A_523 : i32
      scf.if %cond3A_524 {
        %mul3A_551 = arith.constant 2 : i32
        %mul3A_552 = arith.muli %mul3A_551, %scan3A_70 : i32
        %add3A_553 = arith.constant 2 : i32
        %add3A_554 = arith.addi %mul3A_552, %add3A_553 : i32
        %dma_wait3A_555 = arith.constant 0 : i32
        %dma_wait3A_556 = arith.constant 0 : i32
        %dma_wait3A_557 = tpu.memref_slice %arg3[%arg0, %arg1, %add3A_554, %dma_wait3A_555, %dma_wait3A_556] : memref<2x16x20x8x64xi32, #tpu.memory_space<hbm>> -> memref<1x1x1x8x64xi32, #tpu.memory_space<hbm>>
        %dma_wait3A_558 = tpu.memref_squeeze %dma_wait3A_557 : memref<1x1x1x8x64xi32, #tpu.memory_space<hbm>> -> memref<8x64xi32, #tpu.memory_space<hbm>>
        %dma_wait3A_559 = arith.constant 0 : i32
        %dma_wait3A_560 = arith.constant 0 : i32
        %dma_wait3A_561 = tpu.memref_slice %arg3[%arg0, %arg1, %add3A_554, %dma_wait3A_559, %dma_wait3A_560] : memref<2x16x20x8x64xi32, #tpu.memory_space<hbm>> -> memref<1x1x1x8x64xi32, #tpu.memory_space<hbm>>
        %dma_wait3A_562 = tpu.memref_squeeze %dma_wait3A_561 : memref<1x1x1x8x64xi32, #tpu.memory_space<hbm>> -> memref<8x64xi32, #tpu.memory_space<hbm>>
        tpu.wait_dma2 semaphore(%arg16 : memref<!tpu.dma_semaphore, #tpu.memory_space<semaphore_mem>>) src(%dma_wait3A_562 : memref<8x64xi32, #tpu.memory_space<hbm>>) dst(%arg7 : memref<8x64xi32, #tpu.memory_space<vmem>>)
        %dma_wait3A_563 = arith.constant 0 : i32
        %dma_wait3A_564 = arith.constant 0 : i32
        %dma_wait3A_565 = tpu.memref_slice %arg4[%arg0, %arg1, %add3A_554, %dma_wait3A_563, %dma_wait3A_564] : memref<2x16x20x8x64xi32, #tpu.memory_space<hbm>> -> memref<1x1x1x8x64xi32, #tpu.memory_space<hbm>>
        %dma_wait3A_566 = tpu.memref_squeeze %dma_wait3A_565 : memref<1x1x1x8x64xi32, #tpu.memory_space<hbm>> -> memref<8x64xi32, #tpu.memory_space<hbm>>
        %dma_wait3A_567 = arith.constant 0 : i32
        %dma_wait3A_568 = arith.constant 0 : i32
        %dma_wait3A_569 = tpu.memref_slice %arg4[%arg0, %arg1, %add3A_554, %dma_wait3A_567, %dma_wait3A_568] : memref<2x16x20x8x64xi32, #tpu.memory_space<hbm>> -> memref<1x1x1x8x64xi32, #tpu.memory_space<hbm>>
        %dma_wait3A_570 = tpu.memref_squeeze %dma_wait3A_569 : memref<1x1x1x8x64xi32, #tpu.memory_space<hbm>> -> memref<8x64xi32, #tpu.memory_space<hbm>>
        tpu.wait_dma2 semaphore(%arg16 : memref<!tpu.dma_semaphore, #tpu.memory_space<semaphore_mem>>) src(%dma_wait3A_570 : memref<8x64xi32, #tpu.memory_space<hbm>>) dst(%arg8 : memref<8x64xi32, #tpu.memory_space<vmem>>)
        %dma_start3A_571 = arith.constant 0 : i32
        %dma_start3A_572 = arith.constant 0 : i32
        %dma_start3A_573 = tpu.memref_slice %arg7[%dma_start3A_571, %dma_start3A_572] : memref<8x64xi32, #tpu.memory_space<vmem>> -> memref<1x64xi32, #tpu.memory_space<vmem>>
        %dma_start3A_574 = tpu.memref_squeeze %dma_start3A_573 : memref<1x64xi32, #tpu.memory_space<vmem>> -> memref<64xi32, #tpu.memory_space<vmem>>
        %dma_start3A_575 = arith.constant 0 : i32
        %dma_start3A_576 = arith.constant 0 : i32
        %dma_start3A_577 = tpu.memref_slice %arg2[%dma_start3A_575, %dma_start3A_576] : memref<10240x128xf32, #tpu.memory_space<hbm>> -> memref<10240x128xf32, #tpu.memory_space<hbm>>
        tpu.enqueue_indirect_dma source(%dma_start3A_577 : memref<10240x128xf32, #tpu.memory_space<hbm>>) target(%arg11 : memref<64x128xf32, #tpu.memory_space<vmem>>) offsets(%dma_start3A_574 : memref<64xi32, #tpu.memory_space<vmem>>) semaphore(%arg18 : memref<!tpu.dma_semaphore, #tpu.memory_space<semaphore_mem>>)
      } else {
      }
      %dma_wait3A_525 = arith.constant 7 : i32
      %dma_wait3A_526 = arith.constant 0 : i32
      %dma_wait3A_527 = tpu.memref_slice %arg9[%dma_wait3A_525, %dma_wait3A_526] : memref<8x64xi32, #tpu.memory_space<vmem>> -> memref<1x64xi32, #tpu.memory_space<vmem>>
      %dma_wait3A_528 = tpu.memref_squeeze %dma_wait3A_527 : memref<1x64xi32, #tpu.memory_space<vmem>> -> memref<64xi32, #tpu.memory_space<vmem>>
      %dma_wait3A_529 = arith.constant 0 : i32
      %dma_wait3A_530 = arith.constant 0 : i32
      %dma_wait3A_531 = tpu.memref_slice %arg2[%dma_wait3A_529, %dma_wait3A_530] : memref<10240x128xf32, #tpu.memory_space<hbm>> -> memref<10240x128xf32, #tpu.memory_space<hbm>>
      tpu.wait_indirect_dma semaphore(%arg21 : memref<!tpu.dma_semaphore, #tpu.memory_space<semaphore_mem>>) src(%dma_wait3A_531 : memref<10240x128xf32, #tpu.memory_space<hbm>>) dst(%arg14 : memref<64x128xf32, #tpu.memory_space<vmem>>)
      %dma_wait3A_532 = arith.constant 5 : i32
      %dma_wait3A_533 = arith.constant 0 : i32
      %dma_wait3A_534 = tpu.memref_slice %arg10[%dma_wait3A_532, %dma_wait3A_533] : memref<8x64xi32, #tpu.memory_space<vmem>> -> memref<1x64xi32, #tpu.memory_space<vmem>>
      %dma_wait3A_535 = tpu.memref_squeeze %dma_wait3A_534 : memref<1x64xi32, #tpu.memory_space<vmem>> -> memref<64xi32, #tpu.memory_space<vmem>>
      %dma_wait3A_536 = arith.constant 0 : i32
      %dma_wait3A_537 = arith.constant 0 : i32
      %dma_wait3A_538 = tpu.memref_slice %arg15[%dma_wait3A_536, %dma_wait3A_537] : memref<10240x128xf32, #tpu.memory_space<vmem_shared>> -> memref<10240x128xf32, #tpu.memory_space<vmem_shared>>
      tpu.wait_indirect_dma semaphore(%arg23 : memref<!tpu.dma_semaphore, #tpu.memory_space<semaphore_mem>>) src(%arg12 : memref<64x128xf32, #tpu.memory_space<vmem>>) dst(%dma_wait3A_538 : memref<10240x128xf32, #tpu.memory_space<vmem_shared>>)
      %dma_start3A_539 = arith.constant 7 : i32
      %dma_start3A_540 = arith.constant 0 : i32
      %dma_start3A_541 = tpu.memref_slice %arg10[%dma_start3A_539, %dma_start3A_540] : memref<8x64xi32, #tpu.memory_space<vmem>> -> memref<1x64xi32, #tpu.memory_space<vmem>>
      %dma_start3A_542 = tpu.memref_squeeze %dma_start3A_541 : memref<1x64xi32, #tpu.memory_space<vmem>> -> memref<64xi32, #tpu.memory_space<vmem>>
      %dma_start3A_543 = arith.constant 0 : i32
      %dma_start3A_544 = arith.constant 0 : i32
      %dma_start3A_545 = tpu.memref_slice %arg15[%dma_start3A_543, %dma_start3A_544] : memref<10240x128xf32, #tpu.memory_space<vmem_shared>> -> memref<10240x128xf32, #tpu.memory_space<vmem_shared>>
      tpu.enqueue_indirect_dma source(%arg14 : memref<64x128xf32, #tpu.memory_space<vmem>>) target(%dma_start3A_545 : memref<10240x128xf32, #tpu.memory_space<vmem_shared>>) offsets(%dma_start3A_542 : memref<64xi32, #tpu.memory_space<vmem>>) semaphore(%arg25 : memref<!tpu.dma_semaphore, #tpu.memory_space<semaphore_mem>>) {add = true}
      %lt3A_546 = arith.constant 9 : i32
      %lt3A_547 = arith.cmpi slt, %scan3A_70, %lt3A_546 : i32
      %convert_element_type3A_548 = arith.extui %lt3A_547 : i1 to i32
      %cond3A_549 = arith.constant 0 : i32
      %cond3A_550 = arith.cmpi ne, %convert_element_type3A_548, %cond3A_549 : i32
      scf.if %cond3A_550 {
        %dma_start3A_551 = arith.constant 1 : i32
        %dma_start3A_552 = arith.constant 0 : i32
        %dma_start3A_553 = tpu.memref_slice %arg7[%dma_start3A_551, %dma_start3A_552] : memref<8x64xi32, #tpu.memory_space<vmem>> -> memref<1x64xi32, #tpu.memory_space<vmem>>
        %dma_start3A_554 = tpu.memref_squeeze %dma_start3A_553 : memref<1x64xi32, #tpu.memory_space<vmem>> -> memref<64xi32, #tpu.memory_space<vmem>>
        %dma_start3A_555 = arith.constant 0 : i32
        %dma_start3A_556 = arith.constant 0 : i32
        %dma_start3A_557 = tpu.memref_slice %arg2[%dma_start3A_555, %dma_start3A_556] : memref<10240x128xf32, #tpu.memory_space<hbm>> -> memref<10240x128xf32, #tpu.memory_space<hbm>>
        tpu.enqueue_indirect_dma source(%dma_start3A_557 : memref<10240x128xf32, #tpu.memory_space<hbm>>) target(%arg12 : memref<64x128xf32, #tpu.memory_space<vmem>>) offsets(%dma_start3A_554 : memref<64xi32, #tpu.memory_space<vmem>>) semaphore(%arg19 : memref<!tpu.dma_semaphore, #tpu.memory_space<semaphore_mem>>)
      } else {
      }
    }
    %scan3A_54 = arith.constant 10 : i32
    %dma_wait3A_55 = arith.constant 6 : i32
    %dma_wait3A_56 = arith.constant 0 : i32
    %dma_wait3A_57 = tpu.memref_slice %arg10[%dma_wait3A_55, %dma_wait3A_56] : memref<8x64xi32, #tpu.memory_space<vmem>> -> memref<1x64xi32, #tpu.memory_space<vmem>>
    %dma_wait3A_58 = tpu.memref_squeeze %dma_wait3A_57 : memref<1x64xi32, #tpu.memory_space<vmem>> -> memref<64xi32, #tpu.memory_space<vmem>>
    %dma_wait3A_59 = arith.constant 0 : i32
    %dma_wait3A_60 = arith.constant 0 : i32
    %dma_wait3A_61 = tpu.memref_slice %arg15[%dma_wait3A_59, %dma_wait3A_60] : memref<10240x128xf32, #tpu.memory_space<vmem_shared>> -> memref<10240x128xf32, #tpu.memory_space<vmem_shared>>
    tpu.wait_indirect_dma semaphore(%arg24 : memref<!tpu.dma_semaphore, #tpu.memory_space<semaphore_mem>>) src(%arg13 : memref<64x128xf32, #tpu.memory_space<vmem>>) dst(%dma_wait3A_61 : memref<10240x128xf32, #tpu.memory_space<vmem_shared>>)
    %dma_wait3A_62 = arith.constant 7 : i32
    %dma_wait3A_63 = arith.constant 0 : i32
    %dma_wait3A_64 = tpu.memref_slice %arg10[%dma_wait3A_62, %dma_wait3A_63] : memref<8x64xi32, #tpu.memory_space<vmem>> -> memref<1x64xi32, #tpu.memory_space<vmem>>
    %dma_wait3A_65 = tpu.memref_squeeze %dma_wait3A_64 : memref<1x64xi32, #tpu.memory_space<vmem>> -> memref<64xi32, #tpu.memory_space<vmem>>
    %dma_wait3A_66 = arith.constant 0 : i32
    %dma_wait3A_67 = arith.constant 0 : i32
    %dma_wait3A_68 = tpu.memref_slice %arg15[%dma_wait3A_66, %dma_wait3A_67] : memref<10240x128xf32, #tpu.memory_space<vmem_shared>> -> memref<10240x128xf32, #tpu.memory_space<vmem_shared>>
    tpu.wait_indirect_dma semaphore(%arg25 : memref<!tpu.dma_semaphore, #tpu.memory_space<semaphore_mem>>) src(%arg14 : memref<64x128xf32, #tpu.memory_space<vmem>>) dst(%dma_wait3A_68 : memref<10240x128xf32, #tpu.memory_space<vmem_shared>>)
    %barrier3A_69 = arith.constant 0 : index
    tpu.barrier barrier_id(%barrier3A_69)
    "tpu.region"() ({
      %run_scoped3A = tpu.sem_alloc : memref<!tpu.dma_semaphore, #tpu.memory_space<semaphore_mem>>
      %dma_start3A_70 = arith.constant 0 : i32
      %dma_start3A_71 = tpu.memref_slice %arg6[%arg0, %mul3A_0, %dma_start3A_70] : memref<2x10240x128xf32, #tpu.memory_space<hbm>> -> memref<1x640x128xf32, #tpu.memory_space<hbm>>
      %dma_start3A_72 = tpu.memref_squeeze %dma_start3A_71 : memref<1x640x128xf32, #tpu.memory_space<hbm>> -> memref<640x128xf32, #tpu.memory_space<hbm>>
      %dma_start3A_73 = arith.constant 0 : i32
      %dma_start3A_74 = tpu.memref_slice %arg15[%mul3A_0, %dma_start3A_73] : memref<10240x128xf32, #tpu.memory_space<vmem_shared>> -> memref<640x128xf32, #tpu.memory_space<vmem_shared>>
      tpu.enqueue_dma source(%dma_start3A_74 : memref<640x128xf32, #tpu.memory_space<vmem_shared>>) target(%dma_start3A_72 : memref<640x128xf32, #tpu.memory_space<hbm>>) target_semaphore(%run_scoped3A : memref<!tpu.dma_semaphore, #tpu.memory_space<semaphore_mem>>)
      %dma_wait3A_75 = arith.constant 0 : i32
      %dma_wait3A_76 = tpu.memref_slice %arg6[%arg0, %mul3A_0, %dma_wait3A_75] : memref<2x10240x128xf32, #tpu.memory_space<hbm>> -> memref<1x640x128xf32, #tpu.memory_space<hbm>>
      %dma_wait3A_77 = tpu.memref_squeeze %dma_wait3A_76 : memref<1x640x128xf32, #tpu.memory_space<hbm>> -> memref<640x128xf32, #tpu.memory_space<hbm>>
      %dma_wait3A_78 = arith.constant 0 : i32
      %dma_wait3A_79 = tpu.memref_slice %arg15[%mul3A_0, %dma_wait3A_78] : memref<10240x128xf32, #tpu.memory_space<vmem_shared>> -> memref<640x128xf32, #tpu.memory_space<vmem_shared>>
      tpu.wait_dma2 semaphore(%run_scoped3A : memref<!tpu.dma_semaphore, #tpu.memory_space<semaphore_mem>>) src(%dma_wait3A_79 : memref<640x128xf32, #tpu.memory_space<vmem_shared>>) dst(%dma_wait3A_77 : memref<640x128xf32, #tpu.memory_space<hbm>>)
      tpu.yield
    }) : () -> ()
    return
  }
}

module attributes {stable_mosaic.version = 14 : i64} {
  func.func @_tc1_body(%arg0: i32, %arg1: i32, %arg2: memref<512x128xf32, #tpu.memory_space<vmem>>, %arg3: memref<2x512x128xf32, #tpu.memory_space<vmem>>, %arg4: memref<32x512xf32, #tpu.memory_space<vmem>>, %arg5: memref<128x128xf32, #tpu.memory_space<vmem>>, %arg6: memref<128x128xf32, #tpu.memory_space<vmem>>, %arg7: memref<1x128xf32, #tpu.memory_space<vmem>>, %arg8: memref<1x512x128xf32, #tpu.memory_space<vmem>>) attributes {dimension_semantics = [#tpu.dimension_semantics<arbitrary>, #tpu.dimension_semantics<arbitrary>], iteration_bounds = array<i64: 20, 2>, scalar_prefetch = 0 : i64, scratch_operands = 0 : i64, tpu.core_type = #tpu.core_type<tc>, window_params = [{transform_indices = @transform_0, window_bounds = array<i64: 512, 128>}, {transform_indices = @transform_1, window_bounds = array<i64: 2, 512, 128>}, {transform_indices = @transform_2, window_bounds = array<i64: 32, 512>}, {transform_indices = @transform_3, window_bounds = array<i64: 128, 128>}, {transform_indices = @transform_4, window_bounds = array<i64: 128, 128>}, {transform_indices = @transform_5, window_bounds = array<i64: 1, 128>}, {transform_indices = @transform_6, window_bounds = array<i64: 1, 512, 128>}]} {
    %get3A = arith.constant 0 : index
    %get3A_0 = arith.constant 0 : index
    %get3A_1 = vector.load %arg2[%get3A, %get3A_0] : memref<512x128xf32, #tpu.memory_space<vmem>>, vector<512x128xf32>
    %get3A_2 = arith.constant 0 : index
    %get3A_3 = arith.constant 0 : index
    %get3A_4 = arith.constant 0 : index
    %get3A_5 = vector.load %arg3[%get3A_2, %get3A_3, %get3A_4] : memref<2x512x128xf32, #tpu.memory_space<vmem>>, vector<1x512x128xf32>
    %get3A_6 = vector.shape_cast %get3A_5 : vector<1x512x128xf32> to vector<512x128xf32>
    %get3A_7 = arith.constant 1 : index
    %get3A_8 = arith.constant 0 : index
    %get3A_9 = arith.constant 0 : index
    %get3A_10 = vector.load %arg3[%get3A_7, %get3A_8, %get3A_9] : memref<2x512x128xf32, #tpu.memory_space<vmem>>, vector<1x512x128xf32>
    %get3A_11 = vector.shape_cast %get3A_10 : vector<1x512x128xf32> to vector<512x128xf32>
    %add3A = arith.addf %get3A_6, %get3A_11 : vector<512x128xf32>
    %get3A_12 = arith.constant 0 : index
    %get3A_13 = arith.constant 0 : index
    %get3A_14 = vector.load %arg4[%get3A_12, %get3A_13] : memref<32x512xf32, #tpu.memory_space<vmem>>, vector<32x512xf32>
    %reduce_sum3A = arith.constant dense<0.000000e+00> : vector<512xf32>
    %reduce_sum3A_15 = vector.multi_reduction <add>, %get3A_14, %reduce_sum3A [0] : vector<32x512xf32> to vector<512xf32>
    %max3A = arith.constant 1.000000e+00 : f32
    %max3A_16 = vector.broadcast %max3A : f32 to vector<512xf32>
    %max3A_17 = arith.maximumf %reduce_sum3A_15, %max3A_16 : vector<512xf32>
    %div3A = arith.constant 1.000000e+00 : f32
    %div3A_18 = vector.broadcast %div3A : f32 to vector<512xf32>
    %div3A_19 = arith.divf %div3A_18, %max3A_17 : vector<512xf32>
    %get3A_20 = arith.constant 0 : index
    %get3A_21 = arith.constant 0 : index
    %get3A_22 = vector.load %arg5[%get3A_20, %get3A_21] : memref<128x128xf32, #tpu.memory_space<vmem>>, vector<128x128xf32>
    %dot_general3A = arith.constant dense<0.000000e+00> : vector<512x128xf32>
    %dot_general3A_23 = tpu.matmul %get3A_1, %get3A_22, %dot_general3A {dimension_numbers = #tpu.dot_dimension_numbers<[1], [0], [0], [1], [0, 0, 1, 1], [], []>, transpose_lhs_hint = false} : vector<512x128xf32>, vector<128x128xf32>, vector<512x128xf32> -> vector<512x128xf32>
    %broadcast_in_dim3A = vector.shape_cast %div3A_19 : vector<512xf32> to vector<512x1xf32>
    %mul3A = vector.broadcast %broadcast_in_dim3A : vector<512x1xf32> to vector<512x128xf32>
    %mul3A_24 = arith.mulf %add3A, %mul3A : vector<512x128xf32>
    %get3A_25 = arith.constant 0 : index
    %get3A_26 = arith.constant 0 : index
    %get3A_27 = vector.load %arg6[%get3A_25, %get3A_26] : memref<128x128xf32, #tpu.memory_space<vmem>>, vector<128x128xf32>
    %dot_general3A_28 = arith.constant dense<0.000000e+00> : vector<512x128xf32>
    %dot_general3A_29 = tpu.matmul %mul3A_24, %get3A_27, %dot_general3A_28 {dimension_numbers = #tpu.dot_dimension_numbers<[1], [0], [0], [1], [0, 0, 1, 1], [], []>, transpose_lhs_hint = false} : vector<512x128xf32>, vector<128x128xf32>, vector<512x128xf32> -> vector<512x128xf32>
    %add3A_30 = arith.addf %dot_general3A_23, %dot_general3A_29 : vector<512x128xf32>
    %get3A_31 = arith.constant 0 : index
    %get3A_32 = arith.constant 0 : index
    %get3A_33 = vector.load %arg7[%get3A_31, %get3A_32] : memref<1x128xf32, #tpu.memory_space<vmem>>, vector<1x128xf32>
    %add3A_34 = vector.broadcast %get3A_33 : vector<1x128xf32> to vector<512x128xf32>
    %add3A_35 = arith.addf %add3A_30, %add3A_34 : vector<512x128xf32>
    %max3A_36 = arith.constant 0.000000e+00 : f32
    %max3A_37 = vector.broadcast %max3A_36 : f32 to vector<512x128xf32>
    %max3A_38 = arith.maximumf %add3A_35, %max3A_37 : vector<512x128xf32>
    %swap3A = arith.constant 0 : index
    %swap3A_39 = arith.constant 0 : index
    %swap3A_40 = arith.constant 0 : index
    %swap3A_41 = vector.load %arg8[%swap3A, %swap3A_39, %swap3A_40] : memref<1x512x128xf32, #tpu.memory_space<vmem>>, vector<1x512x128xf32>
    %swap3A_42 = vector.shape_cast %swap3A_41 : vector<1x512x128xf32> to vector<512x128xf32>
    %swap3A_43 = vector.shape_cast %max3A_38 : vector<512x128xf32> to vector<1x512x128xf32>
    tpu.vector_store %arg8[%swap3A, %swap3A_39, %swap3A_40], %swap3A_43 {strides = array<i32>} : memref<1x512x128xf32, #tpu.memory_space<vmem>>, vector<1x512x128xf32>,
    return
  }
  func.func @transform_0(%arg0: i32, %arg1: i32) -> (i32, i32) {
    %c0_i32 = arith.constant 0 : i32
    %c0_i32_0 = arith.constant 0 : i32
    return %arg0, %c0_i32 : i32, i32
  }
  func.func @transform_1(%arg0: i32, %arg1: i32) -> (i32, i32, i32) {
    %c0_i32 = arith.constant 0 : i32
    %c0_i32_0 = arith.constant 0 : i32
    %c0_i32_1 = arith.constant 0 : i32
    return %c0_i32, %arg0, %c0_i32_0 : i32, i32, i32
  }
  func.func @transform_2(%arg0: i32, %arg1: i32) -> (i32, i32) {
    %c0_i32 = arith.constant 0 : i32
    %c0_i32_0 = arith.constant 0 : i32
    return %c0_i32, %arg0 : i32, i32
  }
  func.func @transform_3(%arg0: i32, %arg1: i32) -> (i32, i32) {
    %c0_i32 = arith.constant 0 : i32
    %c0_i32_0 = arith.constant 0 : i32
    return %c0_i32, %arg1 : i32, i32
  }
  func.func @transform_4(%arg0: i32, %arg1: i32) -> (i32, i32) {
    %c0_i32 = arith.constant 0 : i32
    %c0_i32_0 = arith.constant 0 : i32
    return %c0_i32, %arg1 : i32, i32
  }
  func.func @transform_5(%arg0: i32, %arg1: i32) -> (i32, i32) {
    %c0_i32 = arith.constant 0 : i32
    %c0_i32_0 = arith.constant 0 : i32
    return %c0_i32, %arg1 : i32, i32
  }
  func.func @transform_6(%arg0: i32, %arg1: i32) -> (i32, i32, i32) {
    %c0_i32 = arith.constant 0 : i32
    %c0_i32_0 = arith.constant 0 : i32
    return %arg1, %arg0, %c0_i32 : i32, i32, i32
  }
}

module attributes {stable_mosaic.version = 14 : i64} {
  func.func @_tc2_body(%arg0: i32, %arg1: memref<2x512x128xf32, #tpu.memory_space<vmem>>, %arg2: memref<2x512x128xf32, #tpu.memory_space<vmem>>, %arg3: memref<32x512xf32, #tpu.memory_space<vmem>>, %arg4: memref<256x256xf32, #tpu.memory_space<vmem>>, %arg5: memref<256x256xf32, #tpu.memory_space<vmem>>, %arg6: memref<1x256xf32, #tpu.memory_space<vmem>>, %arg7: memref<256x128xf32, #tpu.memory_space<vmem>>, %arg8: memref<256x128xf32, #tpu.memory_space<vmem>>, %arg9: memref<1x128xf32, #tpu.memory_space<vmem>>, %arg10: memref<512x128xf32, #tpu.memory_space<vmem>>, %arg11: memref<512x128xf32, #tpu.memory_space<vmem>>) attributes {dimension_semantics = [#tpu.dimension_semantics<arbitrary>], iteration_bounds = array<i64: 20>, scalar_prefetch = 0 : i64, scratch_operands = 0 : i64, tpu.core_type = #tpu.core_type<tc>, window_params = [{transform_indices = @transform_0, window_bounds = array<i64: 2, 512, 128>}, {transform_indices = @transform_1, window_bounds = array<i64: 2, 512, 128>}, {transform_indices = @transform_2, window_bounds = array<i64: 32, 512>}, {pipeline_mode = #tpu.pipeline_mode<synchronous>, transform_indices = @transform_3, window_bounds = array<i64: 256, 256>}, {pipeline_mode = #tpu.pipeline_mode<synchronous>, transform_indices = @transform_4, window_bounds = array<i64: 256, 256>}, {pipeline_mode = #tpu.pipeline_mode<synchronous>, transform_indices = @transform_5, window_bounds = array<i64: 1, 256>}, {pipeline_mode = #tpu.pipeline_mode<synchronous>, transform_indices = @transform_6, window_bounds = array<i64: 256, 128>}, {pipeline_mode = #tpu.pipeline_mode<synchronous>, transform_indices = @transform_7, window_bounds = array<i64: 256, 128>}, {pipeline_mode = #tpu.pipeline_mode<synchronous>, transform_indices = @transform_8, window_bounds = array<i64: 1, 128>}, {transform_indices = @transform_9, window_bounds = array<i64: 512, 128>}, {transform_indices = @transform_10, window_bounds = array<i64: 512, 128>}]} {
    %get3A = arith.constant 0 : index
    %get3A_0 = arith.constant 0 : index
    %get3A_1 = arith.constant 0 : index
    %get3A_2 = vector.load %arg1[%get3A, %get3A_0, %get3A_1] : memref<2x512x128xf32, #tpu.memory_space<vmem>>, vector<1x512x128xf32>
    %get3A_3 = vector.shape_cast %get3A_2 : vector<1x512x128xf32> to vector<512x128xf32>
    %get3A_4 = arith.constant 1 : index
    %get3A_5 = arith.constant 0 : index
    %get3A_6 = arith.constant 0 : index
    %get3A_7 = vector.load %arg1[%get3A_4, %get3A_5, %get3A_6] : memref<2x512x128xf32, #tpu.memory_space<vmem>>, vector<1x512x128xf32>
    %get3A_8 = vector.shape_cast %get3A_7 : vector<1x512x128xf32> to vector<512x128xf32>
    %get3A_9 = arith.constant 0 : index
    %get3A_10 = arith.constant 0 : index
    %get3A_11 = arith.constant 0 : index
    %get3A_12 = vector.load %arg2[%get3A_9, %get3A_10, %get3A_11] : memref<2x512x128xf32, #tpu.memory_space<vmem>>, vector<1x512x128xf32>
    %get3A_13 = vector.shape_cast %get3A_12 : vector<1x512x128xf32> to vector<512x128xf32>
    %get3A_14 = arith.constant 1 : index
    %get3A_15 = arith.constant 0 : index
    %get3A_16 = arith.constant 0 : index
    %get3A_17 = vector.load %arg2[%get3A_14, %get3A_15, %get3A_16] : memref<2x512x128xf32, #tpu.memory_space<vmem>>, vector<1x512x128xf32>
    %get3A_18 = vector.shape_cast %get3A_17 : vector<1x512x128xf32> to vector<512x128xf32>
    %get3A_19 = arith.constant 0 : index
    %get3A_20 = arith.constant 0 : index
    %get3A_21 = vector.load %arg3[%get3A_19, %get3A_20] : memref<32x512xf32, #tpu.memory_space<vmem>>, vector<32x512xf32>
    %reduce_sum3A = arith.constant dense<0.000000e+00> : vector<512xf32>
    %reduce_sum3A_22 = vector.multi_reduction <add>, %get3A_21, %reduce_sum3A [0] : vector<32x512xf32> to vector<512xf32>
    %max3A = arith.constant 1.000000e+00 : f32
    %max3A_23 = vector.broadcast %max3A : f32 to vector<512xf32>
    %max3A_24 = arith.maximumf %reduce_sum3A_22, %max3A_23 : vector<512xf32>
    %div3A = arith.constant 1.000000e+00 : f32
    %div3A_25 = vector.broadcast %div3A : f32 to vector<512xf32>
    %div3A_26 = arith.divf %div3A_25, %max3A_24 : vector<512xf32>
    %broadcast_in_dim3A = vector.shape_cast %div3A_26 : vector<512xf32> to vector<512x1xf32>
    %get3A_27 = arith.constant 0 : index
    %get3A_28 = arith.constant 0 : index
    %get3A_29 = vector.load %arg4[%get3A_27, %get3A_28] : memref<256x256xf32, #tpu.memory_space<vmem>>, vector<128x256xf32>
    %dot_general3A = arith.constant dense<0.000000e+00> : vector<512x256xf32>
    %dot_general3A_30 = tpu.matmul %get3A_3, %get3A_29, %dot_general3A {dimension_numbers = #tpu.dot_dimension_numbers<[1], [0], [0], [1], [0, 0, 1, 1], [], []>, transpose_lhs_hint = false} : vector<512x128xf32>, vector<128x256xf32>, vector<512x256xf32> -> vector<512x256xf32>
    %get3A_31 = arith.constant 128 : index
    %get3A_32 = arith.constant 0 : index
    %get3A_33 = vector.load %arg4[%get3A_31, %get3A_32] : memref<256x256xf32, #tpu.memory_space<vmem>>, vector<128x256xf32>
    %dot_general3A_34 = arith.constant dense<0.000000e+00> : vector<512x256xf32>
    %dot_general3A_35 = tpu.matmul %get3A_8, %get3A_33, %dot_general3A_34 {dimension_numbers = #tpu.dot_dimension_numbers<[1], [0], [0], [1], [0, 0, 1, 1], [], []>, transpose_lhs_hint = false} : vector<512x128xf32>, vector<128x256xf32>, vector<512x256xf32> -> vector<512x256xf32>
    %add3A = arith.addf %dot_general3A_30, %dot_general3A_35 : vector<512x256xf32>
    %mul3A = vector.broadcast %broadcast_in_dim3A : vector<512x1xf32> to vector<512x128xf32>
    %mul3A_36 = arith.mulf %get3A_13, %mul3A : vector<512x128xf32>
    %get3A_37 = arith.constant 0 : index
    %get3A_38 = arith.constant 0 : index
    %get3A_39 = vector.load %arg5[%get3A_37, %get3A_38] : memref<256x256xf32, #tpu.memory_space<vmem>>, vector<128x256xf32>
    %dot_general3A_40 = arith.constant dense<0.000000e+00> : vector<512x256xf32>
    %dot_general3A_41 = tpu.matmul %mul3A_36, %get3A_39, %dot_general3A_40 {dimension_numbers = #tpu.dot_dimension_numbers<[1], [0], [0], [1], [0, 0, 1, 1], [], []>, transpose_lhs_hint = false} : vector<512x128xf32>, vector<128x256xf32>, vector<512x256xf32> -> vector<512x256xf32>
    %add3A_42 = arith.addf %add3A, %dot_general3A_41 : vector<512x256xf32>
    %mul3A_43 = vector.broadcast %broadcast_in_dim3A : vector<512x1xf32> to vector<512x128xf32>
    %mul3A_44 = arith.mulf %get3A_18, %mul3A_43 : vector<512x128xf32>
    %get3A_45 = arith.constant 128 : index
    %get3A_46 = arith.constant 0 : index
    %get3A_47 = vector.load %arg5[%get3A_45, %get3A_46] : memref<256x256xf32, #tpu.memory_space<vmem>>, vector<128x256xf32>
    %dot_general3A_48 = arith.constant dense<0.000000e+00> : vector<512x256xf32>
    %dot_general3A_49 = tpu.matmul %mul3A_44, %get3A_47, %dot_general3A_48 {dimension_numbers = #tpu.dot_dimension_numbers<[1], [0], [0], [1], [0, 0, 1, 1], [], []>, transpose_lhs_hint = false} : vector<512x128xf32>, vector<128x256xf32>, vector<512x256xf32> -> vector<512x256xf32>
    %add3A_50 = arith.addf %add3A_42, %dot_general3A_49 : vector<512x256xf32>
    %get3A_51 = arith.constant 0 : index
    %get3A_52 = arith.constant 0 : index
    %get3A_53 = vector.load %arg6[%get3A_51, %get3A_52] : memref<1x256xf32, #tpu.memory_space<vmem>>, vector<1x256xf32>
    %add3A_54 = vector.broadcast %get3A_53 : vector<1x256xf32> to vector<512x256xf32>
    %add3A_55 = arith.addf %add3A_50, %add3A_54 : vector<512x256xf32>
    %max3A_56 = arith.constant 0.000000e+00 : f32
    %max3A_57 = vector.broadcast %max3A_56 : f32 to vector<512x256xf32>
    %max3A_58 = arith.maximumf %add3A_55, %max3A_57 : vector<512x256xf32>
    %get3A_59 = arith.constant 0 : index
    %get3A_60 = arith.constant 0 : index
    %get3A_61 = vector.load %arg7[%get3A_59, %get3A_60] : memref<256x128xf32, #tpu.memory_space<vmem>>, vector<256x128xf32>
    %dot_general3A_62 = arith.constant dense<0.000000e+00> : vector<512x128xf32>
    %dot_general3A_63 = tpu.matmul %max3A_58, %get3A_61, %dot_general3A_62 {dimension_numbers = #tpu.dot_dimension_numbers<[1], [0], [0], [1], [0, 0, 1, 1], [], []>, transpose_lhs_hint = false} : vector<512x256xf32>, vector<256x128xf32>, vector<512x128xf32> -> vector<512x128xf32>
    %get3A_64 = arith.constant 0 : index
    %get3A_65 = arith.constant 0 : index
    %get3A_66 = vector.load %arg9[%get3A_64, %get3A_65] : memref<1x128xf32, #tpu.memory_space<vmem>>, vector<1x128xf32>
    %add3A_67 = vector.broadcast %get3A_66 : vector<1x128xf32> to vector<512x128xf32>
    %add3A_68 = arith.addf %dot_general3A_63, %add3A_67 : vector<512x128xf32>
    %swap3A = arith.constant 0 : index
    %swap3A_69 = arith.constant 0 : index
    %swap3A_70 = vector.load %arg10[%swap3A, %swap3A_69] : memref<512x128xf32, #tpu.memory_space<vmem>>, vector<512x128xf32>
    tpu.vector_store %arg10[%swap3A, %swap3A_69], %add3A_68 {strides = array<i32>} : memref<512x128xf32, #tpu.memory_space<vmem>>, vector<512x128xf32>,
    %get3A_71 = arith.constant 0 : index
    %get3A_72 = arith.constant 0 : index
    %get3A_73 = vector.load %arg8[%get3A_71, %get3A_72] : memref<256x128xf32, #tpu.memory_space<vmem>>, vector<256x128xf32>
    %dot_general3A_74 = arith.constant dense<0.000000e+00> : vector<512x128xf32>
    %dot_general3A_75 = tpu.matmul %max3A_58, %get3A_73, %dot_general3A_74 {dimension_numbers = #tpu.dot_dimension_numbers<[1], [0], [0], [1], [0, 0, 1, 1], [], []>, transpose_lhs_hint = false} : vector<512x256xf32>, vector<256x128xf32>, vector<512x128xf32> -> vector<512x128xf32>
    %swap3A_76 = arith.constant 0 : index
    %swap3A_77 = arith.constant 0 : index
    %swap3A_78 = vector.load %arg11[%swap3A_76, %swap3A_77] : memref<512x128xf32, #tpu.memory_space<vmem>>, vector<512x128xf32>
    tpu.vector_store %arg11[%swap3A_76, %swap3A_77], %dot_general3A_75 {strides = array<i32>} : memref<512x128xf32, #tpu.memory_space<vmem>>, vector<512x128xf32>,
    return
  }
  func.func @transform_0(%arg0: i32) -> (i32, i32, i32) {
    %c0_i32 = arith.constant 0 : i32
    %c0_i32_0 = arith.constant 0 : i32
    %c0_i32_1 = arith.constant 0 : i32
    return %c0_i32, %arg0, %c0_i32_0 : i32, i32, i32
  }
  func.func @transform_1(%arg0: i32) -> (i32, i32, i32) {
    %c0_i32 = arith.constant 0 : i32
    %c0_i32_0 = arith.constant 0 : i32
    %c0_i32_1 = arith.constant 0 : i32
    return %c0_i32, %arg0, %c0_i32_0 : i32, i32, i32
  }
  func.func @transform_2(%arg0: i32) -> (i32, i32) {
    %c0_i32 = arith.constant 0 : i32
    %c0_i32_0 = arith.constant 0 : i32
    return %c0_i32, %arg0 : i32, i32
  }
  func.func @transform_3(%arg0: i32) -> (i32, i32) {
    %c0_i32 = arith.constant 0 : i32
    %c0_i32_0 = arith.constant 0 : i32
    %c0_i32_1 = arith.constant 0 : i32
    return %c0_i32, %c0_i32_0 : i32, i32
  }
  func.func @transform_4(%arg0: i32) -> (i32, i32) {
    %c0_i32 = arith.constant 0 : i32
    %c0_i32_0 = arith.constant 0 : i32
    %c0_i32_1 = arith.constant 0 : i32
    return %c0_i32, %c0_i32_0 : i32, i32
  }
  func.func @transform_5(%arg0: i32) -> (i32, i32) {
    %c0_i32 = arith.constant 0 : i32
    %c0_i32_0 = arith.constant 0 : i32
    %c0_i32_1 = arith.constant 0 : i32
    return %c0_i32, %c0_i32_0 : i32, i32
  }
  func.func @transform_6(%arg0: i32) -> (i32, i32) {
    %c0_i32 = arith.constant 0 : i32
    %c0_i32_0 = arith.constant 0 : i32
    %c0_i32_1 = arith.constant 0 : i32
    return %c0_i32, %c0_i32_0 : i32, i32
  }
  func.func @transform_7(%arg0: i32) -> (i32, i32) {
    %c0_i32 = arith.constant 0 : i32
    %c0_i32_0 = arith.constant 0 : i32
    %c0_i32_1 = arith.constant 0 : i32
    return %c0_i32, %c0_i32_0 : i32, i32
  }
  func.func @transform_8(%arg0: i32) -> (i32, i32) {
    %c0_i32 = arith.constant 0 : i32
    %c0_i32_0 = arith.constant 0 : i32
    %c0_i32_1 = arith.constant 0 : i32
    return %c0_i32, %c0_i32_0 : i32, i32
  }
  func.func @transform_9(%arg0: i32) -> (i32, i32) {
    %c0_i32 = arith.constant 0 : i32
    %c0_i32_0 = arith.constant 0 : i32
    return %arg0, %c0_i32 : i32, i32
  }
  func.func @transform_10(%arg0: i32) -> (i32, i32) {
    %c0_i32 = arith.constant 0 : i32
    %c0_i32_0 = arith.constant 0 : i32
    return %arg0, %c0_i32 : i32, i32
  }
}

module attributes {stable_mosaic.version = 14 : i64} {
  func.func @_tc3_body(%arg0: i32, %arg1: memref<512x128xf32, #tpu.memory_space<vmem>>, %arg2: memref<2x512x128xf32, #tpu.memory_space<vmem>>, %arg3: memref<32x512xf32, #tpu.memory_space<vmem>>, %arg4: memref<512x128xf32, #tpu.memory_space<vmem>>) attributes {dimension_semantics = [#tpu.dimension_semantics<arbitrary>], iteration_bounds = array<i64: 20>, scalar_prefetch = 0 : i64, scratch_operands = 0 : i64, tpu.core_type = #tpu.core_type<tc>, window_params = [{transform_indices = @transform_0, window_bounds = array<i64: 512, 128>}, {transform_indices = @transform_1, window_bounds = array<i64: 2, 512, 128>}, {transform_indices = @transform_2, window_bounds = array<i64: 32, 512>}, {transform_indices = @transform_3, window_bounds = array<i64: 512, 128>}]} {
    %get3A = arith.constant 0 : index
    %get3A_0 = arith.constant 0 : index
    %get3A_1 = vector.load %arg3[%get3A, %get3A_0] : memref<32x512xf32, #tpu.memory_space<vmem>>, vector<32x512xf32>
    %reduce_sum3A = arith.constant dense<0.000000e+00> : vector<512xf32>
    %reduce_sum3A_2 = vector.multi_reduction <add>, %get3A_1, %reduce_sum3A [0] : vector<32x512xf32> to vector<512xf32>
    %max3A = arith.constant 1.000000e+00 : f32
    %max3A_3 = vector.broadcast %max3A : f32 to vector<512xf32>
    %max3A_4 = arith.maximumf %reduce_sum3A_2, %max3A_3 : vector<512xf32>
    %div3A = arith.constant 1.000000e+00 : f32
    %div3A_5 = vector.broadcast %div3A : f32 to vector<512xf32>
    %div3A_6 = arith.divf %div3A_5, %max3A_4 : vector<512xf32>
    %broadcast_in_dim3A = vector.shape_cast %div3A_6 : vector<512xf32> to vector<512x1xf32>
    %get3A_7 = arith.constant 0 : index
    %get3A_8 = arith.constant 0 : index
    %get3A_9 = vector.load %arg1[%get3A_7, %get3A_8] : memref<512x128xf32, #tpu.memory_space<vmem>>, vector<512x128xf32>
    %get3A_10 = arith.constant 0 : index
    %get3A_11 = arith.constant 0 : index
    %get3A_12 = arith.constant 0 : index
    %get3A_13 = vector.load %arg2[%get3A_10, %get3A_11, %get3A_12] : memref<2x512x128xf32, #tpu.memory_space<vmem>>, vector<1x512x128xf32>
    %get3A_14 = vector.shape_cast %get3A_13 : vector<1x512x128xf32> to vector<512x128xf32>
    %get3A_15 = arith.constant 1 : index
    %get3A_16 = arith.constant 0 : index
    %get3A_17 = arith.constant 0 : index
    %get3A_18 = vector.load %arg2[%get3A_15, %get3A_16, %get3A_17] : memref<2x512x128xf32, #tpu.memory_space<vmem>>, vector<1x512x128xf32>
    %get3A_19 = vector.shape_cast %get3A_18 : vector<1x512x128xf32> to vector<512x128xf32>
    %add3A = arith.addf %get3A_14, %get3A_19 : vector<512x128xf32>
    %mul3A = vector.broadcast %broadcast_in_dim3A : vector<512x1xf32> to vector<512x128xf32>
    %mul3A_20 = arith.mulf %add3A, %mul3A : vector<512x128xf32>
    %add3A_21 = arith.addf %get3A_9, %mul3A_20 : vector<512x128xf32>
    %swap3A = arith.constant 0 : index
    %swap3A_22 = arith.constant 0 : index
    %swap3A_23 = vector.load %arg4[%swap3A, %swap3A_22] : memref<512x128xf32, #tpu.memory_space<vmem>>, vector<512x128xf32>
    tpu.vector_store %arg4[%swap3A, %swap3A_22], %add3A_21 {strides = array<i32>} : memref<512x128xf32, #tpu.memory_space<vmem>>, vector<512x128xf32>,
    return
  }
  func.func @transform_0(%arg0: i32) -> (i32, i32) {
    %c0_i32 = arith.constant 0 : i32
    %c0_i32_0 = arith.constant 0 : i32
    return %arg0, %c0_i32 : i32, i32
  }
  func.func @transform_1(%arg0: i32) -> (i32, i32, i32) {
    %c0_i32 = arith.constant 0 : i32
    %c0_i32_0 = arith.constant 0 : i32
    %c0_i32_1 = arith.constant 0 : i32
    return %c0_i32, %arg0, %c0_i32_0 : i32, i32, i32
  }
  func.func @transform_2(%arg0: i32) -> (i32, i32) {
    %c0_i32 = arith.constant 0 : i32
    %c0_i32_0 = arith.constant 0 : i32
    return %c0_i32, %arg0 : i32, i32
  }
  func.func @transform_3(%arg0: i32) -> (i32, i32) {
    %c0_i32 = arith.constant 0 : i32
    %c0_i32_0 = arith.constant 0 : i32
    return %arg0, %c0_i32 : i32, i32
  }
}

</mosaic_0001>

<sc_bundles>
// kernel: sage_sc_agg_160_0.3.cloned.1.call-start
scs
__scs_entry_jumppad:
0x0: {  	(pc) =	sbr.rel $0x88, $3  }
0x1: {  	(tag) =	ssettag $0x0;
	lr =	simm.s32 $0x1  }
0x2: {  	[smem:$0x3F96] =	sst lr;
	_ =	strace $0xD0000000  }
0x3: {  	_ = 	snop  }
0x4: {  	_ = 	snop  }
0x5: {  	_ = 	snop  }
0x6: {  	_ = 	snop  }
0x7: {  	_ = 	snop  }
__scs_overlays_trampoline_lowered:
0x8: {  	[smem:$0x3FA5] =	sst s0  }
0x9: {  	[smem:$0x3FA6] =	sst s1  }
0xa: {  	[smem:$0x3FA7] =	sst s2  }
0xb: {  	[smem:$0x3FA8] =	sst s3  }
0xc: {  	[smem:$0x3FA9] =	sst s4  }
0xd: {  	[smem:$0x3FAA] =	sst s5  }
0xe: {  	[smem:$0x3FAB] =	sst s6  }
0xf: {  	[smem:$0x3FAC] =	sst s7  }
0x10: {  	[smem:$0x3FAD] =	sst s8  }
0x11: {  	[smem:$0x3FAE] =	sst s9;
	s0 =	simm.s32 @!p0 $0x0  }
0x12: {  	s1 =	sld [smem:$0x3F94];
	s0 =	simm.s32 @p0 $0x1  }
0x13: {  	[smem:$0x3FAF] =	sst s0;
	s0 =	simm.s32 @!p1 $0x0  }
0x14: {  	s2 =	sld [smem:$0x3F93];
	s0 =	simm.s32 @p1 $0x1  }
0x15: {  	[smem:$0x3FB0] =	sst s0;
	s0 =	simm.s32 @!p2 $0x0  }
0x16: {  	s3 =	sld [smem:$0x3FDB];
	s0 =	simm.s32 @p2 $0x1  }
0x17: {  	s4 =	simm.s32 $0x1BF5;
	[smem:$0x3FB2] =	sst s0  }
0x18: {  	s0 =	sld [smem:$0x3F95];
	_ =	swait.ge [sflag:s4], $0x0  }
0x19: {  	s7 =	sld [smem:$0x3F96]  }
0x1a: {  	s8 =	sadd.s32 $0xFFFFE003, lr  }
0x1b: {  	s9 =	sadd.s32 $0xFFFFFEF7, lr;
	s5 =	simm.s32 $0xFFFFFFFF;
	p2 =	slt.u32 s8, $0xFFFFF086  }
0x1c: {  	p1 =	slt.u32 s9, $0xF7A;
	s5 =	simm.s32 @!p2 $0x0  }
0x1d: {  	s5 =	simm.s32 @p1 $0x1;
	p0 =	seq.s32 s7, s2  }
0x1e: {  	s7 =	smul.u32 @!p0 $0xF7A, s2;
	p2 =	seq.s32 @!p0 s5, $0x0  }
0x1f: {  	s9 =	smul.u32 $0xF7A, s1;
	s8 =	simm.s32 @!p0 $0x1BF5;
	p2 =	por !p2, p0  }
0x20: {  	[sflag:s8] =	ssyncset.s32 @!p0 $0xFFFFF086;
	s6 =	sadd.s32 @!p0 s3, s7;
	s7 =	simm.s32 @!p0 $0x108  }
0x21: {  	s3 =	sadd.s32 s3, s9;
	s6 =	sadd.s32 @!p0 $0x88, s6;
	s7 =	simm.s32 @p2 $0x1082  }
0x22: {  	[simem:s7], [sflag:s8] =	dma.local @!p0 [hbm:s6], $0xF7A  }
0x23: {  	s9 =	sor.u32 $0xD0000000, s2;
	s6 =	simm.s32 $0x108;
	_ =	swait.ge @!p0 [sflag:s8], $0x0  }
0x24: {  	s3 =	sadd.s32 $0x88, s3;
	s6 =	simm.s32 @!p1 $0x1082;
	[sflag:s4] =	ssyncset.s32 $0xFFFFF086  }
0x25: {  	[simem:s6], [sflag:s4] =	dma.local [hbm:s3], $0xF7A  }
0x26: {  	[smem:$0x3F96] =	sst s1;
	(tag) =	ssettag s2;
	_ =	strace s9  }
0x27: {  	s1 =	sld [smem:$0x3FA6]  }
0x28: {  	s2 =	sld [smem:$0x3FA7]  }
0x29: {  	s4 =	sld [smem:$0x3FA9]  }
0x2a: {  	p0 =	seq.s32 s5, $0x0;
	s5 =	sld [smem:$0x3FAA]  }
0x2b: {  	s6 =	sld [smem:$0x3FAB]  }
0x2c: {  	s7 =	sld [smem:$0x3FAC]  }
0x2d: {  	s3 =	simm.s32 $0x108;
	s8 =	sld [smem:$0x3FAD]  }
0x2e: {  	s3 =	simm.s32 @!p0 $0x1082;
	s9 =	sld [smem:$0x3FAE]  }
0x2f: {  	lr =	sadd.s32 s0, s3;
	s0 =	sld [smem:$0x3FA5]  }
0x30: {  	s3 =	sld [smem:$0x3FA8]  }
0x31: {  	[smem:$0x3FB1] =	sst s10  }
0x32: {  	s10 =	sld [smem:$0x3FAF];
	_ =	sdelay $0x3  }
0x33: {  	p0 =	seq.s32 s10, $0x1;
	s10 =	sld [smem:$0x3FB1];
	_ =	sdelay $0x3  }
0x34: {  	[smem:$0x3FB1] =	sst s10  }
0x35: {  	s10 =	sld [smem:$0x3FB0];
	_ =	sdelay $0x3  }
0x36: {  	p1 =	seq.s32 s10, $0x1;
	s10 =	sld [smem:$0x3FB1];
	_ =	sdelay $0x3  }
0x37: {  	[smem:$0x3FB1] =	sst s10  }
0x38: {  	s10 =	sld [smem:$0x3FB2]  }
0x39: {  	_ = 	snop;
	(pc) =	sbr.ind lr, $3  }
0x3a: {  	_ = 	snop  }
0x3b: {  	_ = 	snop  }
0x3c: {  	p2 =	seq.s32 s10, $0x1;
	s10 =	sld [smem:$0x3FB1]  }
0x3d: {  	_ =	shalt  }
0x3e: {  	_ =	shalt  }
0x3f: {  	_ =	shalt  }
0x40: {  	_ =	shalt  }
0x41: {  	_ =	shalt  }
0x42: {  	_ =	shalt  }
0x43: {  	_ =	shalt  }
0x44: {  	_ =	shalt  }
0x45: {  	_ =	shalt  }
0x46: {  	_ =	shalt  }
0x47: {  	_ =	shalt  }
0x48: {  	_ =	shalt  }
0x49: {  	_ =	shalt  }
0x4a: {  	_ =	shalt  }
0x4b: {  	_ =	shalt  }
0x4c: {  	_ =	shalt  }
0x4d: {  	_ =	shalt  }
0x4e: {  	_ =	shalt  }
0x4f: {  	_ =	shalt  }
0x50: {  	_ =	shalt  }
0x51: {  	_ =	shalt  }
0x52: {  	_ =	shalt  }
0x53: {  	_ =	shalt  }
0x54: {  	_ =	shalt  }
0x55: {  	_ =	shalt  }
0x56: {  	_ =	shalt  }
0x57: {  	_ =	shalt  }
0x58: {  	_ =	shalt  }
0x59: {  	_ =	shalt  }
0x5a: {  	_ =	shalt  }
0x5b: {  	_ =	shalt  }
0x5c: {  	_ =	shalt  }
0x5d: {  	_ =	shalt  }
0x5e: {  	_ =	shalt  }
0x5f: {  	_ =	shalt  }
0x60: {  	_ =	shalt  }
0x61: {  	_ =	shalt  }
0x62: {  	_ =	shalt  }
0x63: {  	_ =	shalt  }
0x64: {  	_ =	shalt  }
0x65: {  	_ =	shalt  }
0x66: {  	_ =	shalt  }
0x67: {  	_ =	shalt  }
0x68: {  	_ =	shalt  }
0x69: {  	_ =	shalt  }
0x6a: {  	_ =	shalt  }
0x6b: {  	_ =	shalt  }
0x6c: {  	_ =	shalt  }
0x6d: {  	_ =	shalt  }
0x6e: {  	_ =	shalt  }
0x6f: {  	_ =	shalt  }
0x70: {  	_ =	shalt  }
0x71: {  	_ =	shalt  }
0x72: {  	_ =	shalt  }
0x73: {  	_ =	shalt  }
0x74: {  	_ =	shalt  }
0x75: {  	_ =	shalt  }
0x76: {  	_ =	shalt  }
0x77: {  	_ =	shalt  }
0x78: {  	_ =	shalt  }
0x79: {  	_ =	shalt  }
0x7a: {  	_ =	shalt  }
0x7b: {  	_ =	shalt  }
0x7c: {  	_ =	shalt  }
0x7d: {  	_ =	shalt  }
0x7e: {  	_ =	shalt  }
0x7f: {  	_ =	shalt  }
0x80: {  	_ =	shalt  }
0x81: {  	_ =	shalt  }
0x82: {  	_ =	shalt  }
0x83: {  	_ =	shalt  }
0x84: {  	_ =	shalt  }
0x85: {  	_ =	shalt  }
0x86: {  	_ =	shalt  }
0x87: {  	_ =	shalt  }
.Lfunc_end0:
.L_simem_size_0:
called_computation.2_lowered:
.L_overlay_start_0:
0x88: {  	s2 =	sld [smem:$0x3FD9]  }
0x89: {  	s3 =	sld [smem:$0x3FFE];
	_ =	sdelay $0x1  }
0x8a: {  	s1 =	srdreg.scid  }
0x8b: {  	s0 =	sand.u32 $0x1, s1  }
0x8c: {  	s17 =	sshll.u32 s0, $0xA;
	s2 =	sadd.s32 s3, s2  }
0x8d: {  	s2 =	sadd.s32 s2, s17  }
0x8e: {  	[smem:$0x3FBD] =	sst s2  }
0x8f: {  	_ = 	snop  }
0x90: {  	s2 =	sld [smem:$0x3FD0];
	(tm) =	ssettm $0x1  }
0x91: {  	s18 =	sld [smem:$0x3FFB];
	_ =	sdelay $0x3  }
0x92: {  	_ =	strace s18  }
0x93: {  	s3 =	sld [smem:$0x3FFC];
	_ =	sdelay $0x3  }
0x94: {  	_ =	strace s3  }
0x95: {  	s3 =	sld [smem:$0x3FFD];
	_ =	sdelay $0x3  }
0x96: {  	_ =	strace s3  }
0x97: {  	_ =	strace $0x8FFFFFFF  }
0x98: {  	s19 =	sld [smem:$0x3FDB];
	_ =	sdelay $0x1  }
0x99: {  	s4 =	simm.s32 $_scs_section_size  }
0x9a: {  	s5 =	simm.s32 $_size__tile_overlayer_lowered;
	s6 =	simm.s32 $_tile_overlayer_lowered  }
0x9b: {  	s22 =	simm.s32 $0x1BFF;
	s21 =	sshll.u32 s6, $0x1;
	s3 =	sadd.s32 s4, s19  }
0x9c: {  	s7 =	simm.s32 $0x0;
	s20 =	sshll.u32 s5, $0x1;
	s5 =	sadd.s32 s21, s3  }
0x9d: {  	[timem:s7], [sflag:s22] =	dma.local [hbm:s5], s20  }
0x9e: {  	_ =	swait.ge [sflag:s22], s20  }
0x9f: {  	s4 =	ssub.s32 $0x0, s20;
	[sflag:s22] =	ssyncset.done $0x0  }
0xa0: {  	[sflag:s22] =	ssyncadd.s32 s4;
	_ =	sdelay $0x1  }
0xa1: {  	s23 =	simm.s32 $0x1B8B  }
0xa2: {  	_ =	swait.ge [sflag:s23], $0x1  }
0xa3: {  	[sflag:s23] =	ssyncset.done $0x0  }
0xa4: {  	s25 =	simm.s32 $0x1B8E;
	s24 =	sld [smem:$0x3FFE];
	[sflag:s23] =	ssyncadd.s32 $0xFFFFFFFF  }
0xa5: {  	s26 =	simm.s32 $execute0_lowered;
	[smem:$0x3FD2] =	sst s25  }
0xa6: {  	s5 =	sshll.u32 s26, $0x1;
	_ =	strace $0x8000004C;
	[dreg:$0x1] =	wrdreg $0xFFFFFFFF  }
0xa7: {  	s28 =	simm.s32 $_size_execute0_lowered;
	s3 =	sadd.s32 s3, s5;
	[dreg:$0x0] =	wrdreg $0x0  }
0xa8: {  	s5 =	sshll.u32 s28, $0x1;
	[dreg:$0x2] =	wrdreg s3  }
0xa9: {  	[dreg:$0x3] =	wrdreg s5  }
0xaa: {  	[dreg:$0x4] =	wrdreg $0xC0  }
0xab: {  	_ =	task [dreg:s7], $0x5FFFF  }
0xac: {  	[dreg:$0x1] =	wrdreg $0xFFFFFFFF  }
0xad: {  	[dreg:$0x0] =	wrdreg $0x60  }
0xae: {  	[dreg:$0x2] =	wrdreg s24  }
0xaf: {  	[dreg:$0x3] =	wrdreg s2  }
0xb0: {  	[dreg:$0x4] =	wrdreg $0x90000  }
0xb1: {  	[dreg:$0x5] =	wrdreg $0x9  }
0xb2: {  	_ =	task.clear_ibuf [dreg:s7], $0x6FFFF;
	_ =	strace $0x9000004C  }
0xb3: {  	s29 =	simm.s32 $0x9;
	_ =	strace $0x8000004E  }
0xb4: {  	_ =	swait.ge [sflag:s29], $0x1  }
0xb5: {  	[sflag:s29] =	ssyncadd.s32 $0xFFFFFFFF  }
0xb6: {  	_ =	strace $0x9000004E  }
0xb7: {  	_ =	sfence  }
0xb8: {  	s30 =	sld [smem:$0x0];
	_ =	sdelay $0x2  }
0xb9: {  	s31 =	sshll.u32 s1, $0xD;
	s1 =	sshrl.u32 s1, $0x2  }
0xba: {  	s3 =	sand.u32 $0x4000, s31;
	s1 =	sadd.s32 s1, s30  }
0xbb: {  	s0 =	sor.u32 s3, s0;
	s1 =	sshll.u32 s1, $0x11  }
0xbc: {  	s0 =	sor.u32 s1, s0  }
0xbd: {  	s0 =	sadd.s32 $0x8F2B, s0  }
0xbe: {  	[sflag:s0] =	ssyncadd.remote.s32 $0x1  }
0xbf: {  	_ =	sfence.sel $0xFFFF  }
0xc0: {  	[dreg:$0x0] =	wrdreg $0xFFFFFFFF;
	(pc) =	sbr.abs _section_cstart, $3  }
0xc1: {  	[dreg:$0x1] =	wrdreg $0xFFFFFFFF  }
0xc2: {  	_ =	task.clear_ibuf [dreg:s7], $0x2FFFF;
	_ =	strace $0x9FFFFFFF  }
0xc3: {  	(tm) =	ssettm $0x7FFFFFFF  }
tec
execute0_lowered:
.L_overlay_start_1:
0x0: {  	(tag) =	ssettag $0x1  }
0x1: {  	s0 =	rddreg [dreg:$0x0]  }
0x2: {  	s1 =	rddreg [dreg:$0x1]  }
0x3: {  	s2 =	rddreg [dreg:$0x2]  }
0x4: {  	s3 =	simm.s32 $0x0;
	s13 =	stileid.u32;
	s4 =	srdreg.scid  }
0x5: {  	s29 =	simm.s32 $0x7000;
	s30 =	simm.s32 $0x5;
	s31 =	simm.s32 $0x7  }
0x6: {  	s16 =	simm.s32 $0x4;
	s17 =	simm.s32 $0x2;
	s5 =	smul.u32 $0x14000, s13  }
0x7: {  	s28 =	simm.s32 $0xB80;
	[smem:$0x7FF] =	sst s3;
	s10 =	smul.u32 $0x50000, s13  }
0x8: {  	s6 =	sand.u32 $0x1, s4;
	s4 =	sadd.s32 $0x17A00, s0;
	s12 =	smul.u32 $0x5000, s13  }
0x9: {  	s9 =	sadd.s32 $0x3A00, s0;
	s21 =	sshll.u32 s13, $0x6;
	s8 =	smul.u32 $0x140000, s6  }
0xa: {  	_ =	strace $0x8000004D;
	s18 =	ssub.s32 $0x2, s6;
	s6 =	smul.u32 $0x50000, s6  }
0xb: {  	s15 =	sor.u32 $0x1C0B, s21;
	s21 =	simm.s32 $0xA;
	s7 =	sshrl.u32 s5, $0x3  }
0xc: {  	s11 =	sshrl.u32 s18, $0x1;
	s20 =	sshrl.u32 s10, $0x2;
	s10 =	simm.s32 $0x9  }
0xd: {  	[dreg:$0x5] =	wrdreg s15;
	s7 =	sadd.s32 s7, s0;
	s5 =	sadd.s32 s5, s8  }
0xe: {  	s19 =	ssub.s32 s18, s11;
	s8 =	sadd.s32 s20, s2;
	s6 =	sadd.s32 s12, s6  }
0xf: {  	s18 =	simm.s32 $0x1;
	s20 =	simm.s32 $0x1000;
	s5 =	sshrl.u32 s5, $0x3  }
0x10: {  	s7 =	sadd.s32 $0x3FA00, s7;
	s22 =	sshrl.u32 s6, $0x3;
	s24 =	sor.u32 $0x800, s6  }
0x11: {  	s6 =	sor.u32 $0x400, s6;
	s0 =	sadd.s32 s5, s0;
	[dreg:$0x4] =	wrdreg s7  }
0x12: {  	s23 =	sadd.s32 s1, s22;
	s7 =	sadd.s32 s9, s22;
	s25 =	sshrl.u32 s24, $0x3  }
0x13: {  	s5 =	smax.u32 s19, $0x1;
	s26 =	sshrl.u32 s6, $0x3;
	s24 =	simm.s32 $0xB  }
0x14: {  	s19 =	simm.s32 $0x40;
	s22 =	simm.s32 $0x3000;
	[dreg:$0x6] =	wrdreg s23  }
0x15: {  	s6 =	simm.s32 $0x0;
	[dreg:$0x7] =	wrdreg s7;
	s0 =	sadd.s32 $0x67A00, s0  }
0x16: {  	[dreg:$0x9] =	wrdreg s5;
	s11 =	sadd.s32 s25, s9;
	s12 =	sadd.s32 s25, s1  }
.Ltmp0:
0x17: {  	s13 =	sadd.s32 s26, s9;
	s14 =	sadd.s32 s26, s1;
	(pc) =	sbr.rel .LBB2_1-.Ltmp0, $4  }
0x18: {  	s9 =	sshrl.u32 s8, $0x3;
	s23 =	simm.s32 $0x3;
	s25 =	simm.s32 $0x800  }
0x19: {  	s26 =	simm.s32 $0xC00;
	s1 =	simm.s32 $0x5000;
	[dreg:$0xb] =	wrdreg s6  }
0x1a: {  	s5 =	simm.s32 $0x6;
	s7 =	simm.s32 $0x8;
	[dreg:$0x8] =	wrdreg s0  }
0x1b: {  	s8 =	simm.s32 $0xF80;
	s0 =	simm.s32 $0xF00;
	[dreg:$0xa] =	wrdreg s9  }
.LBB2_4:
0x1c: {  	_ =	swait.ge [sflag:s5], $0x2000  }
0x1d: {  	[sflag:s5] =	ssyncset.done $0x0  }
0x1e: {  	[sflag:s5] =	ssyncadd.s32 $0xFFFFE000  }
0x1f: {  	_ =	swait.ge [sflag:s7], $0x2000  }
0x20: {  	[sflag:s7] =	ssyncset.done $0x0  }
0x21: {  	[sflag:s7] =	ssyncadd.s32 $0xFFFFE000  }
0x22: {  	[spmem:s2] =	stream.indirect.scatter.add.f32 [tilespmem:s29], [sflag:$0xA], $0x80, s8, s19, $0xb8;
	[tilespmem:$0x1D000] =	vst v63  }
0x23: {  	_ =	swait.ge [sflag:s10], $0x2000  }
0x24: {  	[sflag:s10] =	ssyncset.done $0x0  }
0x25: {  	[sflag:s10] =	ssyncadd.s32 $0xFFFFE000  }
0x26: {  	_ =	swait.ge [sflag:s21], $0x2000  }
0x27: {  	[sflag:s21] =	ssyncset.done $0x0  }
0x28: {  	[sflag:s21] =	ssyncadd.s32 $0xFFFFE000  }
0x29: {  	[bflag:$0x0] =	sbarrier.arrive $0xFFFF  }
0x2a: {  	s28 =	rddreg [dreg:$0x5]  }
0x2b: {  	s6 =	rddreg [dreg:$0x8]  }
0x2c: {  	s24 =	simm.s32 $0xB;
	s9 =	rddreg [dreg:$0xa]  }
0x2d: {  	[hbm:s6], [sflag:s28] =	dma.local [spmem:s9], $0x2800  }
0x2e: {  	_ =	swait.ge [sflag:s24], $0x2800  }
0x2f: {  	s15 =	rddreg [dreg:$0xb]  }
0x30: {  	s6 =	rddreg [dreg:$0x9];
	s15 =	sadd.s32 $0x1, s15  }
0x31: {  	p0 =	sne.s32 s15, s6  }
.Ltmp1:
0x32: {  	_ = 	snop;
	(pc) =	sbr.rel @!p0 .LBB2_5-.Ltmp1, $4  }
0x33: {  	_ = 	snop  }
0x34: {  	[sflag:s24] =	ssyncset.done $0x0  }
0x35: {  	[sflag:s24] =	ssyncadd.s32 $0xFFFFD800  }
0x36: {  	[dreg:$0xb] =	wrdreg s15;
	s15 =	smov.u32 s28;
	s28 =	simm.s32 $0xB80  }
.LBB2_1:
0x37: {  	s6 =	rddreg [dreg:$0x4]  }
0x38: {  	[spmem:s9], [sflag:s15] =	dma.local [hbm:s6], $0x2800  }
0x39: {  	_ =	swait.ge [sflag:s24], $0x2800  }
0x3a: {  	[sflag:s24] =	ssyncset.done $0x0  }
0x3b: {  	[sflag:s24] =	ssyncadd.s32 $0xFFFFD800  }
0x3c: {  	[bflag:$0x0] =	sbarrier.arrive $0xFFFF  }
0x3d: {  	s24 =	rddreg [dreg:$0x6]  }
0x3e: {  	[tilespmem:s3], [sflag:$0x1] =	stream.linear.gather [hbm4b:s24+s3], $0x400, $0x38;
	[tilespmem:$0x1D000] =	vst v63  }
0x3f: {  	s15 =	simm.s32 $0x400;
	s9 =	rddreg [dreg:$0x7]  }
0x40: {  	[tilespmem:s15], [sflag:$0x1] =	stream.linear.gather [hbm4b:s9+s3], $0x400, $0x38;
	[tilespmem:$0x1D000] =	vst v63  }
0x41: {  	_ =	swait.ge [sflag:s18], $0x400  }
0x42: {  	[sflag:s18] =	ssyncset.done $0x0  }
0x43: {  	[sflag:s18] =	ssyncadd.s32 $0xFFFFFC00  }
0x44: {  	_ =	swait.ge [sflag:s18], $0x400  }
0x45: {  	[sflag:s18] =	ssyncset.done $0x0  }
0x46: {  	[sflag:s18] =	ssyncadd.s32 $0xFFFFFC00  }
0x47: {  	[tilespmem:s20], [sflag:$0x3] =	stream.indirect.gather [hbm4b:s4+s19], $0x80, s3, s19, $0xb8;
	[tilespmem:$0x1D000] =	vst v63  }
0x48: {  	s24 =	simm.s32 $0x80;
	s9 =	simm.s32 $0x0  }
0x49: {  	[tilespmem:s22], [sflag:$0x4] =	stream.indirect.gather [hbm4b:s4+s19], $0x80, s24, s19, $0xb8;
	[tilespmem:$0x1D000] =	vst v63  }
.LBB2_2:
0x4a: {  	_ =	swait.ge [sflag:s23], $0x2000;
	p0 =	seq.s32 s9, $0x0  }
0x4b: {  	[sflag:s23] =	ssyncset.done $0x0;
	s6 =	simm.s32 @p0 $0x40  }
0x4c: {  	s15 =	simm.s32 @p0 $0x400;
	s24 =	simm.s32 @p0 $0x1000;
	[sflag:s23] =	ssyncadd.s32 $0xFFFFE000  }
0x4d: {  	[spmem:s2] =	stream.indirect.scatter.add.f32 @p0 [tilespmem:s24], [sflag:$0x7], $0x80, s15, s6, $0xb8;
	[tilespmem:$0x1D000] =	vst v63  }
0x4e: {  	s15 =	simm.s32 @p0 $0x100;
	s24 =	simm.s32 @p0 $0x5000  }
0x4f: {  	[tilespmem:s24], [sflag:$0x5] =	stream.indirect.gather @p0 [hbm4b:s4+s6], $0x80, s15, s6, $0xb8;
	[tilespmem:$0x1D000] =	vst v63  }
0x50: {  	s6 =	simm.s32 @!p0 $0x9  }
0x51: {  	_ =	swait.ge @!p0 [sflag:s6], $0x2000  }
0x52: {  	s15 =	simm.s32 @!p0 $0x400;
	[sflag:s6] =	ssyncset.done @!p0 $0x0  }
0x53: {  	s24 =	simm.s32 @!p0 $0x1000;
	[sflag:s6] =	ssyncadd.s32 @!p0 $0xFFFFE000;
	s6 =	simm.s32 @!p0 $0x40  }
0x54: {  	[spmem:s2] =	stream.indirect.scatter.add.f32 @!p0 [tilespmem:s24], [sflag:$0x7], $0x80, s15, s6, $0xb8;
	[tilespmem:$0x1D000] =	vst v63  }
0x55: {  	s15 =	simm.s32 @!p0 $0x100;
	s24 =	simm.s32 @!p0 $0x5000  }
0x56: {  	[tilespmem:s24], [sflag:$0x5] =	stream.indirect.gather @!p0 [hbm4b:s4+s6], $0x80, s15, s6, $0xb8;
	[tilespmem:$0x1D000] =	vst v63  }
0x57: {  	s6 =	simm.s32 @!p0 $0x4  }
0x58: {  	_ =	swait.ge @!p0 [sflag:s6], $0x2000  }
0x59: {  	s15 =	simm.s32 @!p0 $0xA;
	[sflag:s6] =	ssyncset.done @!p0 $0x0  }
0x5a: {  	s15 =	simm.s32 @p0 $0x4;
	[sflag:s6] =	ssyncadd.s32 @!p0 $0xFFFFE000  }
0x5b: {  	_ =	swait.ge [sflag:s15], $0x2000  }
0x5c: {  	[sflag:s15] =	ssyncset.done $0x0  }
0x5d: {  	s24 =	simm.s32 $0x480;
	[sflag:s15] =	ssyncadd.s32 $0xFFFFE000  }
0x5e: {  	[spmem:s2] =	stream.indirect.scatter.add.f32 [tilespmem:s22], [sflag:$0x8], $0x80, s24, s19, $0xb8;
	[tilespmem:$0x1D000] =	vst v63  }
0x5f: {  	s15 =	sadd.s32 s9, s14  }
0x60: {  	[tilespmem:s25], [sflag:$0x2] =	stream.linear.gather [hbm4b:s15+s3], $0x400, $0x38;
	[tilespmem:$0x1D000] =	vst v63  }
0x61: {  	s24 =	sadd.s32 s9, s13  }
0x62: {  	[tilespmem:s26], [sflag:$0x2] =	stream.linear.gather [hbm4b:s24+s3], $0x400, $0x38;
	[tilespmem:$0x1D000] =	vst v63  }
0x63: {  	s15 =	simm.s32 $0x180  }
0x64: {  	[tilespmem:s29], [sflag:$0x6] =	stream.indirect.gather [hbm4b:s4+s19], $0x80, s15, s19, $0xb8;
	[tilespmem:$0x1D000] =	vst v63  }
0x65: {  	_ =	swait.ge [sflag:s30], $0x2000  }
0x66: {  	[sflag:s30] =	ssyncset.done $0x0  }
0x67: {  	[sflag:s30] =	ssyncadd.s32 $0xFFFFE000  }
0x68: {  	_ =	swait.ge [sflag:s31], $0x2000  }
0x69: {  	[sflag:s31] =	ssyncset.done $0x0  }
0x6a: {  	s24 =	simm.s32 $0x500;
	[sflag:s31] =	ssyncadd.s32 $0xFFFFE000  }
0x6b: {  	[spmem:s2] =	stream.indirect.scatter.add.f32 [tilespmem:s1], [sflag:$0x9], $0x80, s24, s19, $0xb8;
	[tilespmem:$0x1D000] =	vst v63  }
0x6c: {  	s15 =	simm.s32 $0x200  }
0x6d: {  	[tilespmem:s20], [sflag:$0x3] =	stream.indirect.gather [hbm4b:s4+s19], $0x80, s15, s19, $0xb8;
	[tilespmem:$0x1D000] =	vst v63  }
0x6e: {  	_ =	swait.ge [sflag:s5], $0x2000  }
0x6f: {  	[sflag:s5] =	ssyncset.done $0x0  }
0x70: {  	[sflag:s5] =	ssyncadd.s32 $0xFFFFE000  }
0x71: {  	_ =	swait.ge [sflag:s7], $0x2000  }
0x72: {  	[sflag:s7] =	ssyncset.done $0x0  }
0x73: {  	s24 =	simm.s32 $0x580;
	[sflag:s7] =	ssyncadd.s32 $0xFFFFE000  }
0x74: {  	[spmem:s2] =	stream.indirect.scatter.add.f32 [tilespmem:s29], [sflag:$0xA], $0x80, s24, s19, $0xb8;
	[tilespmem:$0x1D000] =	vst v63  }
0x75: {  	s15 =	simm.s32 $0x280  }
0x76: {  	[tilespmem:s22], [sflag:$0x4] =	stream.indirect.gather [hbm4b:s4+s19], $0x80, s15, s19, $0xb8;
	[tilespmem:$0x1D000] =	vst v63  }
0x77: {  	_ =	swait.ge [sflag:s23], $0x2000  }
0x78: {  	[sflag:s23] =	ssyncset.done $0x0  }
0x79: {  	[sflag:s23] =	ssyncadd.s32 $0xFFFFE000  }
0x7a: {  	_ =	swait.ge [sflag:s10], $0x2000  }
0x7b: {  	[sflag:s10] =	ssyncset.done $0x0  }
0x7c: {  	s24 =	simm.s32 $0x600;
	[sflag:s10] =	ssyncadd.s32 $0xFFFFE000  }
0x7d: {  	[spmem:s2] =	stream.indirect.scatter.add.f32 [tilespmem:s20], [sflag:$0x7], $0x80, s24, s19, $0xb8;
	[tilespmem:$0x1D000] =	vst v63  }
0x7e: {  	s15 =	simm.s32 $0x300  }
0x7f: {  	[tilespmem:s1], [sflag:$0x5] =	stream.indirect.gather [hbm4b:s4+s19], $0x80, s15, s19, $0xb8;
	[tilespmem:$0x1D000] =	vst v63  }
0x80: {  	_ =	swait.ge [sflag:s16], $0x2000  }
0x81: {  	[sflag:s16] =	ssyncset.done $0x0  }
0x82: {  	[sflag:s16] =	ssyncadd.s32 $0xFFFFE000  }
0x83: {  	_ =	swait.ge [sflag:s21], $0x2000  }
0x84: {  	[sflag:s21] =	ssyncset.done $0x0  }
0x85: {  	s24 =	simm.s32 $0x680;
	[sflag:s21] =	ssyncadd.s32 $0xFFFFE000  }
0x86: {  	[spmem:s2] =	stream.indirect.scatter.add.f32 [tilespmem:s22], [sflag:$0x8], $0x80, s24, s19, $0xb8;
	[tilespmem:$0x1D000] =	vst v63  }
0x87: {  	s15 =	simm.s32 $0x380  }
0x88: {  	[tilespmem:s29], [sflag:$0x6] =	stream.indirect.gather [hbm4b:s4+s19], $0x80, s15, s19, $0xb8;
	[tilespmem:$0x1D000] =	vst v63  }
0x89: {  	_ =	swait.ge [sflag:s30], $0x2000  }
0x8a: {  	[sflag:s30] =	ssyncset.done $0x0  }
0x8b: {  	[sflag:s30] =	ssyncadd.s32 $0xFFFFE000  }
0x8c: {  	_ =	swait.ge [sflag:s31], $0x2000  }
0x8d: {  	[sflag:s31] =	ssyncset.done $0x0  }
0x8e: {  	s24 =	simm.s32 $0x700;
	[sflag:s31] =	ssyncadd.s32 $0xFFFFE000  }
0x8f: {  	[spmem:s2] =	stream.indirect.scatter.add.f32 [tilespmem:s1], [sflag:$0x9], $0x80, s24, s19, $0xb8;
	[tilespmem:$0x1D000] =	vst v63  }
0x90: {  	_ =	swait.ge [sflag:s17], $0x400  }
0x91: {  	[sflag:s17] =	ssyncset.done $0x0  }
0x92: {  	[sflag:s17] =	ssyncadd.s32 $0xFFFFFC00  }
0x93: {  	_ =	swait.ge [sflag:s17], $0x400  }
0x94: {  	[sflag:s17] =	ssyncset.done $0x0  }
0x95: {  	[sflag:s17] =	ssyncadd.s32 $0xFFFFFC00  }
0x96: {  	[tilespmem:s20], [sflag:$0x3] =	stream.indirect.gather [hbm4b:s4+s19], $0x80, s25, s19, $0xb8;
	[tilespmem:$0x1D000] =	vst v63  }
0x97: {  	_ =	swait.ge [sflag:s5], $0x2000  }
0x98: {  	[sflag:s5] =	ssyncset.done $0x0  }
0x99: {  	[sflag:s5] =	ssyncadd.s32 $0xFFFFE000  }
0x9a: {  	_ =	swait.ge [sflag:s7], $0x2000  }
0x9b: {  	[sflag:s7] =	ssyncset.done $0x0  }
0x9c: {  	s15 =	simm.s32 $0x780;
	[sflag:s7] =	ssyncadd.s32 $0xFFFFE000  }
0x9d: {  	[spmem:s2] =	stream.indirect.scatter.add.f32 [tilespmem:s29], [sflag:$0xA], $0x80, s15, s19, $0xb8;
	[tilespmem:$0x1D000] =	vst v63  }
0x9e: {  	s24 =	simm.s32 $0x880  }
0x9f: {  	[tilespmem:s22], [sflag:$0x4] =	stream.indirect.gather [hbm4b:s4+s19], $0x80, s24, s19, $0xb8;
	[tilespmem:$0x1D000] =	vst v63  }
0xa0: {  	_ =	swait.ge [sflag:s23], $0x2000  }
0xa1: {  	[sflag:s23] =	ssyncset.done $0x0  }
0xa2: {  	[sflag:s23] =	ssyncadd.s32 $0xFFFFE000  }
0xa3: {  	_ =	swait.ge [sflag:s10], $0x2000  }
0xa4: {  	[sflag:s10] =	ssyncset.done $0x0  }
0xa5: {  	[sflag:s10] =	ssyncadd.s32 $0xFFFFE000  }
0xa6: {  	[spmem:s2] =	stream.indirect.scatter.add.f32 [tilespmem:s20], [sflag:$0x7], $0x80, s26, s19, $0xb8;
	[tilespmem:$0x1D000] =	vst v63  }
0xa7: {  	s15 =	simm.s32 $0x900  }
0xa8: {  	[tilespmem:s1], [sflag:$0x5] =	stream.indirect.gather [hbm4b:s4+s19], $0x80, s15, s19, $0xb8;
	[tilespmem:$0x1D000] =	vst v63  }
0xa9: {  	_ =	swait.ge [sflag:s16], $0x2000  }
0xaa: {  	[sflag:s16] =	ssyncset.done $0x0  }
0xab: {  	[sflag:s16] =	ssyncadd.s32 $0xFFFFE000  }
0xac: {  	_ =	swait.ge [sflag:s21], $0x2000  }
0xad: {  	[sflag:s21] =	ssyncset.done $0x0  }
0xae: {  	p0 =	seq.s32 s9, $0x900;
	s24 =	simm.s32 $0xC80;
	[sflag:s21] =	ssyncadd.s32 $0xFFFFE000  }
0xaf: {  	[spmem:s2] =	stream.indirect.scatter.add.f32 [tilespmem:s22], [sflag:$0x8], $0x80, s24, s19, $0xb8;
	[tilespmem:$0x1D000] =	vst v63  }
0xb0: {  	s6 =	sadd.s32 @!p0 s9, s12;
	s15 =	simm.s32 @!p0 $0x0  }
0xb1: {  	[tilespmem:s15], [sflag:$0x1] =	stream.linear.gather @!p0 [hbm4b:s6+s15], $0x400, $0x38;
	[tilespmem:$0x1D000] =	vst v63  }
0xb2: {  	s24 =	simm.s32 @!p0 $0x400;
	s6 =	sadd.s32 @!p0 s9, s11  }
0xb3: {  	[tilespmem:s24], [sflag:$0x1] =	stream.linear.gather @!p0 [hbm4b:s6+s15], $0x400, $0x38;
	[tilespmem:$0x1D000] =	vst v63  }
0xb4: {  	s15 =	simm.s32 $0x980  }
0xb5: {  	[tilespmem:s29], [sflag:$0x6] =	stream.indirect.gather [hbm4b:s4+s19], $0x80, s15, s19, $0xb8;
	[tilespmem:$0x1D000] =	vst v63  }
0xb6: {  	_ =	swait.ge [sflag:s30], $0x2000  }
0xb7: {  	[sflag:s30] =	ssyncset.done $0x0  }
0xb8: {  	[sflag:s30] =	ssyncadd.s32 $0xFFFFE000  }
0xb9: {  	_ =	swait.ge [sflag:s31], $0x2000  }
0xba: {  	[sflag:s31] =	ssyncset.done $0x0  }
0xbb: {  	s24 =	simm.s32 $0xD00;
	[sflag:s31] =	ssyncadd.s32 $0xFFFFE000  }
0xbc: {  	[spmem:s2] =	stream.indirect.scatter.add.f32 [tilespmem:s1], [sflag:$0x9], $0x80, s24, s19, $0xb8;
	[tilespmem:$0x1D000] =	vst v63  }
0xbd: {  	s15 =	simm.s32 $0xA00  }
0xbe: {  	[tilespmem:s20], [sflag:$0x3] =	stream.indirect.gather [hbm4b:s4+s19], $0x80, s15, s19, $0xb8;
	[tilespmem:$0x1D000] =	vst v63  }
0xbf: {  	_ =	swait.ge [sflag:s5], $0x2000  }
0xc0: {  	[sflag:s5] =	ssyncset.done $0x0  }
0xc1: {  	[sflag:s5] =	ssyncadd.s32 $0xFFFFE000  }
0xc2: {  	_ =	swait.ge [sflag:s7], $0x2000  }
0xc3: {  	[sflag:s7] =	ssyncset.done $0x0  }
0xc4: {  	s24 =	simm.s32 $0xD80;
	[sflag:s7] =	ssyncadd.s32 $0xFFFFE000  }
0xc5: {  	[spmem:s2] =	stream.indirect.scatter.add.f32 [tilespmem:s29], [sflag:$0xA], $0x80, s24, s19, $0xb8;
	[tilespmem:$0x1D000] =	vst v63  }
0xc6: {  	s15 =	simm.s32 $0xA80  }
0xc7: {  	[tilespmem:s22], [sflag:$0x4] =	stream.indirect.gather [hbm4b:s4+s19], $0x80, s15, s19, $0xb8;
	[tilespmem:$0x1D000] =	vst v63  }
0xc8: {  	_ =	swait.ge [sflag:s23], $0x2000  }
0xc9: {  	[sflag:s23] =	ssyncset.done $0x0  }
0xca: {  	[sflag:s23] =	ssyncadd.s32 $0xFFFFE000  }
0xcb: {  	_ =	swait.ge [sflag:s10], $0x2000  }
0xcc: {  	[sflag:s10] =	ssyncset.done $0x0  }
0xcd: {  	s24 =	simm.s32 $0xE00;
	[sflag:s10] =	ssyncadd.s32 $0xFFFFE000  }
0xce: {  	[spmem:s2] =	stream.indirect.scatter.add.f32 [tilespmem:s20], [sflag:$0x7], $0x80, s24, s19, $0xb8;
	[tilespmem:$0x1D000] =	vst v63  }
0xcf: {  	s15 =	simm.s32 $0xB00  }
0xd0: {  	[tilespmem:s1], [sflag:$0x5] =	stream.indirect.gather [hbm4b:s4+s19], $0x80, s15, s19, $0xb8;
	[tilespmem:$0x1D000] =	vst v63  }
0xd1: {  	_ =	swait.ge [sflag:s16], $0x2000  }
0xd2: {  	[sflag:s16] =	ssyncset.done $0x0  }
0xd3: {  	[sflag:s16] =	ssyncadd.s32 $0xFFFFE000  }
0xd4: {  	_ =	swait.ge [sflag:s21], $0x2000  }
0xd5: {  	[sflag:s21] =	ssyncset.done $0x0  }
0xd6: {  	s24 =	simm.s32 $0xE80;
	[sflag:s21] =	ssyncadd.s32 $0xFFFFE000  }
0xd7: {  	[spmem:s2] =	stream.indirect.scatter.add.f32 [tilespmem:s22], [sflag:$0x8], $0x80, s24, s19, $0xb8;
	[tilespmem:$0x1D000] =	vst v63  }
0xd8: {  	_ = 	snop  }
0xd9: {  	[tilespmem:s29], [sflag:$0x6] =	stream.indirect.gather [hbm4b:s4+s19], $0x80, s28, s19, $0xb8;
	[tilespmem:$0x1D000] =	vst v63  }
0xda: {  	_ =	swait.ge [sflag:s30], $0x2000  }
0xdb: {  	[sflag:s30] =	ssyncset.done $0x0  }
.Ltmp2:
0xdc: {  	[sflag:s30] =	ssyncadd.s32 $0xFFFFE000;
	(pc) =	sbr.rel @p0 .LBB2_4-.Ltmp2, $4  }
0xdd: {  	_ =	swait.ge [sflag:s31], $0x2000  }
0xde: {  	[sflag:s31] =	ssyncset.done $0x0  }
0xdf: {  	[sflag:s31] =	ssyncadd.s32 $0xFFFFE000  }
0xe0: {  	[spmem:s2] =	stream.indirect.scatter.add.f32 [tilespmem:s1], [sflag:$0x9], $0x80, s0, s19, $0xb8;
	[tilespmem:$0x1D000] =	vst v63  }
0xe1: {  	_ =	swait.ge [sflag:s18], $0x400  }
0xe2: {  	[sflag:s18] =	ssyncset.done $0x0  }
0xe3: {  	[sflag:s18] =	ssyncadd.s32 $0xFFFFFC00  }
0xe4: {  	_ =	swait.ge [sflag:s18], $0x400  }
0xe5: {  	[sflag:s18] =	ssyncset.done $0x0  }
0xe6: {  	[sflag:s18] =	ssyncadd.s32 $0xFFFFFC00  }
0xe7: {  	[tilespmem:s20], [sflag:$0x3] =	stream.indirect.gather [hbm4b:s4+s19], $0x80, s3, s19, $0xb8;
	[tilespmem:$0x1D000] =	vst v63  }
0xe8: {  	_ =	swait.ge [sflag:s5], $0x2000  }
0xe9: {  	[sflag:s5] =	ssyncset.done $0x0  }
0xea: {  	[sflag:s5] =	ssyncadd.s32 $0xFFFFE000  }
0xeb: {  	_ =	swait.ge [sflag:s7], $0x2000  }
.Ltmp3:
0xec: {  	[sflag:s7] =	ssyncset.done $0x0;
	(pc) =	sbr.rel .LBB2_2-.Ltmp3, $4  }
0xed: {  	[sflag:s7] =	ssyncadd.s32 $0xFFFFE000  }
0xee: {  	[spmem:s2] =	stream.indirect.scatter.add.f32 [tilespmem:s29], [sflag:$0xA], $0x80, s8, s19, $0xb8;
	[tilespmem:$0x1D000] =	vst v63  }
0xef: {  	s6 =	simm.s32 $0x80;
	s9 =	sadd.s32 $0x100, s9  }
0xf0: {  	[tilespmem:s22], [sflag:$0x4] =	stream.indirect.gather [hbm4b:s4+s19], $0x80, s6, s19, $0xb8;
	[tilespmem:$0x1D000] =	vst v63  }
.LBB2_5:
0xf1: {  	_ =	sfence.sel $0x180000  }
0xf2: {  	[bflag:$0x0] =	sbarrier.arrive $0xFFFF  }
0xf3: {  	_ =	strace $0x9000004D  }
0xf4: {  	s0 =	stileid.u32;
	[bflag:$0x2] =	sbarrier.arrive $0xFFFF  }
0xf5: {  	p0 =	sne.s32 s0, $0x0;
	s0 =	rddreg [dreg:$0x3]  }
0xf6: {  	s0 =	sadd.s32 @!p0 $0x100000, s0  }
0xf7: {  	[sflag:s0] =	ssyncadd.tile.s32 @!p0 $0x1;
	_ =	shalt  }
.Lfunc_end2:
_tile_overlayer_lowered:
.L_overlay_start_2:
0xf8: {  	(tag) =	ssettag $0x2  }
0xf9: {  	s0 =	rddreg [dreg:$0x0];
	s2 =	stileid.u32  }
0xfa: {  	s1 =	rddreg [dreg:$0x1];
	p0 =	sne.s32 s2, $0x0  }
0xfb: {  	s3 =	rddreg [dreg:$0x2];
	[bflag:$0x3] =	sbarrier.arrive $0xFFFF;
	s2 =	simm.s32 @!p0 $0x1C0B  }
0xfc: {  	[timem:s3], [sflag:s2] =	dma.local @!p0 [hbm:s0], s1  }
0xfd: {  	s0 =	simm.s32 @!p0 $0xB  }
0xfe: {  	_ =	swait.ge @!p0 [sflag:s0], s1  }
0xff: {  	s1 =	ssub.s32 @!p0 $0x0, s1;
	[sflag:s0] =	ssyncset.done @!p0 $0x0  }
0x100: {  	[sflag:s0] =	ssyncadd.s32 @!p0 s1  }
0x101: {  	[bflag:$0x3] =	sbarrier.arrive $0xFFFF  }
0x102: {  	_ =	shalt  }

// kernel: sage_sc_agg_160_1.3.cloned.1.call-start
scs
__scs_entry_jumppad:
0x0: {  	(pc) =	sbr.rel $0x88, $3  }
0x1: {  	(tag) =	ssettag $0x0;
	lr =	simm.s32 $0x1  }
0x2: {  	[smem:$0x3F96] =	sst lr;
	_ =	strace $0xD0000000  }
0x3: {  	_ = 	snop  }
0x4: {  	_ = 	snop  }
0x5: {  	_ = 	snop  }
0x6: {  	_ = 	snop  }
0x7: {  	_ = 	snop  }
__scs_overlays_trampoline_lowered:
0x8: {  	[smem:$0x3FA5] =	sst s0  }
0x9: {  	[smem:$0x3FA6] =	sst s1  }
0xa: {  	[smem:$0x3FA7] =	sst s2  }
0xb: {  	[smem:$0x3FA8] =	sst s3  }
0xc: {  	[smem:$0x3FA9] =	sst s4  }
0xd: {  	[smem:$0x3FAA] =	sst s5  }
0xe: {  	[smem:$0x3FAB] =	sst s6  }
0xf: {  	[smem:$0x3FAC] =	sst s7  }
0x10: {  	[smem:$0x3FAD] =	sst s8  }
0x11: {  	[smem:$0x3FAE] =	sst s9;
	s0 =	simm.s32 @!p0 $0x0  }
0x12: {  	s1 =	sld [smem:$0x3F94];
	s0 =	simm.s32 @p0 $0x1  }
0x13: {  	[smem:$0x3FAF] =	sst s0;
	s0 =	simm.s32 @!p1 $0x0  }
0x14: {  	s2 =	sld [smem:$0x3F93];
	s0 =	simm.s32 @p1 $0x1  }
0x15: {  	[smem:$0x3FB0] =	sst s0;
	s0 =	simm.s32 @!p2 $0x0  }
0x16: {  	s3 =	sld [smem:$0x3FDB];
	s0 =	simm.s32 @p2 $0x1  }
0x17: {  	s4 =	simm.s32 $0x1BF5;
	[smem:$0x3FB2] =	sst s0  }
0x18: {  	s0 =	sld [smem:$0x3F95];
	_ =	swait.ge [sflag:s4], $0x0  }
0x19: {  	s7 =	sld [smem:$0x3F96]  }
0x1a: {  	s8 =	sadd.s32 $0xFFFFE003, lr  }
0x1b: {  	s9 =	sadd.s32 $0xFFFFFEF7, lr;
	s5 =	simm.s32 $0xFFFFFFFF;
	p2 =	slt.u32 s8, $0xFFFFF086  }
0x1c: {  	p1 =	slt.u32 s9, $0xF7A;
	s5 =	simm.s32 @!p2 $0x0  }
0x1d: {  	s5 =	simm.s32 @p1 $0x1;
	p0 =	seq.s32 s7, s2  }
0x1e: {  	s7 =	smul.u32 @!p0 $0xF7A, s2;
	p2 =	seq.s32 @!p0 s5, $0x0  }
0x1f: {  	s9 =	smul.u32 $0xF7A, s1;
	s8 =	simm.s32 @!p0 $0x1BF5;
	p2 =	por !p2, p0  }
0x20: {  	[sflag:s8] =	ssyncset.s32 @!p0 $0xFFFFF086;
	s6 =	sadd.s32 @!p0 s3, s7;
	s7 =	simm.s32 @!p0 $0x108  }
0x21: {  	s3 =	sadd.s32 s3, s9;
	s6 =	sadd.s32 @!p0 $0x88, s6;
	s7 =	simm.s32 @p2 $0x1082  }
0x22: {  	[simem:s7], [sflag:s8] =	dma.local @!p0 [hbm:s6], $0xF7A  }
0x23: {  	s9 =	sor.u32 $0xD0000000, s2;
	s6 =	simm.s32 $0x108;
	_ =	swait.ge @!p0 [sflag:s8], $0x0  }
0x24: {  	s3 =	sadd.s32 $0x88, s3;
	s6 =	simm.s32 @!p1 $0x1082;
	[sflag:s4] =	ssyncset.s32 $0xFFFFF086  }
0x25: {  	[simem:s6], [sflag:s4] =	dma.local [hbm:s3], $0xF7A  }
0x26: {  	[smem:$0x3F96] =	sst s1;
	(tag) =	ssettag s2;
	_ =	strace s9  }
0x27: {  	s1 =	sld [smem:$0x3FA6]  }
0x28: {  	s2 =	sld [smem:$0x3FA7]  }
0x29: {  	s4 =	sld [smem:$0x3FA9]  }
0x2a: {  	p0 =	seq.s32 s5, $0x0;
	s5 =	sld [smem:$0x3FAA]  }
0x2b: {  	s6 =	sld [smem:$0x3FAB]  }
0x2c: {  	s7 =	sld [smem:$0x3FAC]  }
0x2d: {  	s3 =	simm.s32 $0x108;
	s8 =	sld [smem:$0x3FAD]  }
0x2e: {  	s3 =	simm.s32 @!p0 $0x1082;
	s9 =	sld [smem:$0x3FAE]  }
0x2f: {  	lr =	sadd.s32 s0, s3;
	s0 =	sld [smem:$0x3FA5]  }
0x30: {  	s3 =	sld [smem:$0x3FA8]  }
0x31: {  	[smem:$0x3FB1] =	sst s10  }
0x32: {  	s10 =	sld [smem:$0x3FAF];
	_ =	sdelay $0x3  }
0x33: {  	p0 =	seq.s32 s10, $0x1;
	s10 =	sld [smem:$0x3FB1];
	_ =	sdelay $0x3  }
0x34: {  	[smem:$0x3FB1] =	sst s10  }
0x35: {  	s10 =	sld [smem:$0x3FB0];
	_ =	sdelay $0x3  }
0x36: {  	p1 =	seq.s32 s10, $0x1;
	s10 =	sld [smem:$0x3FB1];
	_ =	sdelay $0x3  }
0x37: {  	[smem:$0x3FB1] =	sst s10  }
0x38: {  	s10 =	sld [smem:$0x3FB2]  }
0x39: {  	_ = 	snop;
	(pc) =	sbr.ind lr, $3  }
0x3a: {  	_ = 	snop  }
0x3b: {  	_ = 	snop  }
0x3c: {  	p2 =	seq.s32 s10, $0x1;
	s10 =	sld [smem:$0x3FB1]  }
0x3d: {  	_ =	shalt  }
0x3e: {  	_ =	shalt  }
0x3f: {  	_ =	shalt  }
0x40: {  	_ =	shalt  }
0x41: {  	_ =	shalt  }
0x42: {  	_ =	shalt  }
0x43: {  	_ =	shalt  }
0x44: {  	_ =	shalt  }
0x45: {  	_ =	shalt  }
0x46: {  	_ =	shalt  }
0x47: {  	_ =	shalt  }
0x48: {  	_ =	shalt  }
0x49: {  	_ =	shalt  }
0x4a: {  	_ =	shalt  }
0x4b: {  	_ =	shalt  }
0x4c: {  	_ =	shalt  }
0x4d: {  	_ =	shalt  }
0x4e: {  	_ =	shalt  }
0x4f: {  	_ =	shalt  }
0x50: {  	_ =	shalt  }
0x51: {  	_ =	shalt  }
0x52: {  	_ =	shalt  }
0x53: {  	_ =	shalt  }
0x54: {  	_ =	shalt  }
0x55: {  	_ =	shalt  }
0x56: {  	_ =	shalt  }
0x57: {  	_ =	shalt  }
0x58: {  	_ =	shalt  }
0x59: {  	_ =	shalt  }
0x5a: {  	_ =	shalt  }
0x5b: {  	_ =	shalt  }
0x5c: {  	_ =	shalt  }
0x5d: {  	_ =	shalt  }
0x5e: {  	_ =	shalt  }
0x5f: {  	_ =	shalt  }
0x60: {  	_ =	shalt  }
0x61: {  	_ =	shalt  }
0x62: {  	_ =	shalt  }
0x63: {  	_ =	shalt  }
0x64: {  	_ =	shalt  }
0x65: {  	_ =	shalt  }
0x66: {  	_ =	shalt  }
0x67: {  	_ =	shalt  }
0x68: {  	_ =	shalt  }
0x69: {  	_ =	shalt  }
0x6a: {  	_ =	shalt  }
0x6b: {  	_ =	shalt  }
0x6c: {  	_ =	shalt  }
0x6d: {  	_ =	shalt  }
0x6e: {  	_ =	shalt  }
0x6f: {  	_ =	shalt  }
0x70: {  	_ =	shalt  }
0x71: {  	_ =	shalt  }
0x72: {  	_ =	shalt  }
0x73: {  	_ =	shalt  }
0x74: {  	_ =	shalt  }
0x75: {  	_ =	shalt  }
0x76: {  	_ =	shalt  }
0x77: {  	_ =	shalt  }
0x78: {  	_ =	shalt  }
0x79: {  	_ =	shalt  }
0x7a: {  	_ =	shalt  }
0x7b: {  	_ =	shalt  }
0x7c: {  	_ =	shalt  }
0x7d: {  	_ =	shalt  }
0x7e: {  	_ =	shalt  }
0x7f: {  	_ =	shalt  }
0x80: {  	_ =	shalt  }
0x81: {  	_ =	shalt  }
0x82: {  	_ =	shalt  }
0x83: {  	_ =	shalt  }
0x84: {  	_ =	shalt  }
0x85: {  	_ =	shalt  }
0x86: {  	_ =	shalt  }
0x87: {  	_ =	shalt  }
.Lfunc_end0:
.L_simem_size_0:
called_computation_lowered:
.L_overlay_start_0:
0x88: {  	s2 =	sld [smem:$0x3FD9]  }
0x89: {  	s3 =	sld [smem:$0x3FFE];
	_ =	sdelay $0x1  }
0x8a: {  	s1 =	srdreg.scid  }
0x8b: {  	s0 =	sand.u32 $0x1, s1  }
0x8c: {  	s17 =	sshll.u32 s0, $0xA;
	s2 =	sadd.s32 s3, s2  }
0x8d: {  	s2 =	sadd.s32 s2, s17  }
0x8e: {  	[smem:$0x3FBD] =	sst s2  }
0x8f: {  	_ = 	snop  }
0x90: {  	s2 =	sld [smem:$0x3FD0];
	(tm) =	ssettm $0x1  }
0x91: {  	s18 =	sld [smem:$0x3FFB];
	_ =	sdelay $0x3  }
0x92: {  	_ =	strace s18  }
0x93: {  	s3 =	sld [smem:$0x3FFC];
	_ =	sdelay $0x3  }
0x94: {  	_ =	strace s3  }
0x95: {  	s3 =	sld [smem:$0x3FFD];
	_ =	sdelay $0x3  }
0x96: {  	_ =	strace s3  }
0x97: {  	_ =	strace $0x8FFFFFFF  }
0x98: {  	s19 =	sld [smem:$0x3FDB];
	_ =	sdelay $0x1  }
0x99: {  	s4 =	simm.s32 $_scs_section_size  }
0x9a: {  	s5 =	simm.s32 $_size__tile_overlayer_lowered;
	s6 =	simm.s32 $_tile_overlayer_lowered  }
0x9b: {  	s22 =	simm.s32 $0x1BFF;
	s21 =	sshll.u32 s6, $0x1;
	s3 =	sadd.s32 s4, s19  }
0x9c: {  	s7 =	simm.s32 $0x0;
	s20 =	sshll.u32 s5, $0x1;
	s5 =	sadd.s32 s21, s3  }
0x9d: {  	[timem:s7], [sflag:s22] =	dma.local [hbm:s5], s20  }
0x9e: {  	_ =	swait.ge [sflag:s22], s20  }
0x9f: {  	s4 =	ssub.s32 $0x0, s20;
	[sflag:s22] =	ssyncset.done $0x0  }
0xa0: {  	[sflag:s22] =	ssyncadd.s32 s4;
	_ =	sdelay $0x1  }
0xa1: {  	s23 =	simm.s32 $0x1B8B  }
0xa2: {  	_ =	swait.ge [sflag:s23], $0x1  }
0xa3: {  	[sflag:s23] =	ssyncset.done $0x0  }
0xa4: {  	s25 =	simm.s32 $0x1B8E;
	s24 =	sld [smem:$0x3FFE];
	[sflag:s23] =	ssyncadd.s32 $0xFFFFFFFF  }
0xa5: {  	s26 =	simm.s32 $execute0_lowered;
	[smem:$0x3FD2] =	sst s25  }
0xa6: {  	s5 =	sshll.u32 s26, $0x1;
	_ =	strace $0x80000046;
	[dreg:$0x1] =	wrdreg $0xFFFFFFFF  }
0xa7: {  	s28 =	simm.s32 $_size_execute0_lowered;
	s3 =	sadd.s32 s3, s5;
	[dreg:$0x0] =	wrdreg $0x0  }
0xa8: {  	s5 =	sshll.u32 s28, $0x1;
	[dreg:$0x2] =	wrdreg s3  }
0xa9: {  	[dreg:$0x3] =	wrdreg s5  }
0xaa: {  	[dreg:$0x4] =	wrdreg $0xC0  }
0xab: {  	_ =	task [dreg:s7], $0x5FFFF  }
0xac: {  	[dreg:$0x1] =	wrdreg $0xFFFFFFFF  }
0xad: {  	[dreg:$0x0] =	wrdreg $0x60  }
0xae: {  	[dreg:$0x2] =	wrdreg s24  }
0xaf: {  	[dreg:$0x3] =	wrdreg s2  }
0xb0: {  	[dreg:$0x4] =	wrdreg $0xB8000  }
0xb1: {  	[dreg:$0x5] =	wrdreg $0x9  }
0xb2: {  	_ =	task.clear_ibuf [dreg:s7], $0x6FFFF;
	_ =	strace $0x90000046  }
0xb3: {  	s29 =	simm.s32 $0x9;
	_ =	strace $0x80000048  }
0xb4: {  	_ =	swait.ge [sflag:s29], $0x1  }
0xb5: {  	[sflag:s29] =	ssyncadd.s32 $0xFFFFFFFF  }
0xb6: {  	_ =	strace $0x90000048  }
0xb7: {  	_ =	sfence  }
0xb8: {  	s30 =	sld [smem:$0x0];
	_ =	sdelay $0x2  }
0xb9: {  	s31 =	sshll.u32 s1, $0xD;
	s1 =	sshrl.u32 s1, $0x2  }
0xba: {  	s3 =	sand.u32 $0x4000, s31;
	s1 =	sadd.s32 s1, s30  }
0xbb: {  	s0 =	sor.u32 s3, s0;
	s1 =	sshll.u32 s1, $0x11  }
0xbc: {  	s0 =	sor.u32 s1, s0  }
0xbd: {  	s0 =	sadd.s32 $0x8F2B, s0  }
0xbe: {  	[sflag:s0] =	ssyncadd.remote.s32 $0x1  }
0xbf: {  	_ =	sfence.sel $0xFFFF  }
0xc0: {  	[dreg:$0x0] =	wrdreg $0xFFFFFFFF;
	(pc) =	sbr.abs _section_cstart, $3  }
0xc1: {  	[dreg:$0x1] =	wrdreg $0xFFFFFFFF  }
0xc2: {  	_ =	task.clear_ibuf [dreg:s7], $0x2FFFF;
	_ =	strace $0x9FFFFFFF  }
0xc3: {  	(tm) =	ssettm $0x7FFFFFFF  }
tec
execute0_lowered:
.L_overlay_start_1:
0x0: {  	(tag) =	ssettag $0x1  }
0x1: {  	s0 =	rddreg [dreg:$0x0]  }
0x2: {  	s1 =	rddreg [dreg:$0x1]  }
0x3: {  	s2 =	rddreg [dreg:$0x2]  }
0x4: {  	s3 =	simm.s32 $0x0;
	s14 =	stileid.u32;
	s4 =	srdreg.scid  }
0x5: {  	s30 =	simm.s32 $0xB;
	s28 =	simm.s32 $0x5000;
	s29 =	simm.s32 $0x4  }
0x6: {  	s31 =	simm.s32 $0x800;
	[smem:$0x7FF] =	sst s3;
	s5 =	smul.u32 $0x14000, s14  }
0x7: {  	s6 =	sand.u32 $0x1, s4;
	s4 =	sadd.s32 $0x17A00, s0;
	s11 =	smul.u32 $0x50000, s14  }
0x8: {  	s9 =	sadd.s32 $0x3A00, s0;
	s16 =	sshll.u32 s14, $0x7;
	s13 =	smul.u32 $0x5000, s14  }
0x9: {  	s20 =	sshll.u32 s14, $0x6;
	_ =	strace $0x80000047;
	s7 =	smul.u32 $0x140000, s6  }
0xa: {  	s8 =	sshll.u32 s6, $0x4;
	s17 =	ssub.s32 $0x2, s6;
	s6 =	smul.u32 $0x50000, s6  }
0xb: {  	s22 =	sor.u32 $0x1C0B, s20;
	s20 =	simm.s32 $0x40;
	s10 =	sshrl.u32 s5, $0x3  }
0xc: {  	s8 =	sor.u32 s14, s8;
	s12 =	sshrl.u32 s17, $0x1;
	s19 =	sshrl.u32 s11, $0x2  }
0xd: {  	s11 =	simm.s32 $0x6;
	[dreg:$0x5] =	wrdreg s22;
	s10 =	sadd.s32 s10, s0  }
0xe: {  	s5 =	sadd.s32 s5, s7;
	s15 =	sshrl.u32 s8, $0x3;
	s8 =	sand.u32 $0x380, s16  }
0xf: {  	s18 =	ssub.s32 s17, s12;
	s6 =	sadd.s32 s13, s6;
	s17 =	simm.s32 $0x9  }
0x10: {  	s16 =	simm.s32 $0x2;
	s5 =	sshrl.u32 s5, $0x3;
	s7 =	smul.u32 $0x14000, s15  }
0x11: {  	s10 =	sadd.s32 $0x3FA00, s10;
	s21 =	sshrl.u32 s6, $0x3;
	s24 =	sor.u32 $0x800, s6  }
0x12: {  	s25 =	sor.u32 $0x400, s6;
	s26 =	smax.u32 s18, $0x1;
	s6 =	simm.s32 $0x8  }
0x13: {  	s5 =	sadd.s32 s5, s0;
	[dreg:$0x4] =	wrdreg s10;
	s23 =	sadd.s32 s1, s21  }
0x14: {  	s10 =	sadd.s32 s9, s21;
	[dreg:$0xa] =	wrdreg s26;
	s21 =	simm.s32 $0x1000  }
0x15: {  	s7 =	sor.u32 s8, s7;
	s8 =	sadd.s32 s19, s2;
	[dreg:$0x6] =	wrdreg s23  }
0x16: {  	[dreg:$0x7] =	wrdreg s10;
	s5 =	sadd.s32 $0x67A00, s5;
	s23 =	simm.s32 $0x3000  }
0x17: {  	s10 =	simm.s32 $0x100;
	s19 =	simm.s32 $0xF80;
	s7 =	sshrl.u32 s7, $0x3  }
0x18: {  	[dreg:$0x8] =	wrdreg s5;
	s5 =	sshrl.u32 s25, $0x3;
	s26 =	sshrl.u32 s8, $0x3  }
0x19: {  	s25 =	simm.s32 $0x9000;
	s8 =	simm.s32 $0x7;
	s0 =	sadd.s32 s7, s0  }
.Ltmp0:
0x1a: {  	s14 =	sadd.s32 s5, s9;
	s15 =	sadd.s32 s5, s1;
	(pc) =	sbr.rel .LBB2_1-.Ltmp0, $4  }
0x1b: {  	s5 =	simm.s32 $0x7000;
	[dreg:$0xb] =	wrdreg s26;
	s0 =	sadd.s32 $0xB7A00, s0  }
0x1c: {  	s7 =	simm.s32 $0x5;
	[dreg:$0x9] =	wrdreg s0;
	s0 =	sshrl.u32 s24, $0x3  }
0x1d: {  	s24 =	simm.s32 $0x3;
	s12 =	sadd.s32 s0, s9;
	s13 =	sadd.s32 s0, s1  }
0x1e: {  	v0 =	vimm.f32 $0.0e+00;
	v1 =	vimm.f32 $1.000000000e+00;
	s0 =	simm.s32 $0xC00;
	s1 =	simm.s32 $0xA;
	s9 =	simm.s32 $0x0  }
.LBB2_6:
0x1f: {  	_ =	swait.ge [sflag:s17], $0x2000  }
0x20: {  	[sflag:s17] =	ssyncset.done $0x0  }
0x21: {  	[sflag:s17] =	ssyncadd.s32 $0xFFFFE000  }
0x22: {  	_ =	swait.ge [sflag:s1], $0x2000  }
0x23: {  	[sflag:s1] =	ssyncset.done $0x0  }
0x24: {  	[sflag:s1] =	ssyncadd.s32 $0xFFFFE000  }
0x25: {  	[bflag:$0x0] =	sbarrier.arrive $0xFFFF  }
0x26: {  	s22 =	rddreg [dreg:$0x5]  }
0x27: {  	s18 =	rddreg [dreg:$0x8]  }
0x28: {  	s30 =	simm.s32 $0xB;
	s26 =	rddreg [dreg:$0xb]  }
0x29: {  	[hbm:s18], [sflag:s22] =	dma.local [spmem:s26], $0x2800  }
0x2a: {  	_ =	swait.ge [sflag:s30], $0x2800  }
0x2b: {  	s9 =	simm.s32 $0x400;
	[sflag:s30] =	ssyncset.done $0x0  }
0x2c: {  	s10 =	simm.s32 $0x80;
	s18 =	rddreg [dreg:$0x9];
	[sflag:s30] =	ssyncadd.s32 $0xFFFFD800  }
0x2d: {  	[hbm4b:s18+s10] =	stream.strided.scatter [tilespmem:s25], [sflag:$0xB], $0x2800, s9, s10, $0x38;
	[tilespmem:$0x1F800] =	vst v63  }
0x2e: {  	_ =	swait.ge [sflag:s30], $0x2800  }
0x2f: {  	s18 =	rddreg [dreg:$0xc]  }
0x30: {  	s9 =	sadd.s32 $0x1, s18;
	s18 =	rddreg [dreg:$0xa]  }
0x31: {  	p0 =	sne.s32 s9, s18  }
.Ltmp1:
0x32: {  	_ = 	snop;
	(pc) =	sbr.rel @!p0 .LBB2_7-.Ltmp1, $3  }
0x33: {  	_ =	sdelay $0x1  }
0x34: {  	[sflag:s30] =	ssyncset.done $0x0  }
0x35: {  	s10 =	simm.s32 $0x100;
	[sflag:s30] =	ssyncadd.s32 $0xFFFFD800  }
.LBB2_1:
0x36: {  	[dreg:$0xc] =	wrdreg s9  }
0x37: {  	s18 =	rddreg [dreg:$0x4]  }
0x38: {  	[spmem:s26], [sflag:s22] =	dma.local [hbm:s18], $0x2800  }
0x39: {  	_ =	swait.ge [sflag:s30], $0x2800  }
0x3a: {  	[sflag:s30] =	ssyncset.done $0x0  }
0x3b: {  	[sflag:s30] =	ssyncadd.s32 $0xFFFFD800  }
0x3c: {  	s18 =	simm.s32 $0x40;
	s26 =	simm.s32 $0x0;
	[bflag:$0x0] =	sbarrier.arrive $0xFFFF  }
.LBB2_2:
0x3d: {  	p0 =	sne.s32 s18, $0x9FC0;
	[tilespmem:s26+$0x9000] =	vst v0;
	s26 =	smov.u32 s18;
	s18 =	sadd.s32 $0x40, s18  }
.Ltmp2:
0x3e: {  	(pc) =	sbr.rel @p0 .LBB2_2-.Ltmp2, $2  }
0x3f: {  	_ =	sdelay $0x2  }
0x40: {  	s26 =	sshra.s32 s26, $0x2  }
0x41: {  	[tilespmem:s26+$0x9000] =	vst v0;
	s18 =	simm.s32 $0x0;
	s22 =	rddreg [dreg:$0x6]  }
0x42: {  	[tilespmem:s18], [sflag:$0x1] =	stream.linear.gather [hbm4b:s22+s18], $0x400, $0x38;
	[tilespmem:$0x1F800] =	vst v63  }
0x43: {  	s26 =	rddreg [dreg:$0x7];
	s30 =	simm.s32 $0x400;
	s9 =	simm.s32 $0x1  }
0x44: {  	[tilespmem:s30], [sflag:$0x1] =	stream.linear.gather [hbm4b:s26+s18], $0x400, $0x38;
	[tilespmem:$0x1F800] =	vst v63  }
0x45: {  	_ =	swait.ge [sflag:s9], $0x400  }
0x46: {  	[sflag:s9] =	ssyncset.done $0x0  }
0x47: {  	[sflag:s9] =	ssyncadd.s32 $0xFFFFFC00  }
0x48: {  	_ =	swait.ge [sflag:s9], $0x400  }
0x49: {  	[sflag:s9] =	ssyncset.done $0x0  }
0x4a: {  	[sflag:s9] =	ssyncadd.s32 $0xFFFFFC00  }
0x4b: {  	[tilespmem:s21], [sflag:$0x3] =	stream.indirect.gather [hbm4b:s4+s20], $0x80, s18, s20, $0xb8;
	[tilespmem:$0x1F800] =	vst v63  }
0x4c: {  	s9 =	simm.s32 $0x80  }
0x4d: {  	[tilespmem:s23], [sflag:$0x4] =	stream.indirect.gather [hbm4b:s4+s20], $0x80, s9, s20, $0xb8;
	[tilespmem:$0x1F800] =	vst v63  }
.LBB2_4:
0x4e: {  	_ =	swait.ge [sflag:s24], $0x2000  }
0x4f: {  	p0 =	seq.s32 s18, $0x0;
	[sflag:s24] =	ssyncset.done $0x0  }
0x50: {  	s26 =	simm.s32 @!p0 $0x9;
	[sflag:s24] =	ssyncadd.s32 $0xFFFFE000  }
0x51: {  	_ =	swait.ge @!p0 [sflag:s26], $0x2000  }
0x52: {  	[sflag:s26] =	ssyncset.done @!p0 $0x0  }
0x53: {  	s22 =	simm.s32 $0x400;
	[sflag:s26] =	ssyncadd.s32 @!p0 $0xFFFFE000  }
0x54: {  	[spmem:s2] =	stream.indirect.scatter.add.f32 [tilespmem:s21], [sflag:$0x7], $0x80, s22, s20, $0xb8;
	[tilespmem:$0x1F800] =	vst v63  }
0x55: {  	v2 =	vld [tilespmem:$0x400];
	_ =	sdelay $0x7  }
0x56: {  	[tilespmem:v2+s25+$0x0] =	vst.idx.add.f32.msk $0xffff, v1  }
0x57: {  	v2 =	vld [tilespmem:$0x410];
	_ =	sdelay $0x7  }
0x58: {  	[tilespmem:v2+s25+$0x0] =	vst.idx.add.f32.msk $0xffff, v1  }
0x59: {  	v2 =	vld [tilespmem:$0x420];
	_ =	sdelay $0x7  }
0x5a: {  	[tilespmem:v2+s25+$0x0] =	vst.idx.add.f32.msk $0xffff, v1  }
0x5b: {  	v2 =	vld [tilespmem:$0x430];
	_ =	sdelay $0x7  }
0x5c: {  	[tilespmem:v2+s25+$0x0] =	vst.idx.add.f32.msk $0xffff, v1  }
0x5d: {  	[tilespmem:s28], [sflag:$0x5] =	stream.indirect.gather [hbm4b:s4+s20], $0x80, s10, s20, $0xb8;
	[tilespmem:$0x1F800] =	vst v63  }
0x5e: {  	_ =	swait.ge [sflag:s29], $0x2000  }
0x5f: {  	[sflag:s29] =	ssyncset.done $0x0  }
0x60: {  	s26 =	simm.s32 @!p0 $0xA;
	[sflag:s29] =	ssyncadd.s32 $0xFFFFE000  }
0x61: {  	_ =	swait.ge @!p0 [sflag:s26], $0x2000  }
0x62: {  	[sflag:s26] =	ssyncset.done @!p0 $0x0  }
0x63: {  	[sflag:s26] =	ssyncadd.s32 @!p0 $0xFFFFE000;
	s26 =	simm.s32 $0x480  }
0x64: {  	[spmem:s2] =	stream.indirect.scatter.add.f32 [tilespmem:s23], [sflag:$0x8], $0x80, s26, s20, $0xb8;
	[tilespmem:$0x1F800] =	vst v63  }
0x65: {  	v2 =	vld [tilespmem:$0x480];
	_ =	sdelay $0x7  }
0x66: {  	[tilespmem:v2+s25+$0x0] =	vst.idx.add.f32.msk $0xffff, v1  }
0x67: {  	v2 =	vld [tilespmem:$0x490];
	_ =	sdelay $0x7  }
0x68: {  	[tilespmem:v2+s25+$0x0] =	vst.idx.add.f32.msk $0xffff, v1  }
0x69: {  	v2 =	vld [tilespmem:$0x4A0];
	_ =	sdelay $0x7  }
0x6a: {  	[tilespmem:v2+s25+$0x0] =	vst.idx.add.f32.msk $0xffff, v1  }
0x6b: {  	v2 =	vld [tilespmem:$0x4B0];
	_ =	sdelay $0x7  }
0x6c: {  	s30 =	sadd.s32 s18, s15;
	[tilespmem:v2+s25+$0x0] =	vst.idx.add.f32.msk $0xffff, v1  }
0x6d: {  	[tilespmem:s31], [sflag:$0x2] =	stream.linear.gather [hbm4b:s30+s3], $0x400, $0x38;
	[tilespmem:$0x1F800] =	vst v63  }
0x6e: {  	s22 =	sadd.s32 s18, s14  }
0x6f: {  	[tilespmem:s0], [sflag:$0x2] =	stream.linear.gather [hbm4b:s22+s3], $0x400, $0x38;
	[tilespmem:$0x1F800] =	vst v63  }
0x70: {  	s30 =	simm.s32 $0x180  }
0x71: {  	[tilespmem:s5], [sflag:$0x6] =	stream.indirect.gather [hbm4b:s4+s20], $0x80, s30, s20, $0xb8;
	[tilespmem:$0x1F800] =	vst v63  }
0x72: {  	_ =	swait.ge [sflag:s7], $0x2000  }
0x73: {  	[sflag:s7] =	ssyncset.done $0x0  }
0x74: {  	[sflag:s7] =	ssyncadd.s32 $0xFFFFE000  }
0x75: {  	_ =	swait.ge [sflag:s8], $0x2000  }
0x76: {  	[sflag:s8] =	ssyncset.done $0x0  }
0x77: {  	s26 =	simm.s32 $0x500;
	[sflag:s8] =	ssyncadd.s32 $0xFFFFE000  }
0x78: {  	[spmem:s2] =	stream.indirect.scatter.add.f32 [tilespmem:s28], [sflag:$0x9], $0x80, s26, s20, $0xb8;
	[tilespmem:$0x1F800] =	vst v63  }
0x79: {  	v2 =	vld [tilespmem:$0x500];
	_ =	sdelay $0x7  }
0x7a: {  	[tilespmem:v2+s25+$0x0] =	vst.idx.add.f32.msk $0xffff, v1  }
0x7b: {  	v2 =	vld [tilespmem:$0x510];
	_ =	sdelay $0x7  }
0x7c: {  	[tilespmem:v2+s25+$0x0] =	vst.idx.add.f32.msk $0xffff, v1  }
0x7d: {  	v2 =	vld [tilespmem:$0x520];
	_ =	sdelay $0x7  }
0x7e: {  	[tilespmem:v2+s25+$0x0] =	vst.idx.add.f32.msk $0xffff, v1  }
0x7f: {  	v2 =	vld [tilespmem:$0x530];
	_ =	sdelay $0x7  }
0x80: {  	s30 =	simm.s32 $0x200;
	[tilespmem:v2+s25+$0x0] =	vst.idx.add.f32.msk $0xffff, v1  }
0x81: {  	[tilespmem:s21], [sflag:$0x3] =	stream.indirect.gather [hbm4b:s4+s20], $0x80, s30, s20, $0xb8;
	[tilespmem:$0x1F800] =	vst v63  }
0x82: {  	_ =	swait.ge [sflag:s11], $0x2000  }
0x83: {  	[sflag:s11] =	ssyncset.done $0x0  }
0x84: {  	[sflag:s11] =	ssyncadd.s32 $0xFFFFE000  }
0x85: {  	_ =	swait.ge [sflag:s6], $0x2000  }
0x86: {  	[sflag:s6] =	ssyncset.done $0x0  }
0x87: {  	s26 =	simm.s32 $0x580;
	[sflag:s6] =	ssyncadd.s32 $0xFFFFE000  }
0x88: {  	[spmem:s2] =	stream.indirect.scatter.add.f32 [tilespmem:s5], [sflag:$0xA], $0x80, s26, s20, $0xb8;
	[tilespmem:$0x1F800] =	vst v63  }
0x89: {  	v2 =	vld [tilespmem:$0x580];
	_ =	sdelay $0x7  }
0x8a: {  	[tilespmem:v2+s25+$0x0] =	vst.idx.add.f32.msk $0xffff, v1  }
0x8b: {  	v2 =	vld [tilespmem:$0x590];
	_ =	sdelay $0x7  }
0x8c: {  	[tilespmem:v2+s25+$0x0] =	vst.idx.add.f32.msk $0xffff, v1  }
0x8d: {  	v2 =	vld [tilespmem:$0x5A0];
	_ =	sdelay $0x7  }
0x8e: {  	[tilespmem:v2+s25+$0x0] =	vst.idx.add.f32.msk $0xffff, v1  }
0x8f: {  	v2 =	vld [tilespmem:$0x5B0];
	_ =	sdelay $0x7  }
0x90: {  	s30 =	simm.s32 $0x280;
	[tilespmem:v2+s25+$0x0] =	vst.idx.add.f32.msk $0xffff, v1  }
0x91: {  	[tilespmem:s23], [sflag:$0x4] =	stream.indirect.gather [hbm4b:s4+s20], $0x80, s30, s20, $0xb8;
	[tilespmem:$0x1F800] =	vst v63  }
0x92: {  	_ =	swait.ge [sflag:s24], $0x2000  }
0x93: {  	[sflag:s24] =	ssyncset.done $0x0  }
0x94: {  	[sflag:s24] =	ssyncadd.s32 $0xFFFFE000  }
0x95: {  	_ =	swait.ge [sflag:s17], $0x2000  }
0x96: {  	[sflag:s17] =	ssyncset.done $0x0  }
0x97: {  	s26 =	simm.s32 $0x600;
	[sflag:s17] =	ssyncadd.s32 $0xFFFFE000  }
0x98: {  	[spmem:s2] =	stream.indirect.scatter.add.f32 [tilespmem:s21], [sflag:$0x7], $0x80, s26, s20, $0xb8;
	[tilespmem:$0x1F800] =	vst v63  }
0x99: {  	v2 =	vld [tilespmem:$0x600];
	_ =	sdelay $0x7  }
0x9a: {  	[tilespmem:v2+s25+$0x0] =	vst.idx.add.f32.msk $0xffff, v1  }
0x9b: {  	v2 =	vld [tilespmem:$0x610];
	_ =	sdelay $0x7  }
0x9c: {  	[tilespmem:v2+s25+$0x0] =	vst.idx.add.f32.msk $0xffff, v1  }
0x9d: {  	v2 =	vld [tilespmem:$0x620];
	_ =	sdelay $0x7  }
0x9e: {  	[tilespmem:v2+s25+$0x0] =	vst.idx.add.f32.msk $0xffff, v1  }
0x9f: {  	v2 =	vld [tilespmem:$0x630];
	_ =	sdelay $0x7  }
0xa0: {  	s30 =	simm.s32 $0x300;
	[tilespmem:v2+s25+$0x0] =	vst.idx.add.f32.msk $0xffff, v1  }
0xa1: {  	[tilespmem:s28], [sflag:$0x5] =	stream.indirect.gather [hbm4b:s4+s20], $0x80, s30, s20, $0xb8;
	[tilespmem:$0x1F800] =	vst v63  }
0xa2: {  	_ =	swait.ge [sflag:s29], $0x2000  }
0xa3: {  	[sflag:s29] =	ssyncset.done $0x0  }
0xa4: {  	[sflag:s29] =	ssyncadd.s32 $0xFFFFE000  }
0xa5: {  	_ =	swait.ge [sflag:s1], $0x2000  }
0xa6: {  	[sflag:s1] =	ssyncset.done $0x0  }
0xa7: {  	s26 =	simm.s32 $0x680;
	[sflag:s1] =	ssyncadd.s32 $0xFFFFE000  }
0xa8: {  	[spmem:s2] =	stream.indirect.scatter.add.f32 [tilespmem:s23], [sflag:$0x8], $0x80, s26, s20, $0xb8;
	[tilespmem:$0x1F800] =	vst v63  }
0xa9: {  	v2 =	vld [tilespmem:$0x680];
	_ =	sdelay $0x7  }
0xaa: {  	[tilespmem:v2+s25+$0x0] =	vst.idx.add.f32.msk $0xffff, v1  }
0xab: {  	v2 =	vld [tilespmem:$0x690];
	_ =	sdelay $0x7  }
0xac: {  	[tilespmem:v2+s25+$0x0] =	vst.idx.add.f32.msk $0xffff, v1  }
0xad: {  	v2 =	vld [tilespmem:$0x6A0];
	_ =	sdelay $0x7  }
0xae: {  	[tilespmem:v2+s25+$0x0] =	vst.idx.add.f32.msk $0xffff, v1  }
0xaf: {  	v2 =	vld [tilespmem:$0x6B0];
	_ =	sdelay $0x7  }
0xb0: {  	s30 =	simm.s32 $0x380;
	[tilespmem:v2+s25+$0x0] =	vst.idx.add.f32.msk $0xffff, v1  }
0xb1: {  	[tilespmem:s5], [sflag:$0x6] =	stream.indirect.gather [hbm4b:s4+s20], $0x80, s30, s20, $0xb8;
	[tilespmem:$0x1F800] =	vst v63  }
0xb2: {  	_ =	swait.ge [sflag:s7], $0x2000  }
0xb3: {  	[sflag:s7] =	ssyncset.done $0x0  }
0xb4: {  	[sflag:s7] =	ssyncadd.s32 $0xFFFFE000  }
0xb5: {  	_ =	swait.ge [sflag:s8], $0x2000  }
0xb6: {  	[sflag:s8] =	ssyncset.done $0x0  }
0xb7: {  	s26 =	simm.s32 $0x700;
	[sflag:s8] =	ssyncadd.s32 $0xFFFFE000  }
0xb8: {  	[spmem:s2] =	stream.indirect.scatter.add.f32 [tilespmem:s28], [sflag:$0x9], $0x80, s26, s20, $0xb8;
	[tilespmem:$0x1F800] =	vst v63  }
0xb9: {  	v2 =	vld [tilespmem:$0x700];
	_ =	sdelay $0x7  }
0xba: {  	[tilespmem:v2+s25+$0x0] =	vst.idx.add.f32.msk $0xffff, v1  }
0xbb: {  	v2 =	vld [tilespmem:$0x710];
	_ =	sdelay $0x7  }
0xbc: {  	[tilespmem:v2+s25+$0x0] =	vst.idx.add.f32.msk $0xffff, v1  }
0xbd: {  	v2 =	vld [tilespmem:$0x720];
	_ =	sdelay $0x7  }
0xbe: {  	[tilespmem:v2+s25+$0x0] =	vst.idx.add.f32.msk $0xffff, v1  }
0xbf: {  	v2 =	vld [tilespmem:$0x730];
	_ =	sdelay $0x7  }
0xc0: {  	[tilespmem:v2+s25+$0x0] =	vst.idx.add.f32.msk $0xffff, v1  }
0xc1: {  	_ =	swait.ge [sflag:s16], $0x400  }
0xc2: {  	[sflag:s16] =	ssyncset.done $0x0  }
0xc3: {  	[sflag:s16] =	ssyncadd.s32 $0xFFFFFC00  }
0xc4: {  	_ =	swait.ge [sflag:s16], $0x400  }
0xc5: {  	[sflag:s16] =	ssyncset.done $0x0  }
0xc6: {  	[sflag:s16] =	ssyncadd.s32 $0xFFFFFC00  }
0xc7: {  	[tilespmem:s21], [sflag:$0x3] =	stream.indirect.gather [hbm4b:s4+s20], $0x80, s31, s20, $0xb8;
	[tilespmem:$0x1F800] =	vst v63  }
0xc8: {  	_ =	swait.ge [sflag:s11], $0x2000  }
0xc9: {  	[sflag:s11] =	ssyncset.done $0x0  }
0xca: {  	[sflag:s11] =	ssyncadd.s32 $0xFFFFE000  }
0xcb: {  	_ =	swait.ge [sflag:s6], $0x2000  }
0xcc: {  	[sflag:s6] =	ssyncset.done $0x0  }
0xcd: {  	s30 =	simm.s32 $0x780;
	[sflag:s6] =	ssyncadd.s32 $0xFFFFE000  }
0xce: {  	[spmem:s2] =	stream.indirect.scatter.add.f32 [tilespmem:s5], [sflag:$0xA], $0x80, s30, s20, $0xb8;
	[tilespmem:$0x1F800] =	vst v63  }
0xcf: {  	v2 =	vld [tilespmem:$0x780];
	_ =	sdelay $0x7  }
0xd0: {  	[tilespmem:v2+s25+$0x0] =	vst.idx.add.f32.msk $0xffff, v1  }
0xd1: {  	v2 =	vld [tilespmem:$0x790];
	_ =	sdelay $0x7  }
0xd2: {  	[tilespmem:v2+s25+$0x0] =	vst.idx.add.f32.msk $0xffff, v1  }
0xd3: {  	v2 =	vld [tilespmem:$0x7A0];
	_ =	sdelay $0x7  }
0xd4: {  	[tilespmem:v2+s25+$0x0] =	vst.idx.add.f32.msk $0xffff, v1  }
0xd5: {  	v2 =	vld [tilespmem:$0x7B0];
	_ =	sdelay $0x7  }
0xd6: {  	s26 =	simm.s32 $0x880;
	[tilespmem:v2+s25+$0x0] =	vst.idx.add.f32.msk $0xffff, v1  }
0xd7: {  	[tilespmem:s23], [sflag:$0x4] =	stream.indirect.gather [hbm4b:s4+s20], $0x80, s26, s20, $0xb8;
	[tilespmem:$0x1F800] =	vst v63  }
0xd8: {  	_ =	swait.ge [sflag:s24], $0x2000  }
0xd9: {  	[sflag:s24] =	ssyncset.done $0x0  }
0xda: {  	[sflag:s24] =	ssyncadd.s32 $0xFFFFE000  }
0xdb: {  	_ =	swait.ge [sflag:s17], $0x2000  }
0xdc: {  	[sflag:s17] =	ssyncset.done $0x0  }
0xdd: {  	[sflag:s17] =	ssyncadd.s32 $0xFFFFE000  }
0xde: {  	[spmem:s2] =	stream.indirect.scatter.add.f32 [tilespmem:s21], [sflag:$0x7], $0x80, s0, s20, $0xb8;
	[tilespmem:$0x1F800] =	vst v63  }
0xdf: {  	v2 =	vld [tilespmem:$0xC00];
	_ =	sdelay $0x7  }
0xe0: {  	[tilespmem:v2+s25+$0x0] =	vst.idx.add.f32.msk $0xffff, v1  }
0xe1: {  	v2 =	vld [tilespmem:$0xC10];
	_ =	sdelay $0x7  }
0xe2: {  	[tilespmem:v2+s25+$0x0] =	vst.idx.add.f32.msk $0xffff, v1  }
0xe3: {  	v2 =	vld [tilespmem:$0xC20];
	_ =	sdelay $0x7  }
0xe4: {  	[tilespmem:v2+s25+$0x0] =	vst.idx.add.f32.msk $0xffff, v1  }
0xe5: {  	v2 =	vld [tilespmem:$0xC30];
	_ =	sdelay $0x7  }
0xe6: {  	s30 =	simm.s32 $0x900;
	[tilespmem:v2+s25+$0x0] =	vst.idx.add.f32.msk $0xffff, v1  }
0xe7: {  	[tilespmem:s28], [sflag:$0x5] =	stream.indirect.gather [hbm4b:s4+s20], $0x80, s30, s20, $0xb8;
	[tilespmem:$0x1F800] =	vst v63  }
0xe8: {  	_ =	swait.ge [sflag:s29], $0x2000  }
0xe9: {  	[sflag:s29] =	ssyncset.done $0x0  }
0xea: {  	[sflag:s29] =	ssyncadd.s32 $0xFFFFE000  }
0xeb: {  	_ =	swait.ge [sflag:s1], $0x2000  }
0xec: {  	[sflag:s1] =	ssyncset.done $0x0  }
0xed: {  	s26 =	simm.s32 $0xC80;
	[sflag:s1] =	ssyncadd.s32 $0xFFFFE000  }
0xee: {  	[spmem:s2] =	stream.indirect.scatter.add.f32 [tilespmem:s23], [sflag:$0x8], $0x80, s26, s20, $0xb8;
	[tilespmem:$0x1F800] =	vst v63  }
0xef: {  	v2 =	vld [tilespmem:$0xC80];
	_ =	sdelay $0x7  }
0xf0: {  	[tilespmem:v2+s25+$0x0] =	vst.idx.add.f32.msk $0xffff, v1  }
0xf1: {  	v2 =	vld [tilespmem:$0xC90];
	_ =	sdelay $0x7  }
0xf2: {  	[tilespmem:v2+s25+$0x0] =	vst.idx.add.f32.msk $0xffff, v1  }
0xf3: {  	v2 =	vld [tilespmem:$0xCA0];
	_ =	sdelay $0x7  }
0xf4: {  	[tilespmem:v2+s25+$0x0] =	vst.idx.add.f32.msk $0xffff, v1  }
0xf5: {  	v2 =	vld [tilespmem:$0xCB0];
	_ =	sdelay $0x6  }
0xf6: {  	p0 =	seq.s32 s18, $0x900  }
0xf7: {  	s30 =	sadd.s32 @!p0 s18, s13;
	s26 =	simm.s32 @!p0 $0x0;
	[tilespmem:v2+s25+$0x0] =	vst.idx.add.f32.msk $0xffff, v1  }
0xf8: {  	[tilespmem:s26], [sflag:$0x1] =	stream.linear.gather @!p0 [hbm4b:s30+s26], $0x400, $0x38;
	[tilespmem:$0x1F800] =	vst v63  }
0xf9: {  	s22 =	simm.s32 @!p0 $0x400;
	s30 =	sadd.s32 @!p0 s18, s12  }
0xfa: {  	[tilespmem:s22], [sflag:$0x1] =	stream.linear.gather @!p0 [hbm4b:s30+s26], $0x400, $0x38;
	[tilespmem:$0x1F800] =	vst v63  }
0xfb: {  	s30 =	simm.s32 $0x980  }
0xfc: {  	[tilespmem:s5], [sflag:$0x6] =	stream.indirect.gather [hbm4b:s4+s20], $0x80, s30, s20, $0xb8;
	[tilespmem:$0x1F800] =	vst v63  }
0xfd: {  	_ =	swait.ge [sflag:s7], $0x2000  }
0xfe: {  	[sflag:s7] =	ssyncset.done $0x0  }
0xff: {  	[sflag:s7] =	ssyncadd.s32 $0xFFFFE000  }
0x100: {  	_ =	swait.ge [sflag:s8], $0x2000  }
0x101: {  	[sflag:s8] =	ssyncset.done $0x0  }
0x102: {  	s30 =	simm.s32 $0xD00;
	[sflag:s8] =	ssyncadd.s32 $0xFFFFE000  }
0x103: {  	[spmem:s2] =	stream.indirect.scatter.add.f32 [tilespmem:s28], [sflag:$0x9], $0x80, s30, s20, $0xb8;
	[tilespmem:$0x1F800] =	vst v63  }
0x104: {  	v2 =	vld [tilespmem:$0xD00];
	_ =	sdelay $0x7  }
0x105: {  	[tilespmem:v2+s25+$0x0] =	vst.idx.add.f32.msk $0xffff, v1  }
0x106: {  	v2 =	vld [tilespmem:$0xD10];
	_ =	sdelay $0x7  }
0x107: {  	[tilespmem:v2+s25+$0x0] =	vst.idx.add.f32.msk $0xffff, v1  }
0x108: {  	v2 =	vld [tilespmem:$0xD20];
	_ =	sdelay $0x7  }
0x109: {  	[tilespmem:v2+s25+$0x0] =	vst.idx.add.f32.msk $0xffff, v1  }
0x10a: {  	v2 =	vld [tilespmem:$0xD30];
	_ =	sdelay $0x7  }
0x10b: {  	s30 =	simm.s32 $0xA00;
	[tilespmem:v2+s25+$0x0] =	vst.idx.add.f32.msk $0xffff, v1  }
0x10c: {  	[tilespmem:s21], [sflag:$0x3] =	stream.indirect.gather [hbm4b:s4+s20], $0x80, s30, s20, $0xb8;
	[tilespmem:$0x1F800] =	vst v63  }
0x10d: {  	_ =	swait.ge [sflag:s11], $0x2000  }
0x10e: {  	[sflag:s11] =	ssyncset.done $0x0  }
0x10f: {  	[sflag:s11] =	ssyncadd.s32 $0xFFFFE000  }
0x110: {  	_ =	swait.ge [sflag:s6], $0x2000  }
0x111: {  	[sflag:s6] =	ssyncset.done $0x0  }
0x112: {  	s30 =	simm.s32 $0xD80;
	[sflag:s6] =	ssyncadd.s32 $0xFFFFE000  }
0x113: {  	[spmem:s2] =	stream.indirect.scatter.add.f32 [tilespmem:s5], [sflag:$0xA], $0x80, s30, s20, $0xb8;
	[tilespmem:$0x1F800] =	vst v63  }
0x114: {  	v2 =	vld [tilespmem:$0xD80];
	_ =	sdelay $0x7  }
0x115: {  	[tilespmem:v2+s25+$0x0] =	vst.idx.add.f32.msk $0xffff, v1  }
0x116: {  	v2 =	vld [tilespmem:$0xD90];
	_ =	sdelay $0x7  }
0x117: {  	[tilespmem:v2+s25+$0x0] =	vst.idx.add.f32.msk $0xffff, v1  }
0x118: {  	v2 =	vld [tilespmem:$0xDA0];
	_ =	sdelay $0x7  }
0x119: {  	[tilespmem:v2+s25+$0x0] =	vst.idx.add.f32.msk $0xffff, v1  }
0x11a: {  	v2 =	vld [tilespmem:$0xDB0];
	_ =	sdelay $0x7  }
0x11b: {  	s30 =	simm.s32 $0xA80;
	[tilespmem:v2+s25+$0x0] =	vst.idx.add.f32.msk $0xffff, v1  }
0x11c: {  	[tilespmem:s23], [sflag:$0x4] =	stream.indirect.gather [hbm4b:s4+s20], $0x80, s30, s20, $0xb8;
	[tilespmem:$0x1F800] =	vst v63  }
0x11d: {  	_ =	swait.ge [sflag:s24], $0x2000  }
0x11e: {  	[sflag:s24] =	ssyncset.done $0x0  }
0x11f: {  	[sflag:s24] =	ssyncadd.s32 $0xFFFFE000  }
0x120: {  	_ =	swait.ge [sflag:s17], $0x2000  }
0x121: {  	[sflag:s17] =	ssyncset.done $0x0  }
0x122: {  	s30 =	simm.s32 $0xE00;
	[sflag:s17] =	ssyncadd.s32 $0xFFFFE000  }
0x123: {  	[spmem:s2] =	stream.indirect.scatter.add.f32 [tilespmem:s21], [sflag:$0x7], $0x80, s30, s20, $0xb8;
	[tilespmem:$0x1F800] =	vst v63  }
0x124: {  	v2 =	vld [tilespmem:$0xE00];
	_ =	sdelay $0x7  }
0x125: {  	[tilespmem:v2+s25+$0x0] =	vst.idx.add.f32.msk $0xffff, v1  }
0x126: {  	v2 =	vld [tilespmem:$0xE10];
	_ =	sdelay $0x7  }
0x127: {  	[tilespmem:v2+s25+$0x0] =	vst.idx.add.f32.msk $0xffff, v1  }
0x128: {  	v2 =	vld [tilespmem:$0xE20];
	_ =	sdelay $0x7  }
0x129: {  	[tilespmem:v2+s25+$0x0] =	vst.idx.add.f32.msk $0xffff, v1  }
0x12a: {  	v2 =	vld [tilespmem:$0xE30];
	_ =	sdelay $0x7  }
0x12b: {  	s30 =	simm.s32 $0xB00;
	[tilespmem:v2+s25+$0x0] =	vst.idx.add.f32.msk $0xffff, v1  }
0x12c: {  	[tilespmem:s28], [sflag:$0x5] =	stream.indirect.gather [hbm4b:s4+s20], $0x80, s30, s20, $0xb8;
	[tilespmem:$0x1F800] =	vst v63  }
0x12d: {  	_ =	swait.ge [sflag:s29], $0x2000  }
0x12e: {  	[sflag:s29] =	ssyncset.done $0x0  }
0x12f: {  	[sflag:s29] =	ssyncadd.s32 $0xFFFFE000  }
0x130: {  	_ =	swait.ge [sflag:s1], $0x2000  }
0x131: {  	[sflag:s1] =	ssyncset.done $0x0  }
0x132: {  	s30 =	simm.s32 $0xE80;
	[sflag:s1] =	ssyncadd.s32 $0xFFFFE000  }
0x133: {  	[spmem:s2] =	stream.indirect.scatter.add.f32 [tilespmem:s23], [sflag:$0x8], $0x80, s30, s20, $0xb8;
	[tilespmem:$0x1F800] =	vst v63  }
0x134: {  	v2 =	vld [tilespmem:$0xE80];
	_ =	sdelay $0x7  }
0x135: {  	[tilespmem:v2+s25+$0x0] =	vst.idx.add.f32.msk $0xffff, v1  }
0x136: {  	v2 =	vld [tilespmem:$0xE90];
	_ =	sdelay $0x7  }
0x137: {  	[tilespmem:v2+s25+$0x0] =	vst.idx.add.f32.msk $0xffff, v1  }
0x138: {  	v2 =	vld [tilespmem:$0xEA0];
	_ =	sdelay $0x7  }
0x139: {  	[tilespmem:v2+s25+$0x0] =	vst.idx.add.f32.msk $0xffff, v1  }
0x13a: {  	v2 =	vld [tilespmem:$0xEB0];
	_ =	sdelay $0x7  }
0x13b: {  	s30 =	simm.s32 $0xB80;
	[tilespmem:v2+s25+$0x0] =	vst.idx.add.f32.msk $0xffff, v1  }
0x13c: {  	[tilespmem:s5], [sflag:$0x6] =	stream.indirect.gather [hbm4b:s4+s20], $0x80, s30, s20, $0xb8;
	[tilespmem:$0x1F800] =	vst v63  }
0x13d: {  	_ =	swait.ge [sflag:s7], $0x2000  }
0x13e: {  	[sflag:s7] =	ssyncset.done $0x0  }
0x13f: {  	[sflag:s7] =	ssyncadd.s32 $0xFFFFE000  }
0x140: {  	_ =	swait.ge [sflag:s8], $0x2000  }
0x141: {  	[sflag:s8] =	ssyncset.done $0x0  }
0x142: {  	s30 =	simm.s32 $0xF00;
	[sflag:s8] =	ssyncadd.s32 $0xFFFFE000  }
0x143: {  	[spmem:s2] =	stream.indirect.scatter.add.f32 [tilespmem:s28], [sflag:$0x9], $0x80, s30, s20, $0xb8;
	[tilespmem:$0x1F800] =	vst v63  }
0x144: {  	v2 =	vld [tilespmem:$0xF00];
	_ =	sdelay $0x7  }
0x145: {  	[tilespmem:v2+s25+$0x0] =	vst.idx.add.f32.msk $0xffff, v1  }
0x146: {  	v2 =	vld [tilespmem:$0xF10];
	_ =	sdelay $0x7  }
0x147: {  	[tilespmem:v2+s25+$0x0] =	vst.idx.add.f32.msk $0xffff, v1  }
0x148: {  	v2 =	vld [tilespmem:$0xF20];
	_ =	sdelay $0x7  }
0x149: {  	[tilespmem:v2+s25+$0x0] =	vst.idx.add.f32.msk $0xffff, v1  }
0x14a: {  	v2 =	vld [tilespmem:$0xF30];
	_ =	sdelay $0x7  }
0x14b: {  	s22 =	simm.s32 @!p0 $0x1;
	[tilespmem:v2+s25+$0x0] =	vst.idx.add.f32.msk $0xffff, v1  }
0x14c: {  	_ =	swait.ge @!p0 [sflag:s22], $0x400  }
0x14d: {  	[sflag:s22] =	ssyncset.done @!p0 $0x0  }
0x14e: {  	[sflag:s22] =	ssyncadd.s32 @!p0 $0xFFFFFC00  }
0x14f: {  	_ =	swait.ge @!p0 [sflag:s22], $0x400  }
0x150: {  	[sflag:s22] =	ssyncset.done @!p0 $0x0  }
0x151: {  	s30 =	simm.s32 @!p0 $0x1000;
	[sflag:s22] =	ssyncadd.s32 @!p0 $0xFFFFFC00;
	s22 =	simm.s32 @!p0 $0x40  }
0x152: {  	[tilespmem:s30], [sflag:$0x3] =	stream.indirect.gather @!p0 [hbm4b:s4+s22], $0x80, s26, s22, $0xb8;
	[tilespmem:$0x1F800] =	vst v63  }
0x153: {  	_ =	swait.ge [sflag:s11], $0x2000  }
0x154: {  	[sflag:s11] =	ssyncset.done $0x0  }
0x155: {  	[sflag:s11] =	ssyncadd.s32 $0xFFFFE000  }
0x156: {  	_ =	swait.ge [sflag:s6], $0x2000  }
0x157: {  	[sflag:s6] =	ssyncset.done $0x0  }
0x158: {  	[sflag:s6] =	ssyncadd.s32 $0xFFFFE000  }
0x159: {  	[spmem:s2] =	stream.indirect.scatter.add.f32 [tilespmem:s5], [sflag:$0xA], $0x80, s19, s20, $0xb8;
	[tilespmem:$0x1F800] =	vst v63  }
0x15a: {  	v2 =	vld [tilespmem:$0xF80];
	_ =	sdelay $0x7  }
0x15b: {  	[tilespmem:v2+s25+$0x0] =	vst.idx.add.f32.msk $0xffff, v1  }
0x15c: {  	v2 =	vld [tilespmem:$0xF90];
	_ =	sdelay $0x7  }
0x15d: {  	[tilespmem:v2+s25+$0x0] =	vst.idx.add.f32.msk $0xffff, v1  }
0x15e: {  	v2 =	vld [tilespmem:$0xFA0];
	_ =	sdelay $0x7  }
0x15f: {  	[tilespmem:v2+s25+$0x0] =	vst.idx.add.f32.msk $0xffff, v1  }
0x160: {  	v2 =	vld [tilespmem:$0xFB0];
	_ =	sdelay $0x3  }
.Ltmp3:
0x161: {  	_ = 	snop;
	(pc) =	sbr.rel @p0 .LBB2_6-.Ltmp3, $2  }
0x162: {  	_ =	sdelay $0x2  }
0x163: {  	[tilespmem:v2+s25+$0x0] =	vst.idx.add.f32.msk $0xffff, v1  }
.Ltmp4:
0x164: {  	(pc) =	sbr.rel .LBB2_4-.Ltmp4, $3  }
0x165: {  	_ =	sdelay $0x1  }
0x166: {  	[tilespmem:s23], [sflag:$0x4] =	stream.indirect.gather [hbm4b:s4+s20], $0x80, s9, s20, $0xb8;
	[tilespmem:$0x1F800] =	vst v63  }
0x167: {  	s18 =	sadd.s32 $0x100, s18  }
.LBB2_7:
0x168: {  	_ =	sfence.sel $0x180000  }
0x169: {  	[bflag:$0x0] =	sbarrier.arrive $0xFFFF  }
0x16a: {  	_ =	strace $0x90000047  }
0x16b: {  	s0 =	stileid.u32;
	[bflag:$0x2] =	sbarrier.arrive $0xFFFF  }
0x16c: {  	p0 =	sne.s32 s0, $0x0;
	s0 =	rddreg [dreg:$0x3]  }
0x16d: {  	s0 =	sadd.s32 @!p0 $0x100000, s0  }
0x16e: {  	[sflag:s0] =	ssyncadd.tile.s32 @!p0 $0x1;
	_ =	shalt  }
.Lfunc_end2:
_tile_overlayer_lowered:
.L_overlay_start_2:
0x16f: {  	(tag) =	ssettag $0x2  }
0x170: {  	s0 =	rddreg [dreg:$0x0];
	s2 =	stileid.u32  }
0x171: {  	s1 =	rddreg [dreg:$0x1];
	p0 =	sne.s32 s2, $0x0  }
0x172: {  	s3 =	rddreg [dreg:$0x2];
	[bflag:$0x3] =	sbarrier.arrive $0xFFFF;
	s2 =	simm.s32 @!p0 $0x1C0B  }
0x173: {  	[timem:s3], [sflag:s2] =	dma.local @!p0 [hbm:s0], s1  }
0x174: {  	s0 =	simm.s32 @!p0 $0xB  }
0x175: {  	_ =	swait.ge @!p0 [sflag:s0], s1  }
0x176: {  	s1 =	ssub.s32 @!p0 $0x0, s1;
	[sflag:s0] =	ssyncset.done @!p0 $0x0  }
0x177: {  	[sflag:s0] =	ssyncadd.s32 @!p0 s1  }
0x178: {  	[bflag:$0x3] =	sbarrier.arrive $0xFFFF  }
0x179: {  	_ =	shalt  }

// kernel: sage_sc_agg_320_0.3.cloned.1.call-start
scs
__scs_entry_jumppad:
0x0: {  	(pc) =	sbr.rel $0x88, $3  }
0x1: {  	(tag) =	ssettag $0x0;
	lr =	simm.s32 $0x1  }
0x2: {  	[smem:$0x3F96] =	sst lr;
	_ =	strace $0xD0000000  }
0x3: {  	_ = 	snop  }
0x4: {  	_ = 	snop  }
0x5: {  	_ = 	snop  }
0x6: {  	_ = 	snop  }
0x7: {  	_ = 	snop  }
__scs_overlays_trampoline_lowered:
0x8: {  	[smem:$0x3FA5] =	sst s0  }
0x9: {  	[smem:$0x3FA6] =	sst s1  }
0xa: {  	[smem:$0x3FA7] =	sst s2  }
0xb: {  	[smem:$0x3FA8] =	sst s3  }
0xc: {  	[smem:$0x3FA9] =	sst s4  }
0xd: {  	[smem:$0x3FAA] =	sst s5  }
0xe: {  	[smem:$0x3FAB] =	sst s6  }
0xf: {  	[smem:$0x3FAC] =	sst s7  }
0x10: {  	[smem:$0x3FAD] =	sst s8  }
0x11: {  	[smem:$0x3FAE] =	sst s9;
	s0 =	simm.s32 @!p0 $0x0  }
0x12: {  	s1 =	sld [smem:$0x3F94];
	s0 =	simm.s32 @p0 $0x1  }
0x13: {  	[smem:$0x3FAF] =	sst s0;
	s0 =	simm.s32 @!p1 $0x0  }
0x14: {  	s2 =	sld [smem:$0x3F93];
	s0 =	simm.s32 @p1 $0x1  }
0x15: {  	[smem:$0x3FB0] =	sst s0;
	s0 =	simm.s32 @!p2 $0x0  }
0x16: {  	s3 =	sld [smem:$0x3FDB];
	s0 =	simm.s32 @p2 $0x1  }
0x17: {  	s4 =	simm.s32 $0x1BF5;
	[smem:$0x3FB2] =	sst s0  }
0x18: {  	s0 =	sld [smem:$0x3F95];
	_ =	swait.ge [sflag:s4], $0x0  }
0x19: {  	s7 =	sld [smem:$0x3F96]  }
0x1a: {  	s8 =	sadd.s32 $0xFFFFE003, lr  }
0x1b: {  	s9 =	sadd.s32 $0xFFFFFEF7, lr;
	s5 =	simm.s32 $0xFFFFFFFF;
	p2 =	slt.u32 s8, $0xFFFFF086  }
0x1c: {  	p1 =	slt.u32 s9, $0xF7A;
	s5 =	simm.s32 @!p2 $0x0  }
0x1d: {  	s5 =	simm.s32 @p1 $0x1;
	p0 =	seq.s32 s7, s2  }
0x1e: {  	s7 =	smul.u32 @!p0 $0xF7A, s2;
	p2 =	seq.s32 @!p0 s5, $0x0  }
0x1f: {  	s9 =	smul.u32 $0xF7A, s1;
	s8 =	simm.s32 @!p0 $0x1BF5;
	p2 =	por !p2, p0  }
0x20: {  	[sflag:s8] =	ssyncset.s32 @!p0 $0xFFFFF086;
	s6 =	sadd.s32 @!p0 s3, s7;
	s7 =	simm.s32 @!p0 $0x108  }
0x21: {  	s3 =	sadd.s32 s3, s9;
	s6 =	sadd.s32 @!p0 $0x88, s6;
	s7 =	simm.s32 @p2 $0x1082  }
0x22: {  	[simem:s7], [sflag:s8] =	dma.local @!p0 [hbm:s6], $0xF7A  }
0x23: {  	s9 =	sor.u32 $0xD0000000, s2;
	s6 =	simm.s32 $0x108;
	_ =	swait.ge @!p0 [sflag:s8], $0x0  }
0x24: {  	s3 =	sadd.s32 $0x88, s3;
	s6 =	simm.s32 @!p1 $0x1082;
	[sflag:s4] =	ssyncset.s32 $0xFFFFF086  }
0x25: {  	[simem:s6], [sflag:s4] =	dma.local [hbm:s3], $0xF7A  }
0x26: {  	[smem:$0x3F96] =	sst s1;
	(tag) =	ssettag s2;
	_ =	strace s9  }
0x27: {  	s1 =	sld [smem:$0x3FA6]  }
0x28: {  	s2 =	sld [smem:$0x3FA7]  }
0x29: {  	s4 =	sld [smem:$0x3FA9]  }
0x2a: {  	p0 =	seq.s32 s5, $0x0;
	s5 =	sld [smem:$0x3FAA]  }
0x2b: {  	s6 =	sld [smem:$0x3FAB]  }
0x2c: {  	s7 =	sld [smem:$0x3FAC]  }
0x2d: {  	s3 =	simm.s32 $0x108;
	s8 =	sld [smem:$0x3FAD]  }
0x2e: {  	s3 =	simm.s32 @!p0 $0x1082;
	s9 =	sld [smem:$0x3FAE]  }
0x2f: {  	lr =	sadd.s32 s0, s3;
	s0 =	sld [smem:$0x3FA5]  }
0x30: {  	s3 =	sld [smem:$0x3FA8]  }
0x31: {  	[smem:$0x3FB1] =	sst s10  }
0x32: {  	s10 =	sld [smem:$0x3FAF];
	_ =	sdelay $0x3  }
0x33: {  	p0 =	seq.s32 s10, $0x1;
	s10 =	sld [smem:$0x3FB1];
	_ =	sdelay $0x3  }
0x34: {  	[smem:$0x3FB1] =	sst s10  }
0x35: {  	s10 =	sld [smem:$0x3FB0];
	_ =	sdelay $0x3  }
0x36: {  	p1 =	seq.s32 s10, $0x1;
	s10 =	sld [smem:$0x3FB1];
	_ =	sdelay $0x3  }
0x37: {  	[smem:$0x3FB1] =	sst s10  }
0x38: {  	s10 =	sld [smem:$0x3FB2]  }
0x39: {  	_ = 	snop;
	(pc) =	sbr.ind lr, $3  }
0x3a: {  	_ = 	snop  }
0x3b: {  	_ = 	snop  }
0x3c: {  	p2 =	seq.s32 s10, $0x1;
	s10 =	sld [smem:$0x3FB1]  }
0x3d: {  	_ =	shalt  }
0x3e: {  	_ =	shalt  }
0x3f: {  	_ =	shalt  }
0x40: {  	_ =	shalt  }
0x41: {  	_ =	shalt  }
0x42: {  	_ =	shalt  }
0x43: {  	_ =	shalt  }
0x44: {  	_ =	shalt  }
0x45: {  	_ =	shalt  }
0x46: {  	_ =	shalt  }
0x47: {  	_ =	shalt  }
0x48: {  	_ =	shalt  }
0x49: {  	_ =	shalt  }
0x4a: {  	_ =	shalt  }
0x4b: {  	_ =	shalt  }
0x4c: {  	_ =	shalt  }
0x4d: {  	_ =	shalt  }
0x4e: {  	_ =	shalt  }
0x4f: {  	_ =	shalt  }
0x50: {  	_ =	shalt  }
0x51: {  	_ =	shalt  }
0x52: {  	_ =	shalt  }
0x53: {  	_ =	shalt  }
0x54: {  	_ =	shalt  }
0x55: {  	_ =	shalt  }
0x56: {  	_ =	shalt  }
0x57: {  	_ =	shalt  }
0x58: {  	_ =	shalt  }
0x59: {  	_ =	shalt  }
0x5a: {  	_ =	shalt  }
0x5b: {  	_ =	shalt  }
0x5c: {  	_ =	shalt  }
0x5d: {  	_ =	shalt  }
0x5e: {  	_ =	shalt  }
0x5f: {  	_ =	shalt  }
0x60: {  	_ =	shalt  }
0x61: {  	_ =	shalt  }
0x62: {  	_ =	shalt  }
0x63: {  	_ =	shalt  }
0x64: {  	_ =	shalt  }
0x65: {  	_ =	shalt  }
0x66: {  	_ =	shalt  }
0x67: {  	_ =	shalt  }
0x68: {  	_ =	shalt  }
0x69: {  	_ =	shalt  }
0x6a: {  	_ =	shalt  }
0x6b: {  	_ =	shalt  }
0x6c: {  	_ =	shalt  }
0x6d: {  	_ =	shalt  }
0x6e: {  	_ =	shalt  }
0x6f: {  	_ =	shalt  }
0x70: {  	_ =	shalt  }
0x71: {  	_ =	shalt  }
0x72: {  	_ =	shalt  }
0x73: {  	_ =	shalt  }
0x74: {  	_ =	shalt  }
0x75: {  	_ =	shalt  }
0x76: {  	_ =	shalt  }
0x77: {  	_ =	shalt  }
0x78: {  	_ =	shalt  }
0x79: {  	_ =	shalt  }
0x7a: {  	_ =	shalt  }
0x7b: {  	_ =	shalt  }
0x7c: {  	_ =	shalt  }
0x7d: {  	_ =	shalt  }
0x7e: {  	_ =	shalt  }
0x7f: {  	_ =	shalt  }
0x80: {  	_ =	shalt  }
0x81: {  	_ =	shalt  }
0x82: {  	_ =	shalt  }
0x83: {  	_ =	shalt  }
0x84: {  	_ =	shalt  }
0x85: {  	_ =	shalt  }
0x86: {  	_ =	shalt  }
0x87: {  	_ =	shalt  }
.Lfunc_end0:
.L_simem_size_0:
called_computation.1_lowered:
.L_overlay_start_0:
0x88: {  	s2 =	sld [smem:$0x3FD9]  }
0x89: {  	s3 =	sld [smem:$0x3FFE];
	_ =	sdelay $0x1  }
0x8a: {  	s1 =	srdreg.scid  }
0x8b: {  	s0 =	sand.u32 $0x1, s1  }
0x8c: {  	s16 =	sshll.u32 s0, $0xA;
	s2 =	sadd.s32 s3, s2  }
0x8d: {  	s2 =	sadd.s32 s2, s16  }
0x8e: {  	[smem:$0x3FBD] =	sst s2  }
0x8f: {  	_ = 	snop  }
0x90: {  	(tm) =	ssettm $0x1  }
0x91: {  	s17 =	sld [smem:$0x3FFB];
	_ =	sdelay $0x3  }
0x92: {  	_ =	strace s17  }
0x93: {  	s2 =	sld [smem:$0x3FFC];
	_ =	sdelay $0x3  }
0x94: {  	_ =	strace s2  }
0x95: {  	s2 =	sld [smem:$0x3FFD];
	_ =	sdelay $0x3  }
0x96: {  	_ =	strace s2  }
0x97: {  	_ =	strace $0x8FFFFFFF  }
0x98: {  	s18 =	sld [smem:$0x3FDB];
	_ =	sdelay $0x1  }
0x99: {  	s19 =	simm.s32 $_scs_section_size  }
0x9a: {  	s4 =	simm.s32 $_size__tile_overlayer_lowered;
	s5 =	simm.s32 $_tile_overlayer_lowered  }
0x9b: {  	s22 =	simm.s32 $0x1BFF;
	s21 =	sshll.u32 s5, $0x1;
	s2 =	sadd.s32 s19, s18  }
0x9c: {  	s6 =	simm.s32 $0x0;
	s20 =	sshll.u32 s4, $0x1;
	s4 =	sadd.s32 s21, s2  }
0x9d: {  	[timem:s6], [sflag:s22] =	dma.local [hbm:s4], s20  }
0x9e: {  	_ =	swait.ge [sflag:s22], s20  }
0x9f: {  	s3 =	ssub.s32 $0x0, s20;
	[sflag:s22] =	ssyncset.done $0x0  }
0xa0: {  	[sflag:s22] =	ssyncadd.s32 s3;
	_ =	sdelay $0x1  }
0xa1: {  	s23 =	simm.s32 $0x1B8B  }
0xa2: {  	_ =	swait.ge [sflag:s23], $0x1  }
0xa3: {  	[sflag:s23] =	ssyncset.done $0x0  }
0xa4: {  	s25 =	simm.s32 $0x1B8E;
	s24 =	sld [smem:$0x3FFE];
	[sflag:s23] =	ssyncadd.s32 $0xFFFFFFFF  }
0xa5: {  	s26 =	simm.s32 $execute0_lowered;
	[smem:$0x3FD2] =	sst s25  }
0xa6: {  	s4 =	sshll.u32 s26, $0x1;
	_ =	strace $0x80000049;
	[dreg:$0x1] =	wrdreg $0xFFFFFFFF  }
0xa7: {  	s28 =	simm.s32 $_size_execute0_lowered;
	s2 =	sadd.s32 s2, s4;
	[dreg:$0x0] =	wrdreg $0x0  }
0xa8: {  	s4 =	sshll.u32 s28, $0x1;
	[dreg:$0x2] =	wrdreg s2  }
0xa9: {  	[dreg:$0x3] =	wrdreg s4  }
0xaa: {  	[dreg:$0x4] =	wrdreg $0xC0  }
0xab: {  	_ =	task [dreg:s6], $0x5FFFF  }
0xac: {  	[dreg:$0x1] =	wrdreg $0xFFFFFFFF  }
0xad: {  	[dreg:$0x0] =	wrdreg $0x60  }
0xae: {  	[dreg:$0x2] =	wrdreg s24  }
0xaf: {  	[dreg:$0x3] =	wrdreg $0x90000  }
0xb0: {  	[dreg:$0x4] =	wrdreg $0x9  }
0xb1: {  	_ =	task.clear_ibuf [dreg:s6], $0x5FFFF;
	_ =	strace $0x90000049  }
0xb2: {  	s29 =	simm.s32 $0x9;
	_ =	strace $0x8000004B  }
0xb3: {  	_ =	swait.ge [sflag:s29], $0x1  }
0xb4: {  	[sflag:s29] =	ssyncadd.s32 $0xFFFFFFFF  }
0xb5: {  	_ =	strace $0x9000004B  }
0xb6: {  	_ =	sfence  }
0xb7: {  	s30 =	sld [smem:$0x0];
	_ =	sdelay $0x2  }
0xb8: {  	s31 =	sshll.u32 s1, $0xD;
	s1 =	sshrl.u32 s1, $0x2  }
0xb9: {  	s3 =	sand.u32 $0x4000, s31;
	s1 =	sadd.s32 s1, s30  }
0xba: {  	s0 =	sor.u32 s3, s0;
	s1 =	sshll.u32 s1, $0x11  }
0xbb: {  	s0 =	sor.u32 s1, s0  }
0xbc: {  	s0 =	sadd.s32 $0x8F2B, s0  }
0xbd: {  	[sflag:s0] =	ssyncadd.remote.s32 $0x1  }
0xbe: {  	_ =	sfence.sel $0xFFFF  }
0xbf: {  	[dreg:$0x0] =	wrdreg $0xFFFFFFFF;
	(pc) =	sbr.abs _section_cstart, $3  }
0xc0: {  	[dreg:$0x1] =	wrdreg $0xFFFFFFFF  }
0xc1: {  	_ =	task.clear_ibuf [dreg:s6], $0x2FFFF;
	_ =	strace $0x9FFFFFFF  }
0xc2: {  	(tm) =	ssettm $0x7FFFFFFF  }
0xc3: {  	_ =	shalt  }
tec
execute0_lowered:
.L_overlay_start_1:
0x0: {  	(tag) =	ssettag $0x1  }
0x1: {  	s0 =	rddreg [dreg:$0x0]  }
0x2: {  	s2 =	rddreg [dreg:$0x1];
	s3 =	simm.s32 $0x0  }
0x3: {  	s13 =	stileid.u32;
	s5 =	srdreg.scid;
	s29 =	simm.s32 $0x7000  }
0x4: {  	s30 =	simm.s32 $0x5;
	s31 =	simm.s32 $0x7;
	s16 =	simm.s32 $0x4  }
0x5: {  	s17 =	simm.s32 $0x2;
	s28 =	simm.s32 $0xB80;
	s1 =	smul.u32 $0x14000, s13  }
0x6: {  	[smem:$0x7FF] =	sst s3;
	s4 =	sadd.s32 $0x67A00, s0;
	s10 =	smul.u32 $0x50000, s13  }
0x7: {  	s5 =	sand.u32 $0x1, s5;
	s6 =	sadd.s32 $0xC1A00, s0;
	s12 =	smul.u32 $0xA000, s13  }
0x8: {  	s9 =	sadd.s32 $0xE9A00, s0;
	s21 =	sshll.u32 s13, $0x6;
	s8 =	smul.u32 $0x140000, s5  }
0x9: {  	_ =	strace $0x8000004A;
	s18 =	ssub.s32 $0x2, s5;
	s5 =	smul.u32 $0xA0000, s5  }
0xa: {  	s15 =	sor.u32 $0x1C0B, s21;
	s21 =	simm.s32 $0xA;
	s7 =	sshrl.u32 s1, $0x3  }
0xb: {  	s11 =	sshrl.u32 s18, $0x1;
	s20 =	sshrl.u32 s10, $0x2;
	s10 =	simm.s32 $0x9  }
0xc: {  	[dreg:$0x4] =	wrdreg s15;
	s7 =	sadd.s32 s7, s0;
	s1 =	sadd.s32 s1, s8  }
0xd: {  	s19 =	ssub.s32 s18, s11;
	s8 =	sadd.s32 s20, s2;
	s5 =	sadd.s32 s12, s5  }
0xe: {  	s18 =	simm.s32 $0x1;
	s20 =	simm.s32 $0x1000;
	s1 =	sshrl.u32 s1, $0x3  }
0xf: {  	s7 =	sadd.s32 $0x3FA00, s7;
	s22 =	sshrl.u32 s5, $0x3;
	s24 =	sor.u32 $0x800, s5  }
0x10: {  	s5 =	sor.u32 $0x400, s5;
	s0 =	sadd.s32 s1, s0;
	[dreg:$0x3] =	wrdreg s7  }
0x11: {  	s23 =	sadd.s32 s6, s22;
	s7 =	sadd.s32 s9, s22;
	s25 =	sshrl.u32 s24, $0x3  }
0x12: {  	s1 =	smax.u32 s19, $0x1;
	s26 =	sshrl.u32 s5, $0x3;
	s24 =	simm.s32 $0xB  }
0x13: {  	s19 =	simm.s32 $0x40;
	s22 =	simm.s32 $0x3000;
	[dreg:$0x5] =	wrdreg s23  }
0x14: {  	s5 =	simm.s32 $0x6;
	[dreg:$0x6] =	wrdreg s7;
	s0 =	sadd.s32 $0x111A00, s0  }
0x15: {  	[dreg:$0x8] =	wrdreg s1;
	s11 =	sadd.s32 s25, s9;
	s12 =	sadd.s32 s25, s6  }
.Ltmp0:
0x16: {  	s13 =	sadd.s32 s26, s9;
	s14 =	sadd.s32 s26, s6;
	(pc) =	sbr.rel .LBB2_1-.Ltmp0, $4  }
0x17: {  	s9 =	sshrl.u32 s8, $0x3;
	s23 =	simm.s32 $0x3;
	s25 =	simm.s32 $0x800  }
0x18: {  	s26 =	simm.s32 $0xC00;
	s6 =	simm.s32 $0x0;
	[dreg:$0x7] =	wrdreg s0  }
0x19: {  	s1 =	simm.s32 $0x5000;
	s7 =	simm.s32 $0x8;
	[dreg:$0xa] =	wrdreg s6  }
0x1a: {  	s8 =	simm.s32 $0xF80;
	s0 =	simm.s32 $0xF00;
	[dreg:$0x9] =	wrdreg s9  }
.LBB2_4:
0x1b: {  	_ =	swait.ge [sflag:s5], $0x2000  }
0x1c: {  	[sflag:s5] =	ssyncset.done $0x0  }
0x1d: {  	[sflag:s5] =	ssyncadd.s32 $0xFFFFE000  }
0x1e: {  	_ =	swait.ge [sflag:s7], $0x2000  }
0x1f: {  	[sflag:s7] =	ssyncset.done $0x0  }
0x20: {  	[sflag:s7] =	ssyncadd.s32 $0xFFFFE000  }
0x21: {  	[spmem:s2] =	stream.indirect.scatter.add.f32 [tilespmem:s29], [sflag:$0xA], $0x80, s8, s19, $0xb8;
	[tilespmem:$0x1D000] =	vst v63  }
0x22: {  	_ =	swait.ge [sflag:s10], $0x2000  }
0x23: {  	[sflag:s10] =	ssyncset.done $0x0  }
0x24: {  	[sflag:s10] =	ssyncadd.s32 $0xFFFFE000  }
0x25: {  	_ =	swait.ge [sflag:s21], $0x2000  }
0x26: {  	[sflag:s21] =	ssyncset.done $0x0  }
0x27: {  	[sflag:s21] =	ssyncadd.s32 $0xFFFFE000  }
0x28: {  	[bflag:$0x0] =	sbarrier.arrive $0xFFFF  }
0x29: {  	s28 =	rddreg [dreg:$0x4]  }
0x2a: {  	s6 =	rddreg [dreg:$0x7]  }
0x2b: {  	s24 =	simm.s32 $0xB;
	s9 =	rddreg [dreg:$0x9]  }
0x2c: {  	[hbm:s6], [sflag:s28] =	dma.local [spmem:s9], $0x2800  }
0x2d: {  	_ =	swait.ge [sflag:s24], $0x2800  }
0x2e: {  	s15 =	rddreg [dreg:$0xa]  }
0x2f: {  	s6 =	rddreg [dreg:$0x8];
	s15 =	sadd.s32 $0x1, s15  }
0x30: {  	p0 =	sne.s32 s15, s6  }
.Ltmp1:
0x31: {  	_ = 	snop;
	(pc) =	sbr.rel @!p0 .LBB2_5-.Ltmp1, $4  }
0x32: {  	_ = 	snop  }
0x33: {  	[sflag:s24] =	ssyncset.done $0x0  }
0x34: {  	[sflag:s24] =	ssyncadd.s32 $0xFFFFD800  }
0x35: {  	[dreg:$0xa] =	wrdreg s15;
	s15 =	smov.u32 s28;
	s28 =	simm.s32 $0xB80  }
.LBB2_1:
0x36: {  	s6 =	rddreg [dreg:$0x3]  }
0x37: {  	[spmem:s9], [sflag:s15] =	dma.local [hbm:s6], $0x2800  }
0x38: {  	_ =	swait.ge [sflag:s24], $0x2800  }
0x39: {  	[sflag:s24] =	ssyncset.done $0x0  }
0x3a: {  	[sflag:s24] =	ssyncadd.s32 $0xFFFFD800  }
0x3b: {  	[bflag:$0x0] =	sbarrier.arrive $0xFFFF  }
0x3c: {  	s24 =	rddreg [dreg:$0x5]  }
0x3d: {  	[tilespmem:s3], [sflag:$0x1] =	stream.linear.gather [hbm4b:s24+s3], $0x400, $0x38;
	[tilespmem:$0x1D000] =	vst v63  }
0x3e: {  	s15 =	simm.s32 $0x400;
	s9 =	rddreg [dreg:$0x6]  }
0x3f: {  	[tilespmem:s15], [sflag:$0x1] =	stream.linear.gather [hbm4b:s9+s3], $0x400, $0x38;
	[tilespmem:$0x1D000] =	vst v63  }
0x40: {  	_ =	swait.ge [sflag:s18], $0x400  }
0x41: {  	[sflag:s18] =	ssyncset.done $0x0  }
0x42: {  	[sflag:s18] =	ssyncadd.s32 $0xFFFFFC00  }
0x43: {  	_ =	swait.ge [sflag:s18], $0x400  }
0x44: {  	[sflag:s18] =	ssyncset.done $0x0  }
0x45: {  	[sflag:s18] =	ssyncadd.s32 $0xFFFFFC00  }
0x46: {  	[tilespmem:s20], [sflag:$0x3] =	stream.indirect.gather [hbm4b:s4+s19], $0x80, s3, s19, $0xb8;
	[tilespmem:$0x1D000] =	vst v63  }
0x47: {  	s24 =	simm.s32 $0x80;
	s9 =	simm.s32 $0x0  }
0x48: {  	[tilespmem:s22], [sflag:$0x4] =	stream.indirect.gather [hbm4b:s4+s19], $0x80, s24, s19, $0xb8;
	[tilespmem:$0x1D000] =	vst v63  }
.LBB2_2:
0x49: {  	_ =	swait.ge [sflag:s23], $0x2000;
	p0 =	seq.s32 s9, $0x0  }
0x4a: {  	[sflag:s23] =	ssyncset.done $0x0;
	s6 =	simm.s32 @p0 $0x40  }
0x4b: {  	s15 =	simm.s32 @p0 $0x400;
	s24 =	simm.s32 @p0 $0x1000;
	[sflag:s23] =	ssyncadd.s32 $0xFFFFE000  }
0x4c: {  	[spmem:s2] =	stream.indirect.scatter.add.f32 @p0 [tilespmem:s24], [sflag:$0x7], $0x80, s15, s6, $0xb8;
	[tilespmem:$0x1D000] =	vst v63  }
0x4d: {  	s15 =	simm.s32 @p0 $0x100;
	s24 =	simm.s32 @p0 $0x5000  }
0x4e: {  	[tilespmem:s24], [sflag:$0x5] =	stream.indirect.gather @p0 [hbm4b:s4+s6], $0x80, s15, s6, $0xb8;
	[tilespmem:$0x1D000] =	vst v63  }
0x4f: {  	s6 =	simm.s32 @!p0 $0x9  }
0x50: {  	_ =	swait.ge @!p0 [sflag:s6], $0x2000  }
0x51: {  	s15 =	simm.s32 @!p0 $0x400;
	[sflag:s6] =	ssyncset.done @!p0 $0x0  }
0x52: {  	s24 =	simm.s32 @!p0 $0x1000;
	[sflag:s6] =	ssyncadd.s32 @!p0 $0xFFFFE000;
	s6 =	simm.s32 @!p0 $0x40  }
0x53: {  	[spmem:s2] =	stream.indirect.scatter.add.f32 @!p0 [tilespmem:s24], [sflag:$0x7], $0x80, s15, s6, $0xb8;
	[tilespmem:$0x1D000] =	vst v63  }
0x54: {  	s15 =	simm.s32 @!p0 $0x100;
	s24 =	simm.s32 @!p0 $0x5000  }
0x55: {  	[tilespmem:s24], [sflag:$0x5] =	stream.indirect.gather @!p0 [hbm4b:s4+s6], $0x80, s15, s6, $0xb8;
	[tilespmem:$0x1D000] =	vst v63  }
0x56: {  	s6 =	simm.s32 @!p0 $0x4  }
0x57: {  	_ =	swait.ge @!p0 [sflag:s6], $0x2000  }
0x58: {  	s15 =	simm.s32 @!p0 $0xA;
	[sflag:s6] =	ssyncset.done @!p0 $0x0  }
0x59: {  	s15 =	simm.s32 @p0 $0x4;
	[sflag:s6] =	ssyncadd.s32 @!p0 $0xFFFFE000  }
0x5a: {  	_ =	swait.ge [sflag:s15], $0x2000  }
0x5b: {  	[sflag:s15] =	ssyncset.done $0x0  }
0x5c: {  	s24 =	simm.s32 $0x480;
	[sflag:s15] =	ssyncadd.s32 $0xFFFFE000  }
0x5d: {  	[spmem:s2] =	stream.indirect.scatter.add.f32 [tilespmem:s22], [sflag:$0x8], $0x80, s24, s19, $0xb8;
	[tilespmem:$0x1D000] =	vst v63  }
0x5e: {  	s15 =	sadd.s32 s9, s14  }
0x5f: {  	[tilespmem:s25], [sflag:$0x2] =	stream.linear.gather [hbm4b:s15+s3], $0x400, $0x38;
	[tilespmem:$0x1D000] =	vst v63  }
0x60: {  	s24 =	sadd.s32 s9, s13  }
0x61: {  	[tilespmem:s26], [sflag:$0x2] =	stream.linear.gather [hbm4b:s24+s3], $0x400, $0x38;
	[tilespmem:$0x1D000] =	vst v63  }
0x62: {  	s15 =	simm.s32 $0x180  }
0x63: {  	[tilespmem:s29], [sflag:$0x6] =	stream.indirect.gather [hbm4b:s4+s19], $0x80, s15, s19, $0xb8;
	[tilespmem:$0x1D000] =	vst v63  }
0x64: {  	_ =	swait.ge [sflag:s30], $0x2000  }
0x65: {  	[sflag:s30] =	ssyncset.done $0x0  }
0x66: {  	[sflag:s30] =	ssyncadd.s32 $0xFFFFE000  }
0x67: {  	_ =	swait.ge [sflag:s31], $0x2000  }
0x68: {  	[sflag:s31] =	ssyncset.done $0x0  }
0x69: {  	s24 =	simm.s32 $0x500;
	[sflag:s31] =	ssyncadd.s32 $0xFFFFE000  }
0x6a: {  	[spmem:s2] =	stream.indirect.scatter.add.f32 [tilespmem:s1], [sflag:$0x9], $0x80, s24, s19, $0xb8;
	[tilespmem:$0x1D000] =	vst v63  }
0x6b: {  	s15 =	simm.s32 $0x200  }
0x6c: {  	[tilespmem:s20], [sflag:$0x3] =	stream.indirect.gather [hbm4b:s4+s19], $0x80, s15, s19, $0xb8;
	[tilespmem:$0x1D000] =	vst v63  }
0x6d: {  	_ =	swait.ge [sflag:s5], $0x2000  }
0x6e: {  	[sflag:s5] =	ssyncset.done $0x0  }
0x6f: {  	[sflag:s5] =	ssyncadd.s32 $0xFFFFE000  }
0x70: {  	_ =	swait.ge [sflag:s7], $0x2000  }
0x71: {  	[sflag:s7] =	ssyncset.done $0x0  }
0x72: {  	s24 =	simm.s32 $0x580;
	[sflag:s7] =	ssyncadd.s32 $0xFFFFE000  }
0x73: {  	[spmem:s2] =	stream.indirect.scatter.add.f32 [tilespmem:s29], [sflag:$0xA], $0x80, s24, s19, $0xb8;
	[tilespmem:$0x1D000] =	vst v63  }
0x74: {  	s15 =	simm.s32 $0x280  }
0x75: {  	[tilespmem:s22], [sflag:$0x4] =	stream.indirect.gather [hbm4b:s4+s19], $0x80, s15, s19, $0xb8;
	[tilespmem:$0x1D000] =	vst v63  }
0x76: {  	_ =	swait.ge [sflag:s23], $0x2000  }
0x77: {  	[sflag:s23] =	ssyncset.done $0x0  }
0x78: {  	[sflag:s23] =	ssyncadd.s32 $0xFFFFE000  }
0x79: {  	_ =	swait.ge [sflag:s10], $0x2000  }
0x7a: {  	[sflag:s10] =	ssyncset.done $0x0  }
0x7b: {  	s24 =	simm.s32 $0x600;
	[sflag:s10] =	ssyncadd.s32 $0xFFFFE000  }
0x7c: {  	[spmem:s2] =	stream.indirect.scatter.add.f32 [tilespmem:s20], [sflag:$0x7], $0x80, s24, s19, $0xb8;
	[tilespmem:$0x1D000] =	vst v63  }
0x7d: {  	s15 =	simm.s32 $0x300  }
0x7e: {  	[tilespmem:s1], [sflag:$0x5] =	stream.indirect.gather [hbm4b:s4+s19], $0x80, s15, s19, $0xb8;
	[tilespmem:$0x1D000] =	vst v63  }
0x7f: {  	_ =	swait.ge [sflag:s16], $0x2000  }
0x80: {  	[sflag:s16] =	ssyncset.done $0x0  }
0x81: {  	[sflag:s16] =	ssyncadd.s32 $0xFFFFE000  }
0x82: {  	_ =	swait.ge [sflag:s21], $0x2000  }
0x83: {  	[sflag:s21] =	ssyncset.done $0x0  }
0x84: {  	s24 =	simm.s32 $0x680;
	[sflag:s21] =	ssyncadd.s32 $0xFFFFE000  }
0x85: {  	[spmem:s2] =	stream.indirect.scatter.add.f32 [tilespmem:s22], [sflag:$0x8], $0x80, s24, s19, $0xb8;
	[tilespmem:$0x1D000] =	vst v63  }
0x86: {  	s15 =	simm.s32 $0x380  }
0x87: {  	[tilespmem:s29], [sflag:$0x6] =	stream.indirect.gather [hbm4b:s4+s19], $0x80, s15, s19, $0xb8;
	[tilespmem:$0x1D000] =	vst v63  }
0x88: {  	_ =	swait.ge [sflag:s30], $0x2000  }
0x89: {  	[sflag:s30] =	ssyncset.done $0x0  }
0x8a: {  	[sflag:s30] =	ssyncadd.s32 $0xFFFFE000  }
0x8b: {  	_ =	swait.ge [sflag:s31], $0x2000  }
0x8c: {  	[sflag:s31] =	ssyncset.done $0x0  }
0x8d: {  	s24 =	simm.s32 $0x700;
	[sflag:s31] =	ssyncadd.s32 $0xFFFFE000  }
0x8e: {  	[spmem:s2] =	stream.indirect.scatter.add.f32 [tilespmem:s1], [sflag:$0x9], $0x80, s24, s19, $0xb8;
	[tilespmem:$0x1D000] =	vst v63  }
0x8f: {  	_ =	swait.ge [sflag:s17], $0x400  }
0x90: {  	[sflag:s17] =	ssyncset.done $0x0  }
0x91: {  	[sflag:s17] =	ssyncadd.s32 $0xFFFFFC00  }
0x92: {  	_ =	swait.ge [sflag:s17], $0x400  }
0x93: {  	[sflag:s17] =	ssyncset.done $0x0  }
0x94: {  	[sflag:s17] =	ssyncadd.s32 $0xFFFFFC00  }
0x95: {  	[tilespmem:s20], [sflag:$0x3] =	stream.indirect.gather [hbm4b:s4+s19], $0x80, s25, s19, $0xb8;
	[tilespmem:$0x1D000] =	vst v63  }
0x96: {  	_ =	swait.ge [sflag:s5], $0x2000  }
0x97: {  	[sflag:s5] =	ssyncset.done $0x0  }
0x98: {  	[sflag:s5] =	ssyncadd.s32 $0xFFFFE000  }
0x99: {  	_ =	swait.ge [sflag:s7], $0x2000  }
0x9a: {  	[sflag:s7] =	ssyncset.done $0x0  }
0x9b: {  	s15 =	simm.s32 $0x780;
	[sflag:s7] =	ssyncadd.s32 $0xFFFFE000  }
0x9c: {  	[spmem:s2] =	stream.indirect.scatter.add.f32 [tilespmem:s29], [sflag:$0xA], $0x80, s15, s19, $0xb8;
	[tilespmem:$0x1D000] =	vst v63  }
0x9d: {  	s24 =	simm.s32 $0x880  }
0x9e: {  	[tilespmem:s22], [sflag:$0x4] =	stream.indirect.gather [hbm4b:s4+s19], $0x80, s24, s19, $0xb8;
	[tilespmem:$0x1D000] =	vst v63  }
0x9f: {  	_ =	swait.ge [sflag:s23], $0x2000  }
0xa0: {  	[sflag:s23] =	ssyncset.done $0x0  }
0xa1: {  	[sflag:s23] =	ssyncadd.s32 $0xFFFFE000  }
0xa2: {  	_ =	swait.ge [sflag:s10], $0x2000  }
0xa3: {  	[sflag:s10] =	ssyncset.done $0x0  }
0xa4: {  	[sflag:s10] =	ssyncadd.s32 $0xFFFFE000  }
0xa5: {  	[spmem:s2] =	stream.indirect.scatter.add.f32 [tilespmem:s20], [sflag:$0x7], $0x80, s26, s19, $0xb8;
	[tilespmem:$0x1D000] =	vst v63  }
0xa6: {  	s15 =	simm.s32 $0x900  }
0xa7: {  	[tilespmem:s1], [sflag:$0x5] =	stream.indirect.gather [hbm4b:s4+s19], $0x80, s15, s19, $0xb8;
	[tilespmem:$0x1D000] =	vst v63  }
0xa8: {  	_ =	swait.ge [sflag:s16], $0x2000  }
0xa9: {  	[sflag:s16] =	ssyncset.done $0x0  }
0xaa: {  	[sflag:s16] =	ssyncadd.s32 $0xFFFFE000  }
0xab: {  	_ =	swait.ge [sflag:s21], $0x2000  }
0xac: {  	[sflag:s21] =	ssyncset.done $0x0  }
0xad: {  	p0 =	seq.s32 s9, $0x1300;
	s24 =	simm.s32 $0xC80;
	[sflag:s21] =	ssyncadd.s32 $0xFFFFE000  }
0xae: {  	[spmem:s2] =	stream.indirect.scatter.add.f32 [tilespmem:s22], [sflag:$0x8], $0x80, s24, s19, $0xb8;
	[tilespmem:$0x1D000] =	vst v63  }
0xaf: {  	s6 =	sadd.s32 @!p0 s9, s12;
	s15 =	simm.s32 @!p0 $0x0  }
0xb0: {  	[tilespmem:s15], [sflag:$0x1] =	stream.linear.gather @!p0 [hbm4b:s6+s15], $0x400, $0x38;
	[tilespmem:$0x1D000] =	vst v63  }
0xb1: {  	s24 =	simm.s32 @!p0 $0x400;
	s6 =	sadd.s32 @!p0 s9, s11  }
0xb2: {  	[tilespmem:s24], [sflag:$0x1] =	stream.linear.gather @!p0 [hbm4b:s6+s15], $0x400, $0x38;
	[tilespmem:$0x1D000] =	vst v63  }
0xb3: {  	s15 =	simm.s32 $0x980  }
0xb4: {  	[tilespmem:s29], [sflag:$0x6] =	stream.indirect.gather [hbm4b:s4+s19], $0x80, s15, s19, $0xb8;
	[tilespmem:$0x1D000] =	vst v63  }
0xb5: {  	_ =	swait.ge [sflag:s30], $0x2000  }
0xb6: {  	[sflag:s30] =	ssyncset.done $0x0  }
0xb7: {  	[sflag:s30] =	ssyncadd.s32 $0xFFFFE000  }
0xb8: {  	_ =	swait.ge [sflag:s31], $0x2000  }
0xb9: {  	[sflag:s31] =	ssyncset.done $0x0  }
0xba: {  	s24 =	simm.s32 $0xD00;
	[sflag:s31] =	ssyncadd.s32 $0xFFFFE000  }
0xbb: {  	[spmem:s2] =	stream.indirect.scatter.add.f32 [tilespmem:s1], [sflag:$0x9], $0x80, s24, s19, $0xb8;
	[tilespmem:$0x1D000] =	vst v63  }
0xbc: {  	s15 =	simm.s32 $0xA00  }
0xbd: {  	[tilespmem:s20], [sflag:$0x3] =	stream.indirect.gather [hbm4b:s4+s19], $0x80, s15, s19, $0xb8;
	[tilespmem:$0x1D000] =	vst v63  }
0xbe: {  	_ =	swait.ge [sflag:s5], $0x2000  }
0xbf: {  	[sflag:s5] =	ssyncset.done $0x0  }
0xc0: {  	[sflag:s5] =	ssyncadd.s32 $0xFFFFE000  }
0xc1: {  	_ =	swait.ge [sflag:s7], $0x2000  }
0xc2: {  	[sflag:s7] =	ssyncset.done $0x0  }
0xc3: {  	s24 =	simm.s32 $0xD80;
	[sflag:s7] =	ssyncadd.s32 $0xFFFFE000  }
0xc4: {  	[spmem:s2] =	stream.indirect.scatter.add.f32 [tilespmem:s29], [sflag:$0xA], $0x80, s24, s19, $0xb8;
	[tilespmem:$0x1D000] =	vst v63  }
0xc5: {  	s15 =	simm.s32 $0xA80  }
0xc6: {  	[tilespmem:s22], [sflag:$0x4] =	stream.indirect.gather [hbm4b:s4+s19], $0x80, s15, s19, $0xb8;
	[tilespmem:$0x1D000] =	vst v63  }
0xc7: {  	_ =	swait.ge [sflag:s23], $0x2000  }
0xc8: {  	[sflag:s23] =	ssyncset.done $0x0  }
0xc9: {  	[sflag:s23] =	ssyncadd.s32 $0xFFFFE000  }
0xca: {  	_ =	swait.ge [sflag:s10], $0x2000  }
0xcb: {  	[sflag:s10] =	ssyncset.done $0x0  }
0xcc: {  	s24 =	simm.s32 $0xE00;
	[sflag:s10] =	ssyncadd.s32 $0xFFFFE000  }
0xcd: {  	[spmem:s2] =	stream.indirect.scatter.add.f32 [tilespmem:s20], [sflag:$0x7], $0x80, s24, s19, $0xb8;
	[tilespmem:$0x1D000] =	vst v63  }
0xce: {  	s15 =	simm.s32 $0xB00  }
0xcf: {  	[tilespmem:s1], [sflag:$0x5] =	stream.indirect.gather [hbm4b:s4+s19], $0x80, s15, s19, $0xb8;
	[tilespmem:$0x1D000] =	vst v63  }
0xd0: {  	_ =	swait.ge [sflag:s16], $0x2000  }
0xd1: {  	[sflag:s16] =	ssyncset.done $0x0  }
0xd2: {  	[sflag:s16] =	ssyncadd.s32 $0xFFFFE000  }
0xd3: {  	_ =	swait.ge [sflag:s21], $0x2000  }
0xd4: {  	[sflag:s21] =	ssyncset.done $0x0  }
0xd5: {  	s24 =	simm.s32 $0xE80;
	[sflag:s21] =	ssyncadd.s32 $0xFFFFE000  }
0xd6: {  	[spmem:s2] =	stream.indirect.scatter.add.f32 [tilespmem:s22], [sflag:$0x8], $0x80, s24, s19, $0xb8;
	[tilespmem:$0x1D000] =	vst v63  }
0xd7: {  	_ = 	snop  }
0xd8: {  	[tilespmem:s29], [sflag:$0x6] =	stream.indirect.gather [hbm4b:s4+s19], $0x80, s28, s19, $0xb8;
	[tilespmem:$0x1D000] =	vst v63  }
0xd9: {  	_ =	swait.ge [sflag:s30], $0x2000  }
0xda: {  	[sflag:s30] =	ssyncset.done $0x0  }
.Ltmp2:
0xdb: {  	[sflag:s30] =	ssyncadd.s32 $0xFFFFE000;
	(pc) =	sbr.rel @p0 .LBB2_4-.Ltmp2, $4  }
0xdc: {  	_ =	swait.ge [sflag:s31], $0x2000  }
0xdd: {  	[sflag:s31] =	ssyncset.done $0x0  }
0xde: {  	[sflag:s31] =	ssyncadd.s32 $0xFFFFE000  }
0xdf: {  	[spmem:s2] =	stream.indirect.scatter.add.f32 [tilespmem:s1], [sflag:$0x9], $0x80, s0, s19, $0xb8;
	[tilespmem:$0x1D000] =	vst v63  }
0xe0: {  	_ =	swait.ge [sflag:s18], $0x400  }
0xe1: {  	[sflag:s18] =	ssyncset.done $0x0  }
0xe2: {  	[sflag:s18] =	ssyncadd.s32 $0xFFFFFC00  }
0xe3: {  	_ =	swait.ge [sflag:s18], $0x400  }
0xe4: {  	[sflag:s18] =	ssyncset.done $0x0  }
0xe5: {  	[sflag:s18] =	ssyncadd.s32 $0xFFFFFC00  }
0xe6: {  	[tilespmem:s20], [sflag:$0x3] =	stream.indirect.gather [hbm4b:s4+s19], $0x80, s3, s19, $0xb8;
	[tilespmem:$0x1D000] =	vst v63  }
0xe7: {  	_ =	swait.ge [sflag:s5], $0x2000  }
0xe8: {  	[sflag:s5] =	ssyncset.done $0x0  }
0xe9: {  	[sflag:s5] =	ssyncadd.s32 $0xFFFFE000  }
0xea: {  	_ =	swait.ge [sflag:s7], $0x2000  }
.Ltmp3:
0xeb: {  	[sflag:s7] =	ssyncset.done $0x0;
	(pc) =	sbr.rel .LBB2_2-.Ltmp3, $4  }
0xec: {  	[sflag:s7] =	ssyncadd.s32 $0xFFFFE000  }
0xed: {  	[spmem:s2] =	stream.indirect.scatter.add.f32 [tilespmem:s29], [sflag:$0xA], $0x80, s8, s19, $0xb8;
	[tilespmem:$0x1D000] =	vst v63  }
0xee: {  	s6 =	simm.s32 $0x80;
	s9 =	sadd.s32 $0x100, s9  }
0xef: {  	[tilespmem:s22], [sflag:$0x4] =	stream.indirect.gather [hbm4b:s4+s19], $0x80, s6, s19, $0xb8;
	[tilespmem:$0x1D000] =	vst v63  }
.LBB2_5:
0xf0: {  	_ =	sfence.sel $0x180000  }
0xf1: {  	[bflag:$0x0] =	sbarrier.arrive $0xFFFF  }
0xf2: {  	_ =	strace $0x9000004A  }
0xf3: {  	s0 =	stileid.u32;
	[bflag:$0x2] =	sbarrier.arrive $0xFFFF  }
0xf4: {  	p0 =	sne.s32 s0, $0x0;
	s0 =	rddreg [dreg:$0x2]  }
0xf5: {  	s0 =	sadd.s32 @!p0 $0x100000, s0  }
0xf6: {  	[sflag:s0] =	ssyncadd.tile.s32 @!p0 $0x1;
	_ =	shalt  }
.Lfunc_end2:
_tile_overlayer_lowered:
.L_overlay_start_2:
0xf7: {  	(tag) =	ssettag $0x2  }
0xf8: {  	s0 =	rddreg [dreg:$0x0];
	s2 =	stileid.u32  }
0xf9: {  	s1 =	rddreg [dreg:$0x1];
	p0 =	sne.s32 s2, $0x0  }
0xfa: {  	s3 =	rddreg [dreg:$0x2];
	[bflag:$0x3] =	sbarrier.arrive $0xFFFF;
	s2 =	simm.s32 @!p0 $0x1C0B  }
0xfb: {  	[timem:s3], [sflag:s2] =	dma.local @!p0 [hbm:s0], s1  }
0xfc: {  	s0 =	simm.s32 @!p0 $0xB  }
0xfd: {  	_ =	swait.ge @!p0 [sflag:s0], s1  }
0xfe: {  	s1 =	ssub.s32 @!p0 $0x0, s1;
	[sflag:s0] =	ssyncset.done @!p0 $0x0  }
0xff: {  	[sflag:s0] =	ssyncadd.s32 @!p0 s1  }
0x100: {  	[bflag:$0x3] =	sbarrier.arrive $0xFFFF  }
0x101: {  	_ =	shalt  }

</sc_bundles>
